<compile_context>
chip_gen: v7x
topology: tpu7x:2x2x1
jax: 0.10.2.dev20260603
libtpu: 0.0.44.dev20260713+nightly
codegen_flags: <defaults>
</compile_context>

<pallas_src>
import functools

import jax
import jax.numpy as jnp
import numpy as np
from jax import lax
from jax.experimental import pallas as pl
from jax.experimental.pallas import tpu as pltpu
from jax.experimental.pallas import tpu_sc as plsc

_N = 10000
_E = 320000
_DF = 128
_DH = 16
_DC = 40

_NC = 2
_NS = 16
_NW = _NC * _NS
_CH = 128
_NCH = 80
_EPAD = _NW * _NCH * _CH
_NPAD = 10240
_RPS = _NPAD // _NS
_RBLK = 1024

_MESH = plsc.VectorSubcoreMesh(
    core_axis_name="c", subcore_axis_name="s", num_cores=_NC, num_subcores=_NS
)


def _deg_body(ed_hbm, zero_hbm, oute_hbm, dstv, onesv, degv, expv,
              accum, dsem):
    c = lax.axis_index("c")
    s = lax.axis_index("s")
    wid = s * _NC + c
    rows = pl.ds(s * _RPS, _RPS)
    pltpu.sync_copy(zero_hbm.at[rows], accum.at[rows])
    pltpu.sync_copy(ed_hbm.at[1, wid], dstv)
    for i in range(_CH // 16):
        onesv[pl.ds(i * 16, 16)] = jnp.ones((16,), jnp.float32)
    plsc.subcore_barrier()

    def step(g, carry):
        descs = [
            pltpu.async_copy(onesv, accum.at[dstv.at[8 * g + b]], dsem.at[b],
                             add=True)
            for b in range(8)
        ]
        for d in descs:
            d.wait()
        return carry

    lax.fori_loop(0, _NCH // 8, step, 0)
    plsc.subcore_barrier()
    pltpu.sync_copy(accum.at[rows], degv)

    def expand(k, carry):
        v = degv[pl.ds(16 * k, 16)]
        for j in range(16):
            expv[16 * k + j] = jnp.full((_DH,), v[j], jnp.float32)
        return carry

    lax.fori_loop(0, _RPS // 16, expand, 0)
    pltpu.sync_copy(expv, oute_hbm.at[c, rows])


_deg = functools.partial(
    pl.kernel,
    out_type=jax.ShapeDtypeStruct((_NC, _NPAD, _DH), jnp.float32),
    mesh=_MESH,
    scratch_types=[
        pltpu.VMEM((_NCH, _CH), jnp.int32),
        pltpu.VMEM((_CH,), jnp.float32),
        pltpu.VMEM((_RPS,), jnp.float32),
        pltpu.VMEM((_RPS, _DH), jnp.float32),
        pltpu.VMEM_SHARED((_NPAD,), jnp.float32),
        pltpu.SemaphoreType.DMA((8,)),
    ],
    compiler_params=pltpu.CompilerParams(use_tc_tiling_on_sc=False),
)(_deg_body)


def _agg_body(h_hbm, ed_hbm, out_hbm,
              srcv, dstv, msg, h_sp, accum, gsem, ssem):
    c = lax.axis_index("c")
    s = lax.axis_index("s")
    wid = s * _NC + c
    rows = pl.ds(s * _RPS, _RPS)

    pltpu.sync_copy(h_hbm.at[rows], h_sp.at[rows])
    pltpu.sync_copy(h_hbm.at[rows], accum.at[rows])

    pltpu.sync_copy(ed_hbm.at[0, wid], srcv)
    pltpu.sync_copy(ed_hbm.at[1, wid], dstv)
    plsc.subcore_barrier()

    def step(g, carry):
        base = 8 * g
        gd = [
            pltpu.async_copy(h_sp.at[srcv.at[base + b]], msg.at[b], gsem.at[b])
            for b in range(8)
        ]
        sd = []
        for b in range(8):
            gd[b].wait()
            sd.append(pltpu.async_copy(
                msg.at[b], accum.at[dstv.at[base + b]], ssem.at[b], add=True))
        for d in sd:
            d.wait()
        return carry

    lax.fori_loop(0, _NCH // 8, step, 0)
    plsc.subcore_barrier()
    pltpu.sync_copy(accum.at[rows], out_hbm.at[c, rows])


_agg = functools.partial(
    pl.kernel,
    out_type=jax.ShapeDtypeStruct((_NC, _NPAD, _DH), jnp.float32),
    mesh=_MESH,
    scratch_types=[
        pltpu.VMEM((_NCH, _CH), jnp.int32),
        pltpu.VMEM((_NCH, _CH), jnp.int32),
        pltpu.VMEM((8, _CH, _DH), jnp.float32),
        pltpu.VMEM_SHARED((_NPAD, _DH), jnp.float32),
        pltpu.VMEM_SHARED((_NPAD, _DH), jnp.float32),
        pltpu.SemaphoreType.DMA((8,)),
        pltpu.SemaphoreType.DMA((8,)),
    ],
    compiler_params=pltpu.CompilerParams(use_tc_tiling_on_sc=False),
)(_agg_body)


def _tc1a_body(x_ref, w1k_ref, o_ref):
    o_ref[...] = jnp.dot(x_ref[...], w1k_ref[...],
                         preferred_element_type=jnp.float32)


_tc1a = pl.pallas_call(
    _tc1a_body,
    grid=(1,),
    in_specs=[
        pl.BlockSpec((10240 // 8, 8 * _DF), lambda i: (0, 0)),
        pl.BlockSpec((8 * _DF, 128), lambda i: (0, 0)),
    ],
    out_specs=pl.BlockSpec((10240 // 8, 128), lambda i: (0, 0)),
    out_shape=jax.ShapeDtypeStruct((10240 // 8, 128), jnp.float32),
)


def _tc1b_body(xw_ref, e0_ref, e1_ref, h_ref):
    dis = lax.rsqrt(e0_ref[...] + e1_ref[...] + 1.0)
    h_ref[...] = xw_ref[...] * dis


_NF = _NPAD // 8
_FBLK = _NF // 10
_DC8 = 8 * _DC


_tc1b = pl.pallas_call(
    _tc1b_body,
    grid=(2,),
    in_specs=[
        pl.BlockSpec((640, 128), lambda i: (i, 0)),
        pl.BlockSpec((None, 640, 128), lambda i: (0, i, 0)),
        pl.BlockSpec((None, 640, 128), lambda i: (1, i, 0)),
    ],
    out_specs=pl.BlockSpec((640, 128), lambda i: (i, 0)),
    out_shape=jax.ShapeDtypeStruct((10240 // 8, 128), jnp.float32),
)


def _tc2f_body(a0_ref, a1_ref, h_ref, e0_ref, e1_ref, b1_ref, z_ref):
    dis = lax.rsqrt(e0_ref[...] + e1_ref[...] + 1.0)
    agg = dis * (a0_ref[...] + a1_ref[...] - h_ref[...]) + b1_ref[...]
    z_ref[...] = dis * jnp.maximum(agg, 0.0)


_tc2f = pl.pallas_call(
    _tc2f_body,
    grid=(_NF // _FBLK,),
    in_specs=[
        pl.BlockSpec((None, _FBLK, 128), lambda i: (0, i, 0)),
        pl.BlockSpec((None, _FBLK, 128), lambda i: (1, i, 0)),
        pl.BlockSpec((_FBLK, 128), lambda i: (i, 0)),
        pl.BlockSpec((None, _FBLK, 128), lambda i: (0, i, 0)),
        pl.BlockSpec((None, _FBLK, 128), lambda i: (1, i, 0)),
        pl.BlockSpec((1, 128), lambda i: (0, 0)),
    ],
    out_specs=pl.BlockSpec((_FBLK, 128), lambda i: (i, 0)),
    out_shape=jax.ShapeDtypeStruct((_NF, 128), jnp.float32),
)


def _tc3f_body(a0_ref, a1_ref, z_ref, e0_ref, e1_ref, bd_ref, seg_ref,
               b2_ref, o_ref):
    dis = lax.rsqrt(e0_ref[...] + e1_ref[...] + 1.0)
    t = dis * (a0_ref[...] + a1_ref[...] - z_ref[...])
    logits = jnp.dot(t, bd_ref[...], preferred_element_type=jnp.float32)
    logits = logits + b2_ref[...]
    m = jnp.max(logits, axis=1, keepdims=True)
    e = jnp.exp(logits - m)
    s = jnp.dot(e, seg_ref[...], preferred_element_type=jnp.float32)
    o_ref[...] = logits - m - jnp.log(s)


_tc3f = pl.pallas_call(
    _tc3f_body,
    grid=(_NF // _FBLK,),
    in_specs=[
        pl.BlockSpec((None, _FBLK, 128), lambda i: (0, i, 0)),
        pl.BlockSpec((None, _FBLK, 128), lambda i: (1, i, 0)),
        pl.BlockSpec((_FBLK, 128), lambda i: (i, 0)),
        pl.BlockSpec((None, _FBLK, 128), lambda i: (0, i, 0)),
        pl.BlockSpec((None, _FBLK, 128), lambda i: (1, i, 0)),
        pl.BlockSpec((128, _DC8), lambda i: (0, 0)),
        pl.BlockSpec((_DC8, _DC8), lambda i: (0, 0)),
        pl.BlockSpec((1, _DC8), lambda i: (0, 0)),
    ],
    out_specs=pl.BlockSpec((_FBLK, _DC8), lambda i: (i, 0)),
    out_shape=jax.ShapeDtypeStruct((_NF, _DC8), jnp.float32),
)

_SEG = np.kron(np.eye(8, dtype=np.float32), np.ones((_DC, _DC), np.float32))


def kernel(x, edge_index, W1, b1, W2, b2):
    pad_e = _EPAD - _E
    pad_dst = _N + (jnp.arange(pad_e, dtype=jnp.int32) % (_NPAD - _N))
    pad_blk = jnp.stack([jnp.zeros((pad_e,), jnp.int32), pad_dst])
    ed = jnp.concatenate([edge_index.astype(jnp.int32), pad_blk], axis=1)
    ed = ed.reshape(2, _NW, _NCH, _CH)
    zeros1 = jnp.zeros((_NPAD,), jnp.float32)

    dege = _deg(ed, zeros1)
    degef = dege.reshape(_NC, _NF, 128)
    x_p = jnp.pad(x, ((0, _NPAD - _N), (0, 0))).reshape(_NF, 8 * _DF)
    w1k = jnp.kron(jnp.eye(8, dtype=W1.dtype), W1)
    xw = _tc1a(x_p, w1k)
    hf = _tc1b(xw, degef, degef)
    h = hf.reshape(_NPAD, _DH)
    a = _agg(h, ed)
    af = a.reshape(_NC, _NF, 128)
    zf = _tc2f(af, af, hf, degef, degef, jnp.tile(b1, 8).reshape(1, 128))
    a2 = _agg(zf.reshape(_NPAD, _DH), ed)
    a2f = a2.reshape(_NC, _NF, 128)
    bd = jnp.kron(jnp.eye(8, dtype=W2.dtype), W2)
    out = _tc3f(a2f, a2f, zf, degef, degef, bd,
                jnp.asarray(_SEG), jnp.tile(b2, 8).reshape(1, _DC8))
    return out.reshape(_NPAD, _DC)[:_N]

# --- scband reference (transcript-rebuilt; emitter-appended) ---
"""Pipeline reference for scband-gcn-23940147708471 (READ-ONLY COPY).

The authoritative reference and input builder live on the scoring server;
editing this copy changes nothing except your own understanding.
"""

import jax, jax.numpy as jnp
import numpy as np

N_NODES = 10000
N_EDGES = 320000
D_FEAT = 128
D_HID = 16
N_CLASSES = 40


def setup_inputs(seed: int = 0) -> dict:
    key = jax.random.key(seed)
    k_x, k_e, k_w1, k_b1, k_w2, k_b2 = jax.random.split(key, 6)
    x = jax.random.normal(k_x, (N_NODES, D_FEAT), dtype=jnp.float32)
    edge_index = jax.random.randint(k_e, (2, N_EDGES), 0, N_NODES, dtype=jnp.int64)
    # GCNConv params (glorot-style init)
    W1 = jax.random.normal(k_w1, (D_FEAT, D_HID), dtype=jnp.float32) * (1.0 / np.sqrt(D_FEAT))
    b1 = jnp.zeros((D_HID,), dtype=jnp.float32)
    W2 = jax.random.normal(k_w2, (D_HID, N_CLASSES), dtype=jnp.float32) * (1.0 / np.sqrt(D_HID))
    b2 = jnp.zeros((N_CLASSES,), dtype=jnp.float32)
    return {"x": x, "edge_index": edge_index, "W1": W1, "b1": b1, "W2": W2, "b2": b2}


def _gcn_conv(x, src, dst, W, b, num_nodes):
    # x' = x @ W; out_i = sum_j norm_ij * x'_j + b  with symmetric normalization
    # self-loops are already appended to src/dst by caller
    ones = jnp.ones_like(dst, dtype=x.dtype)
    deg = jax.ops.segment_sum(ones, dst, num_segments=num_nodes)
    deg_inv_sqrt = jnp.where(deg > 0, jax.lax.rsqrt(deg), 0.0)
    norm = deg_inv_sqrt[src] * deg_inv_sqrt[dst]
    h = x @ W
    msg = jnp.take(h, src, axis=0) * norm[:, None]
    out = jax.ops.segment_sum(msg, dst, num_segments=num_nodes)
    return out + b


def reference(x, edge_index, W1, b1, W2, b2):
    num_nodes = x.shape[0]
    loop = jnp.arange(num_nodes, dtype=edge_index.dtype)
    src = jnp.concatenate([edge_index[0], loop])
    dst = jnp.concatenate([edge_index[1], loop])
    h = _gcn_conv(x, src, dst, W1, b1, num_nodes)
    h = jax.nn.relu(h)
    # F.dropout(training=self.training): identity in eval mode
    h = _gcn_conv(h, src, dst, W2, b2, num_nodes)
    return jax.nn.log_softmax(h, axis=1)

if __name__ == "__main__":
    import jax
    _d = setup_inputs()
    print(jax.jit(kernel)(*tuple(_d.values())))

</pallas_src>

<mosaic_0001>
#map = affine_map<(d0, d1) -> (0, 0)>
#map1 = affine_map<(d0, d1) -> (0, 0, 0, 0)>
#map2 = affine_map<(d0, d1) -> (0, 0, 0)>
module attributes {stable_mosaic.version = 14 : i64} {
  func.func @_agg_body(%arg0: i32, %arg1: i32, %arg2: memref<10240x16xf32, #tpu.memory_space<hbm>>, %arg3: memref<2x32x80x128xi32, #tpu.memory_space<hbm>>, %arg4: memref<2x10240x16xf32, #tpu.memory_space<hbm>>, %arg5: memref<80x128xi32, #tpu.memory_space<vmem>>, %arg6: memref<80x128xi32, #tpu.memory_space<vmem>>, %arg7: memref<8x128x16xf32, #tpu.memory_space<vmem>>, %arg8: memref<10240x16xf32, #tpu.memory_space<vmem_shared>>, %arg9: memref<10240x16xf32, #tpu.memory_space<vmem_shared>>, %arg10: memref<8x!tpu.dma_semaphore, #tpu.memory_space<semaphore_mem>>, %arg11: memref<8x!tpu.dma_semaphore, #tpu.memory_space<semaphore_mem>>) attributes {dimension_semantics = [#tpu.dimension_semantics<core_parallel>, #tpu.dimension_semantics<subcore_parallel>], iteration_bounds = array<i64: 2, 16>, scalar_prefetch = 0 : i64, scratch_operands = 7 : i64, tpu.core_type = #tpu.core_type<sc_vector_subcore>, window_params = [{transform_indices = #map}, {transform_indices = #map1}, {transform_indices = #map2}]} {
    %mul3A = arith.constant 2 : i32
    %mul3A_0 = arith.muli %arg1, %mul3A : i32
    %add3A = arith.addi %mul3A_0, %arg0 : i32
    %mul3A_1 = arith.constant 640 : i32
    %mul3A_2 = arith.muli %arg1, %mul3A_1 : i32
    "tpu.region"() ({
      %run_scoped3A_10 = tpu.sem_alloc : memref<!tpu.dma_semaphore, #tpu.memory_space<semaphore_mem>>
      %dma_start3A = arith.constant 0 : i32
      %dma_start3A_11 = tpu.memref_slice %arg8[%mul3A_2, %dma_start3A] : memref<10240x16xf32, #tpu.memory_space<vmem_shared>> -> memref<640x16xf32, #tpu.memory_space<vmem_shared>>
      %dma_start3A_12 = arith.constant 0 : i32
      %dma_start3A_13 = tpu.memref_slice %arg2[%mul3A_2, %dma_start3A_12] : memref<10240x16xf32, #tpu.memory_space<hbm>> -> memref<640x16xf32, #tpu.memory_space<hbm>>
      tpu.enqueue_dma source(%dma_start3A_13 : memref<640x16xf32, #tpu.memory_space<hbm>>) target(%dma_start3A_11 : memref<640x16xf32, #tpu.memory_space<vmem_shared>>) target_semaphore(%run_scoped3A_10 : memref<!tpu.dma_semaphore, #tpu.memory_space<semaphore_mem>>)
      %dma_wait3A = arith.constant 0 : i32
      %dma_wait3A_14 = tpu.memref_slice %arg8[%mul3A_2, %dma_wait3A] : memref<10240x16xf32, #tpu.memory_space<vmem_shared>> -> memref<640x16xf32, #tpu.memory_space<vmem_shared>>
      %dma_wait3A_15 = arith.constant 0 : i32
      %dma_wait3A_16 = tpu.memref_slice %arg2[%mul3A_2, %dma_wait3A_15] : memref<10240x16xf32, #tpu.memory_space<hbm>> -> memref<640x16xf32, #tpu.memory_space<hbm>>
      tpu.wait_dma2 semaphore(%run_scoped3A_10 : memref<!tpu.dma_semaphore, #tpu.memory_space<semaphore_mem>>) src(%dma_wait3A_16 : memref<640x16xf32, #tpu.memory_space<hbm>>) dst(%dma_wait3A_14 : memref<640x16xf32, #tpu.memory_space<vmem_shared>>)
      tpu.yield
    }) : () -> ()
    "tpu.region"() ({
      %run_scoped3A_10 = tpu.sem_alloc : memref<!tpu.dma_semaphore, #tpu.memory_space<semaphore_mem>>
      %dma_start3A = arith.constant 0 : i32
      %dma_start3A_11 = tpu.memref_slice %arg9[%mul3A_2, %dma_start3A] : memref<10240x16xf32, #tpu.memory_space<vmem_shared>> -> memref<640x16xf32, #tpu.memory_space<vmem_shared>>
      %dma_start3A_12 = arith.constant 0 : i32
      %dma_start3A_13 = tpu.memref_slice %arg2[%mul3A_2, %dma_start3A_12] : memref<10240x16xf32, #tpu.memory_space<hbm>> -> memref<640x16xf32, #tpu.memory_space<hbm>>
      tpu.enqueue_dma source(%dma_start3A_13 : memref<640x16xf32, #tpu.memory_space<hbm>>) target(%dma_start3A_11 : memref<640x16xf32, #tpu.memory_space<vmem_shared>>) target_semaphore(%run_scoped3A_10 : memref<!tpu.dma_semaphore, #tpu.memory_space<semaphore_mem>>)
      %dma_wait3A = arith.constant 0 : i32
      %dma_wait3A_14 = tpu.memref_slice %arg9[%mul3A_2, %dma_wait3A] : memref<10240x16xf32, #tpu.memory_space<vmem_shared>> -> memref<640x16xf32, #tpu.memory_space<vmem_shared>>
      %dma_wait3A_15 = arith.constant 0 : i32
      %dma_wait3A_16 = tpu.memref_slice %arg2[%mul3A_2, %dma_wait3A_15] : memref<10240x16xf32, #tpu.memory_space<hbm>> -> memref<640x16xf32, #tpu.memory_space<hbm>>
      tpu.wait_dma2 semaphore(%run_scoped3A_10 : memref<!tpu.dma_semaphore, #tpu.memory_space<semaphore_mem>>) src(%dma_wait3A_16 : memref<640x16xf32, #tpu.memory_space<hbm>>) dst(%dma_wait3A_14 : memref<640x16xf32, #tpu.memory_space<vmem_shared>>)
      tpu.yield
    }) : () -> ()
    %run_scoped3A = arith.constant 0 : i32
    "tpu.region"() ({
      %run_scoped3A_10 = tpu.sem_alloc : memref<!tpu.dma_semaphore, #tpu.memory_space<semaphore_mem>>
      %dma_start3A = arith.constant 0 : i32
      %dma_start3A_11 = arith.constant 0 : i32
      %dma_start3A_12 = tpu.memref_slice %arg3[%run_scoped3A, %add3A, %dma_start3A, %dma_start3A_11] : memref<2x32x80x128xi32, #tpu.memory_space<hbm>> -> memref<1x1x80x128xi32, #tpu.memory_space<hbm>>
      %dma_start3A_13 = tpu.memref_squeeze %dma_start3A_12 : memref<1x1x80x128xi32, #tpu.memory_space<hbm>> -> memref<80x128xi32, #tpu.memory_space<hbm>>
      %dma_start3A_14 = arith.constant 0 : i32
      %dma_start3A_15 = arith.constant 0 : i32
      %dma_start3A_16 = tpu.memref_slice %arg3[%run_scoped3A, %add3A, %dma_start3A_14, %dma_start3A_15] : memref<2x32x80x128xi32, #tpu.memory_space<hbm>> -> memref<1x1x80x128xi32, #tpu.memory_space<hbm>>
      %dma_start3A_17 = tpu.memref_squeeze %dma_start3A_16 : memref<1x1x80x128xi32, #tpu.memory_space<hbm>> -> memref<80x128xi32, #tpu.memory_space<hbm>>
      tpu.enqueue_dma source(%dma_start3A_17 : memref<80x128xi32, #tpu.memory_space<hbm>>) target(%arg5 : memref<80x128xi32, #tpu.memory_space<vmem>>) target_semaphore(%run_scoped3A_10 : memref<!tpu.dma_semaphore, #tpu.memory_space<semaphore_mem>>)
      %dma_wait3A = arith.constant 0 : i32
      %dma_wait3A_18 = arith.constant 0 : i32
      %dma_wait3A_19 = tpu.memref_slice %arg3[%run_scoped3A, %add3A, %dma_wait3A, %dma_wait3A_18] : memref<2x32x80x128xi32, #tpu.memory_space<hbm>> -> memref<1x1x80x128xi32, #tpu.memory_space<hbm>>
      %dma_wait3A_20 = tpu.memref_squeeze %dma_wait3A_19 : memref<1x1x80x128xi32, #tpu.memory_space<hbm>> -> memref<80x128xi32, #tpu.memory_space<hbm>>
      %dma_wait3A_21 = arith.constant 0 : i32
      %dma_wait3A_22 = arith.constant 0 : i32
      %dma_wait3A_23 = tpu.memref_slice %arg3[%run_scoped3A, %add3A, %dma_wait3A_21, %dma_wait3A_22] : memref<2x32x80x128xi32, #tpu.memory_space<hbm>> -> memref<1x1x80x128xi32, #tpu.memory_space<hbm>>
      %dma_wait3A_24 = tpu.memref_squeeze %dma_wait3A_23 : memref<1x1x80x128xi32, #tpu.memory_space<hbm>> -> memref<80x128xi32, #tpu.memory_space<hbm>>
      tpu.wait_dma2 semaphore(%run_scoped3A_10 : memref<!tpu.dma_semaphore, #tpu.memory_space<semaphore_mem>>) src(%dma_wait3A_24 : memref<80x128xi32, #tpu.memory_space<hbm>>) dst(%arg5 : memref<80x128xi32, #tpu.memory_space<vmem>>)
      tpu.yield
    }) : () -> ()
    %run_scoped3A_3 = arith.constant 1 : i32
    "tpu.region"() ({
      %run_scoped3A_10 = tpu.sem_alloc : memref<!tpu.dma_semaphore, #tpu.memory_space<semaphore_mem>>
      %dma_start3A = arith.constant 0 : i32
      %dma_start3A_11 = arith.constant 0 : i32
      %dma_start3A_12 = tpu.memref_slice %arg3[%run_scoped3A_3, %add3A, %dma_start3A, %dma_start3A_11] : memref<2x32x80x128xi32, #tpu.memory_space<hbm>> -> memref<1x1x80x128xi32, #tpu.memory_space<hbm>>
      %dma_start3A_13 = tpu.memref_squeeze %dma_start3A_12 : memref<1x1x80x128xi32, #tpu.memory_space<hbm>> -> memref<80x128xi32, #tpu.memory_space<hbm>>
      %dma_start3A_14 = arith.constant 0 : i32
      %dma_start3A_15 = arith.constant 0 : i32
      %dma_start3A_16 = tpu.memref_slice %arg3[%run_scoped3A_3, %add3A, %dma_start3A_14, %dma_start3A_15] : memref<2x32x80x128xi32, #tpu.memory_space<hbm>> -> memref<1x1x80x128xi32, #tpu.memory_space<hbm>>
      %dma_start3A_17 = tpu.memref_squeeze %dma_start3A_16 : memref<1x1x80x128xi32, #tpu.memory_space<hbm>> -> memref<80x128xi32, #tpu.memory_space<hbm>>
      tpu.enqueue_dma source(%dma_start3A_17 : memref<80x128xi32, #tpu.memory_space<hbm>>) target(%arg6 : memref<80x128xi32, #tpu.memory_space<vmem>>) target_semaphore(%run_scoped3A_10 : memref<!tpu.dma_semaphore, #tpu.memory_space<semaphore_mem>>)
      %dma_wait3A = arith.constant 0 : i32
      %dma_wait3A_18 = arith.constant 0 : i32
      %dma_wait3A_19 = tpu.memref_slice %arg3[%run_scoped3A_3, %add3A, %dma_wait3A, %dma_wait3A_18] : memref<2x32x80x128xi32, #tpu.memory_space<hbm>> -> memref<1x1x80x128xi32, #tpu.memory_space<hbm>>
      %dma_wait3A_20 = tpu.memref_squeeze %dma_wait3A_19 : memref<1x1x80x128xi32, #tpu.memory_space<hbm>> -> memref<80x128xi32, #tpu.memory_space<hbm>>
      %dma_wait3A_21 = arith.constant 0 : i32
      %dma_wait3A_22 = arith.constant 0 : i32
      %dma_wait3A_23 = tpu.memref_slice %arg3[%run_scoped3A_3, %add3A, %dma_wait3A_21, %dma_wait3A_22] : memref<2x32x80x128xi32, #tpu.memory_space<hbm>> -> memref<1x1x80x128xi32, #tpu.memory_space<hbm>>
      %dma_wait3A_24 = tpu.memref_squeeze %dma_wait3A_23 : memref<1x1x80x128xi32, #tpu.memory_space<hbm>> -> memref<80x128xi32, #tpu.memory_space<hbm>>
      tpu.wait_dma2 semaphore(%run_scoped3A_10 : memref<!tpu.dma_semaphore, #tpu.memory_space<semaphore_mem>>) src(%dma_wait3A_24 : memref<80x128xi32, #tpu.memory_space<hbm>>) dst(%arg6 : memref<80x128xi32, #tpu.memory_space<vmem>>)
      tpu.yield
    }) : () -> ()
    %barrier3A = arith.constant 0 : index
    tpu.barrier barrier_id(%barrier3A)
    %scan3A = arith.constant 0 : i32
    %scan3A_4 = arith.constant 0 : i32
    %scan3A_5 = arith.constant 10 : i32
    %scan3A_6 = arith.addi %scan3A_4, %scan3A_5 : i32
    %scan3A_7 = arith.constant 1 : i32
    scf.for %scan3A_10 = %scan3A_4 to %scan3A_6 step %scan3A_7  : i32 {
      %mul3A_11 = arith.constant 8 : i32
      %mul3A_12 = arith.muli %mul3A_11, %scan3A_10 : i32
      %add3A_13 = arith.constant 0 : i32
      %add3A_14 = arith.addi %mul3A_12, %add3A_13 : i32
      %dma_start3A = arith.constant 0 : i32
      %dma_start3A_15 = arith.constant 0 : i32
      %dma_start3A_16 = arith.constant 0 : i32
      %dma_start3A_17 = arith.constant 0 : i32
      %dma_start3A_18 = tpu.memref_slice %arg7[%dma_start3A, %dma_start3A_16, %dma_start3A_17] : memref<8x128x16xf32, #tpu.memory_space<vmem>> -> memref<1x128x16xf32, #tpu.memory_space<vmem>>
      %dma_start3A_19 = tpu.memref_squeeze %dma_start3A_18 : memref<1x128x16xf32, #tpu.memory_space<vmem>> -> memref<128x16xf32, #tpu.memory_space<vmem>>
      %dma_start3A_20 = arith.constant 0 : i32
      %dma_start3A_21 = tpu.memref_slice %arg5[%add3A_14, %dma_start3A_20] : memref<80x128xi32, #tpu.memory_space<vmem>> -> memref<1x128xi32, #tpu.memory_space<vmem>>
      %dma_start3A_22 = tpu.memref_squeeze %dma_start3A_21 : memref<1x128xi32, #tpu.memory_space<vmem>> -> memref<128xi32, #tpu.memory_space<vmem>>
      %dma_start3A_23 = arith.constant 0 : i32
      %dma_start3A_24 = arith.constant 0 : i32
      %dma_start3A_25 = tpu.memref_slice %arg8[%dma_start3A_23, %dma_start3A_24] : memref<10240x16xf32, #tpu.memory_space<vmem_shared>> -> memref<10240x16xf32, #tpu.memory_space<vmem_shared>>
      %dma_start3A_26 = tpu.memref_slice %arg10[%dma_start3A_15] : memref<8x!tpu.dma_semaphore, #tpu.memory_space<semaphore_mem>> -> memref<1x!tpu.dma_semaphore, #tpu.memory_space<semaphore_mem>>
      %dma_start3A_27 = tpu.memref_squeeze %dma_start3A_26 : memref<1x!tpu.dma_semaphore, #tpu.memory_space<semaphore_mem>> -> memref<!tpu.dma_semaphore, #tpu.memory_space<semaphore_mem>>
      tpu.enqueue_indirect_dma source(%dma_start3A_25 : memref<10240x16xf32, #tpu.memory_space<vmem_shared>>) target(%dma_start3A_19 : memref<128x16xf32, #tpu.memory_space<vmem>>) offsets(%dma_start3A_22 : memref<128xi32, #tpu.memory_space<vmem>>) semaphore(%dma_start3A_27 : memref<!tpu.dma_semaphore, #tpu.memory_space<semaphore_mem>>)
      %add3A_28 = arith.constant 1 : i32
      %add3A_29 = arith.addi %mul3A_12, %add3A_28 : i32
      %dma_start3A_30 = arith.constant 1 : i32
      %dma_start3A_31 = arith.constant 1 : i32
      %dma_start3A_32 = arith.constant 0 : i32
      %dma_start3A_33 = arith.constant 0 : i32
      %dma_start3A_34 = tpu.memref_slice %arg7[%dma_start3A_30, %dma_start3A_32, %dma_start3A_33] : memref<8x128x16xf32, #tpu.memory_space<vmem>> -> memref<1x128x16xf32, #tpu.memory_space<vmem>>
      %dma_start3A_35 = tpu.memref_squeeze %dma_start3A_34 : memref<1x128x16xf32, #tpu.memory_space<vmem>> -> memref<128x16xf32, #tpu.memory_space<vmem>>
      %dma_start3A_36 = arith.constant 0 : i32
      %dma_start3A_37 = tpu.memref_slice %arg5[%add3A_29, %dma_start3A_36] : memref<80x128xi32, #tpu.memory_space<vmem>> -> memref<1x128xi32, #tpu.memory_space<vmem>>
      %dma_start3A_38 = tpu.memref_squeeze %dma_start3A_37 : memref<1x128xi32, #tpu.memory_space<vmem>> -> memref<128xi32, #tpu.memory_space<vmem>>
      %dma_start3A_39 = arith.constant 0 : i32
      %dma_start3A_40 = arith.constant 0 : i32
      %dma_start3A_41 = tpu.memref_slice %arg8[%dma_start3A_39, %dma_start3A_40] : memref<10240x16xf32, #tpu.memory_space<vmem_shared>> -> memref<10240x16xf32, #tpu.memory_space<vmem_shared>>
      %dma_start3A_42 = tpu.memref_slice %arg10[%dma_start3A_31] : memref<8x!tpu.dma_semaphore, #tpu.memory_space<semaphore_mem>> -> memref<1x!tpu.dma_semaphore, #tpu.memory_space<semaphore_mem>>
      %dma_start3A_43 = tpu.memref_squeeze %dma_start3A_42 : memref<1x!tpu.dma_semaphore, #tpu.memory_space<semaphore_mem>> -> memref<!tpu.dma_semaphore, #tpu.memory_space<semaphore_mem>>
      tpu.enqueue_indirect_dma source(%dma_start3A_41 : memref<10240x16xf32, #tpu.memory_space<vmem_shared>>) target(%dma_start3A_35 : memref<128x16xf32, #tpu.memory_space<vmem>>) offsets(%dma_start3A_38 : memref<128xi32, #tpu.memory_space<vmem>>) semaphore(%dma_start3A_43 : memref<!tpu.dma_semaphore, #tpu.memory_space<semaphore_mem>>)
      %add3A_44 = arith.constant 2 : i32
      %add3A_45 = arith.addi %mul3A_12, %add3A_44 : i32
      %dma_start3A_46 = arith.constant 2 : i32
      %dma_start3A_47 = arith.constant 2 : i32
      %dma_start3A_48 = arith.constant 0 : i32
      %dma_start3A_49 = arith.constant 0 : i32
      %dma_start3A_50 = tpu.memref_slice %arg7[%dma_start3A_46, %dma_start3A_48, %dma_start3A_49] : memref<8x128x16xf32, #tpu.memory_space<vmem>> -> memref<1x128x16xf32, #tpu.memory_space<vmem>>
      %dma_start3A_51 = tpu.memref_squeeze %dma_start3A_50 : memref<1x128x16xf32, #tpu.memory_space<vmem>> -> memref<128x16xf32, #tpu.memory_space<vmem>>
      %dma_start3A_52 = arith.constant 0 : i32
      %dma_start3A_53 = tpu.memref_slice %arg5[%add3A_45, %dma_start3A_52] : memref<80x128xi32, #tpu.memory_space<vmem>> -> memref<1x128xi32, #tpu.memory_space<vmem>>
      %dma_start3A_54 = tpu.memref_squeeze %dma_start3A_53 : memref<1x128xi32, #tpu.memory_space<vmem>> -> memref<128xi32, #tpu.memory_space<vmem>>
      %dma_start3A_55 = arith.constant 0 : i32
      %dma_start3A_56 = arith.constant 0 : i32
      %dma_start3A_57 = tpu.memref_slice %arg8[%dma_start3A_55, %dma_start3A_56] : memref<10240x16xf32, #tpu.memory_space<vmem_shared>> -> memref<10240x16xf32, #tpu.memory_space<vmem_shared>>
      %dma_start3A_58 = tpu.memref_slice %arg10[%dma_start3A_47] : memref<8x!tpu.dma_semaphore, #tpu.memory_space<semaphore_mem>> -> memref<1x!tpu.dma_semaphore, #tpu.memory_space<semaphore_mem>>
      %dma_start3A_59 = tpu.memref_squeeze %dma_start3A_58 : memref<1x!tpu.dma_semaphore, #tpu.memory_space<semaphore_mem>> -> memref<!tpu.dma_semaphore, #tpu.memory_space<semaphore_mem>>
      tpu.enqueue_indirect_dma source(%dma_start3A_57 : memref<10240x16xf32, #tpu.memory_space<vmem_shared>>) target(%dma_start3A_51 : memref<128x16xf32, #tpu.memory_space<vmem>>) offsets(%dma_start3A_54 : memref<128xi32, #tpu.memory_space<vmem>>) semaphore(%dma_start3A_59 : memref<!tpu.dma_semaphore, #tpu.memory_space<semaphore_mem>>)
      %add3A_60 = arith.constant 3 : i32
      %add3A_61 = arith.addi %mul3A_12, %add3A_60 : i32
      %dma_start3A_62 = arith.constant 3 : i32
      %dma_start3A_63 = arith.constant 3 : i32
      %dma_start3A_64 = arith.constant 0 : i32
      %dma_start3A_65 = arith.constant 0 : i32
      %dma_start3A_66 = tpu.memref_slice %arg7[%dma_start3A_62, %dma_start3A_64, %dma_start3A_65] : memref<8x128x16xf32, #tpu.memory_space<vmem>> -> memref<1x128x16xf32, #tpu.memory_space<vmem>>
      %dma_start3A_67 = tpu.memref_squeeze %dma_start3A_66 : memref<1x128x16xf32, #tpu.memory_space<vmem>> -> memref<128x16xf32, #tpu.memory_space<vmem>>
      %dma_start3A_68 = arith.constant 0 : i32
      %dma_start3A_69 = tpu.memref_slice %arg5[%add3A_61, %dma_start3A_68] : memref<80x128xi32, #tpu.memory_space<vmem>> -> memref<1x128xi32, #tpu.memory_space<vmem>>
      %dma_start3A_70 = tpu.memref_squeeze %dma_start3A_69 : memref<1x128xi32, #tpu.memory_space<vmem>> -> memref<128xi32, #tpu.memory_space<vmem>>
      %dma_start3A_71 = arith.constant 0 : i32
      %dma_start3A_72 = arith.constant 0 : i32
      %dma_start3A_73 = tpu.memref_slice %arg8[%dma_start3A_71, %dma_start3A_72] : memref<10240x16xf32, #tpu.memory_space<vmem_shared>> -> memref<10240x16xf32, #tpu.memory_space<vmem_shared>>
      %dma_start3A_74 = tpu.memref_slice %arg10[%dma_start3A_63] : memref<8x!tpu.dma_semaphore, #tpu.memory_space<semaphore_mem>> -> memref<1x!tpu.dma_semaphore, #tpu.memory_space<semaphore_mem>>
      %dma_start3A_75 = tpu.memref_squeeze %dma_start3A_74 : memref<1x!tpu.dma_semaphore, #tpu.memory_space<semaphore_mem>> -> memref<!tpu.dma_semaphore, #tpu.memory_space<semaphore_mem>>
      tpu.enqueue_indirect_dma source(%dma_start3A_73 : memref<10240x16xf32, #tpu.memory_space<vmem_shared>>) target(%dma_start3A_67 : memref<128x16xf32, #tpu.memory_space<vmem>>) offsets(%dma_start3A_70 : memref<128xi32, #tpu.memory_space<vmem>>) semaphore(%dma_start3A_75 : memref<!tpu.dma_semaphore, #tpu.memory_space<semaphore_mem>>)
      %add3A_76 = arith.constant 4 : i32
      %add3A_77 = arith.addi %mul3A_12, %add3A_76 : i32
      %dma_start3A_78 = arith.constant 4 : i32
      %dma_start3A_79 = arith.constant 4 : i32
      %dma_start3A_80 = arith.constant 0 : i32
      %dma_start3A_81 = arith.constant 0 : i32
      %dma_start3A_82 = tpu.memref_slice %arg7[%dma_start3A_78, %dma_start3A_80, %dma_start3A_81] : memref<8x128x16xf32, #tpu.memory_space<vmem>> -> memref<1x128x16xf32, #tpu.memory_space<vmem>>
      %dma_start3A_83 = tpu.memref_squeeze %dma_start3A_82 : memref<1x128x16xf32, #tpu.memory_space<vmem>> -> memref<128x16xf32, #tpu.memory_space<vmem>>
      %dma_start3A_84 = arith.constant 0 : i32
      %dma_start3A_85 = tpu.memref_slice %arg5[%add3A_77, %dma_start3A_84] : memref<80x128xi32, #tpu.memory_space<vmem>> -> memref<1x128xi32, #tpu.memory_space<vmem>>
      %dma_start3A_86 = tpu.memref_squeeze %dma_start3A_85 : memref<1x128xi32, #tpu.memory_space<vmem>> -> memref<128xi32, #tpu.memory_space<vmem>>
      %dma_start3A_87 = arith.constant 0 : i32
      %dma_start3A_88 = arith.constant 0 : i32
      %dma_start3A_89 = tpu.memref_slice %arg8[%dma_start3A_87, %dma_start3A_88] : memref<10240x16xf32, #tpu.memory_space<vmem_shared>> -> memref<10240x16xf32, #tpu.memory_space<vmem_shared>>
      %dma_start3A_90 = tpu.memref_slice %arg10[%dma_start3A_79] : memref<8x!tpu.dma_semaphore, #tpu.memory_space<semaphore_mem>> -> memref<1x!tpu.dma_semaphore, #tpu.memory_space<semaphore_mem>>
      %dma_start3A_91 = tpu.memref_squeeze %dma_start3A_90 : memref<1x!tpu.dma_semaphore, #tpu.memory_space<semaphore_mem>> -> memref<!tpu.dma_semaphore, #tpu.memory_space<semaphore_mem>>
      tpu.enqueue_indirect_dma source(%dma_start3A_89 : memref<10240x16xf32, #tpu.memory_space<vmem_shared>>) target(%dma_start3A_83 : memref<128x16xf32, #tpu.memory_space<vmem>>) offsets(%dma_start3A_86 : memref<128xi32, #tpu.memory_space<vmem>>) semaphore(%dma_start3A_91 : memref<!tpu.dma_semaphore, #tpu.memory_space<semaphore_mem>>)
      %add3A_92 = arith.constant 5 : i32
      %add3A_93 = arith.addi %mul3A_12, %add3A_92 : i32
      %dma_start3A_94 = arith.constant 5 : i32
      %dma_start3A_95 = arith.constant 5 : i32
      %dma_start3A_96 = arith.constant 0 : i32
      %dma_start3A_97 = arith.constant 0 : i32
      %dma_start3A_98 = tpu.memref_slice %arg7[%dma_start3A_94, %dma_start3A_96, %dma_start3A_97] : memref<8x128x16xf32, #tpu.memory_space<vmem>> -> memref<1x128x16xf32, #tpu.memory_space<vmem>>
      %dma_start3A_99 = tpu.memref_squeeze %dma_start3A_98 : memref<1x128x16xf32, #tpu.memory_space<vmem>> -> memref<128x16xf32, #tpu.memory_space<vmem>>
      %dma_start3A_100 = arith.constant 0 : i32
      %dma_start3A_101 = tpu.memref_slice %arg5[%add3A_93, %dma_start3A_100] : memref<80x128xi32, #tpu.memory_space<vmem>> -> memref<1x128xi32, #tpu.memory_space<vmem>>
      %dma_start3A_102 = tpu.memref_squeeze %dma_start3A_101 : memref<1x128xi32, #tpu.memory_space<vmem>> -> memref<128xi32, #tpu.memory_space<vmem>>
      %dma_start3A_103 = arith.constant 0 : i32
      %dma_start3A_104 = arith.constant 0 : i32
      %dma_start3A_105 = tpu.memref_slice %arg8[%dma_start3A_103, %dma_start3A_104] : memref<10240x16xf32, #tpu.memory_space<vmem_shared>> -> memref<10240x16xf32, #tpu.memory_space<vmem_shared>>
      %dma_start3A_106 = tpu.memref_slice %arg10[%dma_start3A_95] : memref<8x!tpu.dma_semaphore, #tpu.memory_space<semaphore_mem>> -> memref<1x!tpu.dma_semaphore, #tpu.memory_space<semaphore_mem>>
      %dma_start3A_107 = tpu.memref_squeeze %dma_start3A_106 : memref<1x!tpu.dma_semaphore, #tpu.memory_space<semaphore_mem>> -> memref<!tpu.dma_semaphore, #tpu.memory_space<semaphore_mem>>
      tpu.enqueue_indirect_dma source(%dma_start3A_105 : memref<10240x16xf32, #tpu.memory_space<vmem_shared>>) target(%dma_start3A_99 : memref<128x16xf32, #tpu.memory_space<vmem>>) offsets(%dma_start3A_102 : memref<128xi32, #tpu.memory_space<vmem>>) semaphore(%dma_start3A_107 : memref<!tpu.dma_semaphore, #tpu.memory_space<semaphore_mem>>)
      %add3A_108 = arith.constant 6 : i32
      %add3A_109 = arith.addi %mul3A_12, %add3A_108 : i32
      %dma_start3A_110 = arith.constant 6 : i32
      %dma_start3A_111 = arith.constant 6 : i32
      %dma_start3A_112 = arith.constant 0 : i32
      %dma_start3A_113 = arith.constant 0 : i32
      %dma_start3A_114 = tpu.memref_slice %arg7[%dma_start3A_110, %dma_start3A_112, %dma_start3A_113] : memref<8x128x16xf32, #tpu.memory_space<vmem>> -> memref<1x128x16xf32, #tpu.memory_space<vmem>>
      %dma_start3A_115 = tpu.memref_squeeze %dma_start3A_114 : memref<1x128x16xf32, #tpu.memory_space<vmem>> -> memref<128x16xf32, #tpu.memory_space<vmem>>
      %dma_start3A_116 = arith.constant 0 : i32
      %dma_start3A_117 = tpu.memref_slice %arg5[%add3A_109, %dma_start3A_116] : memref<80x128xi32, #tpu.memory_space<vmem>> -> memref<1x128xi32, #tpu.memory_space<vmem>>
      %dma_start3A_118 = tpu.memref_squeeze %dma_start3A_117 : memref<1x128xi32, #tpu.memory_space<vmem>> -> memref<128xi32, #tpu.memory_space<vmem>>
      %dma_start3A_119 = arith.constant 0 : i32
      %dma_start3A_120 = arith.constant 0 : i32
      %dma_start3A_121 = tpu.memref_slice %arg8[%dma_start3A_119, %dma_start3A_120] : memref<10240x16xf32, #tpu.memory_space<vmem_shared>> -> memref<10240x16xf32, #tpu.memory_space<vmem_shared>>
      %dma_start3A_122 = tpu.memref_slice %arg10[%dma_start3A_111] : memref<8x!tpu.dma_semaphore, #tpu.memory_space<semaphore_mem>> -> memref<1x!tpu.dma_semaphore, #tpu.memory_space<semaphore_mem>>
      %dma_start3A_123 = tpu.memref_squeeze %dma_start3A_122 : memref<1x!tpu.dma_semaphore, #tpu.memory_space<semaphore_mem>> -> memref<!tpu.dma_semaphore, #tpu.memory_space<semaphore_mem>>
      tpu.enqueue_indirect_dma source(%dma_start3A_121 : memref<10240x16xf32, #tpu.memory_space<vmem_shared>>) target(%dma_start3A_115 : memref<128x16xf32, #tpu.memory_space<vmem>>) offsets(%dma_start3A_118 : memref<128xi32, #tpu.memory_space<vmem>>) semaphore(%dma_start3A_123 : memref<!tpu.dma_semaphore, #tpu.memory_space<semaphore_mem>>)
      %add3A_124 = arith.constant 7 : i32
      %add3A_125 = arith.addi %mul3A_12, %add3A_124 : i32
      %dma_start3A_126 = arith.constant 7 : i32
      %dma_start3A_127 = arith.constant 7 : i32
      %dma_start3A_128 = arith.constant 0 : i32
      %dma_start3A_129 = arith.constant 0 : i32
      %dma_start3A_130 = tpu.memref_slice %arg7[%dma_start3A_126, %dma_start3A_128, %dma_start3A_129] : memref<8x128x16xf32, #tpu.memory_space<vmem>> -> memref<1x128x16xf32, #tpu.memory_space<vmem>>
      %dma_start3A_131 = tpu.memref_squeeze %dma_start3A_130 : memref<1x128x16xf32, #tpu.memory_space<vmem>> -> memref<128x16xf32, #tpu.memory_space<vmem>>
      %dma_start3A_132 = arith.constant 0 : i32
      %dma_start3A_133 = tpu.memref_slice %arg5[%add3A_125, %dma_start3A_132] : memref<80x128xi32, #tpu.memory_space<vmem>> -> memref<1x128xi32, #tpu.memory_space<vmem>>
      %dma_start3A_134 = tpu.memref_squeeze %dma_start3A_133 : memref<1x128xi32, #tpu.memory_space<vmem>> -> memref<128xi32, #tpu.memory_space<vmem>>
      %dma_start3A_135 = arith.constant 0 : i32
      %dma_start3A_136 = arith.constant 0 : i32
      %dma_start3A_137 = tpu.memref_slice %arg8[%dma_start3A_135, %dma_start3A_136] : memref<10240x16xf32, #tpu.memory_space<vmem_shared>> -> memref<10240x16xf32, #tpu.memory_space<vmem_shared>>
      %dma_start3A_138 = tpu.memref_slice %arg10[%dma_start3A_127] : memref<8x!tpu.dma_semaphore, #tpu.memory_space<semaphore_mem>> -> memref<1x!tpu.dma_semaphore, #tpu.memory_space<semaphore_mem>>
      %dma_start3A_139 = tpu.memref_squeeze %dma_start3A_138 : memref<1x!tpu.dma_semaphore, #tpu.memory_space<semaphore_mem>> -> memref<!tpu.dma_semaphore, #tpu.memory_space<semaphore_mem>>
      tpu.enqueue_indirect_dma source(%dma_start3A_137 : memref<10240x16xf32, #tpu.memory_space<vmem_shared>>) target(%dma_start3A_131 : memref<128x16xf32, #tpu.memory_space<vmem>>) offsets(%dma_start3A_134 : memref<128xi32, #tpu.memory_space<vmem>>) semaphore(%dma_start3A_139 : memref<!tpu.dma_semaphore, #tpu.memory_space<semaphore_mem>>)
      %dma_wait3A = arith.constant 0 : i32
      %dma_wait3A_140 = arith.constant 0 : i32
      %dma_wait3A_141 = arith.constant 0 : i32
      %dma_wait3A_142 = arith.constant 0 : i32
      %dma_wait3A_143 = tpu.memref_slice %arg7[%dma_wait3A, %dma_wait3A_141, %dma_wait3A_142] : memref<8x128x16xf32, #tpu.memory_space<vmem>> -> memref<1x128x16xf32, #tpu.memory_space<vmem>>
      %dma_wait3A_144 = tpu.memref_squeeze %dma_wait3A_143 : memref<1x128x16xf32, #tpu.memory_space<vmem>> -> memref<128x16xf32, #tpu.memory_space<vmem>>
      %dma_wait3A_145 = arith.constant 0 : i32
      %dma_wait3A_146 = tpu.memref_slice %arg5[%add3A_14, %dma_wait3A_145] : memref<80x128xi32, #tpu.memory_space<vmem>> -> memref<1x128xi32, #tpu.memory_space<vmem>>
      %dma_wait3A_147 = tpu.memref_squeeze %dma_wait3A_146 : memref<1x128xi32, #tpu.memory_space<vmem>> -> memref<128xi32, #tpu.memory_space<vmem>>
      %dma_wait3A_148 = arith.constant 0 : i32
      %dma_wait3A_149 = arith.constant 0 : i32
      %dma_wait3A_150 = tpu.memref_slice %arg8[%dma_wait3A_148, %dma_wait3A_149] : memref<10240x16xf32, #tpu.memory_space<vmem_shared>> -> memref<10240x16xf32, #tpu.memory_space<vmem_shared>>
      %dma_wait3A_151 = tpu.memref_slice %arg10[%dma_wait3A_140] : memref<8x!tpu.dma_semaphore, #tpu.memory_space<semaphore_mem>> -> memref<1x!tpu.dma_semaphore, #tpu.memory_space<semaphore_mem>>
      %dma_wait3A_152 = tpu.memref_squeeze %dma_wait3A_151 : memref<1x!tpu.dma_semaphore, #tpu.memory_space<semaphore_mem>> -> memref<!tpu.dma_semaphore, #tpu.memory_space<semaphore_mem>>
      tpu.wait_indirect_dma semaphore(%dma_wait3A_152 : memref<!tpu.dma_semaphore, #tpu.memory_space<semaphore_mem>>) src(%dma_wait3A_150 : memref<10240x16xf32, #tpu.memory_space<vmem_shared>>) dst(%dma_wait3A_144 : memref<128x16xf32, #tpu.memory_space<vmem>>)
      %add3A_153 = arith.constant 0 : i32
      %add3A_154 = arith.addi %mul3A_12, %add3A_153 : i32
      %dma_start3A_155 = arith.constant 0 : i32
      %dma_start3A_156 = arith.constant 0 : i32
      %dma_start3A_157 = arith.constant 0 : i32
      %dma_start3A_158 = arith.constant 0 : i32
      %dma_start3A_159 = tpu.memref_slice %arg7[%dma_start3A_155, %dma_start3A_157, %dma_start3A_158] : memref<8x128x16xf32, #tpu.memory_space<vmem>> -> memref<1x128x16xf32, #tpu.memory_space<vmem>>
      %dma_start3A_160 = tpu.memref_squeeze %dma_start3A_159 : memref<1x128x16xf32, #tpu.memory_space<vmem>> -> memref<128x16xf32, #tpu.memory_space<vmem>>
      %dma_start3A_161 = arith.constant 0 : i32
      %dma_start3A_162 = tpu.memref_slice %arg6[%add3A_154, %dma_start3A_161] : memref<80x128xi32, #tpu.memory_space<vmem>> -> memref<1x128xi32, #tpu.memory_space<vmem>>
      %dma_start3A_163 = tpu.memref_squeeze %dma_start3A_162 : memref<1x128xi32, #tpu.memory_space<vmem>> -> memref<128xi32, #tpu.memory_space<vmem>>
      %dma_start3A_164 = arith.constant 0 : i32
      %dma_start3A_165 = arith.constant 0 : i32
      %dma_start3A_166 = tpu.memref_slice %arg9[%dma_start3A_164, %dma_start3A_165] : memref<10240x16xf32, #tpu.memory_space<vmem_shared>> -> memref<10240x16xf32, #tpu.memory_space<vmem_shared>>
      %dma_start3A_167 = tpu.memref_slice %arg11[%dma_start3A_156] : memref<8x!tpu.dma_semaphore, #tpu.memory_space<semaphore_mem>> -> memref<1x!tpu.dma_semaphore, #tpu.memory_space<semaphore_mem>>
      %dma_start3A_168 = tpu.memref_squeeze %dma_start3A_167 : memref<1x!tpu.dma_semaphore, #tpu.memory_space<semaphore_mem>> -> memref<!tpu.dma_semaphore, #tpu.memory_space<semaphore_mem>>
      tpu.enqueue_indirect_dma source(%dma_start3A_160 : memref<128x16xf32, #tpu.memory_space<vmem>>) target(%dma_start3A_166 : memref<10240x16xf32, #tpu.memory_space<vmem_shared>>) offsets(%dma_start3A_163 : memref<128xi32, #tpu.memory_space<vmem>>) semaphore(%dma_start3A_168 : memref<!tpu.dma_semaphore, #tpu.memory_space<semaphore_mem>>) {add = true}
      %dma_wait3A_169 = arith.constant 1 : i32
      %dma_wait3A_170 = arith.constant 1 : i32
      %dma_wait3A_171 = arith.constant 0 : i32
      %dma_wait3A_172 = arith.constant 0 : i32
      %dma_wait3A_173 = tpu.memref_slice %arg7[%dma_wait3A_169, %dma_wait3A_171, %dma_wait3A_172] : memref<8x128x16xf32, #tpu.memory_space<vmem>> -> memref<1x128x16xf32, #tpu.memory_space<vmem>>
      %dma_wait3A_174 = tpu.memref_squeeze %dma_wait3A_173 : memref<1x128x16xf32, #tpu.memory_space<vmem>> -> memref<128x16xf32, #tpu.memory_space<vmem>>
      %dma_wait3A_175 = arith.constant 0 : i32
      %dma_wait3A_176 = tpu.memref_slice %arg5[%add3A_29, %dma_wait3A_175] : memref<80x128xi32, #tpu.memory_space<vmem>> -> memref<1x128xi32, #tpu.memory_space<vmem>>
      %dma_wait3A_177 = tpu.memref_squeeze %dma_wait3A_176 : memref<1x128xi32, #tpu.memory_space<vmem>> -> memref<128xi32, #tpu.memory_space<vmem>>
      %dma_wait3A_178 = arith.constant 0 : i32
      %dma_wait3A_179 = arith.constant 0 : i32
      %dma_wait3A_180 = tpu.memref_slice %arg8[%dma_wait3A_178, %dma_wait3A_179] : memref<10240x16xf32, #tpu.memory_space<vmem_shared>> -> memref<10240x16xf32, #tpu.memory_space<vmem_shared>>
      %dma_wait3A_181 = tpu.memref_slice %arg10[%dma_wait3A_170] : memref<8x!tpu.dma_semaphore, #tpu.memory_space<semaphore_mem>> -> memref<1x!tpu.dma_semaphore, #tpu.memory_space<semaphore_mem>>
      %dma_wait3A_182 = tpu.memref_squeeze %dma_wait3A_181 : memref<1x!tpu.dma_semaphore, #tpu.memory_space<semaphore_mem>> -> memref<!tpu.dma_semaphore, #tpu.memory_space<semaphore_mem>>
      tpu.wait_indirect_dma semaphore(%dma_wait3A_182 : memref<!tpu.dma_semaphore, #tpu.memory_space<semaphore_mem>>) src(%dma_wait3A_180 : memref<10240x16xf32, #tpu.memory_space<vmem_shared>>) dst(%dma_wait3A_174 : memref<128x16xf32, #tpu.memory_space<vmem>>)
      %add3A_183 = arith.constant 1 : i32
      %add3A_184 = arith.addi %mul3A_12, %add3A_183 : i32
      %dma_start3A_185 = arith.constant 1 : i32
      %dma_start3A_186 = arith.constant 1 : i32
      %dma_start3A_187 = arith.constant 0 : i32
      %dma_start3A_188 = arith.constant 0 : i32
      %dma_start3A_189 = tpu.memref_slice %arg7[%dma_start3A_185, %dma_start3A_187, %dma_start3A_188] : memref<8x128x16xf32, #tpu.memory_space<vmem>> -> memref<1x128x16xf32, #tpu.memory_space<vmem>>
      %dma_start3A_190 = tpu.memref_squeeze %dma_start3A_189 : memref<1x128x16xf32, #tpu.memory_space<vmem>> -> memref<128x16xf32, #tpu.memory_space<vmem>>
      %dma_start3A_191 = arith.constant 0 : i32
      %dma_start3A_192 = tpu.memref_slice %arg6[%add3A_184, %dma_start3A_191] : memref<80x128xi32, #tpu.memory_space<vmem>> -> memref<1x128xi32, #tpu.memory_space<vmem>>
      %dma_start3A_193 = tpu.memref_squeeze %dma_start3A_192 : memref<1x128xi32, #tpu.memory_space<vmem>> -> memref<128xi32, #tpu.memory_space<vmem>>
      %dma_start3A_194 = arith.constant 0 : i32
      %dma_start3A_195 = arith.constant 0 : i32
      %dma_start3A_196 = tpu.memref_slice %arg9[%dma_start3A_194, %dma_start3A_195] : memref<10240x16xf32, #tpu.memory_space<vmem_shared>> -> memref<10240x16xf32, #tpu.memory_space<vmem_shared>>
      %dma_start3A_197 = tpu.memref_slice %arg11[%dma_start3A_186] : memref<8x!tpu.dma_semaphore, #tpu.memory_space<semaphore_mem>> -> memref<1x!tpu.dma_semaphore, #tpu.memory_space<semaphore_mem>>
      %dma_start3A_198 = tpu.memref_squeeze %dma_start3A_197 : memref<1x!tpu.dma_semaphore, #tpu.memory_space<semaphore_mem>> -> memref<!tpu.dma_semaphore, #tpu.memory_space<semaphore_mem>>
      tpu.enqueue_indirect_dma source(%dma_start3A_190 : memref<128x16xf32, #tpu.memory_space<vmem>>) target(%dma_start3A_196 : memref<10240x16xf32, #tpu.memory_space<vmem_shared>>) offsets(%dma_start3A_193 : memref<128xi32, #tpu.memory_space<vmem>>) semaphore(%dma_start3A_198 : memref<!tpu.dma_semaphore, #tpu.memory_space<semaphore_mem>>) {add = true}
      %dma_wait3A_199 = arith.constant 2 : i32
      %dma_wait3A_200 = arith.constant 2 : i32
      %dma_wait3A_201 = arith.constant 0 : i32
      %dma_wait3A_202 = arith.constant 0 : i32
      %dma_wait3A_203 = tpu.memref_slice %arg7[%dma_wait3A_199, %dma_wait3A_201, %dma_wait3A_202] : memref<8x128x16xf32, #tpu.memory_space<vmem>> -> memref<1x128x16xf32, #tpu.memory_space<vmem>>
      %dma_wait3A_204 = tpu.memref_squeeze %dma_wait3A_203 : memref<1x128x16xf32, #tpu.memory_space<vmem>> -> memref<128x16xf32, #tpu.memory_space<vmem>>
      %dma_wait3A_205 = arith.constant 0 : i32
      %dma_wait3A_206 = tpu.memref_slice %arg5[%add3A_45, %dma_wait3A_205] : memref<80x128xi32, #tpu.memory_space<vmem>> -> memref<1x128xi32, #tpu.memory_space<vmem>>
      %dma_wait3A_207 = tpu.memref_squeeze %dma_wait3A_206 : memref<1x128xi32, #tpu.memory_space<vmem>> -> memref<128xi32, #tpu.memory_space<vmem>>
      %dma_wait3A_208 = arith.constant 0 : i32
      %dma_wait3A_209 = arith.constant 0 : i32
      %dma_wait3A_210 = tpu.memref_slice %arg8[%dma_wait3A_208, %dma_wait3A_209] : memref<10240x16xf32, #tpu.memory_space<vmem_shared>> -> memref<10240x16xf32, #tpu.memory_space<vmem_shared>>
      %dma_wait3A_211 = tpu.memref_slice %arg10[%dma_wait3A_200] : memref<8x!tpu.dma_semaphore, #tpu.memory_space<semaphore_mem>> -> memref<1x!tpu.dma_semaphore, #tpu.memory_space<semaphore_mem>>
      %dma_wait3A_212 = tpu.memref_squeeze %dma_wait3A_211 : memref<1x!tpu.dma_semaphore, #tpu.memory_space<semaphore_mem>> -> memref<!tpu.dma_semaphore, #tpu.memory_space<semaphore_mem>>
      tpu.wait_indirect_dma semaphore(%dma_wait3A_212 : memref<!tpu.dma_semaphore, #tpu.memory_space<semaphore_mem>>) src(%dma_wait3A_210 : memref<10240x16xf32, #tpu.memory_space<vmem_shared>>) dst(%dma_wait3A_204 : memref<128x16xf32, #tpu.memory_space<vmem>>)
      %add3A_213 = arith.constant 2 : i32
      %add3A_214 = arith.addi %mul3A_12, %add3A_213 : i32
      %dma_start3A_215 = arith.constant 2 : i32
      %dma_start3A_216 = arith.constant 2 : i32
      %dma_start3A_217 = arith.constant 0 : i32
      %dma_start3A_218 = arith.constant 0 : i32
      %dma_start3A_219 = tpu.memref_slice %arg7[%dma_start3A_215, %dma_start3A_217, %dma_start3A_218] : memref<8x128x16xf32, #tpu.memory_space<vmem>> -> memref<1x128x16xf32, #tpu.memory_space<vmem>>
      %dma_start3A_220 = tpu.memref_squeeze %dma_start3A_219 : memref<1x128x16xf32, #tpu.memory_space<vmem>> -> memref<128x16xf32, #tpu.memory_space<vmem>>
      %dma_start3A_221 = arith.constant 0 : i32
      %dma_start3A_222 = tpu.memref_slice %arg6[%add3A_214, %dma_start3A_221] : memref<80x128xi32, #tpu.memory_space<vmem>> -> memref<1x128xi32, #tpu.memory_space<vmem>>
      %dma_start3A_223 = tpu.memref_squeeze %dma_start3A_222 : memref<1x128xi32, #tpu.memory_space<vmem>> -> memref<128xi32, #tpu.memory_space<vmem>>
      %dma_start3A_224 = arith.constant 0 : i32
      %dma_start3A_225 = arith.constant 0 : i32
      %dma_start3A_226 = tpu.memref_slice %arg9[%dma_start3A_224, %dma_start3A_225] : memref<10240x16xf32, #tpu.memory_space<vmem_shared>> -> memref<10240x16xf32, #tpu.memory_space<vmem_shared>>
      %dma_start3A_227 = tpu.memref_slice %arg11[%dma_start3A_216] : memref<8x!tpu.dma_semaphore, #tpu.memory_space<semaphore_mem>> -> memref<1x!tpu.dma_semaphore, #tpu.memory_space<semaphore_mem>>
      %dma_start3A_228 = tpu.memref_squeeze %dma_start3A_227 : memref<1x!tpu.dma_semaphore, #tpu.memory_space<semaphore_mem>> -> memref<!tpu.dma_semaphore, #tpu.memory_space<semaphore_mem>>
      tpu.enqueue_indirect_dma source(%dma_start3A_220 : memref<128x16xf32, #tpu.memory_space<vmem>>) target(%dma_start3A_226 : memref<10240x16xf32, #tpu.memory_space<vmem_shared>>) offsets(%dma_start3A_223 : memref<128xi32, #tpu.memory_space<vmem>>) semaphore(%dma_start3A_228 : memref<!tpu.dma_semaphore, #tpu.memory_space<semaphore_mem>>) {add = true}
      %dma_wait3A_229 = arith.constant 3 : i32
      %dma_wait3A_230 = arith.constant 3 : i32
      %dma_wait3A_231 = arith.constant 0 : i32
      %dma_wait3A_232 = arith.constant 0 : i32
      %dma_wait3A_233 = tpu.memref_slice %arg7[%dma_wait3A_229, %dma_wait3A_231, %dma_wait3A_232] : memref<8x128x16xf32, #tpu.memory_space<vmem>> -> memref<1x128x16xf32, #tpu.memory_space<vmem>>
      %dma_wait3A_234 = tpu.memref_squeeze %dma_wait3A_233 : memref<1x128x16xf32, #tpu.memory_space<vmem>> -> memref<128x16xf32, #tpu.memory_space<vmem>>
      %dma_wait3A_235 = arith.constant 0 : i32
      %dma_wait3A_236 = tpu.memref_slice %arg5[%add3A_61, %dma_wait3A_235] : memref<80x128xi32, #tpu.memory_space<vmem>> -> memref<1x128xi32, #tpu.memory_space<vmem>>
      %dma_wait3A_237 = tpu.memref_squeeze %dma_wait3A_236 : memref<1x128xi32, #tpu.memory_space<vmem>> -> memref<128xi32, #tpu.memory_space<vmem>>
      %dma_wait3A_238 = arith.constant 0 : i32
      %dma_wait3A_239 = arith.constant 0 : i32
      %dma_wait3A_240 = tpu.memref_slice %arg8[%dma_wait3A_238, %dma_wait3A_239] : memref<10240x16xf32, #tpu.memory_space<vmem_shared>> -> memref<10240x16xf32, #tpu.memory_space<vmem_shared>>
      %dma_wait3A_241 = tpu.memref_slice %arg10[%dma_wait3A_230] : memref<8x!tpu.dma_semaphore, #tpu.memory_space<semaphore_mem>> -> memref<1x!tpu.dma_semaphore, #tpu.memory_space<semaphore_mem>>
      %dma_wait3A_242 = tpu.memref_squeeze %dma_wait3A_241 : memref<1x!tpu.dma_semaphore, #tpu.memory_space<semaphore_mem>> -> memref<!tpu.dma_semaphore, #tpu.memory_space<semaphore_mem>>
      tpu.wait_indirect_dma semaphore(%dma_wait3A_242 : memref<!tpu.dma_semaphore, #tpu.memory_space<semaphore_mem>>) src(%dma_wait3A_240 : memref<10240x16xf32, #tpu.memory_space<vmem_shared>>) dst(%dma_wait3A_234 : memref<128x16xf32, #tpu.memory_space<vmem>>)
      %add3A_243 = arith.constant 3 : i32
      %add3A_244 = arith.addi %mul3A_12, %add3A_243 : i32
      %dma_start3A_245 = arith.constant 3 : i32
      %dma_start3A_246 = arith.constant 3 : i32
      %dma_start3A_247 = arith.constant 0 : i32
      %dma_start3A_248 = arith.constant 0 : i32
      %dma_start3A_249 = tpu.memref_slice %arg7[%dma_start3A_245, %dma_start3A_247, %dma_start3A_248] : memref<8x128x16xf32, #tpu.memory_space<vmem>> -> memref<1x128x16xf32, #tpu.memory_space<vmem>>
      %dma_start3A_250 = tpu.memref_squeeze %dma_start3A_249 : memref<1x128x16xf32, #tpu.memory_space<vmem>> -> memref<128x16xf32, #tpu.memory_space<vmem>>
      %dma_start3A_251 = arith.constant 0 : i32
      %dma_start3A_252 = tpu.memref_slice %arg6[%add3A_244, %dma_start3A_251] : memref<80x128xi32, #tpu.memory_space<vmem>> -> memref<1x128xi32, #tpu.memory_space<vmem>>
      %dma_start3A_253 = tpu.memref_squeeze %dma_start3A_252 : memref<1x128xi32, #tpu.memory_space<vmem>> -> memref<128xi32, #tpu.memory_space<vmem>>
      %dma_start3A_254 = arith.constant 0 : i32
      %dma_start3A_255 = arith.constant 0 : i32
      %dma_start3A_256 = tpu.memref_slice %arg9[%dma_start3A_254, %dma_start3A_255] : memref<10240x16xf32, #tpu.memory_space<vmem_shared>> -> memref<10240x16xf32, #tpu.memory_space<vmem_shared>>
      %dma_start3A_257 = tpu.memref_slice %arg11[%dma_start3A_246] : memref<8x!tpu.dma_semaphore, #tpu.memory_space<semaphore_mem>> -> memref<1x!tpu.dma_semaphore, #tpu.memory_space<semaphore_mem>>
      %dma_start3A_258 = tpu.memref_squeeze %dma_start3A_257 : memref<1x!tpu.dma_semaphore, #tpu.memory_space<semaphore_mem>> -> memref<!tpu.dma_semaphore, #tpu.memory_space<semaphore_mem>>
      tpu.enqueue_indirect_dma source(%dma_start3A_250 : memref<128x16xf32, #tpu.memory_space<vmem>>) target(%dma_start3A_256 : memref<10240x16xf32, #tpu.memory_space<vmem_shared>>) offsets(%dma_start3A_253 : memref<128xi32, #tpu.memory_space<vmem>>) semaphore(%dma_start3A_258 : memref<!tpu.dma_semaphore, #tpu.memory_space<semaphore_mem>>) {add = true}
      %dma_wait3A_259 = arith.constant 4 : i32
      %dma_wait3A_260 = arith.constant 4 : i32
      %dma_wait3A_261 = arith.constant 0 : i32
      %dma_wait3A_262 = arith.constant 0 : i32
      %dma_wait3A_263 = tpu.memref_slice %arg7[%dma_wait3A_259, %dma_wait3A_261, %dma_wait3A_262] : memref<8x128x16xf32, #tpu.memory_space<vmem>> -> memref<1x128x16xf32, #tpu.memory_space<vmem>>
      %dma_wait3A_264 = tpu.memref_squeeze %dma_wait3A_263 : memref<1x128x16xf32, #tpu.memory_space<vmem>> -> memref<128x16xf32, #tpu.memory_space<vmem>>
      %dma_wait3A_265 = arith.constant 0 : i32
      %dma_wait3A_266 = tpu.memref_slice %arg5[%add3A_77, %dma_wait3A_265] : memref<80x128xi32, #tpu.memory_space<vmem>> -> memref<1x128xi32, #tpu.memory_space<vmem>>
      %dma_wait3A_267 = tpu.memref_squeeze %dma_wait3A_266 : memref<1x128xi32, #tpu.memory_space<vmem>> -> memref<128xi32, #tpu.memory_space<vmem>>
      %dma_wait3A_268 = arith.constant 0 : i32
      %dma_wait3A_269 = arith.constant 0 : i32
      %dma_wait3A_270 = tpu.memref_slice %arg8[%dma_wait3A_268, %dma_wait3A_269] : memref<10240x16xf32, #tpu.memory_space<vmem_shared>> -> memref<10240x16xf32, #tpu.memory_space<vmem_shared>>
      %dma_wait3A_271 = tpu.memref_slice %arg10[%dma_wait3A_260] : memref<8x!tpu.dma_semaphore, #tpu.memory_space<semaphore_mem>> -> memref<1x!tpu.dma_semaphore, #tpu.memory_space<semaphore_mem>>
      %dma_wait3A_272 = tpu.memref_squeeze %dma_wait3A_271 : memref<1x!tpu.dma_semaphore, #tpu.memory_space<semaphore_mem>> -> memref<!tpu.dma_semaphore, #tpu.memory_space<semaphore_mem>>
      tpu.wait_indirect_dma semaphore(%dma_wait3A_272 : memref<!tpu.dma_semaphore, #tpu.memory_space<semaphore_mem>>) src(%dma_wait3A_270 : memref<10240x16xf32, #tpu.memory_space<vmem_shared>>) dst(%dma_wait3A_264 : memref<128x16xf32, #tpu.memory_space<vmem>>)
      %add3A_273 = arith.constant 4 : i32
      %add3A_274 = arith.addi %mul3A_12, %add3A_273 : i32
      %dma_start3A_275 = arith.constant 4 : i32
      %dma_start3A_276 = arith.constant 4 : i32
      %dma_start3A_277 = arith.constant 0 : i32
      %dma_start3A_278 = arith.constant 0 : i32
      %dma_start3A_279 = tpu.memref_slice %arg7[%dma_start3A_275, %dma_start3A_277, %dma_start3A_278] : memref<8x128x16xf32, #tpu.memory_space<vmem>> -> memref<1x128x16xf32, #tpu.memory_space<vmem>>
      %dma_start3A_280 = tpu.memref_squeeze %dma_start3A_279 : memref<1x128x16xf32, #tpu.memory_space<vmem>> -> memref<128x16xf32, #tpu.memory_space<vmem>>
      %dma_start3A_281 = arith.constant 0 : i32
      %dma_start3A_282 = tpu.memref_slice %arg6[%add3A_274, %dma_start3A_281] : memref<80x128xi32, #tpu.memory_space<vmem>> -> memref<1x128xi32, #tpu.memory_space<vmem>>
      %dma_start3A_283 = tpu.memref_squeeze %dma_start3A_282 : memref<1x128xi32, #tpu.memory_space<vmem>> -> memref<128xi32, #tpu.memory_space<vmem>>
      %dma_start3A_284 = arith.constant 0 : i32
      %dma_start3A_285 = arith.constant 0 : i32
      %dma_start3A_286 = tpu.memref_slice %arg9[%dma_start3A_284, %dma_start3A_285] : memref<10240x16xf32, #tpu.memory_space<vmem_shared>> -> memref<10240x16xf32, #tpu.memory_space<vmem_shared>>
      %dma_start3A_287 = tpu.memref_slice %arg11[%dma_start3A_276] : memref<8x!tpu.dma_semaphore, #tpu.memory_space<semaphore_mem>> -> memref<1x!tpu.dma_semaphore, #tpu.memory_space<semaphore_mem>>
      %dma_start3A_288 = tpu.memref_squeeze %dma_start3A_287 : memref<1x!tpu.dma_semaphore, #tpu.memory_space<semaphore_mem>> -> memref<!tpu.dma_semaphore, #tpu.memory_space<semaphore_mem>>
      tpu.enqueue_indirect_dma source(%dma_start3A_280 : memref<128x16xf32, #tpu.memory_space<vmem>>) target(%dma_start3A_286 : memref<10240x16xf32, #tpu.memory_space<vmem_shared>>) offsets(%dma_start3A_283 : memref<128xi32, #tpu.memory_space<vmem>>) semaphore(%dma_start3A_288 : memref<!tpu.dma_semaphore, #tpu.memory_space<semaphore_mem>>) {add = true}
      %dma_wait3A_289 = arith.constant 5 : i32
      %dma_wait3A_290 = arith.constant 5 : i32
      %dma_wait3A_291 = arith.constant 0 : i32
      %dma_wait3A_292 = arith.constant 0 : i32
      %dma_wait3A_293 = tpu.memref_slice %arg7[%dma_wait3A_289, %dma_wait3A_291, %dma_wait3A_292] : memref<8x128x16xf32, #tpu.memory_space<vmem>> -> memref<1x128x16xf32, #tpu.memory_space<vmem>>
      %dma_wait3A_294 = tpu.memref_squeeze %dma_wait3A_293 : memref<1x128x16xf32, #tpu.memory_space<vmem>> -> memref<128x16xf32, #tpu.memory_space<vmem>>
      %dma_wait3A_295 = arith.constant 0 : i32
      %dma_wait3A_296 = tpu.memref_slice %arg5[%add3A_93, %dma_wait3A_295] : memref<80x128xi32, #tpu.memory_space<vmem>> -> memref<1x128xi32, #tpu.memory_space<vmem>>
      %dma_wait3A_297 = tpu.memref_squeeze %dma_wait3A_296 : memref<1x128xi32, #tpu.memory_space<vmem>> -> memref<128xi32, #tpu.memory_space<vmem>>
      %dma_wait3A_298 = arith.constant 0 : i32
      %dma_wait3A_299 = arith.constant 0 : i32
      %dma_wait3A_300 = tpu.memref_slice %arg8[%dma_wait3A_298, %dma_wait3A_299] : memref<10240x16xf32, #tpu.memory_space<vmem_shared>> -> memref<10240x16xf32, #tpu.memory_space<vmem_shared>>
      %dma_wait3A_301 = tpu.memref_slice %arg10[%dma_wait3A_290] : memref<8x!tpu.dma_semaphore, #tpu.memory_space<semaphore_mem>> -> memref<1x!tpu.dma_semaphore, #tpu.memory_space<semaphore_mem>>
      %dma_wait3A_302 = tpu.memref_squeeze %dma_wait3A_301 : memref<1x!tpu.dma_semaphore, #tpu.memory_space<semaphore_mem>> -> memref<!tpu.dma_semaphore, #tpu.memory_space<semaphore_mem>>
      tpu.wait_indirect_dma semaphore(%dma_wait3A_302 : memref<!tpu.dma_semaphore, #tpu.memory_space<semaphore_mem>>) src(%dma_wait3A_300 : memref<10240x16xf32, #tpu.memory_space<vmem_shared>>) dst(%dma_wait3A_294 : memref<128x16xf32, #tpu.memory_space<vmem>>)
      %add3A_303 = arith.constant 5 : i32
      %add3A_304 = arith.addi %mul3A_12, %add3A_303 : i32
      %dma_start3A_305 = arith.constant 5 : i32
      %dma_start3A_306 = arith.constant 5 : i32
      %dma_start3A_307 = arith.constant 0 : i32
      %dma_start3A_308 = arith.constant 0 : i32
      %dma_start3A_309 = tpu.memref_slice %arg7[%dma_start3A_305, %dma_start3A_307, %dma_start3A_308] : memref<8x128x16xf32, #tpu.memory_space<vmem>> -> memref<1x128x16xf32, #tpu.memory_space<vmem>>
      %dma_start3A_310 = tpu.memref_squeeze %dma_start3A_309 : memref<1x128x16xf32, #tpu.memory_space<vmem>> -> memref<128x16xf32, #tpu.memory_space<vmem>>
      %dma_start3A_311 = arith.constant 0 : i32
      %dma_start3A_312 = tpu.memref_slice %arg6[%add3A_304, %dma_start3A_311] : memref<80x128xi32, #tpu.memory_space<vmem>> -> memref<1x128xi32, #tpu.memory_space<vmem>>
      %dma_start3A_313 = tpu.memref_squeeze %dma_start3A_312 : memref<1x128xi32, #tpu.memory_space<vmem>> -> memref<128xi32, #tpu.memory_space<vmem>>
      %dma_start3A_314 = arith.constant 0 : i32
      %dma_start3A_315 = arith.constant 0 : i32
      %dma_start3A_316 = tpu.memref_slice %arg9[%dma_start3A_314, %dma_start3A_315] : memref<10240x16xf32, #tpu.memory_space<vmem_shared>> -> memref<10240x16xf32, #tpu.memory_space<vmem_shared>>
      %dma_start3A_317 = tpu.memref_slice %arg11[%dma_start3A_306] : memref<8x!tpu.dma_semaphore, #tpu.memory_space<semaphore_mem>> -> memref<1x!tpu.dma_semaphore, #tpu.memory_space<semaphore_mem>>
      %dma_start3A_318 = tpu.memref_squeeze %dma_start3A_317 : memref<1x!tpu.dma_semaphore, #tpu.memory_space<semaphore_mem>> -> memref<!tpu.dma_semaphore, #tpu.memory_space<semaphore_mem>>
      tpu.enqueue_indirect_dma source(%dma_start3A_310 : memref<128x16xf32, #tpu.memory_space<vmem>>) target(%dma_start3A_316 : memref<10240x16xf32, #tpu.memory_space<vmem_shared>>) offsets(%dma_start3A_313 : memref<128xi32, #tpu.memory_space<vmem>>) semaphore(%dma_start3A_318 : memref<!tpu.dma_semaphore, #tpu.memory_space<semaphore_mem>>) {add = true}
      %dma_wait3A_319 = arith.constant 6 : i32
      %dma_wait3A_320 = arith.constant 6 : i32
      %dma_wait3A_321 = arith.constant 0 : i32
      %dma_wait3A_322 = arith.constant 0 : i32
      %dma_wait3A_323 = tpu.memref_slice %arg7[%dma_wait3A_319, %dma_wait3A_321, %dma_wait3A_322] : memref<8x128x16xf32, #tpu.memory_space<vmem>> -> memref<1x128x16xf32, #tpu.memory_space<vmem>>
      %dma_wait3A_324 = tpu.memref_squeeze %dma_wait3A_323 : memref<1x128x16xf32, #tpu.memory_space<vmem>> -> memref<128x16xf32, #tpu.memory_space<vmem>>
      %dma_wait3A_325 = arith.constant 0 : i32
      %dma_wait3A_326 = tpu.memref_slice %arg5[%add3A_109, %dma_wait3A_325] : memref<80x128xi32, #tpu.memory_space<vmem>> -> memref<1x128xi32, #tpu.memory_space<vmem>>
      %dma_wait3A_327 = tpu.memref_squeeze %dma_wait3A_326 : memref<1x128xi32, #tpu.memory_space<vmem>> -> memref<128xi32, #tpu.memory_space<vmem>>
      %dma_wait3A_328 = arith.constant 0 : i32
      %dma_wait3A_329 = arith.constant 0 : i32
      %dma_wait3A_330 = tpu.memref_slice %arg8[%dma_wait3A_328, %dma_wait3A_329] : memref<10240x16xf32, #tpu.memory_space<vmem_shared>> -> memref<10240x16xf32, #tpu.memory_space<vmem_shared>>
      %dma_wait3A_331 = tpu.memref_slice %arg10[%dma_wait3A_320] : memref<8x!tpu.dma_semaphore, #tpu.memory_space<semaphore_mem>> -> memref<1x!tpu.dma_semaphore, #tpu.memory_space<semaphore_mem>>
      %dma_wait3A_332 = tpu.memref_squeeze %dma_wait3A_331 : memref<1x!tpu.dma_semaphore, #tpu.memory_space<semaphore_mem>> -> memref<!tpu.dma_semaphore, #tpu.memory_space<semaphore_mem>>
      tpu.wait_indirect_dma semaphore(%dma_wait3A_332 : memref<!tpu.dma_semaphore, #tpu.memory_space<semaphore_mem>>) src(%dma_wait3A_330 : memref<10240x16xf32, #tpu.memory_space<vmem_shared>>) dst(%dma_wait3A_324 : memref<128x16xf32, #tpu.memory_space<vmem>>)
      %add3A_333 = arith.constant 6 : i32
      %add3A_334 = arith.addi %mul3A_12, %add3A_333 : i32
      %dma_start3A_335 = arith.constant 6 : i32
      %dma_start3A_336 = arith.constant 6 : i32
      %dma_start3A_337 = arith.constant 0 : i32
      %dma_start3A_338 = arith.constant 0 : i32
      %dma_start3A_339 = tpu.memref_slice %arg7[%dma_start3A_335, %dma_start3A_337, %dma_start3A_338] : memref<8x128x16xf32, #tpu.memory_space<vmem>> -> memref<1x128x16xf32, #tpu.memory_space<vmem>>
      %dma_start3A_340 = tpu.memref_squeeze %dma_start3A_339 : memref<1x128x16xf32, #tpu.memory_space<vmem>> -> memref<128x16xf32, #tpu.memory_space<vmem>>
      %dma_start3A_341 = arith.constant 0 : i32
      %dma_start3A_342 = tpu.memref_slice %arg6[%add3A_334, %dma_start3A_341] : memref<80x128xi32, #tpu.memory_space<vmem>> -> memref<1x128xi32, #tpu.memory_space<vmem>>
      %dma_start3A_343 = tpu.memref_squeeze %dma_start3A_342 : memref<1x128xi32, #tpu.memory_space<vmem>> -> memref<128xi32, #tpu.memory_space<vmem>>
      %dma_start3A_344 = arith.constant 0 : i32
      %dma_start3A_345 = arith.constant 0 : i32
      %dma_start3A_346 = tpu.memref_slice %arg9[%dma_start3A_344, %dma_start3A_345] : memref<10240x16xf32, #tpu.memory_space<vmem_shared>> -> memref<10240x16xf32, #tpu.memory_space<vmem_shared>>
      %dma_start3A_347 = tpu.memref_slice %arg11[%dma_start3A_336] : memref<8x!tpu.dma_semaphore, #tpu.memory_space<semaphore_mem>> -> memref<1x!tpu.dma_semaphore, #tpu.memory_space<semaphore_mem>>
      %dma_start3A_348 = tpu.memref_squeeze %dma_start3A_347 : memref<1x!tpu.dma_semaphore, #tpu.memory_space<semaphore_mem>> -> memref<!tpu.dma_semaphore, #tpu.memory_space<semaphore_mem>>
      tpu.enqueue_indirect_dma source(%dma_start3A_340 : memref<128x16xf32, #tpu.memory_space<vmem>>) target(%dma_start3A_346 : memref<10240x16xf32, #tpu.memory_space<vmem_shared>>) offsets(%dma_start3A_343 : memref<128xi32, #tpu.memory_space<vmem>>) semaphore(%dma_start3A_348 : memref<!tpu.dma_semaphore, #tpu.memory_space<semaphore_mem>>) {add = true}
      %dma_wait3A_349 = arith.constant 7 : i32
      %dma_wait3A_350 = arith.constant 7 : i32
      %dma_wait3A_351 = arith.constant 0 : i32
      %dma_wait3A_352 = arith.constant 0 : i32
      %dma_wait3A_353 = tpu.memref_slice %arg7[%dma_wait3A_349, %dma_wait3A_351, %dma_wait3A_352] : memref<8x128x16xf32, #tpu.memory_space<vmem>> -> memref<1x128x16xf32, #tpu.memory_space<vmem>>
      %dma_wait3A_354 = tpu.memref_squeeze %dma_wait3A_353 : memref<1x128x16xf32, #tpu.memory_space<vmem>> -> memref<128x16xf32, #tpu.memory_space<vmem>>
      %dma_wait3A_355 = arith.constant 0 : i32
      %dma_wait3A_356 = tpu.memref_slice %arg5[%add3A_125, %dma_wait3A_355] : memref<80x128xi32, #tpu.memory_space<vmem>> -> memref<1x128xi32, #tpu.memory_space<vmem>>
      %dma_wait3A_357 = tpu.memref_squeeze %dma_wait3A_356 : memref<1x128xi32, #tpu.memory_space<vmem>> -> memref<128xi32, #tpu.memory_space<vmem>>
      %dma_wait3A_358 = arith.constant 0 : i32
      %dma_wait3A_359 = arith.constant 0 : i32
      %dma_wait3A_360 = tpu.memref_slice %arg8[%dma_wait3A_358, %dma_wait3A_359] : memref<10240x16xf32, #tpu.memory_space<vmem_shared>> -> memref<10240x16xf32, #tpu.memory_space<vmem_shared>>
      %dma_wait3A_361 = tpu.memref_slice %arg10[%dma_wait3A_350] : memref<8x!tpu.dma_semaphore, #tpu.memory_space<semaphore_mem>> -> memref<1x!tpu.dma_semaphore, #tpu.memory_space<semaphore_mem>>
      %dma_wait3A_362 = tpu.memref_squeeze %dma_wait3A_361 : memref<1x!tpu.dma_semaphore, #tpu.memory_space<semaphore_mem>> -> memref<!tpu.dma_semaphore, #tpu.memory_space<semaphore_mem>>
      tpu.wait_indirect_dma semaphore(%dma_wait3A_362 : memref<!tpu.dma_semaphore, #tpu.memory_space<semaphore_mem>>) src(%dma_wait3A_360 : memref<10240x16xf32, #tpu.memory_space<vmem_shared>>) dst(%dma_wait3A_354 : memref<128x16xf32, #tpu.memory_space<vmem>>)
      %add3A_363 = arith.constant 7 : i32
      %add3A_364 = arith.addi %mul3A_12, %add3A_363 : i32
      %dma_start3A_365 = arith.constant 7 : i32
      %dma_start3A_366 = arith.constant 7 : i32
      %dma_start3A_367 = arith.constant 0 : i32
      %dma_start3A_368 = arith.constant 0 : i32
      %dma_start3A_369 = tpu.memref_slice %arg7[%dma_start3A_365, %dma_start3A_367, %dma_start3A_368] : memref<8x128x16xf32, #tpu.memory_space<vmem>> -> memref<1x128x16xf32, #tpu.memory_space<vmem>>
      %dma_start3A_370 = tpu.memref_squeeze %dma_start3A_369 : memref<1x128x16xf32, #tpu.memory_space<vmem>> -> memref<128x16xf32, #tpu.memory_space<vmem>>
      %dma_start3A_371 = arith.constant 0 : i32
      %dma_start3A_372 = tpu.memref_slice %arg6[%add3A_364, %dma_start3A_371] : memref<80x128xi32, #tpu.memory_space<vmem>> -> memref<1x128xi32, #tpu.memory_space<vmem>>
      %dma_start3A_373 = tpu.memref_squeeze %dma_start3A_372 : memref<1x128xi32, #tpu.memory_space<vmem>> -> memref<128xi32, #tpu.memory_space<vmem>>
      %dma_start3A_374 = arith.constant 0 : i32
      %dma_start3A_375 = arith.constant 0 : i32
      %dma_start3A_376 = tpu.memref_slice %arg9[%dma_start3A_374, %dma_start3A_375] : memref<10240x16xf32, #tpu.memory_space<vmem_shared>> -> memref<10240x16xf32, #tpu.memory_space<vmem_shared>>
      %dma_start3A_377 = tpu.memref_slice %arg11[%dma_start3A_366] : memref<8x!tpu.dma_semaphore, #tpu.memory_space<semaphore_mem>> -> memref<1x!tpu.dma_semaphore, #tpu.memory_space<semaphore_mem>>
      %dma_start3A_378 = tpu.memref_squeeze %dma_start3A_377 : memref<1x!tpu.dma_semaphore, #tpu.memory_space<semaphore_mem>> -> memref<!tpu.dma_semaphore, #tpu.memory_space<semaphore_mem>>
      tpu.enqueue_indirect_dma source(%dma_start3A_370 : memref<128x16xf32, #tpu.memory_space<vmem>>) target(%dma_start3A_376 : memref<10240x16xf32, #tpu.memory_space<vmem_shared>>) offsets(%dma_start3A_373 : memref<128xi32, #tpu.memory_space<vmem>>) semaphore(%dma_start3A_378 : memref<!tpu.dma_semaphore, #tpu.memory_space<semaphore_mem>>) {add = true}
      %dma_wait3A_379 = arith.constant 0 : i32
      %dma_wait3A_380 = arith.constant 0 : i32
      %dma_wait3A_381 = arith.constant 0 : i32
      %dma_wait3A_382 = arith.constant 0 : i32
      %dma_wait3A_383 = tpu.memref_slice %arg7[%dma_wait3A_379, %dma_wait3A_381, %dma_wait3A_382] : memref<8x128x16xf32, #tpu.memory_space<vmem>> -> memref<1x128x16xf32, #tpu.memory_space<vmem>>
      %dma_wait3A_384 = tpu.memref_squeeze %dma_wait3A_383 : memref<1x128x16xf32, #tpu.memory_space<vmem>> -> memref<128x16xf32, #tpu.memory_space<vmem>>
      %dma_wait3A_385 = arith.constant 0 : i32
      %dma_wait3A_386 = tpu.memref_slice %arg6[%add3A_154, %dma_wait3A_385] : memref<80x128xi32, #tpu.memory_space<vmem>> -> memref<1x128xi32, #tpu.memory_space<vmem>>
      %dma_wait3A_387 = tpu.memref_squeeze %dma_wait3A_386 : memref<1x128xi32, #tpu.memory_space<vmem>> -> memref<128xi32, #tpu.memory_space<vmem>>
      %dma_wait3A_388 = arith.constant 0 : i32
      %dma_wait3A_389 = arith.constant 0 : i32
      %dma_wait3A_390 = tpu.memref_slice %arg9[%dma_wait3A_388, %dma_wait3A_389] : memref<10240x16xf32, #tpu.memory_space<vmem_shared>> -> memref<10240x16xf32, #tpu.memory_space<vmem_shared>>
      %dma_wait3A_391 = tpu.memref_slice %arg11[%dma_wait3A_380] : memref<8x!tpu.dma_semaphore, #tpu.memory_space<semaphore_mem>> -> memref<1x!tpu.dma_semaphore, #tpu.memory_space<semaphore_mem>>
      %dma_wait3A_392 = tpu.memref_squeeze %dma_wait3A_391 : memref<1x!tpu.dma_semaphore, #tpu.memory_space<semaphore_mem>> -> memref<!tpu.dma_semaphore, #tpu.memory_space<semaphore_mem>>
      tpu.wait_indirect_dma semaphore(%dma_wait3A_392 : memref<!tpu.dma_semaphore, #tpu.memory_space<semaphore_mem>>) src(%dma_wait3A_384 : memref<128x16xf32, #tpu.memory_space<vmem>>) dst(%dma_wait3A_390 : memref<10240x16xf32, #tpu.memory_space<vmem_shared>>)
      %dma_wait3A_393 = arith.constant 1 : i32
      %dma_wait3A_394 = arith.constant 1 : i32
      %dma_wait3A_395 = arith.constant 0 : i32
      %dma_wait3A_396 = arith.constant 0 : i32
      %dma_wait3A_397 = tpu.memref_slice %arg7[%dma_wait3A_393, %dma_wait3A_395, %dma_wait3A_396] : memref<8x128x16xf32, #tpu.memory_space<vmem>> -> memref<1x128x16xf32, #tpu.memory_space<vmem>>
      %dma_wait3A_398 = tpu.memref_squeeze %dma_wait3A_397 : memref<1x128x16xf32, #tpu.memory_space<vmem>> -> memref<128x16xf32, #tpu.memory_space<vmem>>
      %dma_wait3A_399 = arith.constant 0 : i32
      %dma_wait3A_400 = tpu.memref_slice %arg6[%add3A_184, %dma_wait3A_399] : memref<80x128xi32, #tpu.memory_space<vmem>> -> memref<1x128xi32, #tpu.memory_space<vmem>>
      %dma_wait3A_401 = tpu.memref_squeeze %dma_wait3A_400 : memref<1x128xi32, #tpu.memory_space<vmem>> -> memref<128xi32, #tpu.memory_space<vmem>>
      %dma_wait3A_402 = arith.constant 0 : i32
      %dma_wait3A_403 = arith.constant 0 : i32
      %dma_wait3A_404 = tpu.memref_slice %arg9[%dma_wait3A_402, %dma_wait3A_403] : memref<10240x16xf32, #tpu.memory_space<vmem_shared>> -> memref<10240x16xf32, #tpu.memory_space<vmem_shared>>
      %dma_wait3A_405 = tpu.memref_slice %arg11[%dma_wait3A_394] : memref<8x!tpu.dma_semaphore, #tpu.memory_space<semaphore_mem>> -> memref<1x!tpu.dma_semaphore, #tpu.memory_space<semaphore_mem>>
      %dma_wait3A_406 = tpu.memref_squeeze %dma_wait3A_405 : memref<1x!tpu.dma_semaphore, #tpu.memory_space<semaphore_mem>> -> memref<!tpu.dma_semaphore, #tpu.memory_space<semaphore_mem>>
      tpu.wait_indirect_dma semaphore(%dma_wait3A_406 : memref<!tpu.dma_semaphore, #tpu.memory_space<semaphore_mem>>) src(%dma_wait3A_398 : memref<128x16xf32, #tpu.memory_space<vmem>>) dst(%dma_wait3A_404 : memref<10240x16xf32, #tpu.memory_space<vmem_shared>>)
      %dma_wait3A_407 = arith.constant 2 : i32
      %dma_wait3A_408 = arith.constant 2 : i32
      %dma_wait3A_409 = arith.constant 0 : i32
      %dma_wait3A_410 = arith.constant 0 : i32
      %dma_wait3A_411 = tpu.memref_slice %arg7[%dma_wait3A_407, %dma_wait3A_409, %dma_wait3A_410] : memref<8x128x16xf32, #tpu.memory_space<vmem>> -> memref<1x128x16xf32, #tpu.memory_space<vmem>>
      %dma_wait3A_412 = tpu.memref_squeeze %dma_wait3A_411 : memref<1x128x16xf32, #tpu.memory_space<vmem>> -> memref<128x16xf32, #tpu.memory_space<vmem>>
      %dma_wait3A_413 = arith.constant 0 : i32
      %dma_wait3A_414 = tpu.memref_slice %arg6[%add3A_214, %dma_wait3A_413] : memref<80x128xi32, #tpu.memory_space<vmem>> -> memref<1x128xi32, #tpu.memory_space<vmem>>
      %dma_wait3A_415 = tpu.memref_squeeze %dma_wait3A_414 : memref<1x128xi32, #tpu.memory_space<vmem>> -> memref<128xi32, #tpu.memory_space<vmem>>
      %dma_wait3A_416 = arith.constant 0 : i32
      %dma_wait3A_417 = arith.constant 0 : i32
      %dma_wait3A_418 = tpu.memref_slice %arg9[%dma_wait3A_416, %dma_wait3A_417] : memref<10240x16xf32, #tpu.memory_space<vmem_shared>> -> memref<10240x16xf32, #tpu.memory_space<vmem_shared>>
      %dma_wait3A_419 = tpu.memref_slice %arg11[%dma_wait3A_408] : memref<8x!tpu.dma_semaphore, #tpu.memory_space<semaphore_mem>> -> memref<1x!tpu.dma_semaphore, #tpu.memory_space<semaphore_mem>>
      %dma_wait3A_420 = tpu.memref_squeeze %dma_wait3A_419 : memref<1x!tpu.dma_semaphore, #tpu.memory_space<semaphore_mem>> -> memref<!tpu.dma_semaphore, #tpu.memory_space<semaphore_mem>>
      tpu.wait_indirect_dma semaphore(%dma_wait3A_420 : memref<!tpu.dma_semaphore, #tpu.memory_space<semaphore_mem>>) src(%dma_wait3A_412 : memref<128x16xf32, #tpu.memory_space<vmem>>) dst(%dma_wait3A_418 : memref<10240x16xf32, #tpu.memory_space<vmem_shared>>)
      %dma_wait3A_421 = arith.constant 3 : i32
      %dma_wait3A_422 = arith.constant 3 : i32
      %dma_wait3A_423 = arith.constant 0 : i32
      %dma_wait3A_424 = arith.constant 0 : i32
      %dma_wait3A_425 = tpu.memref_slice %arg7[%dma_wait3A_421, %dma_wait3A_423, %dma_wait3A_424] : memref<8x128x16xf32, #tpu.memory_space<vmem>> -> memref<1x128x16xf32, #tpu.memory_space<vmem>>
      %dma_wait3A_426 = tpu.memref_squeeze %dma_wait3A_425 : memref<1x128x16xf32, #tpu.memory_space<vmem>> -> memref<128x16xf32, #tpu.memory_space<vmem>>
      %dma_wait3A_427 = arith.constant 0 : i32
      %dma_wait3A_428 = tpu.memref_slice %arg6[%add3A_244, %dma_wait3A_427] : memref<80x128xi32, #tpu.memory_space<vmem>> -> memref<1x128xi32, #tpu.memory_space<vmem>>
      %dma_wait3A_429 = tpu.memref_squeeze %dma_wait3A_428 : memref<1x128xi32, #tpu.memory_space<vmem>> -> memref<128xi32, #tpu.memory_space<vmem>>
      %dma_wait3A_430 = arith.constant 0 : i32
      %dma_wait3A_431 = arith.constant 0 : i32
      %dma_wait3A_432 = tpu.memref_slice %arg9[%dma_wait3A_430, %dma_wait3A_431] : memref<10240x16xf32, #tpu.memory_space<vmem_shared>> -> memref<10240x16xf32, #tpu.memory_space<vmem_shared>>
      %dma_wait3A_433 = tpu.memref_slice %arg11[%dma_wait3A_422] : memref<8x!tpu.dma_semaphore, #tpu.memory_space<semaphore_mem>> -> memref<1x!tpu.dma_semaphore, #tpu.memory_space<semaphore_mem>>
      %dma_wait3A_434 = tpu.memref_squeeze %dma_wait3A_433 : memref<1x!tpu.dma_semaphore, #tpu.memory_space<semaphore_mem>> -> memref<!tpu.dma_semaphore, #tpu.memory_space<semaphore_mem>>
      tpu.wait_indirect_dma semaphore(%dma_wait3A_434 : memref<!tpu.dma_semaphore, #tpu.memory_space<semaphore_mem>>) src(%dma_wait3A_426 : memref<128x16xf32, #tpu.memory_space<vmem>>) dst(%dma_wait3A_432 : memref<10240x16xf32, #tpu.memory_space<vmem_shared>>)
      %dma_wait3A_435 = arith.constant 4 : i32
      %dma_wait3A_436 = arith.constant 4 : i32
      %dma_wait3A_437 = arith.constant 0 : i32
      %dma_wait3A_438 = arith.constant 0 : i32
      %dma_wait3A_439 = tpu.memref_slice %arg7[%dma_wait3A_435, %dma_wait3A_437, %dma_wait3A_438] : memref<8x128x16xf32, #tpu.memory_space<vmem>> -> memref<1x128x16xf32, #tpu.memory_space<vmem>>
      %dma_wait3A_440 = tpu.memref_squeeze %dma_wait3A_439 : memref<1x128x16xf32, #tpu.memory_space<vmem>> -> memref<128x16xf32, #tpu.memory_space<vmem>>
      %dma_wait3A_441 = arith.constant 0 : i32
      %dma_wait3A_442 = tpu.memref_slice %arg6[%add3A_274, %dma_wait3A_441] : memref<80x128xi32, #tpu.memory_space<vmem>> -> memref<1x128xi32, #tpu.memory_space<vmem>>
      %dma_wait3A_443 = tpu.memref_squeeze %dma_wait3A_442 : memref<1x128xi32, #tpu.memory_space<vmem>> -> memref<128xi32, #tpu.memory_space<vmem>>
      %dma_wait3A_444 = arith.constant 0 : i32
      %dma_wait3A_445 = arith.constant 0 : i32
      %dma_wait3A_446 = tpu.memref_slice %arg9[%dma_wait3A_444, %dma_wait3A_445] : memref<10240x16xf32, #tpu.memory_space<vmem_shared>> -> memref<10240x16xf32, #tpu.memory_space<vmem_shared>>
      %dma_wait3A_447 = tpu.memref_slice %arg11[%dma_wait3A_436] : memref<8x!tpu.dma_semaphore, #tpu.memory_space<semaphore_mem>> -> memref<1x!tpu.dma_semaphore, #tpu.memory_space<semaphore_mem>>
      %dma_wait3A_448 = tpu.memref_squeeze %dma_wait3A_447 : memref<1x!tpu.dma_semaphore, #tpu.memory_space<semaphore_mem>> -> memref<!tpu.dma_semaphore, #tpu.memory_space<semaphore_mem>>
      tpu.wait_indirect_dma semaphore(%dma_wait3A_448 : memref<!tpu.dma_semaphore, #tpu.memory_space<semaphore_mem>>) src(%dma_wait3A_440 : memref<128x16xf32, #tpu.memory_space<vmem>>) dst(%dma_wait3A_446 : memref<10240x16xf32, #tpu.memory_space<vmem_shared>>)
      %dma_wait3A_449 = arith.constant 5 : i32
      %dma_wait3A_450 = arith.constant 5 : i32
      %dma_wait3A_451 = arith.constant 0 : i32
      %dma_wait3A_452 = arith.constant 0 : i32
      %dma_wait3A_453 = tpu.memref_slice %arg7[%dma_wait3A_449, %dma_wait3A_451, %dma_wait3A_452] : memref<8x128x16xf32, #tpu.memory_space<vmem>> -> memref<1x128x16xf32, #tpu.memory_space<vmem>>
      %dma_wait3A_454 = tpu.memref_squeeze %dma_wait3A_453 : memref<1x128x16xf32, #tpu.memory_space<vmem>> -> memref<128x16xf32, #tpu.memory_space<vmem>>
      %dma_wait3A_455 = arith.constant 0 : i32
      %dma_wait3A_456 = tpu.memref_slice %arg6[%add3A_304, %dma_wait3A_455] : memref<80x128xi32, #tpu.memory_space<vmem>> -> memref<1x128xi32, #tpu.memory_space<vmem>>
      %dma_wait3A_457 = tpu.memref_squeeze %dma_wait3A_456 : memref<1x128xi32, #tpu.memory_space<vmem>> -> memref<128xi32, #tpu.memory_space<vmem>>
      %dma_wait3A_458 = arith.constant 0 : i32
      %dma_wait3A_459 = arith.constant 0 : i32
      %dma_wait3A_460 = tpu.memref_slice %arg9[%dma_wait3A_458, %dma_wait3A_459] : memref<10240x16xf32, #tpu.memory_space<vmem_shared>> -> memref<10240x16xf32, #tpu.memory_space<vmem_shared>>
      %dma_wait3A_461 = tpu.memref_slice %arg11[%dma_wait3A_450] : memref<8x!tpu.dma_semaphore, #tpu.memory_space<semaphore_mem>> -> memref<1x!tpu.dma_semaphore, #tpu.memory_space<semaphore_mem>>
      %dma_wait3A_462 = tpu.memref_squeeze %dma_wait3A_461 : memref<1x!tpu.dma_semaphore, #tpu.memory_space<semaphore_mem>> -> memref<!tpu.dma_semaphore, #tpu.memory_space<semaphore_mem>>
      tpu.wait_indirect_dma semaphore(%dma_wait3A_462 : memref<!tpu.dma_semaphore, #tpu.memory_space<semaphore_mem>>) src(%dma_wait3A_454 : memref<128x16xf32, #tpu.memory_space<vmem>>) dst(%dma_wait3A_460 : memref<10240x16xf32, #tpu.memory_space<vmem_shared>>)
      %dma_wait3A_463 = arith.constant 6 : i32
      %dma_wait3A_464 = arith.constant 6 : i32
      %dma_wait3A_465 = arith.constant 0 : i32
      %dma_wait3A_466 = arith.constant 0 : i32
      %dma_wait3A_467 = tpu.memref_slice %arg7[%dma_wait3A_463, %dma_wait3A_465, %dma_wait3A_466] : memref<8x128x16xf32, #tpu.memory_space<vmem>> -> memref<1x128x16xf32, #tpu.memory_space<vmem>>
      %dma_wait3A_468 = tpu.memref_squeeze %dma_wait3A_467 : memref<1x128x16xf32, #tpu.memory_space<vmem>> -> memref<128x16xf32, #tpu.memory_space<vmem>>
      %dma_wait3A_469 = arith.constant 0 : i32
      %dma_wait3A_470 = tpu.memref_slice %arg6[%add3A_334, %dma_wait3A_469] : memref<80x128xi32, #tpu.memory_space<vmem>> -> memref<1x128xi32, #tpu.memory_space<vmem>>
      %dma_wait3A_471 = tpu.memref_squeeze %dma_wait3A_470 : memref<1x128xi32, #tpu.memory_space<vmem>> -> memref<128xi32, #tpu.memory_space<vmem>>
      %dma_wait3A_472 = arith.constant 0 : i32
      %dma_wait3A_473 = arith.constant 0 : i32
      %dma_wait3A_474 = tpu.memref_slice %arg9[%dma_wait3A_472, %dma_wait3A_473] : memref<10240x16xf32, #tpu.memory_space<vmem_shared>> -> memref<10240x16xf32, #tpu.memory_space<vmem_shared>>
      %dma_wait3A_475 = tpu.memref_slice %arg11[%dma_wait3A_464] : memref<8x!tpu.dma_semaphore, #tpu.memory_space<semaphore_mem>> -> memref<1x!tpu.dma_semaphore, #tpu.memory_space<semaphore_mem>>
      %dma_wait3A_476 = tpu.memref_squeeze %dma_wait3A_475 : memref<1x!tpu.dma_semaphore, #tpu.memory_space<semaphore_mem>> -> memref<!tpu.dma_semaphore, #tpu.memory_space<semaphore_mem>>
      tpu.wait_indirect_dma semaphore(%dma_wait3A_476 : memref<!tpu.dma_semaphore, #tpu.memory_space<semaphore_mem>>) src(%dma_wait3A_468 : memref<128x16xf32, #tpu.memory_space<vmem>>) dst(%dma_wait3A_474 : memref<10240x16xf32, #tpu.memory_space<vmem_shared>>)
      %dma_wait3A_477 = arith.constant 7 : i32
      %dma_wait3A_478 = arith.constant 7 : i32
      %dma_wait3A_479 = arith.constant 0 : i32
      %dma_wait3A_480 = arith.constant 0 : i32
      %dma_wait3A_481 = tpu.memref_slice %arg7[%dma_wait3A_477, %dma_wait3A_479, %dma_wait3A_480] : memref<8x128x16xf32, #tpu.memory_space<vmem>> -> memref<1x128x16xf32, #tpu.memory_space<vmem>>
      %dma_wait3A_482 = tpu.memref_squeeze %dma_wait3A_481 : memref<1x128x16xf32, #tpu.memory_space<vmem>> -> memref<128x16xf32, #tpu.memory_space<vmem>>
      %dma_wait3A_483 = arith.constant 0 : i32
      %dma_wait3A_484 = tpu.memref_slice %arg6[%add3A_364, %dma_wait3A_483] : memref<80x128xi32, #tpu.memory_space<vmem>> -> memref<1x128xi32, #tpu.memory_space<vmem>>
      %dma_wait3A_485 = tpu.memref_squeeze %dma_wait3A_484 : memref<1x128xi32, #tpu.memory_space<vmem>> -> memref<128xi32, #tpu.memory_space<vmem>>
      %dma_wait3A_486 = arith.constant 0 : i32
      %dma_wait3A_487 = arith.constant 0 : i32
      %dma_wait3A_488 = tpu.memref_slice %arg9[%dma_wait3A_486, %dma_wait3A_487] : memref<10240x16xf32, #tpu.memory_space<vmem_shared>> -> memref<10240x16xf32, #tpu.memory_space<vmem_shared>>
      %dma_wait3A_489 = tpu.memref_slice %arg11[%dma_wait3A_478] : memref<8x!tpu.dma_semaphore, #tpu.memory_space<semaphore_mem>> -> memref<1x!tpu.dma_semaphore, #tpu.memory_space<semaphore_mem>>
      %dma_wait3A_490 = tpu.memref_squeeze %dma_wait3A_489 : memref<1x!tpu.dma_semaphore, #tpu.memory_space<semaphore_mem>> -> memref<!tpu.dma_semaphore, #tpu.memory_space<semaphore_mem>>
      tpu.wait_indirect_dma semaphore(%dma_wait3A_490 : memref<!tpu.dma_semaphore, #tpu.memory_space<semaphore_mem>>) src(%dma_wait3A_482 : memref<128x16xf32, #tpu.memory_space<vmem>>) dst(%dma_wait3A_488 : memref<10240x16xf32, #tpu.memory_space<vmem_shared>>)
    }
    %scan3A_8 = arith.constant 10 : i32
    %barrier3A_9 = arith.constant 0 : index
    tpu.barrier barrier_id(%barrier3A_9)
    "tpu.region"() ({
      %run_scoped3A_10 = tpu.sem_alloc : memref<!tpu.dma_semaphore, #tpu.memory_space<semaphore_mem>>
      %dma_start3A = arith.constant 0 : i32
      %dma_start3A_11 = tpu.memref_slice %arg4[%arg0, %mul3A_2, %dma_start3A] : memref<2x10240x16xf32, #tpu.memory_space<hbm>> -> memref<1x640x16xf32, #tpu.memory_space<hbm>>
      %dma_start3A_12 = tpu.memref_squeeze %dma_start3A_11 : memref<1x640x16xf32, #tpu.memory_space<hbm>> -> memref<640x16xf32, #tpu.memory_space<hbm>>
      %dma_start3A_13 = arith.constant 0 : i32
      %dma_start3A_14 = tpu.memref_slice %arg9[%mul3A_2, %dma_start3A_13] : memref<10240x16xf32, #tpu.memory_space<vmem_shared>> -> memref<640x16xf32, #tpu.memory_space<vmem_shared>>
      tpu.enqueue_dma source(%dma_start3A_14 : memref<640x16xf32, #tpu.memory_space<vmem_shared>>) target(%dma_start3A_12 : memref<640x16xf32, #tpu.memory_space<hbm>>) target_semaphore(%run_scoped3A_10 : memref<!tpu.dma_semaphore, #tpu.memory_space<semaphore_mem>>)
      %dma_wait3A = arith.constant 0 : i32
      %dma_wait3A_15 = tpu.memref_slice %arg4[%arg0, %mul3A_2, %dma_wait3A] : memref<2x10240x16xf32, #tpu.memory_space<hbm>> -> memref<1x640x16xf32, #tpu.memory_space<hbm>>
      %dma_wait3A_16 = tpu.memref_squeeze %dma_wait3A_15 : memref<1x640x16xf32, #tpu.memory_space<hbm>> -> memref<640x16xf32, #tpu.memory_space<hbm>>
      %dma_wait3A_17 = arith.constant 0 : i32
      %dma_wait3A_18 = tpu.memref_slice %arg9[%mul3A_2, %dma_wait3A_17] : memref<10240x16xf32, #tpu.memory_space<vmem_shared>> -> memref<640x16xf32, #tpu.memory_space<vmem_shared>>
      tpu.wait_dma2 semaphore(%run_scoped3A_10 : memref<!tpu.dma_semaphore, #tpu.memory_space<semaphore_mem>>) src(%dma_wait3A_18 : memref<640x16xf32, #tpu.memory_space<vmem_shared>>) dst(%dma_wait3A_16 : memref<640x16xf32, #tpu.memory_space<hbm>>)
      tpu.yield
    }) : () -> ()
    return
  }
}

#map = affine_map<(d0, d1) -> (0, 0, 0, 0)>
#map1 = affine_map<(d0, d1) -> (0)>
#map2 = affine_map<(d0, d1) -> (0, 0, 0)>
module attributes {stable_mosaic.version = 14 : i64} {
  func.func @_deg_body(%arg0: i32, %arg1: i32, %arg2: memref<2x32x80x128xi32, #tpu.memory_space<hbm>>, %arg3: memref<10240xf32, #tpu.memory_space<hbm>>, %arg4: memref<2x10240x16xf32, #tpu.memory_space<hbm>>, %arg5: memref<80x128xi32, #tpu.memory_space<vmem>>, %arg6: memref<128xf32, #tpu.memory_space<vmem>>, %arg7: memref<640xf32, #tpu.memory_space<vmem>>, %arg8: memref<640x16xf32, #tpu.memory_space<vmem>>, %arg9: memref<10240xf32, #tpu.memory_space<vmem_shared>>, %arg10: memref<8x!tpu.dma_semaphore, #tpu.memory_space<semaphore_mem>>) attributes {dimension_semantics = [#tpu.dimension_semantics<core_parallel>, #tpu.dimension_semantics<subcore_parallel>], iteration_bounds = array<i64: 2, 16>, scalar_prefetch = 0 : i64, scratch_operands = 6 : i64, tpu.core_type = #tpu.core_type<sc_vector_subcore>, window_params = [{transform_indices = #map}, {transform_indices = #map1}, {transform_indices = #map2}]} {
    %mul3A = arith.constant 2 : i32
    %mul3A_0 = arith.muli %arg1, %mul3A : i32
    %add3A = arith.addi %mul3A_0, %arg0 : i32
    %mul3A_1 = arith.constant 640 : i32
    %mul3A_2 = arith.muli %arg1, %mul3A_1 : i32
    "tpu.region"() ({
      %run_scoped3A_61 = tpu.sem_alloc : memref<!tpu.dma_semaphore, #tpu.memory_space<semaphore_mem>>
      %dma_start3A = tpu.memref_slice %arg9[%mul3A_2] : memref<10240xf32, #tpu.memory_space<vmem_shared>> -> memref<640xf32, #tpu.memory_space<vmem_shared>>
      %dma_start3A_62 = tpu.memref_slice %arg3[%mul3A_2] : memref<10240xf32, #tpu.memory_space<hbm>> -> memref<640xf32, #tpu.memory_space<hbm>>
      tpu.enqueue_dma source(%dma_start3A_62 : memref<640xf32, #tpu.memory_space<hbm>>) target(%dma_start3A : memref<640xf32, #tpu.memory_space<vmem_shared>>) target_semaphore(%run_scoped3A_61 : memref<!tpu.dma_semaphore, #tpu.memory_space<semaphore_mem>>)
      %dma_wait3A = tpu.memref_slice %arg9[%mul3A_2] : memref<10240xf32, #tpu.memory_space<vmem_shared>> -> memref<640xf32, #tpu.memory_space<vmem_shared>>
      %dma_wait3A_63 = tpu.memref_slice %arg3[%mul3A_2] : memref<10240xf32, #tpu.memory_space<hbm>> -> memref<640xf32, #tpu.memory_space<hbm>>
      tpu.wait_dma2 semaphore(%run_scoped3A_61 : memref<!tpu.dma_semaphore, #tpu.memory_space<semaphore_mem>>) src(%dma_wait3A_63 : memref<640xf32, #tpu.memory_space<hbm>>) dst(%dma_wait3A : memref<640xf32, #tpu.memory_space<vmem_shared>>)
      tpu.yield
    }) : () -> ()
    %run_scoped3A = arith.constant 1 : i32
    "tpu.region"() ({
      %run_scoped3A_61 = tpu.sem_alloc : memref<!tpu.dma_semaphore, #tpu.memory_space<semaphore_mem>>
      %dma_start3A = arith.constant 0 : i32
      %dma_start3A_62 = arith.constant 0 : i32
      %dma_start3A_63 = tpu.memref_slice %arg2[%run_scoped3A, %add3A, %dma_start3A, %dma_start3A_62] : memref<2x32x80x128xi32, #tpu.memory_space<hbm>> -> memref<1x1x80x128xi32, #tpu.memory_space<hbm>>
      %dma_start3A_64 = tpu.memref_squeeze %dma_start3A_63 : memref<1x1x80x128xi32, #tpu.memory_space<hbm>> -> memref<80x128xi32, #tpu.memory_space<hbm>>
      %dma_start3A_65 = arith.constant 0 : i32
      %dma_start3A_66 = arith.constant 0 : i32
      %dma_start3A_67 = tpu.memref_slice %arg2[%run_scoped3A, %add3A, %dma_start3A_65, %dma_start3A_66] : memref<2x32x80x128xi32, #tpu.memory_space<hbm>> -> memref<1x1x80x128xi32, #tpu.memory_space<hbm>>
      %dma_start3A_68 = tpu.memref_squeeze %dma_start3A_67 : memref<1x1x80x128xi32, #tpu.memory_space<hbm>> -> memref<80x128xi32, #tpu.memory_space<hbm>>
      tpu.enqueue_dma source(%dma_start3A_68 : memref<80x128xi32, #tpu.memory_space<hbm>>) target(%arg5 : memref<80x128xi32, #tpu.memory_space<vmem>>) target_semaphore(%run_scoped3A_61 : memref<!tpu.dma_semaphore, #tpu.memory_space<semaphore_mem>>)
      %dma_wait3A = arith.constant 0 : i32
      %dma_wait3A_69 = arith.constant 0 : i32
      %dma_wait3A_70 = tpu.memref_slice %arg2[%run_scoped3A, %add3A, %dma_wait3A, %dma_wait3A_69] : memref<2x32x80x128xi32, #tpu.memory_space<hbm>> -> memref<1x1x80x128xi32, #tpu.memory_space<hbm>>
      %dma_wait3A_71 = tpu.memref_squeeze %dma_wait3A_70 : memref<1x1x80x128xi32, #tpu.memory_space<hbm>> -> memref<80x128xi32, #tpu.memory_space<hbm>>
      %dma_wait3A_72 = arith.constant 0 : i32
      %dma_wait3A_73 = arith.constant 0 : i32
      %dma_wait3A_74 = tpu.memref_slice %arg2[%run_scoped3A, %add3A, %dma_wait3A_72, %dma_wait3A_73] : memref<2x32x80x128xi32, #tpu.memory_space<hbm>> -> memref<1x1x80x128xi32, #tpu.memory_space<hbm>>
      %dma_wait3A_75 = tpu.memref_squeeze %dma_wait3A_74 : memref<1x1x80x128xi32, #tpu.memory_space<hbm>> -> memref<80x128xi32, #tpu.memory_space<hbm>>
      tpu.wait_dma2 semaphore(%run_scoped3A_61 : memref<!tpu.dma_semaphore, #tpu.memory_space<semaphore_mem>>) src(%dma_wait3A_75 : memref<80x128xi32, #tpu.memory_space<hbm>>) dst(%arg5 : memref<80x128xi32, #tpu.memory_space<vmem>>)
      tpu.yield
    }) : () -> ()
    %broadcast_in_dim3A = arith.constant 1.000000e+00 : f32
    %broadcast_in_dim3A_3 = vector.broadcast %broadcast_in_dim3A : f32 to vector<16xf32>
    %swap3A = arith.constant 0 : index
    %swap3A_4 = tpu.vector_load %arg6[%swap3A] {strides = array<i32>} : memref<128xf32, #tpu.memory_space<vmem>>, vector<16xf32>,
    %swap3A_5 = vector.shape_cast %swap3A_4 : vector<16xf32> to vector<16xf32>
    %swap3A_6 = vector.shape_cast %broadcast_in_dim3A_3 : vector<16xf32> to vector<16xf32>
    tpu.vector_store %arg6[%swap3A], %swap3A_6 {strides = array<i32>} : memref<128xf32, #tpu.memory_space<vmem>>, vector<16xf32>,
    %broadcast_in_dim3A_7 = arith.constant 1.000000e+00 : f32
    %broadcast_in_dim3A_8 = vector.broadcast %broadcast_in_dim3A_7 : f32 to vector<16xf32>
    %swap3A_9 = arith.constant 16 : index
    %swap3A_10 = tpu.vector_load %arg6[%swap3A_9] {strides = array<i32>} : memref<128xf32, #tpu.memory_space<vmem>>, vector<16xf32>,
    %swap3A_11 = vector.shape_cast %swap3A_10 : vector<16xf32> to vector<16xf32>
    %swap3A_12 = vector.shape_cast %broadcast_in_dim3A_8 : vector<16xf32> to vector<16xf32>
    tpu.vector_store %arg6[%swap3A_9], %swap3A_12 {strides = array<i32>} : memref<128xf32, #tpu.memory_space<vmem>>, vector<16xf32>,
    %broadcast_in_dim3A_13 = arith.constant 1.000000e+00 : f32
    %broadcast_in_dim3A_14 = vector.broadcast %broadcast_in_dim3A_13 : f32 to vector<16xf32>
    %swap3A_15 = arith.constant 32 : index
    %swap3A_16 = tpu.vector_load %arg6[%swap3A_15] {strides = array<i32>} : memref<128xf32, #tpu.memory_space<vmem>>, vector<16xf32>,
    %swap3A_17 = vector.shape_cast %swap3A_16 : vector<16xf32> to vector<16xf32>
    %swap3A_18 = vector.shape_cast %broadcast_in_dim3A_14 : vector<16xf32> to vector<16xf32>
    tpu.vector_store %arg6[%swap3A_15], %swap3A_18 {strides = array<i32>} : memref<128xf32, #tpu.memory_space<vmem>>, vector<16xf32>,
    %broadcast_in_dim3A_19 = arith.constant 1.000000e+00 : f32
    %broadcast_in_dim3A_20 = vector.broadcast %broadcast_in_dim3A_19 : f32 to vector<16xf32>
    %swap3A_21 = arith.constant 48 : index
    %swap3A_22 = tpu.vector_load %arg6[%swap3A_21] {strides = array<i32>} : memref<128xf32, #tpu.memory_space<vmem>>, vector<16xf32>,
    %swap3A_23 = vector.shape_cast %swap3A_22 : vector<16xf32> to vector<16xf32>
    %swap3A_24 = vector.shape_cast %broadcast_in_dim3A_20 : vector<16xf32> to vector<16xf32>
    tpu.vector_store %arg6[%swap3A_21], %swap3A_24 {strides = array<i32>} : memref<128xf32, #tpu.memory_space<vmem>>, vector<16xf32>,
    %broadcast_in_dim3A_25 = arith.constant 1.000000e+00 : f32
    %broadcast_in_dim3A_26 = vector.broadcast %broadcast_in_dim3A_25 : f32 to vector<16xf32>
    %swap3A_27 = arith.constant 64 : index
    %swap3A_28 = tpu.vector_load %arg6[%swap3A_27] {strides = array<i32>} : memref<128xf32, #tpu.memory_space<vmem>>, vector<16xf32>,
    %swap3A_29 = vector.shape_cast %swap3A_28 : vector<16xf32> to vector<16xf32>
    %swap3A_30 = vector.shape_cast %broadcast_in_dim3A_26 : vector<16xf32> to vector<16xf32>
    tpu.vector_store %arg6[%swap3A_27], %swap3A_30 {strides = array<i32>} : memref<128xf32, #tpu.memory_space<vmem>>, vector<16xf32>,
    %broadcast_in_dim3A_31 = arith.constant 1.000000e+00 : f32
    %broadcast_in_dim3A_32 = vector.broadcast %broadcast_in_dim3A_31 : f32 to vector<16xf32>
    %swap3A_33 = arith.constant 80 : index
    %swap3A_34 = tpu.vector_load %arg6[%swap3A_33] {strides = array<i32>} : memref<128xf32, #tpu.memory_space<vmem>>, vector<16xf32>,
    %swap3A_35 = vector.shape_cast %swap3A_34 : vector<16xf32> to vector<16xf32>
    %swap3A_36 = vector.shape_cast %broadcast_in_dim3A_32 : vector<16xf32> to vector<16xf32>
    tpu.vector_store %arg6[%swap3A_33], %swap3A_36 {strides = array<i32>} : memref<128xf32, #tpu.memory_space<vmem>>, vector<16xf32>,
    %broadcast_in_dim3A_37 = arith.constant 1.000000e+00 : f32
    %broadcast_in_dim3A_38 = vector.broadcast %broadcast_in_dim3A_37 : f32 to vector<16xf32>
    %swap3A_39 = arith.constant 96 : index
    %swap3A_40 = tpu.vector_load %arg6[%swap3A_39] {strides = array<i32>} : memref<128xf32, #tpu.memory_space<vmem>>, vector<16xf32>,
    %swap3A_41 = vector.shape_cast %swap3A_40 : vector<16xf32> to vector<16xf32>
    %swap3A_42 = vector.shape_cast %broadcast_in_dim3A_38 : vector<16xf32> to vector<16xf32>
    tpu.vector_store %arg6[%swap3A_39], %swap3A_42 {strides = array<i32>} : memref<128xf32, #tpu.memory_space<vmem>>, vector<16xf32>,
    %broadcast_in_dim3A_43 = arith.constant 1.000000e+00 : f32
    %broadcast_in_dim3A_44 = vector.broadcast %broadcast_in_dim3A_43 : f32 to vector<16xf32>
    %swap3A_45 = arith.constant 112 : index
    %swap3A_46 = tpu.vector_load %arg6[%swap3A_45] {strides = array<i32>} : memref<128xf32, #tpu.memory_space<vmem>>, vector<16xf32>,
    %swap3A_47 = vector.shape_cast %swap3A_46 : vector<16xf32> to vector<16xf32>
    %swap3A_48 = vector.shape_cast %broadcast_in_dim3A_44 : vector<16xf32> to vector<16xf32>
    tpu.vector_store %arg6[%swap3A_45], %swap3A_48 {strides = array<i32>} : memref<128xf32, #tpu.memory_space<vmem>>, vector<16xf32>,
    %barrier3A = arith.constant 0 : index
    tpu.barrier barrier_id(%barrier3A)
    %scan3A = arith.constant 0 : i32
    %scan3A_49 = arith.constant 0 : i32
    %scan3A_50 = arith.constant 10 : i32
    %scan3A_51 = arith.addi %scan3A_49, %scan3A_50 : i32
    %scan3A_52 = arith.constant 1 : i32
    scf.for %scan3A_61 = %scan3A_49 to %scan3A_51 step %scan3A_52  : i32 {
      %mul3A_62 = arith.constant 8 : i32
      %mul3A_63 = arith.muli %mul3A_62, %scan3A_61 : i32
      %add3A_64 = arith.constant 0 : i32
      %add3A_65 = arith.addi %mul3A_63, %add3A_64 : i32
      %dma_start3A = arith.constant 0 : i32
      %dma_start3A_66 = arith.constant 0 : i32
      %dma_start3A_67 = tpu.memref_slice %arg5[%add3A_65, %dma_start3A_66] : memref<80x128xi32, #tpu.memory_space<vmem>> -> memref<1x128xi32, #tpu.memory_space<vmem>>
      %dma_start3A_68 = tpu.memref_squeeze %dma_start3A_67 : memref<1x128xi32, #tpu.memory_space<vmem>> -> memref<128xi32, #tpu.memory_space<vmem>>
      %dma_start3A_69 = arith.constant 0 : i32
      %dma_start3A_70 = tpu.memref_slice %arg9[%dma_start3A_69] : memref<10240xf32, #tpu.memory_space<vmem_shared>> -> memref<10240xf32, #tpu.memory_space<vmem_shared>>
      %dma_start3A_71 = tpu.memref_slice %arg10[%dma_start3A] : memref<8x!tpu.dma_semaphore, #tpu.memory_space<semaphore_mem>> -> memref<1x!tpu.dma_semaphore, #tpu.memory_space<semaphore_mem>>
      %dma_start3A_72 = tpu.memref_squeeze %dma_start3A_71 : memref<1x!tpu.dma_semaphore, #tpu.memory_space<semaphore_mem>> -> memref<!tpu.dma_semaphore, #tpu.memory_space<semaphore_mem>>
      tpu.enqueue_indirect_dma source(%arg6 : memref<128xf32, #tpu.memory_space<vmem>>) target(%dma_start3A_70 : memref<10240xf32, #tpu.memory_space<vmem_shared>>) offsets(%dma_start3A_68 : memref<128xi32, #tpu.memory_space<vmem>>) semaphore(%dma_start3A_72 : memref<!tpu.dma_semaphore, #tpu.memory_space<semaphore_mem>>) {add = true}
      %mul3A_73 = arith.constant 8 : i32
      %mul3A_74 = arith.muli %mul3A_73, %scan3A_61 : i32
      %add3A_75 = arith.constant 1 : i32
      %add3A_76 = arith.addi %mul3A_74, %add3A_75 : i32
      %dma_start3A_77 = arith.constant 1 : i32
      %dma_start3A_78 = arith.constant 0 : i32
      %dma_start3A_79 = tpu.memref_slice %arg5[%add3A_76, %dma_start3A_78] : memref<80x128xi32, #tpu.memory_space<vmem>> -> memref<1x128xi32, #tpu.memory_space<vmem>>
      %dma_start3A_80 = tpu.memref_squeeze %dma_start3A_79 : memref<1x128xi32, #tpu.memory_space<vmem>> -> memref<128xi32, #tpu.memory_space<vmem>>
      %dma_start3A_81 = arith.constant 0 : i32
      %dma_start3A_82 = tpu.memref_slice %arg9[%dma_start3A_81] : memref<10240xf32, #tpu.memory_space<vmem_shared>> -> memref<10240xf32, #tpu.memory_space<vmem_shared>>
      %dma_start3A_83 = tpu.memref_slice %arg10[%dma_start3A_77] : memref<8x!tpu.dma_semaphore, #tpu.memory_space<semaphore_mem>> -> memref<1x!tpu.dma_semaphore, #tpu.memory_space<semaphore_mem>>
      %dma_start3A_84 = tpu.memref_squeeze %dma_start3A_83 : memref<1x!tpu.dma_semaphore, #tpu.memory_space<semaphore_mem>> -> memref<!tpu.dma_semaphore, #tpu.memory_space<semaphore_mem>>
      tpu.enqueue_indirect_dma source(%arg6 : memref<128xf32, #tpu.memory_space<vmem>>) target(%dma_start3A_82 : memref<10240xf32, #tpu.memory_space<vmem_shared>>) offsets(%dma_start3A_80 : memref<128xi32, #tpu.memory_space<vmem>>) semaphore(%dma_start3A_84 : memref<!tpu.dma_semaphore, #tpu.memory_space<semaphore_mem>>) {add = true}
      %mul3A_85 = arith.constant 8 : i32
      %mul3A_86 = arith.muli %mul3A_85, %scan3A_61 : i32
      %add3A_87 = arith.constant 2 : i32
      %add3A_88 = arith.addi %mul3A_86, %add3A_87 : i32
      %dma_start3A_89 = arith.constant 2 : i32
      %dma_start3A_90 = arith.constant 0 : i32
      %dma_start3A_91 = tpu.memref_slice %arg5[%add3A_88, %dma_start3A_90] : memref<80x128xi32, #tpu.memory_space<vmem>> -> memref<1x128xi32, #tpu.memory_space<vmem>>
      %dma_start3A_92 = tpu.memref_squeeze %dma_start3A_91 : memref<1x128xi32, #tpu.memory_space<vmem>> -> memref<128xi32, #tpu.memory_space<vmem>>
      %dma_start3A_93 = arith.constant 0 : i32
      %dma_start3A_94 = tpu.memref_slice %arg9[%dma_start3A_93] : memref<10240xf32, #tpu.memory_space<vmem_shared>> -> memref<10240xf32, #tpu.memory_space<vmem_shared>>
      %dma_start3A_95 = tpu.memref_slice %arg10[%dma_start3A_89] : memref<8x!tpu.dma_semaphore, #tpu.memory_space<semaphore_mem>> -> memref<1x!tpu.dma_semaphore, #tpu.memory_space<semaphore_mem>>
      %dma_start3A_96 = tpu.memref_squeeze %dma_start3A_95 : memref<1x!tpu.dma_semaphore, #tpu.memory_space<semaphore_mem>> -> memref<!tpu.dma_semaphore, #tpu.memory_space<semaphore_mem>>
      tpu.enqueue_indirect_dma source(%arg6 : memref<128xf32, #tpu.memory_space<vmem>>) target(%dma_start3A_94 : memref<10240xf32, #tpu.memory_space<vmem_shared>>) offsets(%dma_start3A_92 : memref<128xi32, #tpu.memory_space<vmem>>) semaphore(%dma_start3A_96 : memref<!tpu.dma_semaphore, #tpu.memory_space<semaphore_mem>>) {add = true}
      %mul3A_97 = arith.constant 8 : i32
      %mul3A_98 = arith.muli %mul3A_97, %scan3A_61 : i32
      %add3A_99 = arith.constant 3 : i32
      %add3A_100 = arith.addi %mul3A_98, %add3A_99 : i32
      %dma_start3A_101 = arith.constant 3 : i32
      %dma_start3A_102 = arith.constant 0 : i32
      %dma_start3A_103 = tpu.memref_slice %arg5[%add3A_100, %dma_start3A_102] : memref<80x128xi32, #tpu.memory_space<vmem>> -> memref<1x128xi32, #tpu.memory_space<vmem>>
      %dma_start3A_104 = tpu.memref_squeeze %dma_start3A_103 : memref<1x128xi32, #tpu.memory_space<vmem>> -> memref<128xi32, #tpu.memory_space<vmem>>
      %dma_start3A_105 = arith.constant 0 : i32
      %dma_start3A_106 = tpu.memref_slice %arg9[%dma_start3A_105] : memref<10240xf32, #tpu.memory_space<vmem_shared>> -> memref<10240xf32, #tpu.memory_space<vmem_shared>>
      %dma_start3A_107 = tpu.memref_slice %arg10[%dma_start3A_101] : memref<8x!tpu.dma_semaphore, #tpu.memory_space<semaphore_mem>> -> memref<1x!tpu.dma_semaphore, #tpu.memory_space<semaphore_mem>>
      %dma_start3A_108 = tpu.memref_squeeze %dma_start3A_107 : memref<1x!tpu.dma_semaphore, #tpu.memory_space<semaphore_mem>> -> memref<!tpu.dma_semaphore, #tpu.memory_space<semaphore_mem>>
      tpu.enqueue_indirect_dma source(%arg6 : memref<128xf32, #tpu.memory_space<vmem>>) target(%dma_start3A_106 : memref<10240xf32, #tpu.memory_space<vmem_shared>>) offsets(%dma_start3A_104 : memref<128xi32, #tpu.memory_space<vmem>>) semaphore(%dma_start3A_108 : memref<!tpu.dma_semaphore, #tpu.memory_space<semaphore_mem>>) {add = true}
      %mul3A_109 = arith.constant 8 : i32
      %mul3A_110 = arith.muli %mul3A_109, %scan3A_61 : i32
      %add3A_111 = arith.constant 4 : i32
      %add3A_112 = arith.addi %mul3A_110, %add3A_111 : i32
      %dma_start3A_113 = arith.constant 4 : i32
      %dma_start3A_114 = arith.constant 0 : i32
      %dma_start3A_115 = tpu.memref_slice %arg5[%add3A_112, %dma_start3A_114] : memref<80x128xi32, #tpu.memory_space<vmem>> -> memref<1x128xi32, #tpu.memory_space<vmem>>
      %dma_start3A_116 = tpu.memref_squeeze %dma_start3A_115 : memref<1x128xi32, #tpu.memory_space<vmem>> -> memref<128xi32, #tpu.memory_space<vmem>>
      %dma_start3A_117 = arith.constant 0 : i32
      %dma_start3A_118 = tpu.memref_slice %arg9[%dma_start3A_117] : memref<10240xf32, #tpu.memory_space<vmem_shared>> -> memref<10240xf32, #tpu.memory_space<vmem_shared>>
      %dma_start3A_119 = tpu.memref_slice %arg10[%dma_start3A_113] : memref<8x!tpu.dma_semaphore, #tpu.memory_space<semaphore_mem>> -> memref<1x!tpu.dma_semaphore, #tpu.memory_space<semaphore_mem>>
      %dma_start3A_120 = tpu.memref_squeeze %dma_start3A_119 : memref<1x!tpu.dma_semaphore, #tpu.memory_space<semaphore_mem>> -> memref<!tpu.dma_semaphore, #tpu.memory_space<semaphore_mem>>
      tpu.enqueue_indirect_dma source(%arg6 : memref<128xf32, #tpu.memory_space<vmem>>) target(%dma_start3A_118 : memref<10240xf32, #tpu.memory_space<vmem_shared>>) offsets(%dma_start3A_116 : memref<128xi32, #tpu.memory_space<vmem>>) semaphore(%dma_start3A_120 : memref<!tpu.dma_semaphore, #tpu.memory_space<semaphore_mem>>) {add = true}
      %mul3A_121 = arith.constant 8 : i32
      %mul3A_122 = arith.muli %mul3A_121, %scan3A_61 : i32
      %add3A_123 = arith.constant 5 : i32
      %add3A_124 = arith.addi %mul3A_122, %add3A_123 : i32
      %dma_start3A_125 = arith.constant 5 : i32
      %dma_start3A_126 = arith.constant 0 : i32
      %dma_start3A_127 = tpu.memref_slice %arg5[%add3A_124, %dma_start3A_126] : memref<80x128xi32, #tpu.memory_space<vmem>> -> memref<1x128xi32, #tpu.memory_space<vmem>>
      %dma_start3A_128 = tpu.memref_squeeze %dma_start3A_127 : memref<1x128xi32, #tpu.memory_space<vmem>> -> memref<128xi32, #tpu.memory_space<vmem>>
      %dma_start3A_129 = arith.constant 0 : i32
      %dma_start3A_130 = tpu.memref_slice %arg9[%dma_start3A_129] : memref<10240xf32, #tpu.memory_space<vmem_shared>> -> memref<10240xf32, #tpu.memory_space<vmem_shared>>
      %dma_start3A_131 = tpu.memref_slice %arg10[%dma_start3A_125] : memref<8x!tpu.dma_semaphore, #tpu.memory_space<semaphore_mem>> -> memref<1x!tpu.dma_semaphore, #tpu.memory_space<semaphore_mem>>
      %dma_start3A_132 = tpu.memref_squeeze %dma_start3A_131 : memref<1x!tpu.dma_semaphore, #tpu.memory_space<semaphore_mem>> -> memref<!tpu.dma_semaphore, #tpu.memory_space<semaphore_mem>>
      tpu.enqueue_indirect_dma source(%arg6 : memref<128xf32, #tpu.memory_space<vmem>>) target(%dma_start3A_130 : memref<10240xf32, #tpu.memory_space<vmem_shared>>) offsets(%dma_start3A_128 : memref<128xi32, #tpu.memory_space<vmem>>) semaphore(%dma_start3A_132 : memref<!tpu.dma_semaphore, #tpu.memory_space<semaphore_mem>>) {add = true}
      %mul3A_133 = arith.constant 8 : i32
      %mul3A_134 = arith.muli %mul3A_133, %scan3A_61 : i32
      %add3A_135 = arith.constant 6 : i32
      %add3A_136 = arith.addi %mul3A_134, %add3A_135 : i32
      %dma_start3A_137 = arith.constant 6 : i32
      %dma_start3A_138 = arith.constant 0 : i32
      %dma_start3A_139 = tpu.memref_slice %arg5[%add3A_136, %dma_start3A_138] : memref<80x128xi32, #tpu.memory_space<vmem>> -> memref<1x128xi32, #tpu.memory_space<vmem>>
      %dma_start3A_140 = tpu.memref_squeeze %dma_start3A_139 : memref<1x128xi32, #tpu.memory_space<vmem>> -> memref<128xi32, #tpu.memory_space<vmem>>
      %dma_start3A_141 = arith.constant 0 : i32
      %dma_start3A_142 = tpu.memref_slice %arg9[%dma_start3A_141] : memref<10240xf32, #tpu.memory_space<vmem_shared>> -> memref<10240xf32, #tpu.memory_space<vmem_shared>>
      %dma_start3A_143 = tpu.memref_slice %arg10[%dma_start3A_137] : memref<8x!tpu.dma_semaphore, #tpu.memory_space<semaphore_mem>> -> memref<1x!tpu.dma_semaphore, #tpu.memory_space<semaphore_mem>>
      %dma_start3A_144 = tpu.memref_squeeze %dma_start3A_143 : memref<1x!tpu.dma_semaphore, #tpu.memory_space<semaphore_mem>> -> memref<!tpu.dma_semaphore, #tpu.memory_space<semaphore_mem>>
      tpu.enqueue_indirect_dma source(%arg6 : memref<128xf32, #tpu.memory_space<vmem>>) target(%dma_start3A_142 : memref<10240xf32, #tpu.memory_space<vmem_shared>>) offsets(%dma_start3A_140 : memref<128xi32, #tpu.memory_space<vmem>>) semaphore(%dma_start3A_144 : memref<!tpu.dma_semaphore, #tpu.memory_space<semaphore_mem>>) {add = true}
      %mul3A_145 = arith.constant 8 : i32
      %mul3A_146 = arith.muli %mul3A_145, %scan3A_61 : i32
      %add3A_147 = arith.constant 7 : i32
      %add3A_148 = arith.addi %mul3A_146, %add3A_147 : i32
      %dma_start3A_149 = arith.constant 7 : i32
      %dma_start3A_150 = arith.constant 0 : i32
      %dma_start3A_151 = tpu.memref_slice %arg5[%add3A_148, %dma_start3A_150] : memref<80x128xi32, #tpu.memory_space<vmem>> -> memref<1x128xi32, #tpu.memory_space<vmem>>
      %dma_start3A_152 = tpu.memref_squeeze %dma_start3A_151 : memref<1x128xi32, #tpu.memory_space<vmem>> -> memref<128xi32, #tpu.memory_space<vmem>>
      %dma_start3A_153 = arith.constant 0 : i32
      %dma_start3A_154 = tpu.memref_slice %arg9[%dma_start3A_153] : memref<10240xf32, #tpu.memory_space<vmem_shared>> -> memref<10240xf32, #tpu.memory_space<vmem_shared>>
      %dma_start3A_155 = tpu.memref_slice %arg10[%dma_start3A_149] : memref<8x!tpu.dma_semaphore, #tpu.memory_space<semaphore_mem>> -> memref<1x!tpu.dma_semaphore, #tpu.memory_space<semaphore_mem>>
      %dma_start3A_156 = tpu.memref_squeeze %dma_start3A_155 : memref<1x!tpu.dma_semaphore, #tpu.memory_space<semaphore_mem>> -> memref<!tpu.dma_semaphore, #tpu.memory_space<semaphore_mem>>
      tpu.enqueue_indirect_dma source(%arg6 : memref<128xf32, #tpu.memory_space<vmem>>) target(%dma_start3A_154 : memref<10240xf32, #tpu.memory_space<vmem_shared>>) offsets(%dma_start3A_152 : memref<128xi32, #tpu.memory_space<vmem>>) semaphore(%dma_start3A_156 : memref<!tpu.dma_semaphore, #tpu.memory_space<semaphore_mem>>) {add = true}
      %dma_wait3A = arith.constant 0 : i32
      %dma_wait3A_157 = arith.constant 0 : i32
      %dma_wait3A_158 = tpu.memref_slice %arg5[%add3A_65, %dma_wait3A_157] : memref<80x128xi32, #tpu.memory_space<vmem>> -> memref<1x128xi32, #tpu.memory_space<vmem>>
      %dma_wait3A_159 = tpu.memref_squeeze %dma_wait3A_158 : memref<1x128xi32, #tpu.memory_space<vmem>> -> memref<128xi32, #tpu.memory_space<vmem>>
      %dma_wait3A_160 = arith.constant 0 : i32
      %dma_wait3A_161 = tpu.memref_slice %arg9[%dma_wait3A_160] : memref<10240xf32, #tpu.memory_space<vmem_shared>> -> memref<10240xf32, #tpu.memory_space<vmem_shared>>
      %dma_wait3A_162 = tpu.memref_slice %arg10[%dma_wait3A] : memref<8x!tpu.dma_semaphore, #tpu.memory_space<semaphore_mem>> -> memref<1x!tpu.dma_semaphore, #tpu.memory_space<semaphore_mem>>
      %dma_wait3A_163 = tpu.memref_squeeze %dma_wait3A_162 : memref<1x!tpu.dma_semaphore, #tpu.memory_space<semaphore_mem>> -> memref<!tpu.dma_semaphore, #tpu.memory_space<semaphore_mem>>
      tpu.wait_indirect_dma semaphore(%dma_wait3A_163 : memref<!tpu.dma_semaphore, #tpu.memory_space<semaphore_mem>>) src(%arg6 : memref<128xf32, #tpu.memory_space<vmem>>) dst(%dma_wait3A_161 : memref<10240xf32, #tpu.memory_space<vmem_shared>>)
      %dma_wait3A_164 = arith.constant 1 : i32
      %dma_wait3A_165 = arith.constant 0 : i32
      %dma_wait3A_166 = tpu.memref_slice %arg5[%add3A_76, %dma_wait3A_165] : memref<80x128xi32, #tpu.memory_space<vmem>> -> memref<1x128xi32, #tpu.memory_space<vmem>>
      %dma_wait3A_167 = tpu.memref_squeeze %dma_wait3A_166 : memref<1x128xi32, #tpu.memory_space<vmem>> -> memref<128xi32, #tpu.memory_space<vmem>>
      %dma_wait3A_168 = arith.constant 0 : i32
      %dma_wait3A_169 = tpu.memref_slice %arg9[%dma_wait3A_168] : memref<10240xf32, #tpu.memory_space<vmem_shared>> -> memref<10240xf32, #tpu.memory_space<vmem_shared>>
      %dma_wait3A_170 = tpu.memref_slice %arg10[%dma_wait3A_164] : memref<8x!tpu.dma_semaphore, #tpu.memory_space<semaphore_mem>> -> memref<1x!tpu.dma_semaphore, #tpu.memory_space<semaphore_mem>>
      %dma_wait3A_171 = tpu.memref_squeeze %dma_wait3A_170 : memref<1x!tpu.dma_semaphore, #tpu.memory_space<semaphore_mem>> -> memref<!tpu.dma_semaphore, #tpu.memory_space<semaphore_mem>>
      tpu.wait_indirect_dma semaphore(%dma_wait3A_171 : memref<!tpu.dma_semaphore, #tpu.memory_space<semaphore_mem>>) src(%arg6 : memref<128xf32, #tpu.memory_space<vmem>>) dst(%dma_wait3A_169 : memref<10240xf32, #tpu.memory_space<vmem_shared>>)
      %dma_wait3A_172 = arith.constant 2 : i32
      %dma_wait3A_173 = arith.constant 0 : i32
      %dma_wait3A_174 = tpu.memref_slice %arg5[%add3A_88, %dma_wait3A_173] : memref<80x128xi32, #tpu.memory_space<vmem>> -> memref<1x128xi32, #tpu.memory_space<vmem>>
      %dma_wait3A_175 = tpu.memref_squeeze %dma_wait3A_174 : memref<1x128xi32, #tpu.memory_space<vmem>> -> memref<128xi32, #tpu.memory_space<vmem>>
      %dma_wait3A_176 = arith.constant 0 : i32
      %dma_wait3A_177 = tpu.memref_slice %arg9[%dma_wait3A_176] : memref<10240xf32, #tpu.memory_space<vmem_shared>> -> memref<10240xf32, #tpu.memory_space<vmem_shared>>
      %dma_wait3A_178 = tpu.memref_slice %arg10[%dma_wait3A_172] : memref<8x!tpu.dma_semaphore, #tpu.memory_space<semaphore_mem>> -> memref<1x!tpu.dma_semaphore, #tpu.memory_space<semaphore_mem>>
      %dma_wait3A_179 = tpu.memref_squeeze %dma_wait3A_178 : memref<1x!tpu.dma_semaphore, #tpu.memory_space<semaphore_mem>> -> memref<!tpu.dma_semaphore, #tpu.memory_space<semaphore_mem>>
      tpu.wait_indirect_dma semaphore(%dma_wait3A_179 : memref<!tpu.dma_semaphore, #tpu.memory_space<semaphore_mem>>) src(%arg6 : memref<128xf32, #tpu.memory_space<vmem>>) dst(%dma_wait3A_177 : memref<10240xf32, #tpu.memory_space<vmem_shared>>)
      %dma_wait3A_180 = arith.constant 3 : i32
      %dma_wait3A_181 = arith.constant 0 : i32
      %dma_wait3A_182 = tpu.memref_slice %arg5[%add3A_100, %dma_wait3A_181] : memref<80x128xi32, #tpu.memory_space<vmem>> -> memref<1x128xi32, #tpu.memory_space<vmem>>
      %dma_wait3A_183 = tpu.memref_squeeze %dma_wait3A_182 : memref<1x128xi32, #tpu.memory_space<vmem>> -> memref<128xi32, #tpu.memory_space<vmem>>
      %dma_wait3A_184 = arith.constant 0 : i32
      %dma_wait3A_185 = tpu.memref_slice %arg9[%dma_wait3A_184] : memref<10240xf32, #tpu.memory_space<vmem_shared>> -> memref<10240xf32, #tpu.memory_space<vmem_shared>>
      %dma_wait3A_186 = tpu.memref_slice %arg10[%dma_wait3A_180] : memref<8x!tpu.dma_semaphore, #tpu.memory_space<semaphore_mem>> -> memref<1x!tpu.dma_semaphore, #tpu.memory_space<semaphore_mem>>
      %dma_wait3A_187 = tpu.memref_squeeze %dma_wait3A_186 : memref<1x!tpu.dma_semaphore, #tpu.memory_space<semaphore_mem>> -> memref<!tpu.dma_semaphore, #tpu.memory_space<semaphore_mem>>
      tpu.wait_indirect_dma semaphore(%dma_wait3A_187 : memref<!tpu.dma_semaphore, #tpu.memory_space<semaphore_mem>>) src(%arg6 : memref<128xf32, #tpu.memory_space<vmem>>) dst(%dma_wait3A_185 : memref<10240xf32, #tpu.memory_space<vmem_shared>>)
      %dma_wait3A_188 = arith.constant 4 : i32
      %dma_wait3A_189 = arith.constant 0 : i32
      %dma_wait3A_190 = tpu.memref_slice %arg5[%add3A_112, %dma_wait3A_189] : memref<80x128xi32, #tpu.memory_space<vmem>> -> memref<1x128xi32, #tpu.memory_space<vmem>>
      %dma_wait3A_191 = tpu.memref_squeeze %dma_wait3A_190 : memref<1x128xi32, #tpu.memory_space<vmem>> -> memref<128xi32, #tpu.memory_space<vmem>>
      %dma_wait3A_192 = arith.constant 0 : i32
      %dma_wait3A_193 = tpu.memref_slice %arg9[%dma_wait3A_192] : memref<10240xf32, #tpu.memory_space<vmem_shared>> -> memref<10240xf32, #tpu.memory_space<vmem_shared>>
      %dma_wait3A_194 = tpu.memref_slice %arg10[%dma_wait3A_188] : memref<8x!tpu.dma_semaphore, #tpu.memory_space<semaphore_mem>> -> memref<1x!tpu.dma_semaphore, #tpu.memory_space<semaphore_mem>>
      %dma_wait3A_195 = tpu.memref_squeeze %dma_wait3A_194 : memref<1x!tpu.dma_semaphore, #tpu.memory_space<semaphore_mem>> -> memref<!tpu.dma_semaphore, #tpu.memory_space<semaphore_mem>>
      tpu.wait_indirect_dma semaphore(%dma_wait3A_195 : memref<!tpu.dma_semaphore, #tpu.memory_space<semaphore_mem>>) src(%arg6 : memref<128xf32, #tpu.memory_space<vmem>>) dst(%dma_wait3A_193 : memref<10240xf32, #tpu.memory_space<vmem_shared>>)
      %dma_wait3A_196 = arith.constant 5 : i32
      %dma_wait3A_197 = arith.constant 0 : i32
      %dma_wait3A_198 = tpu.memref_slice %arg5[%add3A_124, %dma_wait3A_197] : memref<80x128xi32, #tpu.memory_space<vmem>> -> memref<1x128xi32, #tpu.memory_space<vmem>>
      %dma_wait3A_199 = tpu.memref_squeeze %dma_wait3A_198 : memref<1x128xi32, #tpu.memory_space<vmem>> -> memref<128xi32, #tpu.memory_space<vmem>>
      %dma_wait3A_200 = arith.constant 0 : i32
      %dma_wait3A_201 = tpu.memref_slice %arg9[%dma_wait3A_200] : memref<10240xf32, #tpu.memory_space<vmem_shared>> -> memref<10240xf32, #tpu.memory_space<vmem_shared>>
      %dma_wait3A_202 = tpu.memref_slice %arg10[%dma_wait3A_196] : memref<8x!tpu.dma_semaphore, #tpu.memory_space<semaphore_mem>> -> memref<1x!tpu.dma_semaphore, #tpu.memory_space<semaphore_mem>>
      %dma_wait3A_203 = tpu.memref_squeeze %dma_wait3A_202 : memref<1x!tpu.dma_semaphore, #tpu.memory_space<semaphore_mem>> -> memref<!tpu.dma_semaphore, #tpu.memory_space<semaphore_mem>>
      tpu.wait_indirect_dma semaphore(%dma_wait3A_203 : memref<!tpu.dma_semaphore, #tpu.memory_space<semaphore_mem>>) src(%arg6 : memref<128xf32, #tpu.memory_space<vmem>>) dst(%dma_wait3A_201 : memref<10240xf32, #tpu.memory_space<vmem_shared>>)
      %dma_wait3A_204 = arith.constant 6 : i32
      %dma_wait3A_205 = arith.constant 0 : i32
      %dma_wait3A_206 = tpu.memref_slice %arg5[%add3A_136, %dma_wait3A_205] : memref<80x128xi32, #tpu.memory_space<vmem>> -> memref<1x128xi32, #tpu.memory_space<vmem>>
      %dma_wait3A_207 = tpu.memref_squeeze %dma_wait3A_206 : memref<1x128xi32, #tpu.memory_space<vmem>> -> memref<128xi32, #tpu.memory_space<vmem>>
      %dma_wait3A_208 = arith.constant 0 : i32
      %dma_wait3A_209 = tpu.memref_slice %arg9[%dma_wait3A_208] : memref<10240xf32, #tpu.memory_space<vmem_shared>> -> memref<10240xf32, #tpu.memory_space<vmem_shared>>
      %dma_wait3A_210 = tpu.memref_slice %arg10[%dma_wait3A_204] : memref<8x!tpu.dma_semaphore, #tpu.memory_space<semaphore_mem>> -> memref<1x!tpu.dma_semaphore, #tpu.memory_space<semaphore_mem>>
      %dma_wait3A_211 = tpu.memref_squeeze %dma_wait3A_210 : memref<1x!tpu.dma_semaphore, #tpu.memory_space<semaphore_mem>> -> memref<!tpu.dma_semaphore, #tpu.memory_space<semaphore_mem>>
      tpu.wait_indirect_dma semaphore(%dma_wait3A_211 : memref<!tpu.dma_semaphore, #tpu.memory_space<semaphore_mem>>) src(%arg6 : memref<128xf32, #tpu.memory_space<vmem>>) dst(%dma_wait3A_209 : memref<10240xf32, #tpu.memory_space<vmem_shared>>)
      %dma_wait3A_212 = arith.constant 7 : i32
      %dma_wait3A_213 = arith.constant 0 : i32
      %dma_wait3A_214 = tpu.memref_slice %arg5[%add3A_148, %dma_wait3A_213] : memref<80x128xi32, #tpu.memory_space<vmem>> -> memref<1x128xi32, #tpu.memory_space<vmem>>
      %dma_wait3A_215 = tpu.memref_squeeze %dma_wait3A_214 : memref<1x128xi32, #tpu.memory_space<vmem>> -> memref<128xi32, #tpu.memory_space<vmem>>
      %dma_wait3A_216 = arith.constant 0 : i32
      %dma_wait3A_217 = tpu.memref_slice %arg9[%dma_wait3A_216] : memref<10240xf32, #tpu.memory_space<vmem_shared>> -> memref<10240xf32, #tpu.memory_space<vmem_shared>>
      %dma_wait3A_218 = tpu.memref_slice %arg10[%dma_wait3A_212] : memref<8x!tpu.dma_semaphore, #tpu.memory_space<semaphore_mem>> -> memref<1x!tpu.dma_semaphore, #tpu.memory_space<semaphore_mem>>
      %dma_wait3A_219 = tpu.memref_squeeze %dma_wait3A_218 : memref<1x!tpu.dma_semaphore, #tpu.memory_space<semaphore_mem>> -> memref<!tpu.dma_semaphore, #tpu.memory_space<semaphore_mem>>
      tpu.wait_indirect_dma semaphore(%dma_wait3A_219 : memref<!tpu.dma_semaphore, #tpu.memory_space<semaphore_mem>>) src(%arg6 : memref<128xf32, #tpu.memory_space<vmem>>) dst(%dma_wait3A_217 : memref<10240xf32, #tpu.memory_space<vmem_shared>>)
    }
    %scan3A_53 = arith.constant 10 : i32
    %barrier3A_54 = arith.constant 0 : index
    tpu.barrier barrier_id(%barrier3A_54)
    "tpu.region"() ({
      %run_scoped3A_61 = tpu.sem_alloc : memref<!tpu.dma_semaphore, #tpu.memory_space<semaphore_mem>>
      %dma_start3A = tpu.memref_slice %arg9[%mul3A_2] : memref<10240xf32, #tpu.memory_space<vmem_shared>> -> memref<640xf32, #tpu.memory_space<vmem_shared>>
      %dma_start3A_62 = tpu.memref_slice %arg9[%mul3A_2] : memref<10240xf32, #tpu.memory_space<vmem_shared>> -> memref<640xf32, #tpu.memory_space<vmem_shared>>
      tpu.enqueue_dma source(%dma_start3A_62 : memref<640xf32, #tpu.memory_space<vmem_shared>>) target(%arg7 : memref<640xf32, #tpu.memory_space<vmem>>) target_semaphore(%run_scoped3A_61 : memref<!tpu.dma_semaphore, #tpu.memory_space<semaphore_mem>>)
      %dma_wait3A = tpu.memref_slice %arg9[%mul3A_2] : memref<10240xf32, #tpu.memory_space<vmem_shared>> -> memref<640xf32, #tpu.memory_space<vmem_shared>>
      %dma_wait3A_63 = tpu.memref_slice %arg9[%mul3A_2] : memref<10240xf32, #tpu.memory_space<vmem_shared>> -> memref<640xf32, #tpu.memory_space<vmem_shared>>
      tpu.wait_dma2 semaphore(%run_scoped3A_61 : memref<!tpu.dma_semaphore, #tpu.memory_space<semaphore_mem>>) src(%dma_wait3A_63 : memref<640xf32, #tpu.memory_space<vmem_shared>>) dst(%arg7 : memref<640xf32, #tpu.memory_space<vmem>>)
      tpu.yield
    }) : () -> ()
    %scan3A_55 = arith.constant 0 : i32
    %scan3A_56 = arith.constant 0 : i32
    %scan3A_57 = arith.constant 40 : i32
    %scan3A_58 = arith.addi %scan3A_56, %scan3A_57 : i32
    %scan3A_59 = arith.constant 1 : i32
    scf.for %scan3A_61 = %scan3A_56 to %scan3A_58 step %scan3A_59  : i32 {
      %mul3A_62 = arith.constant 16 : i32
      %mul3A_63 = arith.muli %mul3A_62, %scan3A_61 : i32
      %get3A = arith.index_cast %mul3A_63 : i32 to index
      %get3A_64 = tpu.vector_load %arg7[%get3A] {strides = array<i32>} : memref<640xf32, #tpu.memory_space<vmem>>, vector<16xf32>,
      %get3A_65 = vector.shape_cast %get3A_64 : vector<16xf32> to vector<16xf32>
      %slice3A = vector.extract_strided_slice %get3A_65 {offsets = [0], sizes = [1], strides = [1]} : vector<16xf32> to vector<1xf32>
      %squeeze3A = vector.extract %slice3A[0] : f32 from vector<1xf32>
      %broadcast_in_dim3A_66 = vector.broadcast %squeeze3A : f32 to vector<16xf32>
      %mul3A_67 = arith.constant 16 : i32
      %mul3A_68 = arith.muli %mul3A_67, %scan3A_61 : i32
      %add3A_69 = arith.constant 0 : i32
      %add3A_70 = arith.addi %mul3A_68, %add3A_69 : i32
      %swap3A_71 = arith.index_cast %add3A_70 : i32 to index
      %swap3A_72 = arith.constant 0 : index
      %swap3A_73 = tpu.vector_load %arg8[%swap3A_71, %swap3A_72] {strides = array<i32>} : memref<640x16xf32, #tpu.memory_space<vmem>>, vector<1x16xf32>,
      %swap3A_74 = vector.shape_cast %swap3A_73 : vector<1x16xf32> to vector<16xf32>
      %swap3A_75 = vector.shape_cast %broadcast_in_dim3A_66 : vector<16xf32> to vector<1x16xf32>
      tpu.vector_store %arg8[%swap3A_71, %swap3A_72], %swap3A_75 {strides = array<i32>} : memref<640x16xf32, #tpu.memory_space<vmem>>, vector<1x16xf32>,
      %slice3A_76 = vector.extract_strided_slice %get3A_65 {offsets = [1], sizes = [1], strides = [1]} : vector<16xf32> to vector<1xf32>
      %squeeze3A_77 = vector.extract %slice3A_76[0] : f32 from vector<1xf32>
      %broadcast_in_dim3A_78 = vector.broadcast %squeeze3A_77 : f32 to vector<16xf32>
      %mul3A_79 = arith.constant 16 : i32
      %mul3A_80 = arith.muli %mul3A_79, %scan3A_61 : i32
      %add3A_81 = arith.constant 1 : i32
      %add3A_82 = arith.addi %mul3A_80, %add3A_81 : i32
      %swap3A_83 = arith.index_cast %add3A_82 : i32 to index
      %swap3A_84 = arith.constant 0 : index
      %swap3A_85 = tpu.vector_load %arg8[%swap3A_83, %swap3A_84] {strides = array<i32>} : memref<640x16xf32, #tpu.memory_space<vmem>>, vector<1x16xf32>,
      %swap3A_86 = vector.shape_cast %swap3A_85 : vector<1x16xf32> to vector<16xf32>
      %swap3A_87 = vector.shape_cast %broadcast_in_dim3A_78 : vector<16xf32> to vector<1x16xf32>
      tpu.vector_store %arg8[%swap3A_83, %swap3A_84], %swap3A_87 {strides = array<i32>} : memref<640x16xf32, #tpu.memory_space<vmem>>, vector<1x16xf32>,
      %slice3A_88 = vector.extract_strided_slice %get3A_65 {offsets = [2], sizes = [1], strides = [1]} : vector<16xf32> to vector<1xf32>
      %squeeze3A_89 = vector.extract %slice3A_88[0] : f32 from vector<1xf32>
      %broadcast_in_dim3A_90 = vector.broadcast %squeeze3A_89 : f32 to vector<16xf32>
      %mul3A_91 = arith.constant 16 : i32
      %mul3A_92 = arith.muli %mul3A_91, %scan3A_61 : i32
      %add3A_93 = arith.constant 2 : i32
      %add3A_94 = arith.addi %mul3A_92, %add3A_93 : i32
      %swap3A_95 = arith.index_cast %add3A_94 : i32 to index
      %swap3A_96 = arith.constant 0 : index
      %swap3A_97 = tpu.vector_load %arg8[%swap3A_95, %swap3A_96] {strides = array<i32>} : memref<640x16xf32, #tpu.memory_space<vmem>>, vector<1x16xf32>,
      %swap3A_98 = vector.shape_cast %swap3A_97 : vector<1x16xf32> to vector<16xf32>
      %swap3A_99 = vector.shape_cast %broadcast_in_dim3A_90 : vector<16xf32> to vector<1x16xf32>
      tpu.vector_store %arg8[%swap3A_95, %swap3A_96], %swap3A_99 {strides = array<i32>} : memref<640x16xf32, #tpu.memory_space<vmem>>, vector<1x16xf32>,
      %slice3A_100 = vector.extract_strided_slice %get3A_65 {offsets = [3], sizes = [1], strides = [1]} : vector<16xf32> to vector<1xf32>
      %squeeze3A_101 = vector.extract %slice3A_100[0] : f32 from vector<1xf32>
      %broadcast_in_dim3A_102 = vector.broadcast %squeeze3A_101 : f32 to vector<16xf32>
      %mul3A_103 = arith.constant 16 : i32
      %mul3A_104 = arith.muli %mul3A_103, %scan3A_61 : i32
      %add3A_105 = arith.constant 3 : i32
      %add3A_106 = arith.addi %mul3A_104, %add3A_105 : i32
      %swap3A_107 = arith.index_cast %add3A_106 : i32 to index
      %swap3A_108 = arith.constant 0 : index
      %swap3A_109 = tpu.vector_load %arg8[%swap3A_107, %swap3A_108] {strides = array<i32>} : memref<640x16xf32, #tpu.memory_space<vmem>>, vector<1x16xf32>,
      %swap3A_110 = vector.shape_cast %swap3A_109 : vector<1x16xf32> to vector<16xf32>
      %swap3A_111 = vector.shape_cast %broadcast_in_dim3A_102 : vector<16xf32> to vector<1x16xf32>
      tpu.vector_store %arg8[%swap3A_107, %swap3A_108], %swap3A_111 {strides = array<i32>} : memref<640x16xf32, #tpu.memory_space<vmem>>, vector<1x16xf32>,
      %slice3A_112 = vector.extract_strided_slice %get3A_65 {offsets = [4], sizes = [1], strides = [1]} : vector<16xf32> to vector<1xf32>
      %squeeze3A_113 = vector.extract %slice3A_112[0] : f32 from vector<1xf32>
      %broadcast_in_dim3A_114 = vector.broadcast %squeeze3A_113 : f32 to vector<16xf32>
      %mul3A_115 = arith.constant 16 : i32
      %mul3A_116 = arith.muli %mul3A_115, %scan3A_61 : i32
      %add3A_117 = arith.constant 4 : i32
      %add3A_118 = arith.addi %mul3A_116, %add3A_117 : i32
      %swap3A_119 = arith.index_cast %add3A_118 : i32 to index
      %swap3A_120 = arith.constant 0 : index
      %swap3A_121 = tpu.vector_load %arg8[%swap3A_119, %swap3A_120] {strides = array<i32>} : memref<640x16xf32, #tpu.memory_space<vmem>>, vector<1x16xf32>,
      %swap3A_122 = vector.shape_cast %swap3A_121 : vector<1x16xf32> to vector<16xf32>
      %swap3A_123 = vector.shape_cast %broadcast_in_dim3A_114 : vector<16xf32> to vector<1x16xf32>
      tpu.vector_store %arg8[%swap3A_119, %swap3A_120], %swap3A_123 {strides = array<i32>} : memref<640x16xf32, #tpu.memory_space<vmem>>, vector<1x16xf32>,
      %slice3A_124 = vector.extract_strided_slice %get3A_65 {offsets = [5], sizes = [1], strides = [1]} : vector<16xf32> to vector<1xf32>
      %squeeze3A_125 = vector.extract %slice3A_124[0] : f32 from vector<1xf32>
      %broadcast_in_dim3A_126 = vector.broadcast %squeeze3A_125 : f32 to vector<16xf32>
      %mul3A_127 = arith.constant 16 : i32
      %mul3A_128 = arith.muli %mul3A_127, %scan3A_61 : i32
      %add3A_129 = arith.constant 5 : i32
      %add3A_130 = arith.addi %mul3A_128, %add3A_129 : i32
      %swap3A_131 = arith.index_cast %add3A_130 : i32 to index
      %swap3A_132 = arith.constant 0 : index
      %swap3A_133 = tpu.vector_load %arg8[%swap3A_131, %swap3A_132] {strides = array<i32>} : memref<640x16xf32, #tpu.memory_space<vmem>>, vector<1x16xf32>,
      %swap3A_134 = vector.shape_cast %swap3A_133 : vector<1x16xf32> to vector<16xf32>
      %swap3A_135 = vector.shape_cast %broadcast_in_dim3A_126 : vector<16xf32> to vector<1x16xf32>
      tpu.vector_store %arg8[%swap3A_131, %swap3A_132], %swap3A_135 {strides = array<i32>} : memref<640x16xf32, #tpu.memory_space<vmem>>, vector<1x16xf32>,
      %slice3A_136 = vector.extract_strided_slice %get3A_65 {offsets = [6], sizes = [1], strides = [1]} : vector<16xf32> to vector<1xf32>
      %squeeze3A_137 = vector.extract %slice3A_136[0] : f32 from vector<1xf32>
      %broadcast_in_dim3A_138 = vector.broadcast %squeeze3A_137 : f32 to vector<16xf32>
      %mul3A_139 = arith.constant 16 : i32
      %mul3A_140 = arith.muli %mul3A_139, %scan3A_61 : i32
      %add3A_141 = arith.constant 6 : i32
      %add3A_142 = arith.addi %mul3A_140, %add3A_141 : i32
      %swap3A_143 = arith.index_cast %add3A_142 : i32 to index
      %swap3A_144 = arith.constant 0 : index
      %swap3A_145 = tpu.vector_load %arg8[%swap3A_143, %swap3A_144] {strides = array<i32>} : memref<640x16xf32, #tpu.memory_space<vmem>>, vector<1x16xf32>,
      %swap3A_146 = vector.shape_cast %swap3A_145 : vector<1x16xf32> to vector<16xf32>
      %swap3A_147 = vector.shape_cast %broadcast_in_dim3A_138 : vector<16xf32> to vector<1x16xf32>
      tpu.vector_store %arg8[%swap3A_143, %swap3A_144], %swap3A_147 {strides = array<i32>} : memref<640x16xf32, #tpu.memory_space<vmem>>, vector<1x16xf32>,
      %slice3A_148 = vector.extract_strided_slice %get3A_65 {offsets = [7], sizes = [1], strides = [1]} : vector<16xf32> to vector<1xf32>
      %squeeze3A_149 = vector.extract %slice3A_148[0] : f32 from vector<1xf32>
      %broadcast_in_dim3A_150 = vector.broadcast %squeeze3A_149 : f32 to vector<16xf32>
      %mul3A_151 = arith.constant 16 : i32
      %mul3A_152 = arith.muli %mul3A_151, %scan3A_61 : i32
      %add3A_153 = arith.constant 7 : i32
      %add3A_154 = arith.addi %mul3A_152, %add3A_153 : i32
      %swap3A_155 = arith.index_cast %add3A_154 : i32 to index
      %swap3A_156 = arith.constant 0 : index
      %swap3A_157 = tpu.vector_load %arg8[%swap3A_155, %swap3A_156] {strides = array<i32>} : memref<640x16xf32, #tpu.memory_space<vmem>>, vector<1x16xf32>,
      %swap3A_158 = vector.shape_cast %swap3A_157 : vector<1x16xf32> to vector<16xf32>
      %swap3A_159 = vector.shape_cast %broadcast_in_dim3A_150 : vector<16xf32> to vector<1x16xf32>
      tpu.vector_store %arg8[%swap3A_155, %swap3A_156], %swap3A_159 {strides = array<i32>} : memref<640x16xf32, #tpu.memory_space<vmem>>, vector<1x16xf32>,
      %slice3A_160 = vector.extract_strided_slice %get3A_65 {offsets = [8], sizes = [1], strides = [1]} : vector<16xf32> to vector<1xf32>
      %squeeze3A_161 = vector.extract %slice3A_160[0] : f32 from vector<1xf32>
      %broadcast_in_dim3A_162 = vector.broadcast %squeeze3A_161 : f32 to vector<16xf32>
      %mul3A_163 = arith.constant 16 : i32
      %mul3A_164 = arith.muli %mul3A_163, %scan3A_61 : i32
      %add3A_165 = arith.constant 8 : i32
      %add3A_166 = arith.addi %mul3A_164, %add3A_165 : i32
      %swap3A_167 = arith.index_cast %add3A_166 : i32 to index
      %swap3A_168 = arith.constant 0 : index
      %swap3A_169 = tpu.vector_load %arg8[%swap3A_167, %swap3A_168] {strides = array<i32>} : memref<640x16xf32, #tpu.memory_space<vmem>>, vector<1x16xf32>,
      %swap3A_170 = vector.shape_cast %swap3A_169 : vector<1x16xf32> to vector<16xf32>
      %swap3A_171 = vector.shape_cast %broadcast_in_dim3A_162 : vector<16xf32> to vector<1x16xf32>
      tpu.vector_store %arg8[%swap3A_167, %swap3A_168], %swap3A_171 {strides = array<i32>} : memref<640x16xf32, #tpu.memory_space<vmem>>, vector<1x16xf32>,
      %slice3A_172 = vector.extract_strided_slice %get3A_65 {offsets = [9], sizes = [1], strides = [1]} : vector<16xf32> to vector<1xf32>
      %squeeze3A_173 = vector.extract %slice3A_172[0] : f32 from vector<1xf32>
      %broadcast_in_dim3A_174 = vector.broadcast %squeeze3A_173 : f32 to vector<16xf32>
      %mul3A_175 = arith.constant 16 : i32
      %mul3A_176 = arith.muli %mul3A_175, %scan3A_61 : i32
      %add3A_177 = arith.constant 9 : i32
      %add3A_178 = arith.addi %mul3A_176, %add3A_177 : i32
      %swap3A_179 = arith.index_cast %add3A_178 : i32 to index
      %swap3A_180 = arith.constant 0 : index
      %swap3A_181 = tpu.vector_load %arg8[%swap3A_179, %swap3A_180] {strides = array<i32>} : memref<640x16xf32, #tpu.memory_space<vmem>>, vector<1x16xf32>,
      %swap3A_182 = vector.shape_cast %swap3A_181 : vector<1x16xf32> to vector<16xf32>
      %swap3A_183 = vector.shape_cast %broadcast_in_dim3A_174 : vector<16xf32> to vector<1x16xf32>
      tpu.vector_store %arg8[%swap3A_179, %swap3A_180], %swap3A_183 {strides = array<i32>} : memref<640x16xf32, #tpu.memory_space<vmem>>, vector<1x16xf32>,
      %slice3A_184 = vector.extract_strided_slice %get3A_65 {offsets = [10], sizes = [1], strides = [1]} : vector<16xf32> to vector<1xf32>
      %squeeze3A_185 = vector.extract %slice3A_184[0] : f32 from vector<1xf32>
      %broadcast_in_dim3A_186 = vector.broadcast %squeeze3A_185 : f32 to vector<16xf32>
      %mul3A_187 = arith.constant 16 : i32
      %mul3A_188 = arith.muli %mul3A_187, %scan3A_61 : i32
      %add3A_189 = arith.constant 10 : i32
      %add3A_190 = arith.addi %mul3A_188, %add3A_189 : i32
      %swap3A_191 = arith.index_cast %add3A_190 : i32 to index
      %swap3A_192 = arith.constant 0 : index
      %swap3A_193 = tpu.vector_load %arg8[%swap3A_191, %swap3A_192] {strides = array<i32>} : memref<640x16xf32, #tpu.memory_space<vmem>>, vector<1x16xf32>,
      %swap3A_194 = vector.shape_cast %swap3A_193 : vector<1x16xf32> to vector<16xf32>
      %swap3A_195 = vector.shape_cast %broadcast_in_dim3A_186 : vector<16xf32> to vector<1x16xf32>
      tpu.vector_store %arg8[%swap3A_191, %swap3A_192], %swap3A_195 {strides = array<i32>} : memref<640x16xf32, #tpu.memory_space<vmem>>, vector<1x16xf32>,
      %slice3A_196 = vector.extract_strided_slice %get3A_65 {offsets = [11], sizes = [1], strides = [1]} : vector<16xf32> to vector<1xf32>
      %squeeze3A_197 = vector.extract %slice3A_196[0] : f32 from vector<1xf32>
      %broadcast_in_dim3A_198 = vector.broadcast %squeeze3A_197 : f32 to vector<16xf32>
      %mul3A_199 = arith.constant 16 : i32
      %mul3A_200 = arith.muli %mul3A_199, %scan3A_61 : i32
      %add3A_201 = arith.constant 11 : i32
      %add3A_202 = arith.addi %mul3A_200, %add3A_201 : i32
      %swap3A_203 = arith.index_cast %add3A_202 : i32 to index
      %swap3A_204 = arith.constant 0 : index
      %swap3A_205 = tpu.vector_load %arg8[%swap3A_203, %swap3A_204] {strides = array<i32>} : memref<640x16xf32, #tpu.memory_space<vmem>>, vector<1x16xf32>,
      %swap3A_206 = vector.shape_cast %swap3A_205 : vector<1x16xf32> to vector<16xf32>
      %swap3A_207 = vector.shape_cast %broadcast_in_dim3A_198 : vector<16xf32> to vector<1x16xf32>
      tpu.vector_store %arg8[%swap3A_203, %swap3A_204], %swap3A_207 {strides = array<i32>} : memref<640x16xf32, #tpu.memory_space<vmem>>, vector<1x16xf32>,
      %slice3A_208 = vector.extract_strided_slice %get3A_65 {offsets = [12], sizes = [1], strides = [1]} : vector<16xf32> to vector<1xf32>
      %squeeze3A_209 = vector.extract %slice3A_208[0] : f32 from vector<1xf32>
      %broadcast_in_dim3A_210 = vector.broadcast %squeeze3A_209 : f32 to vector<16xf32>
      %mul3A_211 = arith.constant 16 : i32
      %mul3A_212 = arith.muli %mul3A_211, %scan3A_61 : i32
      %add3A_213 = arith.constant 12 : i32
      %add3A_214 = arith.addi %mul3A_212, %add3A_213 : i32
      %swap3A_215 = arith.index_cast %add3A_214 : i32 to index
      %swap3A_216 = arith.constant 0 : index
      %swap3A_217 = tpu.vector_load %arg8[%swap3A_215, %swap3A_216] {strides = array<i32>} : memref<640x16xf32, #tpu.memory_space<vmem>>, vector<1x16xf32>,
      %swap3A_218 = vector.shape_cast %swap3A_217 : vector<1x16xf32> to vector<16xf32>
      %swap3A_219 = vector.shape_cast %broadcast_in_dim3A_210 : vector<16xf32> to vector<1x16xf32>
      tpu.vector_store %arg8[%swap3A_215, %swap3A_216], %swap3A_219 {strides = array<i32>} : memref<640x16xf32, #tpu.memory_space<vmem>>, vector<1x16xf32>,
      %slice3A_220 = vector.extract_strided_slice %get3A_65 {offsets = [13], sizes = [1], strides = [1]} : vector<16xf32> to vector<1xf32>
      %squeeze3A_221 = vector.extract %slice3A_220[0] : f32 from vector<1xf32>
      %broadcast_in_dim3A_222 = vector.broadcast %squeeze3A_221 : f32 to vector<16xf32>
      %mul3A_223 = arith.constant 16 : i32
      %mul3A_224 = arith.muli %mul3A_223, %scan3A_61 : i32
      %add3A_225 = arith.constant 13 : i32
      %add3A_226 = arith.addi %mul3A_224, %add3A_225 : i32
      %swap3A_227 = arith.index_cast %add3A_226 : i32 to index
      %swap3A_228 = arith.constant 0 : index
      %swap3A_229 = tpu.vector_load %arg8[%swap3A_227, %swap3A_228] {strides = array<i32>} : memref<640x16xf32, #tpu.memory_space<vmem>>, vector<1x16xf32>,
      %swap3A_230 = vector.shape_cast %swap3A_229 : vector<1x16xf32> to vector<16xf32>
      %swap3A_231 = vector.shape_cast %broadcast_in_dim3A_222 : vector<16xf32> to vector<1x16xf32>
      tpu.vector_store %arg8[%swap3A_227, %swap3A_228], %swap3A_231 {strides = array<i32>} : memref<640x16xf32, #tpu.memory_space<vmem>>, vector<1x16xf32>,
      %slice3A_232 = vector.extract_strided_slice %get3A_65 {offsets = [14], sizes = [1], strides = [1]} : vector<16xf32> to vector<1xf32>
      %squeeze3A_233 = vector.extract %slice3A_232[0] : f32 from vector<1xf32>
      %broadcast_in_dim3A_234 = vector.broadcast %squeeze3A_233 : f32 to vector<16xf32>
      %mul3A_235 = arith.constant 16 : i32
      %mul3A_236 = arith.muli %mul3A_235, %scan3A_61 : i32
      %add3A_237 = arith.constant 14 : i32
      %add3A_238 = arith.addi %mul3A_236, %add3A_237 : i32
      %swap3A_239 = arith.index_cast %add3A_238 : i32 to index
      %swap3A_240 = arith.constant 0 : index
      %swap3A_241 = tpu.vector_load %arg8[%swap3A_239, %swap3A_240] {strides = array<i32>} : memref<640x16xf32, #tpu.memory_space<vmem>>, vector<1x16xf32>,
      %swap3A_242 = vector.shape_cast %swap3A_241 : vector<1x16xf32> to vector<16xf32>
      %swap3A_243 = vector.shape_cast %broadcast_in_dim3A_234 : vector<16xf32> to vector<1x16xf32>
      tpu.vector_store %arg8[%swap3A_239, %swap3A_240], %swap3A_243 {strides = array<i32>} : memref<640x16xf32, #tpu.memory_space<vmem>>, vector<1x16xf32>,
      %slice3A_244 = vector.extract_strided_slice %get3A_65 {offsets = [15], sizes = [1], strides = [1]} : vector<16xf32> to vector<1xf32>
      %squeeze3A_245 = vector.extract %slice3A_244[0] : f32 from vector<1xf32>
      %broadcast_in_dim3A_246 = vector.broadcast %squeeze3A_245 : f32 to vector<16xf32>
      %mul3A_247 = arith.constant 16 : i32
      %mul3A_248 = arith.muli %mul3A_247, %scan3A_61 : i32
      %add3A_249 = arith.constant 15 : i32
      %add3A_250 = arith.addi %mul3A_248, %add3A_249 : i32
      %swap3A_251 = arith.index_cast %add3A_250 : i32 to index
      %swap3A_252 = arith.constant 0 : index
      %swap3A_253 = tpu.vector_load %arg8[%swap3A_251, %swap3A_252] {strides = array<i32>} : memref<640x16xf32, #tpu.memory_space<vmem>>, vector<1x16xf32>,
      %swap3A_254 = vector.shape_cast %swap3A_253 : vector<1x16xf32> to vector<16xf32>
      %swap3A_255 = vector.shape_cast %broadcast_in_dim3A_246 : vector<16xf32> to vector<1x16xf32>
      tpu.vector_store %arg8[%swap3A_251, %swap3A_252], %swap3A_255 {strides = array<i32>} : memref<640x16xf32, #tpu.memory_space<vmem>>, vector<1x16xf32>,
    }
    %scan3A_60 = arith.constant 40 : i32
    "tpu.region"() ({
      %run_scoped3A_61 = tpu.sem_alloc : memref<!tpu.dma_semaphore, #tpu.memory_space<semaphore_mem>>
      %dma_start3A = arith.constant 0 : i32
      %dma_start3A_62 = tpu.memref_slice %arg4[%arg0, %mul3A_2, %dma_start3A] : memref<2x10240x16xf32, #tpu.memory_space<hbm>> -> memref<1x640x16xf32, #tpu.memory_space<hbm>>
      %dma_start3A_63 = tpu.memref_squeeze %dma_start3A_62 : memref<1x640x16xf32, #tpu.memory_space<hbm>> -> memref<640x16xf32, #tpu.memory_space<hbm>>
      %dma_start3A_64 = arith.constant 0 : i32
      %dma_start3A_65 = tpu.memref_slice %arg4[%arg0, %mul3A_2, %dma_start3A_64] : memref<2x10240x16xf32, #tpu.memory_space<hbm>> -> memref<1x640x16xf32, #tpu.memory_space<hbm>>
      %dma_start3A_66 = tpu.memref_squeeze %dma_start3A_65 : memref<1x640x16xf32, #tpu.memory_space<hbm>> -> memref<640x16xf32, #tpu.memory_space<hbm>>
      tpu.enqueue_dma source(%arg8 : memref<640x16xf32, #tpu.memory_space<vmem>>) target(%dma_start3A_66 : memref<640x16xf32, #tpu.memory_space<hbm>>) target_semaphore(%run_scoped3A_61 : memref<!tpu.dma_semaphore, #tpu.memory_space<semaphore_mem>>)
      %dma_wait3A = arith.constant 0 : i32
      %dma_wait3A_67 = tpu.memref_slice %arg4[%arg0, %mul3A_2, %dma_wait3A] : memref<2x10240x16xf32, #tpu.memory_space<hbm>> -> memref<1x640x16xf32, #tpu.memory_space<hbm>>
      %dma_wait3A_68 = tpu.memref_squeeze %dma_wait3A_67 : memref<1x640x16xf32, #tpu.memory_space<hbm>> -> memref<640x16xf32, #tpu.memory_space<hbm>>
      %dma_wait3A_69 = arith.constant 0 : i32
      %dma_wait3A_70 = tpu.memref_slice %arg4[%arg0, %mul3A_2, %dma_wait3A_69] : memref<2x10240x16xf32, #tpu.memory_space<hbm>> -> memref<1x640x16xf32, #tpu.memory_space<hbm>>
      %dma_wait3A_71 = tpu.memref_squeeze %dma_wait3A_70 : memref<1x640x16xf32, #tpu.memory_space<hbm>> -> memref<640x16xf32, #tpu.memory_space<hbm>>
      tpu.wait_dma2 semaphore(%run_scoped3A_61 : memref<!tpu.dma_semaphore, #tpu.memory_space<semaphore_mem>>) src(%arg8 : memref<640x16xf32, #tpu.memory_space<vmem>>) dst(%dma_wait3A_71 : memref<640x16xf32, #tpu.memory_space<hbm>>)
      tpu.yield
    }) : () -> ()
    return
  }
}

#map = affine_map<(d0, d1) -> (0, 0)>
#map1 = affine_map<(d0, d1) -> (0, 0, 0, 0)>
#map2 = affine_map<(d0, d1) -> (0, 0, 0)>
module attributes {stable_mosaic.version = 14 : i64} {
  func.func @_agg_body(%arg0: i32, %arg1: i32, %arg2: memref<10240x16xf32, #tpu.memory_space<hbm>>, %arg3: memref<2x32x80x128xi32, #tpu.memory_space<hbm>>, %arg4: memref<2x10240x16xf32, #tpu.memory_space<hbm>>, %arg5: memref<80x128xi32, #tpu.memory_space<vmem>>, %arg6: memref<80x128xi32, #tpu.memory_space<vmem>>, %arg7: memref<8x128x16xf32, #tpu.memory_space<vmem>>, %arg8: memref<10240x16xf32, #tpu.memory_space<vmem_shared>>, %arg9: memref<10240x16xf32, #tpu.memory_space<vmem_shared>>, %arg10: memref<8x!tpu.dma_semaphore, #tpu.memory_space<semaphore_mem>>, %arg11: memref<8x!tpu.dma_semaphore, #tpu.memory_space<semaphore_mem>>) attributes {dimension_semantics = [#tpu.dimension_semantics<core_parallel>, #tpu.dimension_semantics<subcore_parallel>], iteration_bounds = array<i64: 2, 16>, scalar_prefetch = 0 : i64, scratch_operands = 7 : i64, tpu.core_type = #tpu.core_type<sc_vector_subcore>, window_params = [{transform_indices = #map}, {transform_indices = #map1}, {transform_indices = #map2}]} {
    %mul3A = arith.constant 2 : i32
    %mul3A_0 = arith.muli %arg1, %mul3A : i32
    %add3A = arith.addi %mul3A_0, %arg0 : i32
    %mul3A_1 = arith.constant 640 : i32
    %mul3A_2 = arith.muli %arg1, %mul3A_1 : i32
    "tpu.region"() ({
      %run_scoped3A_10 = tpu.sem_alloc : memref<!tpu.dma_semaphore, #tpu.memory_space<semaphore_mem>>
      %dma_start3A = arith.constant 0 : i32
      %dma_start3A_11 = tpu.memref_slice %arg8[%mul3A_2, %dma_start3A] : memref<10240x16xf32, #tpu.memory_space<vmem_shared>> -> memref<640x16xf32, #tpu.memory_space<vmem_shared>>
      %dma_start3A_12 = arith.constant 0 : i32
      %dma_start3A_13 = tpu.memref_slice %arg2[%mul3A_2, %dma_start3A_12] : memref<10240x16xf32, #tpu.memory_space<hbm>> -> memref<640x16xf32, #tpu.memory_space<hbm>>
      tpu.enqueue_dma source(%dma_start3A_13 : memref<640x16xf32, #tpu.memory_space<hbm>>) target(%dma_start3A_11 : memref<640x16xf32, #tpu.memory_space<vmem_shared>>) target_semaphore(%run_scoped3A_10 : memref<!tpu.dma_semaphore, #tpu.memory_space<semaphore_mem>>)
      %dma_wait3A = arith.constant 0 : i32
      %dma_wait3A_14 = tpu.memref_slice %arg8[%mul3A_2, %dma_wait3A] : memref<10240x16xf32, #tpu.memory_space<vmem_shared>> -> memref<640x16xf32, #tpu.memory_space<vmem_shared>>
      %dma_wait3A_15 = arith.constant 0 : i32
      %dma_wait3A_16 = tpu.memref_slice %arg2[%mul3A_2, %dma_wait3A_15] : memref<10240x16xf32, #tpu.memory_space<hbm>> -> memref<640x16xf32, #tpu.memory_space<hbm>>
      tpu.wait_dma2 semaphore(%run_scoped3A_10 : memref<!tpu.dma_semaphore, #tpu.memory_space<semaphore_mem>>) src(%dma_wait3A_16 : memref<640x16xf32, #tpu.memory_space<hbm>>) dst(%dma_wait3A_14 : memref<640x16xf32, #tpu.memory_space<vmem_shared>>)
      tpu.yield
    }) : () -> ()
    "tpu.region"() ({
      %run_scoped3A_10 = tpu.sem_alloc : memref<!tpu.dma_semaphore, #tpu.memory_space<semaphore_mem>>
      %dma_start3A = arith.constant 0 : i32
      %dma_start3A_11 = tpu.memref_slice %arg9[%mul3A_2, %dma_start3A] : memref<10240x16xf32, #tpu.memory_space<vmem_shared>> -> memref<640x16xf32, #tpu.memory_space<vmem_shared>>
      %dma_start3A_12 = arith.constant 0 : i32
      %dma_start3A_13 = tpu.memref_slice %arg2[%mul3A_2, %dma_start3A_12] : memref<10240x16xf32, #tpu.memory_space<hbm>> -> memref<640x16xf32, #tpu.memory_space<hbm>>
      tpu.enqueue_dma source(%dma_start3A_13 : memref<640x16xf32, #tpu.memory_space<hbm>>) target(%dma_start3A_11 : memref<640x16xf32, #tpu.memory_space<vmem_shared>>) target_semaphore(%run_scoped3A_10 : memref<!tpu.dma_semaphore, #tpu.memory_space<semaphore_mem>>)
      %dma_wait3A = arith.constant 0 : i32
      %dma_wait3A_14 = tpu.memref_slice %arg9[%mul3A_2, %dma_wait3A] : memref<10240x16xf32, #tpu.memory_space<vmem_shared>> -> memref<640x16xf32, #tpu.memory_space<vmem_shared>>
      %dma_wait3A_15 = arith.constant 0 : i32
      %dma_wait3A_16 = tpu.memref_slice %arg2[%mul3A_2, %dma_wait3A_15] : memref<10240x16xf32, #tpu.memory_space<hbm>> -> memref<640x16xf32, #tpu.memory_space<hbm>>
      tpu.wait_dma2 semaphore(%run_scoped3A_10 : memref<!tpu.dma_semaphore, #tpu.memory_space<semaphore_mem>>) src(%dma_wait3A_16 : memref<640x16xf32, #tpu.memory_space<hbm>>) dst(%dma_wait3A_14 : memref<640x16xf32, #tpu.memory_space<vmem_shared>>)
      tpu.yield
    }) : () -> ()
    %run_scoped3A = arith.constant 0 : i32
    "tpu.region"() ({
      %run_scoped3A_10 = tpu.sem_alloc : memref<!tpu.dma_semaphore, #tpu.memory_space<semaphore_mem>>
      %dma_start3A = arith.constant 0 : i32
      %dma_start3A_11 = arith.constant 0 : i32
      %dma_start3A_12 = tpu.memref_slice %arg3[%run_scoped3A, %add3A, %dma_start3A, %dma_start3A_11] : memref<2x32x80x128xi32, #tpu.memory_space<hbm>> -> memref<1x1x80x128xi32, #tpu.memory_space<hbm>>
      %dma_start3A_13 = tpu.memref_squeeze %dma_start3A_12 : memref<1x1x80x128xi32, #tpu.memory_space<hbm>> -> memref<80x128xi32, #tpu.memory_space<hbm>>
      %dma_start3A_14 = arith.constant 0 : i32
      %dma_start3A_15 = arith.constant 0 : i32
      %dma_start3A_16 = tpu.memref_slice %arg3[%run_scoped3A, %add3A, %dma_start3A_14, %dma_start3A_15] : memref<2x32x80x128xi32, #tpu.memory_space<hbm>> -> memref<1x1x80x128xi32, #tpu.memory_space<hbm>>
      %dma_start3A_17 = tpu.memref_squeeze %dma_start3A_16 : memref<1x1x80x128xi32, #tpu.memory_space<hbm>> -> memref<80x128xi32, #tpu.memory_space<hbm>>
      tpu.enqueue_dma source(%dma_start3A_17 : memref<80x128xi32, #tpu.memory_space<hbm>>) target(%arg5 : memref<80x128xi32, #tpu.memory_space<vmem>>) target_semaphore(%run_scoped3A_10 : memref<!tpu.dma_semaphore, #tpu.memory_space<semaphore_mem>>)
      %dma_wait3A = arith.constant 0 : i32
      %dma_wait3A_18 = arith.constant 0 : i32
      %dma_wait3A_19 = tpu.memref_slice %arg3[%run_scoped3A, %add3A, %dma_wait3A, %dma_wait3A_18] : memref<2x32x80x128xi32, #tpu.memory_space<hbm>> -> memref<1x1x80x128xi32, #tpu.memory_space<hbm>>
      %dma_wait3A_20 = tpu.memref_squeeze %dma_wait3A_19 : memref<1x1x80x128xi32, #tpu.memory_space<hbm>> -> memref<80x128xi32, #tpu.memory_space<hbm>>
      %dma_wait3A_21 = arith.constant 0 : i32
      %dma_wait3A_22 = arith.constant 0 : i32
      %dma_wait3A_23 = tpu.memref_slice %arg3[%run_scoped3A, %add3A, %dma_wait3A_21, %dma_wait3A_22] : memref<2x32x80x128xi32, #tpu.memory_space<hbm>> -> memref<1x1x80x128xi32, #tpu.memory_space<hbm>>
      %dma_wait3A_24 = tpu.memref_squeeze %dma_wait3A_23 : memref<1x1x80x128xi32, #tpu.memory_space<hbm>> -> memref<80x128xi32, #tpu.memory_space<hbm>>
      tpu.wait_dma2 semaphore(%run_scoped3A_10 : memref<!tpu.dma_semaphore, #tpu.memory_space<semaphore_mem>>) src(%dma_wait3A_24 : memref<80x128xi32, #tpu.memory_space<hbm>>) dst(%arg5 : memref<80x128xi32, #tpu.memory_space<vmem>>)
      tpu.yield
    }) : () -> ()
    %run_scoped3A_3 = arith.constant 1 : i32
    "tpu.region"() ({
      %run_scoped3A_10 = tpu.sem_alloc : memref<!tpu.dma_semaphore, #tpu.memory_space<semaphore_mem>>
      %dma_start3A = arith.constant 0 : i32
      %dma_start3A_11 = arith.constant 0 : i32
      %dma_start3A_12 = tpu.memref_slice %arg3[%run_scoped3A_3, %add3A, %dma_start3A, %dma_start3A_11] : memref<2x32x80x128xi32, #tpu.memory_space<hbm>> -> memref<1x1x80x128xi32, #tpu.memory_space<hbm>>
      %dma_start3A_13 = tpu.memref_squeeze %dma_start3A_12 : memref<1x1x80x128xi32, #tpu.memory_space<hbm>> -> memref<80x128xi32, #tpu.memory_space<hbm>>
      %dma_start3A_14 = arith.constant 0 : i32
      %dma_start3A_15 = arith.constant 0 : i32
      %dma_start3A_16 = tpu.memref_slice %arg3[%run_scoped3A_3, %add3A, %dma_start3A_14, %dma_start3A_15] : memref<2x32x80x128xi32, #tpu.memory_space<hbm>> -> memref<1x1x80x128xi32, #tpu.memory_space<hbm>>
      %dma_start3A_17 = tpu.memref_squeeze %dma_start3A_16 : memref<1x1x80x128xi32, #tpu.memory_space<hbm>> -> memref<80x128xi32, #tpu.memory_space<hbm>>
      tpu.enqueue_dma source(%dma_start3A_17 : memref<80x128xi32, #tpu.memory_space<hbm>>) target(%arg6 : memref<80x128xi32, #tpu.memory_space<vmem>>) target_semaphore(%run_scoped3A_10 : memref<!tpu.dma_semaphore, #tpu.memory_space<semaphore_mem>>)
      %dma_wait3A = arith.constant 0 : i32
      %dma_wait3A_18 = arith.constant 0 : i32
      %dma_wait3A_19 = tpu.memref_slice %arg3[%run_scoped3A_3, %add3A, %dma_wait3A, %dma_wait3A_18] : memref<2x32x80x128xi32, #tpu.memory_space<hbm>> -> memref<1x1x80x128xi32, #tpu.memory_space<hbm>>
      %dma_wait3A_20 = tpu.memref_squeeze %dma_wait3A_19 : memref<1x1x80x128xi32, #tpu.memory_space<hbm>> -> memref<80x128xi32, #tpu.memory_space<hbm>>
      %dma_wait3A_21 = arith.constant 0 : i32
      %dma_wait3A_22 = arith.constant 0 : i32
      %dma_wait3A_23 = tpu.memref_slice %arg3[%run_scoped3A_3, %add3A, %dma_wait3A_21, %dma_wait3A_22] : memref<2x32x80x128xi32, #tpu.memory_space<hbm>> -> memref<1x1x80x128xi32, #tpu.memory_space<hbm>>
      %dma_wait3A_24 = tpu.memref_squeeze %dma_wait3A_23 : memref<1x1x80x128xi32, #tpu.memory_space<hbm>> -> memref<80x128xi32, #tpu.memory_space<hbm>>
      tpu.wait_dma2 semaphore(%run_scoped3A_10 : memref<!tpu.dma_semaphore, #tpu.memory_space<semaphore_mem>>) src(%dma_wait3A_24 : memref<80x128xi32, #tpu.memory_space<hbm>>) dst(%arg6 : memref<80x128xi32, #tpu.memory_space<vmem>>)
      tpu.yield
    }) : () -> ()
    %barrier3A = arith.constant 0 : index
    tpu.barrier barrier_id(%barrier3A)
    %scan3A = arith.constant 0 : i32
    %scan3A_4 = arith.constant 0 : i32
    %scan3A_5 = arith.constant 10 : i32
    %scan3A_6 = arith.addi %scan3A_4, %scan3A_5 : i32
    %scan3A_7 = arith.constant 1 : i32
    scf.for %scan3A_10 = %scan3A_4 to %scan3A_6 step %scan3A_7  : i32 {
      %mul3A_11 = arith.constant 8 : i32
      %mul3A_12 = arith.muli %mul3A_11, %scan3A_10 : i32
      %add3A_13 = arith.constant 0 : i32
      %add3A_14 = arith.addi %mul3A_12, %add3A_13 : i32
      %dma_start3A = arith.constant 0 : i32
      %dma_start3A_15 = arith.constant 0 : i32
      %dma_start3A_16 = arith.constant 0 : i32
      %dma_start3A_17 = arith.constant 0 : i32
      %dma_start3A_18 = tpu.memref_slice %arg7[%dma_start3A, %dma_start3A_16, %dma_start3A_17] : memref<8x128x16xf32, #tpu.memory_space<vmem>> -> memref<1x128x16xf32, #tpu.memory_space<vmem>>
      %dma_start3A_19 = tpu.memref_squeeze %dma_start3A_18 : memref<1x128x16xf32, #tpu.memory_space<vmem>> -> memref<128x16xf32, #tpu.memory_space<vmem>>
      %dma_start3A_20 = arith.constant 0 : i32
      %dma_start3A_21 = tpu.memref_slice %arg5[%add3A_14, %dma_start3A_20] : memref<80x128xi32, #tpu.memory_space<vmem>> -> memref<1x128xi32, #tpu.memory_space<vmem>>
      %dma_start3A_22 = tpu.memref_squeeze %dma_start3A_21 : memref<1x128xi32, #tpu.memory_space<vmem>> -> memref<128xi32, #tpu.memory_space<vmem>>
      %dma_start3A_23 = arith.constant 0 : i32
      %dma_start3A_24 = arith.constant 0 : i32
      %dma_start3A_25 = tpu.memref_slice %arg8[%dma_start3A_23, %dma_start3A_24] : memref<10240x16xf32, #tpu.memory_space<vmem_shared>> -> memref<10240x16xf32, #tpu.memory_space<vmem_shared>>
      %dma_start3A_26 = tpu.memref_slice %arg10[%dma_start3A_15] : memref<8x!tpu.dma_semaphore, #tpu.memory_space<semaphore_mem>> -> memref<1x!tpu.dma_semaphore, #tpu.memory_space<semaphore_mem>>
      %dma_start3A_27 = tpu.memref_squeeze %dma_start3A_26 : memref<1x!tpu.dma_semaphore, #tpu.memory_space<semaphore_mem>> -> memref<!tpu.dma_semaphore, #tpu.memory_space<semaphore_mem>>
      tpu.enqueue_indirect_dma source(%dma_start3A_25 : memref<10240x16xf32, #tpu.memory_space<vmem_shared>>) target(%dma_start3A_19 : memref<128x16xf32, #tpu.memory_space<vmem>>) offsets(%dma_start3A_22 : memref<128xi32, #tpu.memory_space<vmem>>) semaphore(%dma_start3A_27 : memref<!tpu.dma_semaphore, #tpu.memory_space<semaphore_mem>>)
      %add3A_28 = arith.constant 1 : i32
      %add3A_29 = arith.addi %mul3A_12, %add3A_28 : i32
      %dma_start3A_30 = arith.constant 1 : i32
      %dma_start3A_31 = arith.constant 1 : i32
      %dma_start3A_32 = arith.constant 0 : i32
      %dma_start3A_33 = arith.constant 0 : i32
      %dma_start3A_34 = tpu.memref_slice %arg7[%dma_start3A_30, %dma_start3A_32, %dma_start3A_33] : memref<8x128x16xf32, #tpu.memory_space<vmem>> -> memref<1x128x16xf32, #tpu.memory_space<vmem>>
      %dma_start3A_35 = tpu.memref_squeeze %dma_start3A_34 : memref<1x128x16xf32, #tpu.memory_space<vmem>> -> memref<128x16xf32, #tpu.memory_space<vmem>>
      %dma_start3A_36 = arith.constant 0 : i32
      %dma_start3A_37 = tpu.memref_slice %arg5[%add3A_29, %dma_start3A_36] : memref<80x128xi32, #tpu.memory_space<vmem>> -> memref<1x128xi32, #tpu.memory_space<vmem>>
      %dma_start3A_38 = tpu.memref_squeeze %dma_start3A_37 : memref<1x128xi32, #tpu.memory_space<vmem>> -> memref<128xi32, #tpu.memory_space<vmem>>
      %dma_start3A_39 = arith.constant 0 : i32
      %dma_start3A_40 = arith.constant 0 : i32
      %dma_start3A_41 = tpu.memref_slice %arg8[%dma_start3A_39, %dma_start3A_40] : memref<10240x16xf32, #tpu.memory_space<vmem_shared>> -> memref<10240x16xf32, #tpu.memory_space<vmem_shared>>
      %dma_start3A_42 = tpu.memref_slice %arg10[%dma_start3A_31] : memref<8x!tpu.dma_semaphore, #tpu.memory_space<semaphore_mem>> -> memref<1x!tpu.dma_semaphore, #tpu.memory_space<semaphore_mem>>
      %dma_start3A_43 = tpu.memref_squeeze %dma_start3A_42 : memref<1x!tpu.dma_semaphore, #tpu.memory_space<semaphore_mem>> -> memref<!tpu.dma_semaphore, #tpu.memory_space<semaphore_mem>>
      tpu.enqueue_indirect_dma source(%dma_start3A_41 : memref<10240x16xf32, #tpu.memory_space<vmem_shared>>) target(%dma_start3A_35 : memref<128x16xf32, #tpu.memory_space<vmem>>) offsets(%dma_start3A_38 : memref<128xi32, #tpu.memory_space<vmem>>) semaphore(%dma_start3A_43 : memref<!tpu.dma_semaphore, #tpu.memory_space<semaphore_mem>>)
      %add3A_44 = arith.constant 2 : i32
      %add3A_45 = arith.addi %mul3A_12, %add3A_44 : i32
      %dma_start3A_46 = arith.constant 2 : i32
      %dma_start3A_47 = arith.constant 2 : i32
      %dma_start3A_48 = arith.constant 0 : i32
      %dma_start3A_49 = arith.constant 0 : i32
      %dma_start3A_50 = tpu.memref_slice %arg7[%dma_start3A_46, %dma_start3A_48, %dma_start3A_49] : memref<8x128x16xf32, #tpu.memory_space<vmem>> -> memref<1x128x16xf32, #tpu.memory_space<vmem>>
      %dma_start3A_51 = tpu.memref_squeeze %dma_start3A_50 : memref<1x128x16xf32, #tpu.memory_space<vmem>> -> memref<128x16xf32, #tpu.memory_space<vmem>>
      %dma_start3A_52 = arith.constant 0 : i32
      %dma_start3A_53 = tpu.memref_slice %arg5[%add3A_45, %dma_start3A_52] : memref<80x128xi32, #tpu.memory_space<vmem>> -> memref<1x128xi32, #tpu.memory_space<vmem>>
      %dma_start3A_54 = tpu.memref_squeeze %dma_start3A_53 : memref<1x128xi32, #tpu.memory_space<vmem>> -> memref<128xi32, #tpu.memory_space<vmem>>
      %dma_start3A_55 = arith.constant 0 : i32
      %dma_start3A_56 = arith.constant 0 : i32
      %dma_start3A_57 = tpu.memref_slice %arg8[%dma_start3A_55, %dma_start3A_56] : memref<10240x16xf32, #tpu.memory_space<vmem_shared>> -> memref<10240x16xf32, #tpu.memory_space<vmem_shared>>
      %dma_start3A_58 = tpu.memref_slice %arg10[%dma_start3A_47] : memref<8x!tpu.dma_semaphore, #tpu.memory_space<semaphore_mem>> -> memref<1x!tpu.dma_semaphore, #tpu.memory_space<semaphore_mem>>
      %dma_start3A_59 = tpu.memref_squeeze %dma_start3A_58 : memref<1x!tpu.dma_semaphore, #tpu.memory_space<semaphore_mem>> -> memref<!tpu.dma_semaphore, #tpu.memory_space<semaphore_mem>>
      tpu.enqueue_indirect_dma source(%dma_start3A_57 : memref<10240x16xf32, #tpu.memory_space<vmem_shared>>) target(%dma_start3A_51 : memref<128x16xf32, #tpu.memory_space<vmem>>) offsets(%dma_start3A_54 : memref<128xi32, #tpu.memory_space<vmem>>) semaphore(%dma_start3A_59 : memref<!tpu.dma_semaphore, #tpu.memory_space<semaphore_mem>>)
      %add3A_60 = arith.constant 3 : i32
      %add3A_61 = arith.addi %mul3A_12, %add3A_60 : i32
      %dma_start3A_62 = arith.constant 3 : i32
      %dma_start3A_63 = arith.constant 3 : i32
      %dma_start3A_64 = arith.constant 0 : i32
      %dma_start3A_65 = arith.constant 0 : i32
      %dma_start3A_66 = tpu.memref_slice %arg7[%dma_start3A_62, %dma_start3A_64, %dma_start3A_65] : memref<8x128x16xf32, #tpu.memory_space<vmem>> -> memref<1x128x16xf32, #tpu.memory_space<vmem>>
      %dma_start3A_67 = tpu.memref_squeeze %dma_start3A_66 : memref<1x128x16xf32, #tpu.memory_space<vmem>> -> memref<128x16xf32, #tpu.memory_space<vmem>>
      %dma_start3A_68 = arith.constant 0 : i32
      %dma_start3A_69 = tpu.memref_slice %arg5[%add3A_61, %dma_start3A_68] : memref<80x128xi32, #tpu.memory_space<vmem>> -> memref<1x128xi32, #tpu.memory_space<vmem>>
      %dma_start3A_70 = tpu.memref_squeeze %dma_start3A_69 : memref<1x128xi32, #tpu.memory_space<vmem>> -> memref<128xi32, #tpu.memory_space<vmem>>
      %dma_start3A_71 = arith.constant 0 : i32
      %dma_start3A_72 = arith.constant 0 : i32
      %dma_start3A_73 = tpu.memref_slice %arg8[%dma_start3A_71, %dma_start3A_72] : memref<10240x16xf32, #tpu.memory_space<vmem_shared>> -> memref<10240x16xf32, #tpu.memory_space<vmem_shared>>
      %dma_start3A_74 = tpu.memref_slice %arg10[%dma_start3A_63] : memref<8x!tpu.dma_semaphore, #tpu.memory_space<semaphore_mem>> -> memref<1x!tpu.dma_semaphore, #tpu.memory_space<semaphore_mem>>
      %dma_start3A_75 = tpu.memref_squeeze %dma_start3A_74 : memref<1x!tpu.dma_semaphore, #tpu.memory_space<semaphore_mem>> -> memref<!tpu.dma_semaphore, #tpu.memory_space<semaphore_mem>>
      tpu.enqueue_indirect_dma source(%dma_start3A_73 : memref<10240x16xf32, #tpu.memory_space<vmem_shared>>) target(%dma_start3A_67 : memref<128x16xf32, #tpu.memory_space<vmem>>) offsets(%dma_start3A_70 : memref<128xi32, #tpu.memory_space<vmem>>) semaphore(%dma_start3A_75 : memref<!tpu.dma_semaphore, #tpu.memory_space<semaphore_mem>>)
      %add3A_76 = arith.constant 4 : i32
      %add3A_77 = arith.addi %mul3A_12, %add3A_76 : i32
      %dma_start3A_78 = arith.constant 4 : i32
      %dma_start3A_79 = arith.constant 4 : i32
      %dma_start3A_80 = arith.constant 0 : i32
      %dma_start3A_81 = arith.constant 0 : i32
      %dma_start3A_82 = tpu.memref_slice %arg7[%dma_start3A_78, %dma_start3A_80, %dma_start3A_81] : memref<8x128x16xf32, #tpu.memory_space<vmem>> -> memref<1x128x16xf32, #tpu.memory_space<vmem>>
      %dma_start3A_83 = tpu.memref_squeeze %dma_start3A_82 : memref<1x128x16xf32, #tpu.memory_space<vmem>> -> memref<128x16xf32, #tpu.memory_space<vmem>>
      %dma_start3A_84 = arith.constant 0 : i32
      %dma_start3A_85 = tpu.memref_slice %arg5[%add3A_77, %dma_start3A_84] : memref<80x128xi32, #tpu.memory_space<vmem>> -> memref<1x128xi32, #tpu.memory_space<vmem>>
      %dma_start3A_86 = tpu.memref_squeeze %dma_start3A_85 : memref<1x128xi32, #tpu.memory_space<vmem>> -> memref<128xi32, #tpu.memory_space<vmem>>
      %dma_start3A_87 = arith.constant 0 : i32
      %dma_start3A_88 = arith.constant 0 : i32
      %dma_start3A_89 = tpu.memref_slice %arg8[%dma_start3A_87, %dma_start3A_88] : memref<10240x16xf32, #tpu.memory_space<vmem_shared>> -> memref<10240x16xf32, #tpu.memory_space<vmem_shared>>
      %dma_start3A_90 = tpu.memref_slice %arg10[%dma_start3A_79] : memref<8x!tpu.dma_semaphore, #tpu.memory_space<semaphore_mem>> -> memref<1x!tpu.dma_semaphore, #tpu.memory_space<semaphore_mem>>
      %dma_start3A_91 = tpu.memref_squeeze %dma_start3A_90 : memref<1x!tpu.dma_semaphore, #tpu.memory_space<semaphore_mem>> -> memref<!tpu.dma_semaphore, #tpu.memory_space<semaphore_mem>>
      tpu.enqueue_indirect_dma source(%dma_start3A_89 : memref<10240x16xf32, #tpu.memory_space<vmem_shared>>) target(%dma_start3A_83 : memref<128x16xf32, #tpu.memory_space<vmem>>) offsets(%dma_start3A_86 : memref<128xi32, #tpu.memory_space<vmem>>) semaphore(%dma_start3A_91 : memref<!tpu.dma_semaphore, #tpu.memory_space<semaphore_mem>>)
      %add3A_92 = arith.constant 5 : i32
      %add3A_93 = arith.addi %mul3A_12, %add3A_92 : i32
      %dma_start3A_94 = arith.constant 5 : i32
      %dma_start3A_95 = arith.constant 5 : i32
      %dma_start3A_96 = arith.constant 0 : i32
      %dma_start3A_97 = arith.constant 0 : i32
      %dma_start3A_98 = tpu.memref_slice %arg7[%dma_start3A_94, %dma_start3A_96, %dma_start3A_97] : memref<8x128x16xf32, #tpu.memory_space<vmem>> -> memref<1x128x16xf32, #tpu.memory_space<vmem>>
      %dma_start3A_99 = tpu.memref_squeeze %dma_start3A_98 : memref<1x128x16xf32, #tpu.memory_space<vmem>> -> memref<128x16xf32, #tpu.memory_space<vmem>>
      %dma_start3A_100 = arith.constant 0 : i32
      %dma_start3A_101 = tpu.memref_slice %arg5[%add3A_93, %dma_start3A_100] : memref<80x128xi32, #tpu.memory_space<vmem>> -> memref<1x128xi32, #tpu.memory_space<vmem>>
      %dma_start3A_102 = tpu.memref_squeeze %dma_start3A_101 : memref<1x128xi32, #tpu.memory_space<vmem>> -> memref<128xi32, #tpu.memory_space<vmem>>
      %dma_start3A_103 = arith.constant 0 : i32
      %dma_start3A_104 = arith.constant 0 : i32
      %dma_start3A_105 = tpu.memref_slice %arg8[%dma_start3A_103, %dma_start3A_104] : memref<10240x16xf32, #tpu.memory_space<vmem_shared>> -> memref<10240x16xf32, #tpu.memory_space<vmem_shared>>
      %dma_start3A_106 = tpu.memref_slice %arg10[%dma_start3A_95] : memref<8x!tpu.dma_semaphore, #tpu.memory_space<semaphore_mem>> -> memref<1x!tpu.dma_semaphore, #tpu.memory_space<semaphore_mem>>
      %dma_start3A_107 = tpu.memref_squeeze %dma_start3A_106 : memref<1x!tpu.dma_semaphore, #tpu.memory_space<semaphore_mem>> -> memref<!tpu.dma_semaphore, #tpu.memory_space<semaphore_mem>>
      tpu.enqueue_indirect_dma source(%dma_start3A_105 : memref<10240x16xf32, #tpu.memory_space<vmem_shared>>) target(%dma_start3A_99 : memref<128x16xf32, #tpu.memory_space<vmem>>) offsets(%dma_start3A_102 : memref<128xi32, #tpu.memory_space<vmem>>) semaphore(%dma_start3A_107 : memref<!tpu.dma_semaphore, #tpu.memory_space<semaphore_mem>>)
      %add3A_108 = arith.constant 6 : i32
      %add3A_109 = arith.addi %mul3A_12, %add3A_108 : i32
      %dma_start3A_110 = arith.constant 6 : i32
      %dma_start3A_111 = arith.constant 6 : i32
      %dma_start3A_112 = arith.constant 0 : i32
      %dma_start3A_113 = arith.constant 0 : i32
      %dma_start3A_114 = tpu.memref_slice %arg7[%dma_start3A_110, %dma_start3A_112, %dma_start3A_113] : memref<8x128x16xf32, #tpu.memory_space<vmem>> -> memref<1x128x16xf32, #tpu.memory_space<vmem>>
      %dma_start3A_115 = tpu.memref_squeeze %dma_start3A_114 : memref<1x128x16xf32, #tpu.memory_space<vmem>> -> memref<128x16xf32, #tpu.memory_space<vmem>>
      %dma_start3A_116 = arith.constant 0 : i32
      %dma_start3A_117 = tpu.memref_slice %arg5[%add3A_109, %dma_start3A_116] : memref<80x128xi32, #tpu.memory_space<vmem>> -> memref<1x128xi32, #tpu.memory_space<vmem>>
      %dma_start3A_118 = tpu.memref_squeeze %dma_start3A_117 : memref<1x128xi32, #tpu.memory_space<vmem>> -> memref<128xi32, #tpu.memory_space<vmem>>
      %dma_start3A_119 = arith.constant 0 : i32
      %dma_start3A_120 = arith.constant 0 : i32
      %dma_start3A_121 = tpu.memref_slice %arg8[%dma_start3A_119, %dma_start3A_120] : memref<10240x16xf32, #tpu.memory_space<vmem_shared>> -> memref<10240x16xf32, #tpu.memory_space<vmem_shared>>
      %dma_start3A_122 = tpu.memref_slice %arg10[%dma_start3A_111] : memref<8x!tpu.dma_semaphore, #tpu.memory_space<semaphore_mem>> -> memref<1x!tpu.dma_semaphore, #tpu.memory_space<semaphore_mem>>
      %dma_start3A_123 = tpu.memref_squeeze %dma_start3A_122 : memref<1x!tpu.dma_semaphore, #tpu.memory_space<semaphore_mem>> -> memref<!tpu.dma_semaphore, #tpu.memory_space<semaphore_mem>>
      tpu.enqueue_indirect_dma source(%dma_start3A_121 : memref<10240x16xf32, #tpu.memory_space<vmem_shared>>) target(%dma_start3A_115 : memref<128x16xf32, #tpu.memory_space<vmem>>) offsets(%dma_start3A_118 : memref<128xi32, #tpu.memory_space<vmem>>) semaphore(%dma_start3A_123 : memref<!tpu.dma_semaphore, #tpu.memory_space<semaphore_mem>>)
      %add3A_124 = arith.constant 7 : i32
      %add3A_125 = arith.addi %mul3A_12, %add3A_124 : i32
      %dma_start3A_126 = arith.constant 7 : i32
      %dma_start3A_127 = arith.constant 7 : i32
      %dma_start3A_128 = arith.constant 0 : i32
      %dma_start3A_129 = arith.constant 0 : i32
      %dma_start3A_130 = tpu.memref_slice %arg7[%dma_start3A_126, %dma_start3A_128, %dma_start3A_129] : memref<8x128x16xf32, #tpu.memory_space<vmem>> -> memref<1x128x16xf32, #tpu.memory_space<vmem>>
      %dma_start3A_131 = tpu.memref_squeeze %dma_start3A_130 : memref<1x128x16xf32, #tpu.memory_space<vmem>> -> memref<128x16xf32, #tpu.memory_space<vmem>>
      %dma_start3A_132 = arith.constant 0 : i32
      %dma_start3A_133 = tpu.memref_slice %arg5[%add3A_125, %dma_start3A_132] : memref<80x128xi32, #tpu.memory_space<vmem>> -> memref<1x128xi32, #tpu.memory_space<vmem>>
      %dma_start3A_134 = tpu.memref_squeeze %dma_start3A_133 : memref<1x128xi32, #tpu.memory_space<vmem>> -> memref<128xi32, #tpu.memory_space<vmem>>
      %dma_start3A_135 = arith.constant 0 : i32
      %dma_start3A_136 = arith.constant 0 : i32
      %dma_start3A_137 = tpu.memref_slice %arg8[%dma_start3A_135, %dma_start3A_136] : memref<10240x16xf32, #tpu.memory_space<vmem_shared>> -> memref<10240x16xf32, #tpu.memory_space<vmem_shared>>
      %dma_start3A_138 = tpu.memref_slice %arg10[%dma_start3A_127] : memref<8x!tpu.dma_semaphore, #tpu.memory_space<semaphore_mem>> -> memref<1x!tpu.dma_semaphore, #tpu.memory_space<semaphore_mem>>
      %dma_start3A_139 = tpu.memref_squeeze %dma_start3A_138 : memref<1x!tpu.dma_semaphore, #tpu.memory_space<semaphore_mem>> -> memref<!tpu.dma_semaphore, #tpu.memory_space<semaphore_mem>>
      tpu.enqueue_indirect_dma source(%dma_start3A_137 : memref<10240x16xf32, #tpu.memory_space<vmem_shared>>) target(%dma_start3A_131 : memref<128x16xf32, #tpu.memory_space<vmem>>) offsets(%dma_start3A_134 : memref<128xi32, #tpu.memory_space<vmem>>) semaphore(%dma_start3A_139 : memref<!tpu.dma_semaphore, #tpu.memory_space<semaphore_mem>>)
      %dma_wait3A = arith.constant 0 : i32
      %dma_wait3A_140 = arith.constant 0 : i32
      %dma_wait3A_141 = arith.constant 0 : i32
      %dma_wait3A_142 = arith.constant 0 : i32
      %dma_wait3A_143 = tpu.memref_slice %arg7[%dma_wait3A, %dma_wait3A_141, %dma_wait3A_142] : memref<8x128x16xf32, #tpu.memory_space<vmem>> -> memref<1x128x16xf32, #tpu.memory_space<vmem>>
      %dma_wait3A_144 = tpu.memref_squeeze %dma_wait3A_143 : memref<1x128x16xf32, #tpu.memory_space<vmem>> -> memref<128x16xf32, #tpu.memory_space<vmem>>
      %dma_wait3A_145 = arith.constant 0 : i32
      %dma_wait3A_146 = tpu.memref_slice %arg5[%add3A_14, %dma_wait3A_145] : memref<80x128xi32, #tpu.memory_space<vmem>> -> memref<1x128xi32, #tpu.memory_space<vmem>>
      %dma_wait3A_147 = tpu.memref_squeeze %dma_wait3A_146 : memref<1x128xi32, #tpu.memory_space<vmem>> -> memref<128xi32, #tpu.memory_space<vmem>>
      %dma_wait3A_148 = arith.constant 0 : i32
      %dma_wait3A_149 = arith.constant 0 : i32
      %dma_wait3A_150 = tpu.memref_slice %arg8[%dma_wait3A_148, %dma_wait3A_149] : memref<10240x16xf32, #tpu.memory_space<vmem_shared>> -> memref<10240x16xf32, #tpu.memory_space<vmem_shared>>
      %dma_wait3A_151 = tpu.memref_slice %arg10[%dma_wait3A_140] : memref<8x!tpu.dma_semaphore, #tpu.memory_space<semaphore_mem>> -> memref<1x!tpu.dma_semaphore, #tpu.memory_space<semaphore_mem>>
      %dma_wait3A_152 = tpu.memref_squeeze %dma_wait3A_151 : memref<1x!tpu.dma_semaphore, #tpu.memory_space<semaphore_mem>> -> memref<!tpu.dma_semaphore, #tpu.memory_space<semaphore_mem>>
      tpu.wait_indirect_dma semaphore(%dma_wait3A_152 : memref<!tpu.dma_semaphore, #tpu.memory_space<semaphore_mem>>) src(%dma_wait3A_150 : memref<10240x16xf32, #tpu.memory_space<vmem_shared>>) dst(%dma_wait3A_144 : memref<128x16xf32, #tpu.memory_space<vmem>>)
      %add3A_153 = arith.constant 0 : i32
      %add3A_154 = arith.addi %mul3A_12, %add3A_153 : i32
      %dma_start3A_155 = arith.constant 0 : i32
      %dma_start3A_156 = arith.constant 0 : i32
      %dma_start3A_157 = arith.constant 0 : i32
      %dma_start3A_158 = arith.constant 0 : i32
      %dma_start3A_159 = tpu.memref_slice %arg7[%dma_start3A_155, %dma_start3A_157, %dma_start3A_158] : memref<8x128x16xf32, #tpu.memory_space<vmem>> -> memref<1x128x16xf32, #tpu.memory_space<vmem>>
      %dma_start3A_160 = tpu.memref_squeeze %dma_start3A_159 : memref<1x128x16xf32, #tpu.memory_space<vmem>> -> memref<128x16xf32, #tpu.memory_space<vmem>>
      %dma_start3A_161 = arith.constant 0 : i32
      %dma_start3A_162 = tpu.memref_slice %arg6[%add3A_154, %dma_start3A_161] : memref<80x128xi32, #tpu.memory_space<vmem>> -> memref<1x128xi32, #tpu.memory_space<vmem>>
      %dma_start3A_163 = tpu.memref_squeeze %dma_start3A_162 : memref<1x128xi32, #tpu.memory_space<vmem>> -> memref<128xi32, #tpu.memory_space<vmem>>
      %dma_start3A_164 = arith.constant 0 : i32
      %dma_start3A_165 = arith.constant 0 : i32
      %dma_start3A_166 = tpu.memref_slice %arg9[%dma_start3A_164, %dma_start3A_165] : memref<10240x16xf32, #tpu.memory_space<vmem_shared>> -> memref<10240x16xf32, #tpu.memory_space<vmem_shared>>
      %dma_start3A_167 = tpu.memref_slice %arg11[%dma_start3A_156] : memref<8x!tpu.dma_semaphore, #tpu.memory_space<semaphore_mem>> -> memref<1x!tpu.dma_semaphore, #tpu.memory_space<semaphore_mem>>
      %dma_start3A_168 = tpu.memref_squeeze %dma_start3A_167 : memref<1x!tpu.dma_semaphore, #tpu.memory_space<semaphore_mem>> -> memref<!tpu.dma_semaphore, #tpu.memory_space<semaphore_mem>>
      tpu.enqueue_indirect_dma source(%dma_start3A_160 : memref<128x16xf32, #tpu.memory_space<vmem>>) target(%dma_start3A_166 : memref<10240x16xf32, #tpu.memory_space<vmem_shared>>) offsets(%dma_start3A_163 : memref<128xi32, #tpu.memory_space<vmem>>) semaphore(%dma_start3A_168 : memref<!tpu.dma_semaphore, #tpu.memory_space<semaphore_mem>>) {add = true}
      %dma_wait3A_169 = arith.constant 1 : i32
      %dma_wait3A_170 = arith.constant 1 : i32
      %dma_wait3A_171 = arith.constant 0 : i32
      %dma_wait3A_172 = arith.constant 0 : i32
      %dma_wait3A_173 = tpu.memref_slice %arg7[%dma_wait3A_169, %dma_wait3A_171, %dma_wait3A_172] : memref<8x128x16xf32, #tpu.memory_space<vmem>> -> memref<1x128x16xf32, #tpu.memory_space<vmem>>
      %dma_wait3A_174 = tpu.memref_squeeze %dma_wait3A_173 : memref<1x128x16xf32, #tpu.memory_space<vmem>> -> memref<128x16xf32, #tpu.memory_space<vmem>>
      %dma_wait3A_175 = arith.constant 0 : i32
      %dma_wait3A_176 = tpu.memref_slice %arg5[%add3A_29, %dma_wait3A_175] : memref<80x128xi32, #tpu.memory_space<vmem>> -> memref<1x128xi32, #tpu.memory_space<vmem>>
      %dma_wait3A_177 = tpu.memref_squeeze %dma_wait3A_176 : memref<1x128xi32, #tpu.memory_space<vmem>> -> memref<128xi32, #tpu.memory_space<vmem>>
      %dma_wait3A_178 = arith.constant 0 : i32
      %dma_wait3A_179 = arith.constant 0 : i32
      %dma_wait3A_180 = tpu.memref_slice %arg8[%dma_wait3A_178, %dma_wait3A_179] : memref<10240x16xf32, #tpu.memory_space<vmem_shared>> -> memref<10240x16xf32, #tpu.memory_space<vmem_shared>>
      %dma_wait3A_181 = tpu.memref_slice %arg10[%dma_wait3A_170] : memref<8x!tpu.dma_semaphore, #tpu.memory_space<semaphore_mem>> -> memref<1x!tpu.dma_semaphore, #tpu.memory_space<semaphore_mem>>
      %dma_wait3A_182 = tpu.memref_squeeze %dma_wait3A_181 : memref<1x!tpu.dma_semaphore, #tpu.memory_space<semaphore_mem>> -> memref<!tpu.dma_semaphore, #tpu.memory_space<semaphore_mem>>
      tpu.wait_indirect_dma semaphore(%dma_wait3A_182 : memref<!tpu.dma_semaphore, #tpu.memory_space<semaphore_mem>>) src(%dma_wait3A_180 : memref<10240x16xf32, #tpu.memory_space<vmem_shared>>) dst(%dma_wait3A_174 : memref<128x16xf32, #tpu.memory_space<vmem>>)
      %add3A_183 = arith.constant 1 : i32
      %add3A_184 = arith.addi %mul3A_12, %add3A_183 : i32
      %dma_start3A_185 = arith.constant 1 : i32
      %dma_start3A_186 = arith.constant 1 : i32
      %dma_start3A_187 = arith.constant 0 : i32
      %dma_start3A_188 = arith.constant 0 : i32
      %dma_start3A_189 = tpu.memref_slice %arg7[%dma_start3A_185, %dma_start3A_187, %dma_start3A_188] : memref<8x128x16xf32, #tpu.memory_space<vmem>> -> memref<1x128x16xf32, #tpu.memory_space<vmem>>
      %dma_start3A_190 = tpu.memref_squeeze %dma_start3A_189 : memref<1x128x16xf32, #tpu.memory_space<vmem>> -> memref<128x16xf32, #tpu.memory_space<vmem>>
      %dma_start3A_191 = arith.constant 0 : i32
      %dma_start3A_192 = tpu.memref_slice %arg6[%add3A_184, %dma_start3A_191] : memref<80x128xi32, #tpu.memory_space<vmem>> -> memref<1x128xi32, #tpu.memory_space<vmem>>
      %dma_start3A_193 = tpu.memref_squeeze %dma_start3A_192 : memref<1x128xi32, #tpu.memory_space<vmem>> -> memref<128xi32, #tpu.memory_space<vmem>>
      %dma_start3A_194 = arith.constant 0 : i32
      %dma_start3A_195 = arith.constant 0 : i32
      %dma_start3A_196 = tpu.memref_slice %arg9[%dma_start3A_194, %dma_start3A_195] : memref<10240x16xf32, #tpu.memory_space<vmem_shared>> -> memref<10240x16xf32, #tpu.memory_space<vmem_shared>>
      %dma_start3A_197 = tpu.memref_slice %arg11[%dma_start3A_186] : memref<8x!tpu.dma_semaphore, #tpu.memory_space<semaphore_mem>> -> memref<1x!tpu.dma_semaphore, #tpu.memory_space<semaphore_mem>>
      %dma_start3A_198 = tpu.memref_squeeze %dma_start3A_197 : memref<1x!tpu.dma_semaphore, #tpu.memory_space<semaphore_mem>> -> memref<!tpu.dma_semaphore, #tpu.memory_space<semaphore_mem>>
      tpu.enqueue_indirect_dma source(%dma_start3A_190 : memref<128x16xf32, #tpu.memory_space<vmem>>) target(%dma_start3A_196 : memref<10240x16xf32, #tpu.memory_space<vmem_shared>>) offsets(%dma_start3A_193 : memref<128xi32, #tpu.memory_space<vmem>>) semaphore(%dma_start3A_198 : memref<!tpu.dma_semaphore, #tpu.memory_space<semaphore_mem>>) {add = true}
      %dma_wait3A_199 = arith.constant 2 : i32
      %dma_wait3A_200 = arith.constant 2 : i32
      %dma_wait3A_201 = arith.constant 0 : i32
      %dma_wait3A_202 = arith.constant 0 : i32
      %dma_wait3A_203 = tpu.memref_slice %arg7[%dma_wait3A_199, %dma_wait3A_201, %dma_wait3A_202] : memref<8x128x16xf32, #tpu.memory_space<vmem>> -> memref<1x128x16xf32, #tpu.memory_space<vmem>>
      %dma_wait3A_204 = tpu.memref_squeeze %dma_wait3A_203 : memref<1x128x16xf32, #tpu.memory_space<vmem>> -> memref<128x16xf32, #tpu.memory_space<vmem>>
      %dma_wait3A_205 = arith.constant 0 : i32
      %dma_wait3A_206 = tpu.memref_slice %arg5[%add3A_45, %dma_wait3A_205] : memref<80x128xi32, #tpu.memory_space<vmem>> -> memref<1x128xi32, #tpu.memory_space<vmem>>
      %dma_wait3A_207 = tpu.memref_squeeze %dma_wait3A_206 : memref<1x128xi32, #tpu.memory_space<vmem>> -> memref<128xi32, #tpu.memory_space<vmem>>
      %dma_wait3A_208 = arith.constant 0 : i32
      %dma_wait3A_209 = arith.constant 0 : i32
      %dma_wait3A_210 = tpu.memref_slice %arg8[%dma_wait3A_208, %dma_wait3A_209] : memref<10240x16xf32, #tpu.memory_space<vmem_shared>> -> memref<10240x16xf32, #tpu.memory_space<vmem_shared>>
      %dma_wait3A_211 = tpu.memref_slice %arg10[%dma_wait3A_200] : memref<8x!tpu.dma_semaphore, #tpu.memory_space<semaphore_mem>> -> memref<1x!tpu.dma_semaphore, #tpu.memory_space<semaphore_mem>>
      %dma_wait3A_212 = tpu.memref_squeeze %dma_wait3A_211 : memref<1x!tpu.dma_semaphore, #tpu.memory_space<semaphore_mem>> -> memref<!tpu.dma_semaphore, #tpu.memory_space<semaphore_mem>>
      tpu.wait_indirect_dma semaphore(%dma_wait3A_212 : memref<!tpu.dma_semaphore, #tpu.memory_space<semaphore_mem>>) src(%dma_wait3A_210 : memref<10240x16xf32, #tpu.memory_space<vmem_shared>>) dst(%dma_wait3A_204 : memref<128x16xf32, #tpu.memory_space<vmem>>)
      %add3A_213 = arith.constant 2 : i32
      %add3A_214 = arith.addi %mul3A_12, %add3A_213 : i32
      %dma_start3A_215 = arith.constant 2 : i32
      %dma_start3A_216 = arith.constant 2 : i32
      %dma_start3A_217 = arith.constant 0 : i32
      %dma_start3A_218 = arith.constant 0 : i32
      %dma_start3A_219 = tpu.memref_slice %arg7[%dma_start3A_215, %dma_start3A_217, %dma_start3A_218] : memref<8x128x16xf32, #tpu.memory_space<vmem>> -> memref<1x128x16xf32, #tpu.memory_space<vmem>>
      %dma_start3A_220 = tpu.memref_squeeze %dma_start3A_219 : memref<1x128x16xf32, #tpu.memory_space<vmem>> -> memref<128x16xf32, #tpu.memory_space<vmem>>
      %dma_start3A_221 = arith.constant 0 : i32
      %dma_start3A_222 = tpu.memref_slice %arg6[%add3A_214, %dma_start3A_221] : memref<80x128xi32, #tpu.memory_space<vmem>> -> memref<1x128xi32, #tpu.memory_space<vmem>>
      %dma_start3A_223 = tpu.memref_squeeze %dma_start3A_222 : memref<1x128xi32, #tpu.memory_space<vmem>> -> memref<128xi32, #tpu.memory_space<vmem>>
      %dma_start3A_224 = arith.constant 0 : i32
      %dma_start3A_225 = arith.constant 0 : i32
      %dma_start3A_226 = tpu.memref_slice %arg9[%dma_start3A_224, %dma_start3A_225] : memref<10240x16xf32, #tpu.memory_space<vmem_shared>> -> memref<10240x16xf32, #tpu.memory_space<vmem_shared>>
      %dma_start3A_227 = tpu.memref_slice %arg11[%dma_start3A_216] : memref<8x!tpu.dma_semaphore, #tpu.memory_space<semaphore_mem>> -> memref<1x!tpu.dma_semaphore, #tpu.memory_space<semaphore_mem>>
      %dma_start3A_228 = tpu.memref_squeeze %dma_start3A_227 : memref<1x!tpu.dma_semaphore, #tpu.memory_space<semaphore_mem>> -> memref<!tpu.dma_semaphore, #tpu.memory_space<semaphore_mem>>
      tpu.enqueue_indirect_dma source(%dma_start3A_220 : memref<128x16xf32, #tpu.memory_space<vmem>>) target(%dma_start3A_226 : memref<10240x16xf32, #tpu.memory_space<vmem_shared>>) offsets(%dma_start3A_223 : memref<128xi32, #tpu.memory_space<vmem>>) semaphore(%dma_start3A_228 : memref<!tpu.dma_semaphore, #tpu.memory_space<semaphore_mem>>) {add = true}
      %dma_wait3A_229 = arith.constant 3 : i32
      %dma_wait3A_230 = arith.constant 3 : i32
      %dma_wait3A_231 = arith.constant 0 : i32
      %dma_wait3A_232 = arith.constant 0 : i32
      %dma_wait3A_233 = tpu.memref_slice %arg7[%dma_wait3A_229, %dma_wait3A_231, %dma_wait3A_232] : memref<8x128x16xf32, #tpu.memory_space<vmem>> -> memref<1x128x16xf32, #tpu.memory_space<vmem>>
      %dma_wait3A_234 = tpu.memref_squeeze %dma_wait3A_233 : memref<1x128x16xf32, #tpu.memory_space<vmem>> -> memref<128x16xf32, #tpu.memory_space<vmem>>
      %dma_wait3A_235 = arith.constant 0 : i32
      %dma_wait3A_236 = tpu.memref_slice %arg5[%add3A_61, %dma_wait3A_235] : memref<80x128xi32, #tpu.memory_space<vmem>> -> memref<1x128xi32, #tpu.memory_space<vmem>>
      %dma_wait3A_237 = tpu.memref_squeeze %dma_wait3A_236 : memref<1x128xi32, #tpu.memory_space<vmem>> -> memref<128xi32, #tpu.memory_space<vmem>>
      %dma_wait3A_238 = arith.constant 0 : i32
      %dma_wait3A_239 = arith.constant 0 : i32
      %dma_wait3A_240 = tpu.memref_slice %arg8[%dma_wait3A_238, %dma_wait3A_239] : memref<10240x16xf32, #tpu.memory_space<vmem_shared>> -> memref<10240x16xf32, #tpu.memory_space<vmem_shared>>
      %dma_wait3A_241 = tpu.memref_slice %arg10[%dma_wait3A_230] : memref<8x!tpu.dma_semaphore, #tpu.memory_space<semaphore_mem>> -> memref<1x!tpu.dma_semaphore, #tpu.memory_space<semaphore_mem>>
      %dma_wait3A_242 = tpu.memref_squeeze %dma_wait3A_241 : memref<1x!tpu.dma_semaphore, #tpu.memory_space<semaphore_mem>> -> memref<!tpu.dma_semaphore, #tpu.memory_space<semaphore_mem>>
      tpu.wait_indirect_dma semaphore(%dma_wait3A_242 : memref<!tpu.dma_semaphore, #tpu.memory_space<semaphore_mem>>) src(%dma_wait3A_240 : memref<10240x16xf32, #tpu.memory_space<vmem_shared>>) dst(%dma_wait3A_234 : memref<128x16xf32, #tpu.memory_space<vmem>>)
      %add3A_243 = arith.constant 3 : i32
      %add3A_244 = arith.addi %mul3A_12, %add3A_243 : i32
      %dma_start3A_245 = arith.constant 3 : i32
      %dma_start3A_246 = arith.constant 3 : i32
      %dma_start3A_247 = arith.constant 0 : i32
      %dma_start3A_248 = arith.constant 0 : i32
      %dma_start3A_249 = tpu.memref_slice %arg7[%dma_start3A_245, %dma_start3A_247, %dma_start3A_248] : memref<8x128x16xf32, #tpu.memory_space<vmem>> -> memref<1x128x16xf32, #tpu.memory_space<vmem>>
      %dma_start3A_250 = tpu.memref_squeeze %dma_start3A_249 : memref<1x128x16xf32, #tpu.memory_space<vmem>> -> memref<128x16xf32, #tpu.memory_space<vmem>>
      %dma_start3A_251 = arith.constant 0 : i32
      %dma_start3A_252 = tpu.memref_slice %arg6[%add3A_244, %dma_start3A_251] : memref<80x128xi32, #tpu.memory_space<vmem>> -> memref<1x128xi32, #tpu.memory_space<vmem>>
      %dma_start3A_253 = tpu.memref_squeeze %dma_start3A_252 : memref<1x128xi32, #tpu.memory_space<vmem>> -> memref<128xi32, #tpu.memory_space<vmem>>
      %dma_start3A_254 = arith.constant 0 : i32
      %dma_start3A_255 = arith.constant 0 : i32
      %dma_start3A_256 = tpu.memref_slice %arg9[%dma_start3A_254, %dma_start3A_255] : memref<10240x16xf32, #tpu.memory_space<vmem_shared>> -> memref<10240x16xf32, #tpu.memory_space<vmem_shared>>
      %dma_start3A_257 = tpu.memref_slice %arg11[%dma_start3A_246] : memref<8x!tpu.dma_semaphore, #tpu.memory_space<semaphore_mem>> -> memref<1x!tpu.dma_semaphore, #tpu.memory_space<semaphore_mem>>
      %dma_start3A_258 = tpu.memref_squeeze %dma_start3A_257 : memref<1x!tpu.dma_semaphore, #tpu.memory_space<semaphore_mem>> -> memref<!tpu.dma_semaphore, #tpu.memory_space<semaphore_mem>>
      tpu.enqueue_indirect_dma source(%dma_start3A_250 : memref<128x16xf32, #tpu.memory_space<vmem>>) target(%dma_start3A_256 : memref<10240x16xf32, #tpu.memory_space<vmem_shared>>) offsets(%dma_start3A_253 : memref<128xi32, #tpu.memory_space<vmem>>) semaphore(%dma_start3A_258 : memref<!tpu.dma_semaphore, #tpu.memory_space<semaphore_mem>>) {add = true}
      %dma_wait3A_259 = arith.constant 4 : i32
      %dma_wait3A_260 = arith.constant 4 : i32
      %dma_wait3A_261 = arith.constant 0 : i32
      %dma_wait3A_262 = arith.constant 0 : i32
      %dma_wait3A_263 = tpu.memref_slice %arg7[%dma_wait3A_259, %dma_wait3A_261, %dma_wait3A_262] : memref<8x128x16xf32, #tpu.memory_space<vmem>> -> memref<1x128x16xf32, #tpu.memory_space<vmem>>
      %dma_wait3A_264 = tpu.memref_squeeze %dma_wait3A_263 : memref<1x128x16xf32, #tpu.memory_space<vmem>> -> memref<128x16xf32, #tpu.memory_space<vmem>>
      %dma_wait3A_265 = arith.constant 0 : i32
      %dma_wait3A_266 = tpu.memref_slice %arg5[%add3A_77, %dma_wait3A_265] : memref<80x128xi32, #tpu.memory_space<vmem>> -> memref<1x128xi32, #tpu.memory_space<vmem>>
      %dma_wait3A_267 = tpu.memref_squeeze %dma_wait3A_266 : memref<1x128xi32, #tpu.memory_space<vmem>> -> memref<128xi32, #tpu.memory_space<vmem>>
      %dma_wait3A_268 = arith.constant 0 : i32
      %dma_wait3A_269 = arith.constant 0 : i32
      %dma_wait3A_270 = tpu.memref_slice %arg8[%dma_wait3A_268, %dma_wait3A_269] : memref<10240x16xf32, #tpu.memory_space<vmem_shared>> -> memref<10240x16xf32, #tpu.memory_space<vmem_shared>>
      %dma_wait3A_271 = tpu.memref_slice %arg10[%dma_wait3A_260] : memref<8x!tpu.dma_semaphore, #tpu.memory_space<semaphore_mem>> -> memref<1x!tpu.dma_semaphore, #tpu.memory_space<semaphore_mem>>
      %dma_wait3A_272 = tpu.memref_squeeze %dma_wait3A_271 : memref<1x!tpu.dma_semaphore, #tpu.memory_space<semaphore_mem>> -> memref<!tpu.dma_semaphore, #tpu.memory_space<semaphore_mem>>
      tpu.wait_indirect_dma semaphore(%dma_wait3A_272 : memref<!tpu.dma_semaphore, #tpu.memory_space<semaphore_mem>>) src(%dma_wait3A_270 : memref<10240x16xf32, #tpu.memory_space<vmem_shared>>) dst(%dma_wait3A_264 : memref<128x16xf32, #tpu.memory_space<vmem>>)
      %add3A_273 = arith.constant 4 : i32
      %add3A_274 = arith.addi %mul3A_12, %add3A_273 : i32
      %dma_start3A_275 = arith.constant 4 : i32
      %dma_start3A_276 = arith.constant 4 : i32
      %dma_start3A_277 = arith.constant 0 : i32
      %dma_start3A_278 = arith.constant 0 : i32
      %dma_start3A_279 = tpu.memref_slice %arg7[%dma_start3A_275, %dma_start3A_277, %dma_start3A_278] : memref<8x128x16xf32, #tpu.memory_space<vmem>> -> memref<1x128x16xf32, #tpu.memory_space<vmem>>
      %dma_start3A_280 = tpu.memref_squeeze %dma_start3A_279 : memref<1x128x16xf32, #tpu.memory_space<vmem>> -> memref<128x16xf32, #tpu.memory_space<vmem>>
      %dma_start3A_281 = arith.constant 0 : i32
      %dma_start3A_282 = tpu.memref_slice %arg6[%add3A_274, %dma_start3A_281] : memref<80x128xi32, #tpu.memory_space<vmem>> -> memref<1x128xi32, #tpu.memory_space<vmem>>
      %dma_start3A_283 = tpu.memref_squeeze %dma_start3A_282 : memref<1x128xi32, #tpu.memory_space<vmem>> -> memref<128xi32, #tpu.memory_space<vmem>>
      %dma_start3A_284 = arith.constant 0 : i32
      %dma_start3A_285 = arith.constant 0 : i32
      %dma_start3A_286 = tpu.memref_slice %arg9[%dma_start3A_284, %dma_start3A_285] : memref<10240x16xf32, #tpu.memory_space<vmem_shared>> -> memref<10240x16xf32, #tpu.memory_space<vmem_shared>>
      %dma_start3A_287 = tpu.memref_slice %arg11[%dma_start3A_276] : memref<8x!tpu.dma_semaphore, #tpu.memory_space<semaphore_mem>> -> memref<1x!tpu.dma_semaphore, #tpu.memory_space<semaphore_mem>>
      %dma_start3A_288 = tpu.memref_squeeze %dma_start3A_287 : memref<1x!tpu.dma_semaphore, #tpu.memory_space<semaphore_mem>> -> memref<!tpu.dma_semaphore, #tpu.memory_space<semaphore_mem>>
      tpu.enqueue_indirect_dma source(%dma_start3A_280 : memref<128x16xf32, #tpu.memory_space<vmem>>) target(%dma_start3A_286 : memref<10240x16xf32, #tpu.memory_space<vmem_shared>>) offsets(%dma_start3A_283 : memref<128xi32, #tpu.memory_space<vmem>>) semaphore(%dma_start3A_288 : memref<!tpu.dma_semaphore, #tpu.memory_space<semaphore_mem>>) {add = true}
      %dma_wait3A_289 = arith.constant 5 : i32
      %dma_wait3A_290 = arith.constant 5 : i32
      %dma_wait3A_291 = arith.constant 0 : i32
      %dma_wait3A_292 = arith.constant 0 : i32
      %dma_wait3A_293 = tpu.memref_slice %arg7[%dma_wait3A_289, %dma_wait3A_291, %dma_wait3A_292] : memref<8x128x16xf32, #tpu.memory_space<vmem>> -> memref<1x128x16xf32, #tpu.memory_space<vmem>>
      %dma_wait3A_294 = tpu.memref_squeeze %dma_wait3A_293 : memref<1x128x16xf32, #tpu.memory_space<vmem>> -> memref<128x16xf32, #tpu.memory_space<vmem>>
      %dma_wait3A_295 = arith.constant 0 : i32
      %dma_wait3A_296 = tpu.memref_slice %arg5[%add3A_93, %dma_wait3A_295] : memref<80x128xi32, #tpu.memory_space<vmem>> -> memref<1x128xi32, #tpu.memory_space<vmem>>
      %dma_wait3A_297 = tpu.memref_squeeze %dma_wait3A_296 : memref<1x128xi32, #tpu.memory_space<vmem>> -> memref<128xi32, #tpu.memory_space<vmem>>
      %dma_wait3A_298 = arith.constant 0 : i32
      %dma_wait3A_299 = arith.constant 0 : i32
      %dma_wait3A_300 = tpu.memref_slice %arg8[%dma_wait3A_298, %dma_wait3A_299] : memref<10240x16xf32, #tpu.memory_space<vmem_shared>> -> memref<10240x16xf32, #tpu.memory_space<vmem_shared>>
      %dma_wait3A_301 = tpu.memref_slice %arg10[%dma_wait3A_290] : memref<8x!tpu.dma_semaphore, #tpu.memory_space<semaphore_mem>> -> memref<1x!tpu.dma_semaphore, #tpu.memory_space<semaphore_mem>>
      %dma_wait3A_302 = tpu.memref_squeeze %dma_wait3A_301 : memref<1x!tpu.dma_semaphore, #tpu.memory_space<semaphore_mem>> -> memref<!tpu.dma_semaphore, #tpu.memory_space<semaphore_mem>>
      tpu.wait_indirect_dma semaphore(%dma_wait3A_302 : memref<!tpu.dma_semaphore, #tpu.memory_space<semaphore_mem>>) src(%dma_wait3A_300 : memref<10240x16xf32, #tpu.memory_space<vmem_shared>>) dst(%dma_wait3A_294 : memref<128x16xf32, #tpu.memory_space<vmem>>)
      %add3A_303 = arith.constant 5 : i32
      %add3A_304 = arith.addi %mul3A_12, %add3A_303 : i32
      %dma_start3A_305 = arith.constant 5 : i32
      %dma_start3A_306 = arith.constant 5 : i32
      %dma_start3A_307 = arith.constant 0 : i32
      %dma_start3A_308 = arith.constant 0 : i32
      %dma_start3A_309 = tpu.memref_slice %arg7[%dma_start3A_305, %dma_start3A_307, %dma_start3A_308] : memref<8x128x16xf32, #tpu.memory_space<vmem>> -> memref<1x128x16xf32, #tpu.memory_space<vmem>>
      %dma_start3A_310 = tpu.memref_squeeze %dma_start3A_309 : memref<1x128x16xf32, #tpu.memory_space<vmem>> -> memref<128x16xf32, #tpu.memory_space<vmem>>
      %dma_start3A_311 = arith.constant 0 : i32
      %dma_start3A_312 = tpu.memref_slice %arg6[%add3A_304, %dma_start3A_311] : memref<80x128xi32, #tpu.memory_space<vmem>> -> memref<1x128xi32, #tpu.memory_space<vmem>>
      %dma_start3A_313 = tpu.memref_squeeze %dma_start3A_312 : memref<1x128xi32, #tpu.memory_space<vmem>> -> memref<128xi32, #tpu.memory_space<vmem>>
      %dma_start3A_314 = arith.constant 0 : i32
      %dma_start3A_315 = arith.constant 0 : i32
      %dma_start3A_316 = tpu.memref_slice %arg9[%dma_start3A_314, %dma_start3A_315] : memref<10240x16xf32, #tpu.memory_space<vmem_shared>> -> memref<10240x16xf32, #tpu.memory_space<vmem_shared>>
      %dma_start3A_317 = tpu.memref_slice %arg11[%dma_start3A_306] : memref<8x!tpu.dma_semaphore, #tpu.memory_space<semaphore_mem>> -> memref<1x!tpu.dma_semaphore, #tpu.memory_space<semaphore_mem>>
      %dma_start3A_318 = tpu.memref_squeeze %dma_start3A_317 : memref<1x!tpu.dma_semaphore, #tpu.memory_space<semaphore_mem>> -> memref<!tpu.dma_semaphore, #tpu.memory_space<semaphore_mem>>
      tpu.enqueue_indirect_dma source(%dma_start3A_310 : memref<128x16xf32, #tpu.memory_space<vmem>>) target(%dma_start3A_316 : memref<10240x16xf32, #tpu.memory_space<vmem_shared>>) offsets(%dma_start3A_313 : memref<128xi32, #tpu.memory_space<vmem>>) semaphore(%dma_start3A_318 : memref<!tpu.dma_semaphore, #tpu.memory_space<semaphore_mem>>) {add = true}
      %dma_wait3A_319 = arith.constant 6 : i32
      %dma_wait3A_320 = arith.constant 6 : i32
      %dma_wait3A_321 = arith.constant 0 : i32
      %dma_wait3A_322 = arith.constant 0 : i32
      %dma_wait3A_323 = tpu.memref_slice %arg7[%dma_wait3A_319, %dma_wait3A_321, %dma_wait3A_322] : memref<8x128x16xf32, #tpu.memory_space<vmem>> -> memref<1x128x16xf32, #tpu.memory_space<vmem>>
      %dma_wait3A_324 = tpu.memref_squeeze %dma_wait3A_323 : memref<1x128x16xf32, #tpu.memory_space<vmem>> -> memref<128x16xf32, #tpu.memory_space<vmem>>
      %dma_wait3A_325 = arith.constant 0 : i32
      %dma_wait3A_326 = tpu.memref_slice %arg5[%add3A_109, %dma_wait3A_325] : memref<80x128xi32, #tpu.memory_space<vmem>> -> memref<1x128xi32, #tpu.memory_space<vmem>>
      %dma_wait3A_327 = tpu.memref_squeeze %dma_wait3A_326 : memref<1x128xi32, #tpu.memory_space<vmem>> -> memref<128xi32, #tpu.memory_space<vmem>>
      %dma_wait3A_328 = arith.constant 0 : i32
      %dma_wait3A_329 = arith.constant 0 : i32
      %dma_wait3A_330 = tpu.memref_slice %arg8[%dma_wait3A_328, %dma_wait3A_329] : memref<10240x16xf32, #tpu.memory_space<vmem_shared>> -> memref<10240x16xf32, #tpu.memory_space<vmem_shared>>
      %dma_wait3A_331 = tpu.memref_slice %arg10[%dma_wait3A_320] : memref<8x!tpu.dma_semaphore, #tpu.memory_space<semaphore_mem>> -> memref<1x!tpu.dma_semaphore, #tpu.memory_space<semaphore_mem>>
      %dma_wait3A_332 = tpu.memref_squeeze %dma_wait3A_331 : memref<1x!tpu.dma_semaphore, #tpu.memory_space<semaphore_mem>> -> memref<!tpu.dma_semaphore, #tpu.memory_space<semaphore_mem>>
      tpu.wait_indirect_dma semaphore(%dma_wait3A_332 : memref<!tpu.dma_semaphore, #tpu.memory_space<semaphore_mem>>) src(%dma_wait3A_330 : memref<10240x16xf32, #tpu.memory_space<vmem_shared>>) dst(%dma_wait3A_324 : memref<128x16xf32, #tpu.memory_space<vmem>>)
      %add3A_333 = arith.constant 6 : i32
      %add3A_334 = arith.addi %mul3A_12, %add3A_333 : i32
      %dma_start3A_335 = arith.constant 6 : i32
      %dma_start3A_336 = arith.constant 6 : i32
      %dma_start3A_337 = arith.constant 0 : i32
      %dma_start3A_338 = arith.constant 0 : i32
      %dma_start3A_339 = tpu.memref_slice %arg7[%dma_start3A_335, %dma_start3A_337, %dma_start3A_338] : memref<8x128x16xf32, #tpu.memory_space<vmem>> -> memref<1x128x16xf32, #tpu.memory_space<vmem>>
      %dma_start3A_340 = tpu.memref_squeeze %dma_start3A_339 : memref<1x128x16xf32, #tpu.memory_space<vmem>> -> memref<128x16xf32, #tpu.memory_space<vmem>>
      %dma_start3A_341 = arith.constant 0 : i32
      %dma_start3A_342 = tpu.memref_slice %arg6[%add3A_334, %dma_start3A_341] : memref<80x128xi32, #tpu.memory_space<vmem>> -> memref<1x128xi32, #tpu.memory_space<vmem>>
      %dma_start3A_343 = tpu.memref_squeeze %dma_start3A_342 : memref<1x128xi32, #tpu.memory_space<vmem>> -> memref<128xi32, #tpu.memory_space<vmem>>
      %dma_start3A_344 = arith.constant 0 : i32
      %dma_start3A_345 = arith.constant 0 : i32
      %dma_start3A_346 = tpu.memref_slice %arg9[%dma_start3A_344, %dma_start3A_345] : memref<10240x16xf32, #tpu.memory_space<vmem_shared>> -> memref<10240x16xf32, #tpu.memory_space<vmem_shared>>
      %dma_start3A_347 = tpu.memref_slice %arg11[%dma_start3A_336] : memref<8x!tpu.dma_semaphore, #tpu.memory_space<semaphore_mem>> -> memref<1x!tpu.dma_semaphore, #tpu.memory_space<semaphore_mem>>
      %dma_start3A_348 = tpu.memref_squeeze %dma_start3A_347 : memref<1x!tpu.dma_semaphore, #tpu.memory_space<semaphore_mem>> -> memref<!tpu.dma_semaphore, #tpu.memory_space<semaphore_mem>>
      tpu.enqueue_indirect_dma source(%dma_start3A_340 : memref<128x16xf32, #tpu.memory_space<vmem>>) target(%dma_start3A_346 : memref<10240x16xf32, #tpu.memory_space<vmem_shared>>) offsets(%dma_start3A_343 : memref<128xi32, #tpu.memory_space<vmem>>) semaphore(%dma_start3A_348 : memref<!tpu.dma_semaphore, #tpu.memory_space<semaphore_mem>>) {add = true}
      %dma_wait3A_349 = arith.constant 7 : i32
      %dma_wait3A_350 = arith.constant 7 : i32
      %dma_wait3A_351 = arith.constant 0 : i32
      %dma_wait3A_352 = arith.constant 0 : i32
      %dma_wait3A_353 = tpu.memref_slice %arg7[%dma_wait3A_349, %dma_wait3A_351, %dma_wait3A_352] : memref<8x128x16xf32, #tpu.memory_space<vmem>> -> memref<1x128x16xf32, #tpu.memory_space<vmem>>
      %dma_wait3A_354 = tpu.memref_squeeze %dma_wait3A_353 : memref<1x128x16xf32, #tpu.memory_space<vmem>> -> memref<128x16xf32, #tpu.memory_space<vmem>>
      %dma_wait3A_355 = arith.constant 0 : i32
      %dma_wait3A_356 = tpu.memref_slice %arg5[%add3A_125, %dma_wait3A_355] : memref<80x128xi32, #tpu.memory_space<vmem>> -> memref<1x128xi32, #tpu.memory_space<vmem>>
      %dma_wait3A_357 = tpu.memref_squeeze %dma_wait3A_356 : memref<1x128xi32, #tpu.memory_space<vmem>> -> memref<128xi32, #tpu.memory_space<vmem>>
      %dma_wait3A_358 = arith.constant 0 : i32
      %dma_wait3A_359 = arith.constant 0 : i32
      %dma_wait3A_360 = tpu.memref_slice %arg8[%dma_wait3A_358, %dma_wait3A_359] : memref<10240x16xf32, #tpu.memory_space<vmem_shared>> -> memref<10240x16xf32, #tpu.memory_space<vmem_shared>>
      %dma_wait3A_361 = tpu.memref_slice %arg10[%dma_wait3A_350] : memref<8x!tpu.dma_semaphore, #tpu.memory_space<semaphore_mem>> -> memref<1x!tpu.dma_semaphore, #tpu.memory_space<semaphore_mem>>
      %dma_wait3A_362 = tpu.memref_squeeze %dma_wait3A_361 : memref<1x!tpu.dma_semaphore, #tpu.memory_space<semaphore_mem>> -> memref<!tpu.dma_semaphore, #tpu.memory_space<semaphore_mem>>
      tpu.wait_indirect_dma semaphore(%dma_wait3A_362 : memref<!tpu.dma_semaphore, #tpu.memory_space<semaphore_mem>>) src(%dma_wait3A_360 : memref<10240x16xf32, #tpu.memory_space<vmem_shared>>) dst(%dma_wait3A_354 : memref<128x16xf32, #tpu.memory_space<vmem>>)
      %add3A_363 = arith.constant 7 : i32
      %add3A_364 = arith.addi %mul3A_12, %add3A_363 : i32
      %dma_start3A_365 = arith.constant 7 : i32
      %dma_start3A_366 = arith.constant 7 : i32
      %dma_start3A_367 = arith.constant 0 : i32
      %dma_start3A_368 = arith.constant 0 : i32
      %dma_start3A_369 = tpu.memref_slice %arg7[%dma_start3A_365, %dma_start3A_367, %dma_start3A_368] : memref<8x128x16xf32, #tpu.memory_space<vmem>> -> memref<1x128x16xf32, #tpu.memory_space<vmem>>
      %dma_start3A_370 = tpu.memref_squeeze %dma_start3A_369 : memref<1x128x16xf32, #tpu.memory_space<vmem>> -> memref<128x16xf32, #tpu.memory_space<vmem>>
      %dma_start3A_371 = arith.constant 0 : i32
      %dma_start3A_372 = tpu.memref_slice %arg6[%add3A_364, %dma_start3A_371] : memref<80x128xi32, #tpu.memory_space<vmem>> -> memref<1x128xi32, #tpu.memory_space<vmem>>
      %dma_start3A_373 = tpu.memref_squeeze %dma_start3A_372 : memref<1x128xi32, #tpu.memory_space<vmem>> -> memref<128xi32, #tpu.memory_space<vmem>>
      %dma_start3A_374 = arith.constant 0 : i32
      %dma_start3A_375 = arith.constant 0 : i32
      %dma_start3A_376 = tpu.memref_slice %arg9[%dma_start3A_374, %dma_start3A_375] : memref<10240x16xf32, #tpu.memory_space<vmem_shared>> -> memref<10240x16xf32, #tpu.memory_space<vmem_shared>>
      %dma_start3A_377 = tpu.memref_slice %arg11[%dma_start3A_366] : memref<8x!tpu.dma_semaphore, #tpu.memory_space<semaphore_mem>> -> memref<1x!tpu.dma_semaphore, #tpu.memory_space<semaphore_mem>>
      %dma_start3A_378 = tpu.memref_squeeze %dma_start3A_377 : memref<1x!tpu.dma_semaphore, #tpu.memory_space<semaphore_mem>> -> memref<!tpu.dma_semaphore, #tpu.memory_space<semaphore_mem>>
      tpu.enqueue_indirect_dma source(%dma_start3A_370 : memref<128x16xf32, #tpu.memory_space<vmem>>) target(%dma_start3A_376 : memref<10240x16xf32, #tpu.memory_space<vmem_shared>>) offsets(%dma_start3A_373 : memref<128xi32, #tpu.memory_space<vmem>>) semaphore(%dma_start3A_378 : memref<!tpu.dma_semaphore, #tpu.memory_space<semaphore_mem>>) {add = true}
      %dma_wait3A_379 = arith.constant 0 : i32
      %dma_wait3A_380 = arith.constant 0 : i32
      %dma_wait3A_381 = arith.constant 0 : i32
      %dma_wait3A_382 = arith.constant 0 : i32
      %dma_wait3A_383 = tpu.memref_slice %arg7[%dma_wait3A_379, %dma_wait3A_381, %dma_wait3A_382] : memref<8x128x16xf32, #tpu.memory_space<vmem>> -> memref<1x128x16xf32, #tpu.memory_space<vmem>>
      %dma_wait3A_384 = tpu.memref_squeeze %dma_wait3A_383 : memref<1x128x16xf32, #tpu.memory_space<vmem>> -> memref<128x16xf32, #tpu.memory_space<vmem>>
      %dma_wait3A_385 = arith.constant 0 : i32
      %dma_wait3A_386 = tpu.memref_slice %arg6[%add3A_154, %dma_wait3A_385] : memref<80x128xi32, #tpu.memory_space<vmem>> -> memref<1x128xi32, #tpu.memory_space<vmem>>
      %dma_wait3A_387 = tpu.memref_squeeze %dma_wait3A_386 : memref<1x128xi32, #tpu.memory_space<vmem>> -> memref<128xi32, #tpu.memory_space<vmem>>
      %dma_wait3A_388 = arith.constant 0 : i32
      %dma_wait3A_389 = arith.constant 0 : i32
      %dma_wait3A_390 = tpu.memref_slice %arg9[%dma_wait3A_388, %dma_wait3A_389] : memref<10240x16xf32, #tpu.memory_space<vmem_shared>> -> memref<10240x16xf32, #tpu.memory_space<vmem_shared>>
      %dma_wait3A_391 = tpu.memref_slice %arg11[%dma_wait3A_380] : memref<8x!tpu.dma_semaphore, #tpu.memory_space<semaphore_mem>> -> memref<1x!tpu.dma_semaphore, #tpu.memory_space<semaphore_mem>>
      %dma_wait3A_392 = tpu.memref_squeeze %dma_wait3A_391 : memref<1x!tpu.dma_semaphore, #tpu.memory_space<semaphore_mem>> -> memref<!tpu.dma_semaphore, #tpu.memory_space<semaphore_mem>>
      tpu.wait_indirect_dma semaphore(%dma_wait3A_392 : memref<!tpu.dma_semaphore, #tpu.memory_space<semaphore_mem>>) src(%dma_wait3A_384 : memref<128x16xf32, #tpu.memory_space<vmem>>) dst(%dma_wait3A_390 : memref<10240x16xf32, #tpu.memory_space<vmem_shared>>)
      %dma_wait3A_393 = arith.constant 1 : i32
      %dma_wait3A_394 = arith.constant 1 : i32
      %dma_wait3A_395 = arith.constant 0 : i32
      %dma_wait3A_396 = arith.constant 0 : i32
      %dma_wait3A_397 = tpu.memref_slice %arg7[%dma_wait3A_393, %dma_wait3A_395, %dma_wait3A_396] : memref<8x128x16xf32, #tpu.memory_space<vmem>> -> memref<1x128x16xf32, #tpu.memory_space<vmem>>
      %dma_wait3A_398 = tpu.memref_squeeze %dma_wait3A_397 : memref<1x128x16xf32, #tpu.memory_space<vmem>> -> memref<128x16xf32, #tpu.memory_space<vmem>>
      %dma_wait3A_399 = arith.constant 0 : i32
      %dma_wait3A_400 = tpu.memref_slice %arg6[%add3A_184, %dma_wait3A_399] : memref<80x128xi32, #tpu.memory_space<vmem>> -> memref<1x128xi32, #tpu.memory_space<vmem>>
      %dma_wait3A_401 = tpu.memref_squeeze %dma_wait3A_400 : memref<1x128xi32, #tpu.memory_space<vmem>> -> memref<128xi32, #tpu.memory_space<vmem>>
      %dma_wait3A_402 = arith.constant 0 : i32
      %dma_wait3A_403 = arith.constant 0 : i32
      %dma_wait3A_404 = tpu.memref_slice %arg9[%dma_wait3A_402, %dma_wait3A_403] : memref<10240x16xf32, #tpu.memory_space<vmem_shared>> -> memref<10240x16xf32, #tpu.memory_space<vmem_shared>>
      %dma_wait3A_405 = tpu.memref_slice %arg11[%dma_wait3A_394] : memref<8x!tpu.dma_semaphore, #tpu.memory_space<semaphore_mem>> -> memref<1x!tpu.dma_semaphore, #tpu.memory_space<semaphore_mem>>
      %dma_wait3A_406 = tpu.memref_squeeze %dma_wait3A_405 : memref<1x!tpu.dma_semaphore, #tpu.memory_space<semaphore_mem>> -> memref<!tpu.dma_semaphore, #tpu.memory_space<semaphore_mem>>
      tpu.wait_indirect_dma semaphore(%dma_wait3A_406 : memref<!tpu.dma_semaphore, #tpu.memory_space<semaphore_mem>>) src(%dma_wait3A_398 : memref<128x16xf32, #tpu.memory_space<vmem>>) dst(%dma_wait3A_404 : memref<10240x16xf32, #tpu.memory_space<vmem_shared>>)
      %dma_wait3A_407 = arith.constant 2 : i32
      %dma_wait3A_408 = arith.constant 2 : i32
      %dma_wait3A_409 = arith.constant 0 : i32
      %dma_wait3A_410 = arith.constant 0 : i32
      %dma_wait3A_411 = tpu.memref_slice %arg7[%dma_wait3A_407, %dma_wait3A_409, %dma_wait3A_410] : memref<8x128x16xf32, #tpu.memory_space<vmem>> -> memref<1x128x16xf32, #tpu.memory_space<vmem>>
      %dma_wait3A_412 = tpu.memref_squeeze %dma_wait3A_411 : memref<1x128x16xf32, #tpu.memory_space<vmem>> -> memref<128x16xf32, #tpu.memory_space<vmem>>
      %dma_wait3A_413 = arith.constant 0 : i32
      %dma_wait3A_414 = tpu.memref_slice %arg6[%add3A_214, %dma_wait3A_413] : memref<80x128xi32, #tpu.memory_space<vmem>> -> memref<1x128xi32, #tpu.memory_space<vmem>>
      %dma_wait3A_415 = tpu.memref_squeeze %dma_wait3A_414 : memref<1x128xi32, #tpu.memory_space<vmem>> -> memref<128xi32, #tpu.memory_space<vmem>>
      %dma_wait3A_416 = arith.constant 0 : i32
      %dma_wait3A_417 = arith.constant 0 : i32
      %dma_wait3A_418 = tpu.memref_slice %arg9[%dma_wait3A_416, %dma_wait3A_417] : memref<10240x16xf32, #tpu.memory_space<vmem_shared>> -> memref<10240x16xf32, #tpu.memory_space<vmem_shared>>
      %dma_wait3A_419 = tpu.memref_slice %arg11[%dma_wait3A_408] : memref<8x!tpu.dma_semaphore, #tpu.memory_space<semaphore_mem>> -> memref<1x!tpu.dma_semaphore, #tpu.memory_space<semaphore_mem>>
      %dma_wait3A_420 = tpu.memref_squeeze %dma_wait3A_419 : memref<1x!tpu.dma_semaphore, #tpu.memory_space<semaphore_mem>> -> memref<!tpu.dma_semaphore, #tpu.memory_space<semaphore_mem>>
      tpu.wait_indirect_dma semaphore(%dma_wait3A_420 : memref<!tpu.dma_semaphore, #tpu.memory_space<semaphore_mem>>) src(%dma_wait3A_412 : memref<128x16xf32, #tpu.memory_space<vmem>>) dst(%dma_wait3A_418 : memref<10240x16xf32, #tpu.memory_space<vmem_shared>>)
      %dma_wait3A_421 = arith.constant 3 : i32
      %dma_wait3A_422 = arith.constant 3 : i32
      %dma_wait3A_423 = arith.constant 0 : i32
      %dma_wait3A_424 = arith.constant 0 : i32
      %dma_wait3A_425 = tpu.memref_slice %arg7[%dma_wait3A_421, %dma_wait3A_423, %dma_wait3A_424] : memref<8x128x16xf32, #tpu.memory_space<vmem>> -> memref<1x128x16xf32, #tpu.memory_space<vmem>>
      %dma_wait3A_426 = tpu.memref_squeeze %dma_wait3A_425 : memref<1x128x16xf32, #tpu.memory_space<vmem>> -> memref<128x16xf32, #tpu.memory_space<vmem>>
      %dma_wait3A_427 = arith.constant 0 : i32
      %dma_wait3A_428 = tpu.memref_slice %arg6[%add3A_244, %dma_wait3A_427] : memref<80x128xi32, #tpu.memory_space<vmem>> -> memref<1x128xi32, #tpu.memory_space<vmem>>
      %dma_wait3A_429 = tpu.memref_squeeze %dma_wait3A_428 : memref<1x128xi32, #tpu.memory_space<vmem>> -> memref<128xi32, #tpu.memory_space<vmem>>
      %dma_wait3A_430 = arith.constant 0 : i32
      %dma_wait3A_431 = arith.constant 0 : i32
      %dma_wait3A_432 = tpu.memref_slice %arg9[%dma_wait3A_430, %dma_wait3A_431] : memref<10240x16xf32, #tpu.memory_space<vmem_shared>> -> memref<10240x16xf32, #tpu.memory_space<vmem_shared>>
      %dma_wait3A_433 = tpu.memref_slice %arg11[%dma_wait3A_422] : memref<8x!tpu.dma_semaphore, #tpu.memory_space<semaphore_mem>> -> memref<1x!tpu.dma_semaphore, #tpu.memory_space<semaphore_mem>>
      %dma_wait3A_434 = tpu.memref_squeeze %dma_wait3A_433 : memref<1x!tpu.dma_semaphore, #tpu.memory_space<semaphore_mem>> -> memref<!tpu.dma_semaphore, #tpu.memory_space<semaphore_mem>>
      tpu.wait_indirect_dma semaphore(%dma_wait3A_434 : memref<!tpu.dma_semaphore, #tpu.memory_space<semaphore_mem>>) src(%dma_wait3A_426 : memref<128x16xf32, #tpu.memory_space<vmem>>) dst(%dma_wait3A_432 : memref<10240x16xf32, #tpu.memory_space<vmem_shared>>)
      %dma_wait3A_435 = arith.constant 4 : i32
      %dma_wait3A_436 = arith.constant 4 : i32
      %dma_wait3A_437 = arith.constant 0 : i32
      %dma_wait3A_438 = arith.constant 0 : i32
      %dma_wait3A_439 = tpu.memref_slice %arg7[%dma_wait3A_435, %dma_wait3A_437, %dma_wait3A_438] : memref<8x128x16xf32, #tpu.memory_space<vmem>> -> memref<1x128x16xf32, #tpu.memory_space<vmem>>
      %dma_wait3A_440 = tpu.memref_squeeze %dma_wait3A_439 : memref<1x128x16xf32, #tpu.memory_space<vmem>> -> memref<128x16xf32, #tpu.memory_space<vmem>>
      %dma_wait3A_441 = arith.constant 0 : i32
      %dma_wait3A_442 = tpu.memref_slice %arg6[%add3A_274, %dma_wait3A_441] : memref<80x128xi32, #tpu.memory_space<vmem>> -> memref<1x128xi32, #tpu.memory_space<vmem>>
      %dma_wait3A_443 = tpu.memref_squeeze %dma_wait3A_442 : memref<1x128xi32, #tpu.memory_space<vmem>> -> memref<128xi32, #tpu.memory_space<vmem>>
      %dma_wait3A_444 = arith.constant 0 : i32
      %dma_wait3A_445 = arith.constant 0 : i32
      %dma_wait3A_446 = tpu.memref_slice %arg9[%dma_wait3A_444, %dma_wait3A_445] : memref<10240x16xf32, #tpu.memory_space<vmem_shared>> -> memref<10240x16xf32, #tpu.memory_space<vmem_shared>>
      %dma_wait3A_447 = tpu.memref_slice %arg11[%dma_wait3A_436] : memref<8x!tpu.dma_semaphore, #tpu.memory_space<semaphore_mem>> -> memref<1x!tpu.dma_semaphore, #tpu.memory_space<semaphore_mem>>
      %dma_wait3A_448 = tpu.memref_squeeze %dma_wait3A_447 : memref<1x!tpu.dma_semaphore, #tpu.memory_space<semaphore_mem>> -> memref<!tpu.dma_semaphore, #tpu.memory_space<semaphore_mem>>
      tpu.wait_indirect_dma semaphore(%dma_wait3A_448 : memref<!tpu.dma_semaphore, #tpu.memory_space<semaphore_mem>>) src(%dma_wait3A_440 : memref<128x16xf32, #tpu.memory_space<vmem>>) dst(%dma_wait3A_446 : memref<10240x16xf32, #tpu.memory_space<vmem_shared>>)
      %dma_wait3A_449 = arith.constant 5 : i32
      %dma_wait3A_450 = arith.constant 5 : i32
      %dma_wait3A_451 = arith.constant 0 : i32
      %dma_wait3A_452 = arith.constant 0 : i32
      %dma_wait3A_453 = tpu.memref_slice %arg7[%dma_wait3A_449, %dma_wait3A_451, %dma_wait3A_452] : memref<8x128x16xf32, #tpu.memory_space<vmem>> -> memref<1x128x16xf32, #tpu.memory_space<vmem>>
      %dma_wait3A_454 = tpu.memref_squeeze %dma_wait3A_453 : memref<1x128x16xf32, #tpu.memory_space<vmem>> -> memref<128x16xf32, #tpu.memory_space<vmem>>
      %dma_wait3A_455 = arith.constant 0 : i32
      %dma_wait3A_456 = tpu.memref_slice %arg6[%add3A_304, %dma_wait3A_455] : memref<80x128xi32, #tpu.memory_space<vmem>> -> memref<1x128xi32, #tpu.memory_space<vmem>>
      %dma_wait3A_457 = tpu.memref_squeeze %dma_wait3A_456 : memref<1x128xi32, #tpu.memory_space<vmem>> -> memref<128xi32, #tpu.memory_space<vmem>>
      %dma_wait3A_458 = arith.constant 0 : i32
      %dma_wait3A_459 = arith.constant 0 : i32
      %dma_wait3A_460 = tpu.memref_slice %arg9[%dma_wait3A_458, %dma_wait3A_459] : memref<10240x16xf32, #tpu.memory_space<vmem_shared>> -> memref<10240x16xf32, #tpu.memory_space<vmem_shared>>
      %dma_wait3A_461 = tpu.memref_slice %arg11[%dma_wait3A_450] : memref<8x!tpu.dma_semaphore, #tpu.memory_space<semaphore_mem>> -> memref<1x!tpu.dma_semaphore, #tpu.memory_space<semaphore_mem>>
      %dma_wait3A_462 = tpu.memref_squeeze %dma_wait3A_461 : memref<1x!tpu.dma_semaphore, #tpu.memory_space<semaphore_mem>> -> memref<!tpu.dma_semaphore, #tpu.memory_space<semaphore_mem>>
      tpu.wait_indirect_dma semaphore(%dma_wait3A_462 : memref<!tpu.dma_semaphore, #tpu.memory_space<semaphore_mem>>) src(%dma_wait3A_454 : memref<128x16xf32, #tpu.memory_space<vmem>>) dst(%dma_wait3A_460 : memref<10240x16xf32, #tpu.memory_space<vmem_shared>>)
      %dma_wait3A_463 = arith.constant 6 : i32
      %dma_wait3A_464 = arith.constant 6 : i32
      %dma_wait3A_465 = arith.constant 0 : i32
      %dma_wait3A_466 = arith.constant 0 : i32
      %dma_wait3A_467 = tpu.memref_slice %arg7[%dma_wait3A_463, %dma_wait3A_465, %dma_wait3A_466] : memref<8x128x16xf32, #tpu.memory_space<vmem>> -> memref<1x128x16xf32, #tpu.memory_space<vmem>>
      %dma_wait3A_468 = tpu.memref_squeeze %dma_wait3A_467 : memref<1x128x16xf32, #tpu.memory_space<vmem>> -> memref<128x16xf32, #tpu.memory_space<vmem>>
      %dma_wait3A_469 = arith.constant 0 : i32
      %dma_wait3A_470 = tpu.memref_slice %arg6[%add3A_334, %dma_wait3A_469] : memref<80x128xi32, #tpu.memory_space<vmem>> -> memref<1x128xi32, #tpu.memory_space<vmem>>
      %dma_wait3A_471 = tpu.memref_squeeze %dma_wait3A_470 : memref<1x128xi32, #tpu.memory_space<vmem>> -> memref<128xi32, #tpu.memory_space<vmem>>
      %dma_wait3A_472 = arith.constant 0 : i32
      %dma_wait3A_473 = arith.constant 0 : i32
      %dma_wait3A_474 = tpu.memref_slice %arg9[%dma_wait3A_472, %dma_wait3A_473] : memref<10240x16xf32, #tpu.memory_space<vmem_shared>> -> memref<10240x16xf32, #tpu.memory_space<vmem_shared>>
      %dma_wait3A_475 = tpu.memref_slice %arg11[%dma_wait3A_464] : memref<8x!tpu.dma_semaphore, #tpu.memory_space<semaphore_mem>> -> memref<1x!tpu.dma_semaphore, #tpu.memory_space<semaphore_mem>>
      %dma_wait3A_476 = tpu.memref_squeeze %dma_wait3A_475 : memref<1x!tpu.dma_semaphore, #tpu.memory_space<semaphore_mem>> -> memref<!tpu.dma_semaphore, #tpu.memory_space<semaphore_mem>>
      tpu.wait_indirect_dma semaphore(%dma_wait3A_476 : memref<!tpu.dma_semaphore, #tpu.memory_space<semaphore_mem>>) src(%dma_wait3A_468 : memref<128x16xf32, #tpu.memory_space<vmem>>) dst(%dma_wait3A_474 : memref<10240x16xf32, #tpu.memory_space<vmem_shared>>)
      %dma_wait3A_477 = arith.constant 7 : i32
      %dma_wait3A_478 = arith.constant 7 : i32
      %dma_wait3A_479 = arith.constant 0 : i32
      %dma_wait3A_480 = arith.constant 0 : i32
      %dma_wait3A_481 = tpu.memref_slice %arg7[%dma_wait3A_477, %dma_wait3A_479, %dma_wait3A_480] : memref<8x128x16xf32, #tpu.memory_space<vmem>> -> memref<1x128x16xf32, #tpu.memory_space<vmem>>
      %dma_wait3A_482 = tpu.memref_squeeze %dma_wait3A_481 : memref<1x128x16xf32, #tpu.memory_space<vmem>> -> memref<128x16xf32, #tpu.memory_space<vmem>>
      %dma_wait3A_483 = arith.constant 0 : i32
      %dma_wait3A_484 = tpu.memref_slice %arg6[%add3A_364, %dma_wait3A_483] : memref<80x128xi32, #tpu.memory_space<vmem>> -> memref<1x128xi32, #tpu.memory_space<vmem>>
      %dma_wait3A_485 = tpu.memref_squeeze %dma_wait3A_484 : memref<1x128xi32, #tpu.memory_space<vmem>> -> memref<128xi32, #tpu.memory_space<vmem>>
      %dma_wait3A_486 = arith.constant 0 : i32
      %dma_wait3A_487 = arith.constant 0 : i32
      %dma_wait3A_488 = tpu.memref_slice %arg9[%dma_wait3A_486, %dma_wait3A_487] : memref<10240x16xf32, #tpu.memory_space<vmem_shared>> -> memref<10240x16xf32, #tpu.memory_space<vmem_shared>>
      %dma_wait3A_489 = tpu.memref_slice %arg11[%dma_wait3A_478] : memref<8x!tpu.dma_semaphore, #tpu.memory_space<semaphore_mem>> -> memref<1x!tpu.dma_semaphore, #tpu.memory_space<semaphore_mem>>
      %dma_wait3A_490 = tpu.memref_squeeze %dma_wait3A_489 : memref<1x!tpu.dma_semaphore, #tpu.memory_space<semaphore_mem>> -> memref<!tpu.dma_semaphore, #tpu.memory_space<semaphore_mem>>
      tpu.wait_indirect_dma semaphore(%dma_wait3A_490 : memref<!tpu.dma_semaphore, #tpu.memory_space<semaphore_mem>>) src(%dma_wait3A_482 : memref<128x16xf32, #tpu.memory_space<vmem>>) dst(%dma_wait3A_488 : memref<10240x16xf32, #tpu.memory_space<vmem_shared>>)
    }
    %scan3A_8 = arith.constant 10 : i32
    %barrier3A_9 = arith.constant 0 : index
    tpu.barrier barrier_id(%barrier3A_9)
    "tpu.region"() ({
      %run_scoped3A_10 = tpu.sem_alloc : memref<!tpu.dma_semaphore, #tpu.memory_space<semaphore_mem>>
      %dma_start3A = arith.constant 0 : i32
      %dma_start3A_11 = tpu.memref_slice %arg4[%arg0, %mul3A_2, %dma_start3A] : memref<2x10240x16xf32, #tpu.memory_space<hbm>> -> memref<1x640x16xf32, #tpu.memory_space<hbm>>
      %dma_start3A_12 = tpu.memref_squeeze %dma_start3A_11 : memref<1x640x16xf32, #tpu.memory_space<hbm>> -> memref<640x16xf32, #tpu.memory_space<hbm>>
      %dma_start3A_13 = arith.constant 0 : i32
      %dma_start3A_14 = tpu.memref_slice %arg9[%mul3A_2, %dma_start3A_13] : memref<10240x16xf32, #tpu.memory_space<vmem_shared>> -> memref<640x16xf32, #tpu.memory_space<vmem_shared>>
      tpu.enqueue_dma source(%dma_start3A_14 : memref<640x16xf32, #tpu.memory_space<vmem_shared>>) target(%dma_start3A_12 : memref<640x16xf32, #tpu.memory_space<hbm>>) target_semaphore(%run_scoped3A_10 : memref<!tpu.dma_semaphore, #tpu.memory_space<semaphore_mem>>)
      %dma_wait3A = arith.constant 0 : i32
      %dma_wait3A_15 = tpu.memref_slice %arg4[%arg0, %mul3A_2, %dma_wait3A] : memref<2x10240x16xf32, #tpu.memory_space<hbm>> -> memref<1x640x16xf32, #tpu.memory_space<hbm>>
      %dma_wait3A_16 = tpu.memref_squeeze %dma_wait3A_15 : memref<1x640x16xf32, #tpu.memory_space<hbm>> -> memref<640x16xf32, #tpu.memory_space<hbm>>
      %dma_wait3A_17 = arith.constant 0 : i32
      %dma_wait3A_18 = tpu.memref_slice %arg9[%mul3A_2, %dma_wait3A_17] : memref<10240x16xf32, #tpu.memory_space<vmem_shared>> -> memref<640x16xf32, #tpu.memory_space<vmem_shared>>
      tpu.wait_dma2 semaphore(%run_scoped3A_10 : memref<!tpu.dma_semaphore, #tpu.memory_space<semaphore_mem>>) src(%dma_wait3A_18 : memref<640x16xf32, #tpu.memory_space<vmem_shared>>) dst(%dma_wait3A_16 : memref<640x16xf32, #tpu.memory_space<hbm>>)
      tpu.yield
    }) : () -> ()
    return
  }
}

module attributes {stable_mosaic.version = 14 : i64} {
  func.func @_tc1a_body(%arg0: i32, %arg1: memref<1280x1024xf32, #tpu.memory_space<vmem>>, %arg2: memref<1024x128xf32, #tpu.memory_space<vmem>>, %arg3: memref<1280x128xf32, #tpu.memory_space<vmem>>) attributes {dimension_semantics = [#tpu.dimension_semantics<arbitrary>], iteration_bounds = array<i64: 1>, scalar_prefetch = 0 : i64, scratch_operands = 0 : i64, tpu.core_type = #tpu.core_type<tc>, window_params = [{pipeline_mode = #tpu.pipeline_mode<synchronous>, transform_indices = @transform_0, window_bounds = array<i64: 1280, 1024>}, {pipeline_mode = #tpu.pipeline_mode<synchronous>, transform_indices = @transform_1, window_bounds = array<i64: 1024, 128>}, {pipeline_mode = #tpu.pipeline_mode<synchronous>, transform_indices = @transform_2, window_bounds = array<i64: 1280, 128>}]} {
    %get3A = arith.constant 0 : index
    %get3A_0 = arith.constant 0 : index
    %get3A_1 = vector.load %arg1[%get3A, %get3A_0] : memref<1280x1024xf32, #tpu.memory_space<vmem>>, vector<1280x1024xf32>
    %get3A_2 = arith.constant 0 : index
    %get3A_3 = arith.constant 0 : index
    %get3A_4 = vector.load %arg2[%get3A_2, %get3A_3] : memref<1024x128xf32, #tpu.memory_space<vmem>>, vector<1024x128xf32>
    %dot_general3A = arith.constant dense<0.000000e+00> : vector<1280x128xf32>
    %dot_general3A_5 = tpu.matmul %get3A_1, %get3A_4, %dot_general3A {dimension_numbers = #tpu.dot_dimension_numbers<[1], [0], [0], [1], [0, 0, 1, 1], [], []>, transpose_lhs_hint = false} : vector<1280x1024xf32>, vector<1024x128xf32>, vector<1280x128xf32> -> vector<1280x128xf32>
    %swap3A = arith.constant 0 : index
    %swap3A_6 = arith.constant 0 : index
    %swap3A_7 = vector.load %arg3[%swap3A, %swap3A_6] : memref<1280x128xf32, #tpu.memory_space<vmem>>, vector<1280x128xf32>
    tpu.vector_store %arg3[%swap3A, %swap3A_6], %dot_general3A_5 {strides = array<i32>} : memref<1280x128xf32, #tpu.memory_space<vmem>>, vector<1280x128xf32>,
    return
  }
  func.func @transform_0(%arg0: i32) -> (i32, i32) {
    %c0_i32 = arith.constant 0 : i32
    %c0_i32_0 = arith.constant 0 : i32
    %c0_i32_1 = arith.constant 0 : i32
    return %c0_i32, %c0_i32_0 : i32, i32
  }
  func.func @transform_1(%arg0: i32) -> (i32, i32) {
    %c0_i32 = arith.constant 0 : i32
    %c0_i32_0 = arith.constant 0 : i32
    %c0_i32_1 = arith.constant 0 : i32
    return %c0_i32, %c0_i32_0 : i32, i32
  }
  func.func @transform_2(%arg0: i32) -> (i32, i32) {
    %c0_i32 = arith.constant 0 : i32
    %c0_i32_0 = arith.constant 0 : i32
    %c0_i32_1 = arith.constant 0 : i32
    return %c0_i32, %c0_i32_0 : i32, i32
  }
}

module attributes {stable_mosaic.version = 14 : i64} {
  func.func @_tc1b_body(%arg0: i32, %arg1: memref<640x128xf32, #tpu.memory_space<vmem>>, %arg2: memref<1x640x128xf32, #tpu.memory_space<vmem>>, %arg3: memref<1x640x128xf32, #tpu.memory_space<vmem>>, %arg4: memref<640x128xf32, #tpu.memory_space<vmem>>) attributes {dimension_semantics = [#tpu.dimension_semantics<arbitrary>], iteration_bounds = array<i64: 2>, scalar_prefetch = 0 : i64, scratch_operands = 0 : i64, tpu.core_type = #tpu.core_type<tc>, window_params = [{transform_indices = @transform_0, window_bounds = array<i64: 640, 128>}, {transform_indices = @transform_1, window_bounds = array<i64: 1, 640, 128>}, {transform_indices = @transform_2, window_bounds = array<i64: 1, 640, 128>}, {transform_indices = @transform_3, window_bounds = array<i64: 640, 128>}]} {
    %get3A = arith.constant 0 : index
    %get3A_0 = arith.constant 0 : index
    %get3A_1 = arith.constant 0 : index
    %get3A_2 = vector.load %arg2[%get3A, %get3A_0, %get3A_1] : memref<1x640x128xf32, #tpu.memory_space<vmem>>, vector<1x640x128xf32>
    %get3A_3 = vector.shape_cast %get3A_2 : vector<1x640x128xf32> to vector<640x128xf32>
    %get3A_4 = arith.constant 0 : index
    %get3A_5 = arith.constant 0 : index
    %get3A_6 = arith.constant 0 : index
    %get3A_7 = vector.load %arg3[%get3A_4, %get3A_5, %get3A_6] : memref<1x640x128xf32, #tpu.memory_space<vmem>>, vector<1x640x128xf32>
    %get3A_8 = vector.shape_cast %get3A_7 : vector<1x640x128xf32> to vector<640x128xf32>
    %add3A = arith.addf %get3A_3, %get3A_8 : vector<640x128xf32>
    %add3A_9 = arith.constant 1.000000e+00 : f32
    %add3A_10 = vector.broadcast %add3A_9 : f32 to vector<640x128xf32>
    %add3A_11 = arith.addf %add3A, %add3A_10 : vector<640x128xf32>
    %rsqrt3A = math.rsqrt %add3A_11 : vector<640x128xf32>
    %get3A_12 = arith.constant 0 : index
    %get3A_13 = arith.constant 0 : index
    %get3A_14 = vector.load %arg1[%get3A_12, %get3A_13] : memref<640x128xf32, #tpu.memory_space<vmem>>, vector<640x128xf32>
    %mul3A = arith.mulf %get3A_14, %rsqrt3A : vector<640x128xf32>
    %swap3A = arith.constant 0 : index
    %swap3A_15 = arith.constant 0 : index
    %swap3A_16 = vector.load %arg4[%swap3A, %swap3A_15] : memref<640x128xf32, #tpu.memory_space<vmem>>, vector<640x128xf32>
    tpu.vector_store %arg4[%swap3A, %swap3A_15], %mul3A {strides = array<i32>} : memref<640x128xf32, #tpu.memory_space<vmem>>, vector<640x128xf32>,
    return
  }
  func.func @transform_0(%arg0: i32) -> (i32, i32) {
    %c0_i32 = arith.constant 0 : i32
    %c0_i32_0 = arith.constant 0 : i32
    return %arg0, %c0_i32 : i32, i32
  }
  func.func @transform_1(%arg0: i32) -> (i32, i32, i32) {
    %c0_i32 = arith.constant 0 : i32
    %c0_i32_0 = arith.constant 0 : i32
    %c0_i32_1 = arith.constant 0 : i32
    return %c0_i32, %arg0, %c0_i32_0 : i32, i32, i32
  }
  func.func @transform_2(%arg0: i32) -> (i32, i32, i32) {
    %c1_i32 = arith.constant 1 : i32
    %c0_i32 = arith.constant 0 : i32
    %c0_i32_0 = arith.constant 0 : i32
    return %c1_i32, %arg0, %c0_i32 : i32, i32, i32
  }
  func.func @transform_3(%arg0: i32) -> (i32, i32) {
    %c0_i32 = arith.constant 0 : i32
    %c0_i32_0 = arith.constant 0 : i32
    return %arg0, %c0_i32 : i32, i32
  }
}

module attributes {stable_mosaic.version = 14 : i64} {
  func.func @_tc2f_body(%arg0: i32, %arg1: memref<1x128x128xf32, #tpu.memory_space<vmem>>, %arg2: memref<1x128x128xf32, #tpu.memory_space<vmem>>, %arg3: memref<128x128xf32, #tpu.memory_space<vmem>>, %arg4: memref<1x128x128xf32, #tpu.memory_space<vmem>>, %arg5: memref<1x128x128xf32, #tpu.memory_space<vmem>>, %arg6: memref<1x128xf32, #tpu.memory_space<vmem>>, %arg7: memref<128x128xf32, #tpu.memory_space<vmem>>) attributes {dimension_semantics = [#tpu.dimension_semantics<arbitrary>], iteration_bounds = array<i64: 10>, scalar_prefetch = 0 : i64, scratch_operands = 0 : i64, tpu.core_type = #tpu.core_type<tc>, window_params = [{transform_indices = @transform_0, window_bounds = array<i64: 1, 128, 128>}, {transform_indices = @transform_1, window_bounds = array<i64: 1, 128, 128>}, {transform_indices = @transform_2, window_bounds = array<i64: 128, 128>}, {transform_indices = @transform_3, window_bounds = array<i64: 1, 128, 128>}, {transform_indices = @transform_4, window_bounds = array<i64: 1, 128, 128>}, {pipeline_mode = #tpu.pipeline_mode<synchronous>, transform_indices = @transform_5, window_bounds = array<i64: 1, 128>}, {transform_indices = @transform_6, window_bounds = array<i64: 128, 128>}]} {
    %get3A = arith.constant 0 : index
    %get3A_0 = arith.constant 0 : index
    %get3A_1 = arith.constant 0 : index
    %get3A_2 = vector.load %arg4[%get3A, %get3A_0, %get3A_1] : memref<1x128x128xf32, #tpu.memory_space<vmem>>, vector<1x128x128xf32>
    %get3A_3 = vector.shape_cast %get3A_2 : vector<1x128x128xf32> to vector<128x128xf32>
    %get3A_4 = arith.constant 0 : index
    %get3A_5 = arith.constant 0 : index
    %get3A_6 = arith.constant 0 : index
    %get3A_7 = vector.load %arg5[%get3A_4, %get3A_5, %get3A_6] : memref<1x128x128xf32, #tpu.memory_space<vmem>>, vector<1x128x128xf32>
    %get3A_8 = vector.shape_cast %get3A_7 : vector<1x128x128xf32> to vector<128x128xf32>
    %add3A = arith.addf %get3A_3, %get3A_8 : vector<128x128xf32>
    %add3A_9 = arith.constant 1.000000e+00 : f32
    %add3A_10 = vector.broadcast %add3A_9 : f32 to vector<128x128xf32>
    %add3A_11 = arith.addf %add3A, %add3A_10 : vector<128x128xf32>
    %rsqrt3A = math.rsqrt %add3A_11 : vector<128x128xf32>
    %get3A_12 = arith.constant 0 : index
    %get3A_13 = arith.constant 0 : index
    %get3A_14 = arith.constant 0 : index
    %get3A_15 = vector.load %arg1[%get3A_12, %get3A_13, %get3A_14] : memref<1x128x128xf32, #tpu.memory_space<vmem>>, vector<1x128x128xf32>
    %get3A_16 = vector.shape_cast %get3A_15 : vector<1x128x128xf32> to vector<128x128xf32>
    %get3A_17 = arith.constant 0 : index
    %get3A_18 = arith.constant 0 : index
    %get3A_19 = arith.constant 0 : index
    %get3A_20 = vector.load %arg2[%get3A_17, %get3A_18, %get3A_19] : memref<1x128x128xf32, #tpu.memory_space<vmem>>, vector<1x128x128xf32>
    %get3A_21 = vector.shape_cast %get3A_20 : vector<1x128x128xf32> to vector<128x128xf32>
    %add3A_22 = arith.addf %get3A_16, %get3A_21 : vector<128x128xf32>
    %get3A_23 = arith.constant 0 : index
    %get3A_24 = arith.constant 0 : index
    %get3A_25 = vector.load %arg3[%get3A_23, %get3A_24] : memref<128x128xf32, #tpu.memory_space<vmem>>, vector<128x128xf32>
    %sub3A = arith.subf %add3A_22, %get3A_25 : vector<128x128xf32>
    %mul3A = arith.mulf %rsqrt3A, %sub3A : vector<128x128xf32>
    %get3A_26 = arith.constant 0 : index
    %get3A_27 = arith.constant 0 : index
    %get3A_28 = vector.load %arg6[%get3A_26, %get3A_27] : memref<1x128xf32, #tpu.memory_space<vmem>>, vector<1x128xf32>
    %add3A_29 = vector.broadcast %get3A_28 : vector<1x128xf32> to vector<128x128xf32>
    %add3A_30 = arith.addf %mul3A, %add3A_29 : vector<128x128xf32>
    %max3A = arith.constant 0.000000e+00 : f32
    %max3A_31 = vector.broadcast %max3A : f32 to vector<128x128xf32>
    %max3A_32 = arith.maximumf %add3A_30, %max3A_31 : vector<128x128xf32>
    %mul3A_33 = arith.mulf %rsqrt3A, %max3A_32 : vector<128x128xf32>
    %swap3A = arith.constant 0 : index
    %swap3A_34 = arith.constant 0 : index
    %swap3A_35 = vector.load %arg7[%swap3A, %swap3A_34] : memref<128x128xf32, #tpu.memory_space<vmem>>, vector<128x128xf32>
    tpu.vector_store %arg7[%swap3A, %swap3A_34], %mul3A_33 {strides = array<i32>} : memref<128x128xf32, #tpu.memory_space<vmem>>, vector<128x128xf32>,
    return
  }
  func.func @transform_0(%arg0: i32) -> (i32, i32, i32) {
    %c0_i32 = arith.constant 0 : i32
    %c0_i32_0 = arith.constant 0 : i32
    %c0_i32_1 = arith.constant 0 : i32
    return %c0_i32, %arg0, %c0_i32_0 : i32, i32, i32
  }
  func.func @transform_1(%arg0: i32) -> (i32, i32, i32) {
    %c1_i32 = arith.constant 1 : i32
    %c0_i32 = arith.constant 0 : i32
    %c0_i32_0 = arith.constant 0 : i32
    return %c1_i32, %arg0, %c0_i32 : i32, i32, i32
  }
  func.func @transform_2(%arg0: i32) -> (i32, i32) {
    %c0_i32 = arith.constant 0 : i32
    %c0_i32_0 = arith.constant 0 : i32
    return %arg0, %c0_i32 : i32, i32
  }
  func.func @transform_3(%arg0: i32) -> (i32, i32, i32) {
    %c0_i32 = arith.constant 0 : i32
    %c0_i32_0 = arith.constant 0 : i32
    %c0_i32_1 = arith.constant 0 : i32
    return %c0_i32, %arg0, %c0_i32_0 : i32, i32, i32
  }
  func.func @transform_4(%arg0: i32) -> (i32, i32, i32) {
    %c1_i32 = arith.constant 1 : i32
    %c0_i32 = arith.constant 0 : i32
    %c0_i32_0 = arith.constant 0 : i32
    return %c1_i32, %arg0, %c0_i32 : i32, i32, i32
  }
  func.func @transform_5(%arg0: i32) -> (i32, i32) {
    %c0_i32 = arith.constant 0 : i32
    %c0_i32_0 = arith.constant 0 : i32
    %c0_i32_1 = arith.constant 0 : i32
    return %c0_i32, %c0_i32_0 : i32, i32
  }
  func.func @transform_6(%arg0: i32) -> (i32, i32) {
    %c0_i32 = arith.constant 0 : i32
    %c0_i32_0 = arith.constant 0 : i32
    return %arg0, %c0_i32 : i32, i32
  }
}

module attributes {stable_mosaic.version = 14 : i64} {
  func.func @_tc3f_body(%arg0: i32, %arg1: memref<1x128x128xf32, #tpu.memory_space<vmem>>, %arg2: memref<1x128x128xf32, #tpu.memory_space<vmem>>, %arg3: memref<128x128xf32, #tpu.memory_space<vmem>>, %arg4: memref<1x128x128xf32, #tpu.memory_space<vmem>>, %arg5: memref<1x128x128xf32, #tpu.memory_space<vmem>>, %arg6: memref<128x320xf32, #tpu.memory_space<vmem>>, %arg7: memref<320x320xf32, #tpu.memory_space<vmem>>, %arg8: memref<1x320xf32, #tpu.memory_space<vmem>>, %arg9: memref<128x320xf32, #tpu.memory_space<vmem>>) attributes {dimension_semantics = [#tpu.dimension_semantics<arbitrary>], iteration_bounds = array<i64: 10>, scalar_prefetch = 0 : i64, scratch_operands = 0 : i64, tpu.core_type = #tpu.core_type<tc>, window_params = [{transform_indices = @transform_0, window_bounds = array<i64: 1, 128, 128>}, {transform_indices = @transform_1, window_bounds = array<i64: 1, 128, 128>}, {transform_indices = @transform_2, window_bounds = array<i64: 128, 128>}, {transform_indices = @transform_3, window_bounds = array<i64: 1, 128, 128>}, {transform_indices = @transform_4, window_bounds = array<i64: 1, 128, 128>}, {pipeline_mode = #tpu.pipeline_mode<synchronous>, transform_indices = @transform_5, window_bounds = array<i64: 128, 320>}, {pipeline_mode = #tpu.pipeline_mode<synchronous>, transform_indices = @transform_6, window_bounds = array<i64: 320, 320>}, {pipeline_mode = #tpu.pipeline_mode<synchronous>, transform_indices = @transform_7, window_bounds = array<i64: 1, 320>}, {transform_indices = @transform_8, window_bounds = array<i64: 128, 320>}]} {
    %get3A = arith.constant 0 : index
    %get3A_0 = arith.constant 0 : index
    %get3A_1 = arith.constant 0 : index
    %get3A_2 = vector.load %arg4[%get3A, %get3A_0, %get3A_1] : memref<1x128x128xf32, #tpu.memory_space<vmem>>, vector<1x128x128xf32>
    %get3A_3 = vector.shape_cast %get3A_2 : vector<1x128x128xf32> to vector<128x128xf32>
    %get3A_4 = arith.constant 0 : index
    %get3A_5 = arith.constant 0 : index
    %get3A_6 = arith.constant 0 : index
    %get3A_7 = vector.load %arg5[%get3A_4, %get3A_5, %get3A_6] : memref<1x128x128xf32, #tpu.memory_space<vmem>>, vector<1x128x128xf32>
    %get3A_8 = vector.shape_cast %get3A_7 : vector<1x128x128xf32> to vector<128x128xf32>
    %add3A = arith.addf %get3A_3, %get3A_8 : vector<128x128xf32>
    %add3A_9 = arith.constant 1.000000e+00 : f32
    %add3A_10 = vector.broadcast %add3A_9 : f32 to vector<128x128xf32>
    %add3A_11 = arith.addf %add3A, %add3A_10 : vector<128x128xf32>
    %rsqrt3A = math.rsqrt %add3A_11 : vector<128x128xf32>
    %get3A_12 = arith.constant 0 : index
    %get3A_13 = arith.constant 0 : index
    %get3A_14 = arith.constant 0 : index
    %get3A_15 = vector.load %arg1[%get3A_12, %get3A_13, %get3A_14] : memref<1x128x128xf32, #tpu.memory_space<vmem>>, vector<1x128x128xf32>
    %get3A_16 = vector.shape_cast %get3A_15 : vector<1x128x128xf32> to vector<128x128xf32>
    %get3A_17 = arith.constant 0 : index
    %get3A_18 = arith.constant 0 : index
    %get3A_19 = arith.constant 0 : index
    %get3A_20 = vector.load %arg2[%get3A_17, %get3A_18, %get3A_19] : memref<1x128x128xf32, #tpu.memory_space<vmem>>, vector<1x128x128xf32>
    %get3A_21 = vector.shape_cast %get3A_20 : vector<1x128x128xf32> to vector<128x128xf32>
    %add3A_22 = arith.addf %get3A_16, %get3A_21 : vector<128x128xf32>
    %get3A_23 = arith.constant 0 : index
    %get3A_24 = arith.constant 0 : index
    %get3A_25 = vector.load %arg3[%get3A_23, %get3A_24] : memref<128x128xf32, #tpu.memory_space<vmem>>, vector<128x128xf32>
    %sub3A = arith.subf %add3A_22, %get3A_25 : vector<128x128xf32>
    %mul3A = arith.mulf %rsqrt3A, %sub3A : vector<128x128xf32>
    %get3A_26 = arith.constant 0 : index
    %get3A_27 = arith.constant 0 : index
    %get3A_28 = vector.load %arg6[%get3A_26, %get3A_27] : memref<128x320xf32, #tpu.memory_space<vmem>>, vector<128x320xf32>
    %dot_general3A = arith.constant dense<0.000000e+00> : vector<128x320xf32>
    %dot_general3A_29 = tpu.matmul %mul3A, %get3A_28, %dot_general3A {dimension_numbers = #tpu.dot_dimension_numbers<[1], [0], [0], [1], [0, 0, 1, 1], [], []>, transpose_lhs_hint = false} : vector<128x128xf32>, vector<128x320xf32>, vector<128x320xf32> -> vector<128x320xf32>
    %get3A_30 = arith.constant 0 : index
    %get3A_31 = arith.constant 0 : index
    %get3A_32 = vector.load %arg8[%get3A_30, %get3A_31] : memref<1x320xf32, #tpu.memory_space<vmem>>, vector<1x320xf32>
    %add3A_33 = vector.broadcast %get3A_32 : vector<1x320xf32> to vector<128x320xf32>
    %add3A_34 = arith.addf %dot_general3A_29, %add3A_33 : vector<128x320xf32>
    %reduce_max3A = arith.constant dense<0xFF800000> : vector<128xf32>
    %reduce_max3A_35 = vector.multi_reduction <maximumf>, %add3A_34, %reduce_max3A [1] : vector<128x320xf32> to vector<128xf32>
    %broadcast_in_dim3A = vector.shape_cast %reduce_max3A_35 : vector<128xf32> to vector<128x1xf32>
    %sub3A_36 = vector.broadcast %broadcast_in_dim3A : vector<128x1xf32> to vector<128x320xf32>
    %sub3A_37 = arith.subf %add3A_34, %sub3A_36 : vector<128x320xf32>
    %exp3A = math.exp %sub3A_37 : vector<128x320xf32>
    %get3A_38 = arith.constant 0 : index
    %get3A_39 = arith.constant 0 : index
    %get3A_40 = vector.load %arg7[%get3A_38, %get3A_39] : memref<320x320xf32, #tpu.memory_space<vmem>>, vector<320x320xf32>
    %dot_general3A_41 = arith.constant dense<0.000000e+00> : vector<128x320xf32>
    %dot_general3A_42 = tpu.matmul %exp3A, %get3A_40, %dot_general3A_41 {dimension_numbers = #tpu.dot_dimension_numbers<[1], [0], [0], [1], [0, 0, 1, 1], [], []>, transpose_lhs_hint = false} : vector<128x320xf32>, vector<320x320xf32>, vector<128x320xf32> -> vector<128x320xf32>
    %sub3A_43 = vector.broadcast %broadcast_in_dim3A : vector<128x1xf32> to vector<128x320xf32>
    %sub3A_44 = arith.subf %add3A_34, %sub3A_43 : vector<128x320xf32>
    %log3A = math.log %dot_general3A_42 : vector<128x320xf32>
    %sub3A_45 = arith.subf %sub3A_44, %log3A : vector<128x320xf32>
    %swap3A = arith.constant 0 : index
    %swap3A_46 = arith.constant 0 : index
    %swap3A_47 = vector.load %arg9[%swap3A, %swap3A_46] : memref<128x320xf32, #tpu.memory_space<vmem>>, vector<128x320xf32>
    tpu.vector_store %arg9[%swap3A, %swap3A_46], %sub3A_45 {strides = array<i32>} : memref<128x320xf32, #tpu.memory_space<vmem>>, vector<128x320xf32>,
    return
  }
  func.func @transform_0(%arg0: i32) -> (i32, i32, i32) {
    %c0_i32 = arith.constant 0 : i32
    %c0_i32_0 = arith.constant 0 : i32
    %c0_i32_1 = arith.constant 0 : i32
    return %c0_i32, %arg0, %c0_i32_0 : i32, i32, i32
  }
  func.func @transform_1(%arg0: i32) -> (i32, i32, i32) {
    %c1_i32 = arith.constant 1 : i32
    %c0_i32 = arith.constant 0 : i32
    %c0_i32_0 = arith.constant 0 : i32
    return %c1_i32, %arg0, %c0_i32 : i32, i32, i32
  }
  func.func @transform_2(%arg0: i32) -> (i32, i32) {
    %c0_i32 = arith.constant 0 : i32
    %c0_i32_0 = arith.constant 0 : i32
    return %arg0, %c0_i32 : i32, i32
  }
  func.func @transform_3(%arg0: i32) -> (i32, i32, i32) {
    %c0_i32 = arith.constant 0 : i32
    %c0_i32_0 = arith.constant 0 : i32
    %c0_i32_1 = arith.constant 0 : i32
    return %c0_i32, %arg0, %c0_i32_0 : i32, i32, i32
  }
  func.func @transform_4(%arg0: i32) -> (i32, i32, i32) {
    %c1_i32 = arith.constant 1 : i32
    %c0_i32 = arith.constant 0 : i32
    %c0_i32_0 = arith.constant 0 : i32
    return %c1_i32, %arg0, %c0_i32 : i32, i32, i32
  }
  func.func @transform_5(%arg0: i32) -> (i32, i32) {
    %c0_i32 = arith.constant 0 : i32
    %c0_i32_0 = arith.constant 0 : i32
    %c0_i32_1 = arith.constant 0 : i32
    return %c0_i32, %c0_i32_0 : i32, i32
  }
  func.func @transform_6(%arg0: i32) -> (i32, i32) {
    %c0_i32 = arith.constant 0 : i32
    %c0_i32_0 = arith.constant 0 : i32
    %c0_i32_1 = arith.constant 0 : i32
    return %c0_i32, %c0_i32_0 : i32, i32
  }
  func.func @transform_7(%arg0: i32) -> (i32, i32) {
    %c0_i32 = arith.constant 0 : i32
    %c0_i32_0 = arith.constant 0 : i32
    %c0_i32_1 = arith.constant 0 : i32
    return %c0_i32, %c0_i32_0 : i32, i32
  }
  func.func @transform_8(%arg0: i32) -> (i32, i32) {
    %c0_i32 = arith.constant 0 : i32
    %c0_i32_0 = arith.constant 0 : i32
    return %arg0, %c0_i32 : i32, i32
  }
}

</mosaic_0001>

<sc_bundles>
// kernel: kernel.12.cloned.1.call-start
scs
__scs_entry_jumppad:
0x0: {  	(pc) =	sbr.rel $0x88, $3  }
0x1: {  	(tag) =	ssettag $0x0;
	lr =	simm.s32 $0x1  }
0x2: {  	[smem:$0x3F9B] =	sst lr;
	_ =	strace $0xD0000000  }
0x3: {  	_ = 	snop  }
0x4: {  	_ = 	snop  }
0x5: {  	_ = 	snop  }
0x6: {  	_ = 	snop  }
0x7: {  	_ = 	snop  }
__scs_overlays_trampoline_lowered:
0x8: {  	[smem:$0x3FAA] =	sst s0  }
0x9: {  	[smem:$0x3FAB] =	sst s1  }
0xa: {  	[smem:$0x3FAC] =	sst s2  }
0xb: {  	[smem:$0x3FAD] =	sst s3  }
0xc: {  	[smem:$0x3FAE] =	sst s4  }
0xd: {  	[smem:$0x3FAF] =	sst s5  }
0xe: {  	[smem:$0x3FB0] =	sst s6  }
0xf: {  	[smem:$0x3FB1] =	sst s7  }
0x10: {  	[smem:$0x3FB2] =	sst s8  }
0x11: {  	[smem:$0x3FB3] =	sst s9;
	s0 =	simm.s32 @!p0 $0x0  }
0x12: {  	s1 =	sld [smem:$0x3F99];
	s0 =	simm.s32 @p0 $0x1  }
0x13: {  	[smem:$0x3FB4] =	sst s0;
	s0 =	simm.s32 @!p1 $0x0  }
0x14: {  	s2 =	sld [smem:$0x3F98];
	s0 =	simm.s32 @p1 $0x1  }
0x15: {  	[smem:$0x3FB5] =	sst s0;
	s0 =	simm.s32 @!p2 $0x0  }
0x16: {  	s3 =	sld [smem:$0x3FDB];
	s0 =	simm.s32 @p2 $0x1  }
0x17: {  	s4 =	simm.s32 $0x1BF5;
	[smem:$0x3FB7] =	sst s0  }
0x18: {  	s0 =	sld [smem:$0x3F9A];
	_ =	swait.ge [sflag:s4], $0x0  }
0x19: {  	s7 =	sld [smem:$0x3F9B]  }
0x1a: {  	s8 =	sadd.s32 $0xFFFFE003, lr  }
0x1b: {  	s9 =	sadd.s32 $0xFFFFFEF7, lr;
	s5 =	simm.s32 $0xFFFFFFFF;
	p2 =	slt.u32 s8, $0xFFFFF086  }
0x1c: {  	p1 =	slt.u32 s9, $0xF7A;
	s5 =	simm.s32 @!p2 $0x0  }
0x1d: {  	s5 =	simm.s32 @p1 $0x1;
	p0 =	seq.s32 s7, s2  }
0x1e: {  	s7 =	smul.u32 @!p0 $0xF7A, s2;
	p2 =	seq.s32 @!p0 s5, $0x0  }
0x1f: {  	s9 =	smul.u32 $0xF7A, s1;
	s8 =	simm.s32 @!p0 $0x1BF5;
	p2 =	por !p2, p0  }
0x20: {  	[sflag:s8] =	ssyncset.s32 @!p0 $0xFFFFF086;
	s6 =	sadd.s32 @!p0 s3, s7;
	s7 =	simm.s32 @!p0 $0x108  }
0x21: {  	s3 =	sadd.s32 s3, s9;
	s6 =	sadd.s32 @!p0 $0x88, s6;
	s7 =	simm.s32 @p2 $0x1082  }
0x22: {  	[simem:s7], [sflag:s8] =	dma.local @!p0 [hbm:s6], $0xF7A  }
0x23: {  	s9 =	sor.u32 $0xD0000000, s2;
	s6 =	simm.s32 $0x108;
	_ =	swait.ge @!p0 [sflag:s8], $0x0  }
0x24: {  	s3 =	sadd.s32 $0x88, s3;
	s6 =	simm.s32 @!p1 $0x1082;
	[sflag:s4] =	ssyncset.s32 $0xFFFFF086  }
0x25: {  	[simem:s6], [sflag:s4] =	dma.local [hbm:s3], $0xF7A  }
0x26: {  	[smem:$0x3F9B] =	sst s1;
	(tag) =	ssettag s2;
	_ =	strace s9  }
0x27: {  	s1 =	sld [smem:$0x3FAB]  }
0x28: {  	s2 =	sld [smem:$0x3FAC]  }
0x29: {  	s4 =	sld [smem:$0x3FAE]  }
0x2a: {  	p0 =	seq.s32 s5, $0x0;
	s5 =	sld [smem:$0x3FAF]  }
0x2b: {  	s6 =	sld [smem:$0x3FB0]  }
0x2c: {  	s7 =	sld [smem:$0x3FB1]  }
0x2d: {  	s3 =	simm.s32 $0x108;
	s8 =	sld [smem:$0x3FB2]  }
0x2e: {  	s3 =	simm.s32 @!p0 $0x1082;
	s9 =	sld [smem:$0x3FB3]  }
0x2f: {  	lr =	sadd.s32 s0, s3;
	s0 =	sld [smem:$0x3FAA]  }
0x30: {  	s3 =	sld [smem:$0x3FAD]  }
0x31: {  	[smem:$0x3FB6] =	sst s10  }
0x32: {  	s10 =	sld [smem:$0x3FB4];
	_ =	sdelay $0x3  }
0x33: {  	p0 =	seq.s32 s10, $0x1;
	s10 =	sld [smem:$0x3FB6];
	_ =	sdelay $0x3  }
0x34: {  	[smem:$0x3FB6] =	sst s10  }
0x35: {  	s10 =	sld [smem:$0x3FB5];
	_ =	sdelay $0x3  }
0x36: {  	p1 =	seq.s32 s10, $0x1;
	s10 =	sld [smem:$0x3FB6];
	_ =	sdelay $0x3  }
0x37: {  	[smem:$0x3FB6] =	sst s10  }
0x38: {  	s10 =	sld [smem:$0x3FB7]  }
0x39: {  	_ = 	snop;
	(pc) =	sbr.ind lr, $3  }
0x3a: {  	_ = 	snop  }
0x3b: {  	_ = 	snop  }
0x3c: {  	p2 =	seq.s32 s10, $0x1;
	s10 =	sld [smem:$0x3FB6]  }
0x3d: {  	_ =	shalt  }
0x3e: {  	_ =	shalt  }
0x3f: {  	_ =	shalt  }
0x40: {  	_ =	shalt  }
0x41: {  	_ =	shalt  }
0x42: {  	_ =	shalt  }
0x43: {  	_ =	shalt  }
0x44: {  	_ =	shalt  }
0x45: {  	_ =	shalt  }
0x46: {  	_ =	shalt  }
0x47: {  	_ =	shalt  }
0x48: {  	_ =	shalt  }
0x49: {  	_ =	shalt  }
0x4a: {  	_ =	shalt  }
0x4b: {  	_ =	shalt  }
0x4c: {  	_ =	shalt  }
0x4d: {  	_ =	shalt  }
0x4e: {  	_ =	shalt  }
0x4f: {  	_ =	shalt  }
0x50: {  	_ =	shalt  }
0x51: {  	_ =	shalt  }
0x52: {  	_ =	shalt  }
0x53: {  	_ =	shalt  }
0x54: {  	_ =	shalt  }
0x55: {  	_ =	shalt  }
0x56: {  	_ =	shalt  }
0x57: {  	_ =	shalt  }
0x58: {  	_ =	shalt  }
0x59: {  	_ =	shalt  }
0x5a: {  	_ =	shalt  }
0x5b: {  	_ =	shalt  }
0x5c: {  	_ =	shalt  }
0x5d: {  	_ =	shalt  }
0x5e: {  	_ =	shalt  }
0x5f: {  	_ =	shalt  }
0x60: {  	_ =	shalt  }
0x61: {  	_ =	shalt  }
0x62: {  	_ =	shalt  }
0x63: {  	_ =	shalt  }
0x64: {  	_ =	shalt  }
0x65: {  	_ =	shalt  }
0x66: {  	_ =	shalt  }
0x67: {  	_ =	shalt  }
0x68: {  	_ =	shalt  }
0x69: {  	_ =	shalt  }
0x6a: {  	_ =	shalt  }
0x6b: {  	_ =	shalt  }
0x6c: {  	_ =	shalt  }
0x6d: {  	_ =	shalt  }
0x6e: {  	_ =	shalt  }
0x6f: {  	_ =	shalt  }
0x70: {  	_ =	shalt  }
0x71: {  	_ =	shalt  }
0x72: {  	_ =	shalt  }
0x73: {  	_ =	shalt  }
0x74: {  	_ =	shalt  }
0x75: {  	_ =	shalt  }
0x76: {  	_ =	shalt  }
0x77: {  	_ =	shalt  }
0x78: {  	_ =	shalt  }
0x79: {  	_ =	shalt  }
0x7a: {  	_ =	shalt  }
0x7b: {  	_ =	shalt  }
0x7c: {  	_ =	shalt  }
0x7d: {  	_ =	shalt  }
0x7e: {  	_ =	shalt  }
0x7f: {  	_ =	shalt  }
0x80: {  	_ =	shalt  }
0x81: {  	_ =	shalt  }
0x82: {  	_ =	shalt  }
0x83: {  	_ =	shalt  }
0x84: {  	_ =	shalt  }
0x85: {  	_ =	shalt  }
0x86: {  	_ =	shalt  }
0x87: {  	_ =	shalt  }
.Lfunc_end0:
.L_simem_size_0:
called_computation.1_lowered:
.L_overlay_start_0:
0x88: {  	s2 =	sld [smem:$0x3FD9]  }
0x89: {  	s3 =	sld [smem:$0x3FFE];
	_ =	sdelay $0x1  }
0x8a: {  	s1 =	srdreg.scid  }
0x8b: {  	s0 =	sand.u32 $0x1, s1  }
0x8c: {  	s17 =	sshll.u32 s0, $0xA;
	s2 =	sadd.s32 s3, s2  }
0x8d: {  	s2 =	sadd.s32 s2, s17  }
0x8e: {  	[smem:$0x3FC2] =	sst s2  }
0x8f: {  	_ = 	snop  }
0x90: {  	s2 =	sld [smem:$0x3FD0];
	(tm) =	ssettm $0x1  }
0x91: {  	s18 =	sld [smem:$0x3FFB];
	_ =	sdelay $0x3  }
0x92: {  	_ =	strace s18  }
0x93: {  	s3 =	sld [smem:$0x3FFC];
	_ =	sdelay $0x3  }
0x94: {  	_ =	strace s3  }
0x95: {  	s3 =	sld [smem:$0x3FFD];
	_ =	sdelay $0x3  }
0x96: {  	_ =	strace s3  }
0x97: {  	_ =	strace $0x8FFFFFFF  }
0x98: {  	s19 =	sld [smem:$0x3FDB];
	_ =	sdelay $0x1  }
0x99: {  	s4 =	simm.s32 $_scs_section_size  }
0x9a: {  	s5 =	simm.s32 $_size__tile_overlayer_lowered;
	s6 =	simm.s32 $_tile_overlayer_lowered  }
0x9b: {  	s22 =	simm.s32 $0x1BFF;
	s21 =	sshll.u32 s6, $0x1;
	s3 =	sadd.s32 s4, s19  }
0x9c: {  	s7 =	simm.s32 $0x0;
	s20 =	sshll.u32 s5, $0x1;
	s5 =	sadd.s32 s21, s3  }
0x9d: {  	[timem:s7], [sflag:s22] =	dma.local [hbm:s5], s20  }
0x9e: {  	_ =	swait.ge [sflag:s22], s20  }
0x9f: {  	s4 =	ssub.s32 $0x0, s20;
	[sflag:s22] =	ssyncset.done $0x0  }
0xa0: {  	[sflag:s22] =	ssyncadd.s32 s4;
	_ =	sdelay $0x1  }
0xa1: {  	s23 =	simm.s32 $0x1B8B  }
0xa2: {  	_ =	swait.ge [sflag:s23], $0x1  }
0xa3: {  	[sflag:s23] =	ssyncset.done $0x0  }
0xa4: {  	s25 =	simm.s32 $0x1B8E;
	s24 =	sld [smem:$0x3FFE];
	[sflag:s23] =	ssyncadd.s32 $0xFFFFFFFF  }
0xa5: {  	s26 =	simm.s32 $execute0_lowered;
	[smem:$0x3FD2] =	sst s25  }
0xa6: {  	s5 =	sshll.u32 s26, $0x1;
	_ =	strace $0x80000049;
	[dreg:$0x1] =	wrdreg $0xFFFFFFFF  }
0xa7: {  	s28 =	simm.s32 $_size_execute0_lowered;
	s3 =	sadd.s32 s3, s5;
	[dreg:$0x0] =	wrdreg $0x0  }
0xa8: {  	s5 =	sshll.u32 s28, $0x1;
	[dreg:$0x2] =	wrdreg s3  }
0xa9: {  	[dreg:$0x3] =	wrdreg s5  }
0xaa: {  	[dreg:$0x4] =	wrdreg $0xC0  }
0xab: {  	_ =	task [dreg:s7], $0x5FFFF  }
0xac: {  	[dreg:$0x1] =	wrdreg $0xFFFFFFFF  }
0xad: {  	[dreg:$0x0] =	wrdreg $0x60  }
0xae: {  	[dreg:$0x2] =	wrdreg s24  }
0xaf: {  	[dreg:$0x3] =	wrdreg s2  }
0xb0: {  	[dreg:$0x4] =	wrdreg $0x90000  }
0xb1: {  	[dreg:$0x5] =	wrdreg $0xB8000  }
0xb2: {  	[dreg:$0x6] =	wrdreg $0x9  }
0xb3: {  	_ =	task.clear_ibuf [dreg:s7], $0x7FFFF;
	_ =	strace $0x90000049  }
0xb4: {  	s29 =	simm.s32 $0x9;
	_ =	strace $0x8000004B  }
0xb5: {  	_ =	swait.ge [sflag:s29], $0x1  }
0xb6: {  	[sflag:s29] =	ssyncadd.s32 $0xFFFFFFFF  }
0xb7: {  	_ =	strace $0x9000004B  }
0xb8: {  	_ =	sfence  }
0xb9: {  	s30 =	sld [smem:$0x0];
	_ =	sdelay $0x2  }
0xba: {  	s31 =	sshll.u32 s1, $0xD;
	s1 =	sshrl.u32 s1, $0x2  }
0xbb: {  	s3 =	sand.u32 $0x4000, s31;
	s1 =	sadd.s32 s1, s30  }
0xbc: {  	s0 =	sor.u32 s3, s0;
	s1 =	sshll.u32 s1, $0x11  }
0xbd: {  	s0 =	sor.u32 s1, s0  }
0xbe: {  	s0 =	sadd.s32 $0x8F2B, s0  }
0xbf: {  	[sflag:s0] =	ssyncadd.remote.s32 $0x1  }
0xc0: {  	_ =	sfence.sel $0xFFFF  }
0xc1: {  	[dreg:$0x0] =	wrdreg $0xFFFFFFFF;
	(pc) =	sbr.abs _section_cstart, $3  }
0xc2: {  	[dreg:$0x1] =	wrdreg $0xFFFFFFFF  }
0xc3: {  	_ =	task.clear_ibuf [dreg:s7], $0x2FFFF;
	_ =	strace $0x9FFFFFFF  }
0xc4: {  	(tm) =	ssettm $0x7FFFFFFF  }
0xc5: {  	_ =	shalt  }
tec
execute0_lowered:
.L_overlay_start_1:
0x0: {  	(tag) =	ssettag $0x1  }
0x1: {  	s0 =	rddreg [dreg:$0x0]  }
0x2: {  	s1 =	rddreg [dreg:$0x1]  }
0x3: {  	s2 =	rddreg [dreg:$0x2]  }
0x4: {  	s3 =	rddreg [dreg:$0x3]  }
0x5: {  	s9 =	stileid.u32;
	s4 =	srdreg.scid;
	s7 =	simm.s32 $0x0  }
0x6: {  	s13 =	simm.s32 $0x11;
	s15 =	simm.s32 $0x80;
	s16 =	simm.s32 $0x5000  }
0x7: {  	s17 =	simm.s32 $0x5800;
	s18 =	simm.s32 $0x6000;
	s28 =	simm.s32 $0x4  }
0x8: {  	s29 =	simm.s32 $0x5;
	s30 =	simm.s32 $0x6;
	s31 =	simm.s32 $0x7  }
0x9: {  	s14 =	simm.s32 $0xA;
	s10 =	simm.s32 $0xF;
	s11 =	simm.s32 $0x10  }
0xa: {  	s12 =	simm.s32 $0x0;
	s4 =	sand.u32 $0x1, s4;
	s5 =	sshll.u32 s9, $0x1  }
0xb: {  	s6 =	smul.u32 $0x2800, s9;
	[smem:$0x7FF] =	sst s7;
	s9 =	sshll.u32 s9, $0x6  }
0xc: {  	s5 =	sor.u32 s4, s5;
	_ =	strace $0x8000004A;
	s8 =	ssub.s32 $0x2, s4  }
0xd: {  	s4 =	smul.u32 $0x28000, s4;
	s22 =	sor.u32 $0x1C11, s9;
	s9 =	simm.s32 $0xE  }
0xe: {  	s5 =	smul.u32 $0x2800, s5;
	s19 =	sshrl.u32 s6, $0x3;
	s20 =	sshrl.u32 s8, $0x1  }
0xf: {  	s21 =	sadd.s32 s6, s2;
	[dreg:$0x6] =	wrdreg s22;
	s22 =	simm.s32 $0x8000  }
0x10: {  	s7 =	sadd.s32 s19, s0;
	s4 =	sadd.s32 s6, s4;
	s6 =	sadd.s32 s6, s3  }
0x11: {  	s26 =	sshrl.u32 s21, $0x3;
	s19 =	simm.s32 $0x6800;
	s21 =	simm.s32 $0x7800  }
0x12: {  	s5 =	sshrl.u32 s5, $0x3;
	s7 =	sadd.s32 $0x16C00, s7;
	s4 =	sshrl.u32 s4, $0x3  }
0x13: {  	[dreg:$0xb] =	wrdreg s26;
	s6 =	sshrl.u32 s6, $0x3;
	s26 =	simm.s32 $0x3  }
0x14: {  	s0 =	sadd.s32 s5, s0;
	s5 =	ssub.s32 s8, s20;
	[dreg:$0x5] =	wrdreg s7  }
0x15: {  	s24 =	sadd.s32 s1, s4;
	s20 =	simm.s32 $0x7000;
	[dreg:$0xc] =	wrdreg s6  }
0x16: {  	s1 =	simm.s32 $0x9;
	s23 =	sadd.s32 $0x2C00, s0;
	[dreg:$0x9] =	wrdreg s24  }
0x17: {  	s4 =	simm.s32 $0xB;
	s0 =	sadd.s32 $0xCC00, s0;
	[dreg:$0x7] =	wrdreg s23  }
0x18: {  	s7 =	simm.s32 $0xC;
	s25 =	smax.u32 s5, $0x1;
	[dreg:$0x8] =	wrdreg s0  }
0x19: {  	s8 =	simm.s32 $0xD;
	s24 =	simm.s32 $0x1;
	[dreg:$0xa] =	wrdreg s25  }
0x1a: {  	s23 =	simm.s32 $0x8800;
	s25 =	simm.s32 $0x2;
	s0 =	simm.s32 $0x8  }
.LBB2_1:
0x1b: {  	[dreg:$0xd] =	wrdreg s12  }
0x1c: {  	s12 =	rddreg [dreg:$0x5]  }
0x1d: {  	s6 =	rddreg [dreg:$0xb]  }
0x1e: {  	s5 =	rddreg [dreg:$0x6]  }
0x1f: {  	[spmem:s6], [sflag:s5] =	dma.local [hbm:s12], $0x500  }
0x20: {  	_ =	swait.ge [sflag:s13], $0x500  }
0x21: {  	[sflag:s13] =	ssyncset.done $0x0  }
0x22: {  	s6 =	rddreg [dreg:$0xc];
	[sflag:s13] =	ssyncadd.s32 $0xFFFFFB00  }
0x23: {  	[spmem:s6], [sflag:s5] =	dma.local [hbm:s12], $0x500  }
0x24: {  	_ =	swait.ge [sflag:s13], $0x500  }
0x25: {  	[sflag:s13] =	ssyncset.done $0x0  }
0x26: {  	s5 =	simm.s32 $0x0;
	s12 =	rddreg [dreg:$0x7];
	[sflag:s13] =	ssyncadd.s32 $0xFFFFFB00  }
0x27: {  	[tilespmem:s5], [sflag:$0x11] =	stream.linear.gather [hbm4b:s12+s5], $0x2800, $0x38;
	[tilespmem:$0xE000] =	vst v63  }
0x28: {  	_ =	swait.ge [sflag:s13], $0x2800  }
0x29: {  	[sflag:s13] =	ssyncset.done $0x0  }
0x2a: {  	s12 =	simm.s32 $0x2800;
	s6 =	rddreg [dreg:$0x8];
	[sflag:s13] =	ssyncadd.s32 $0xFFFFD800  }
0x2b: {  	[tilespmem:s12], [sflag:$0x11] =	stream.linear.gather [hbm4b:s6+s5], $0x2800, $0x38;
	[tilespmem:$0xE000] =	vst v63  }
0x2c: {  	_ =	swait.ge [sflag:s13], $0x2800  }
0x2d: {  	[sflag:s13] =	ssyncset.done $0x0  }
0x2e: {  	[sflag:s13] =	ssyncadd.s32 $0xFFFFD800  }
0x2f: {  	s13 =	simm.s32 $0x0;
	[bflag:$0x0] =	sbarrier.arrive $0xFFFF  }
0x30: {  	[tilespmem:s16], [sflag:$0x1] =	stream.indirect.gather [spmem:s2], $0x10, s13, s15, $0xb8;
	[tilespmem:$0xE000] =	vst v63  }
0x31: {  	s6 =	simm.s32 $0x80  }
0x32: {  	[tilespmem:s17], [sflag:$0x2] =	stream.indirect.gather [spmem:s2], $0x10, s6, s15, $0xb8;
	[tilespmem:$0xE000] =	vst v63  }
0x33: {  	s12 =	simm.s32 $0x100  }
0x34: {  	[tilespmem:s18], [sflag:$0x3] =	stream.indirect.gather [spmem:s2], $0x10, s12, s15, $0xb8;
	[tilespmem:$0xE000] =	vst v63  }
0x35: {  	s13 =	simm.s32 $0x180  }
0x36: {  	[tilespmem:s19], [sflag:$0x4] =	stream.indirect.gather [spmem:s2], $0x10, s13, s15, $0xb8;
	[tilespmem:$0xE000] =	vst v63  }
0x37: {  	s6 =	simm.s32 $0x200  }
0x38: {  	[tilespmem:s20], [sflag:$0x5] =	stream.indirect.gather [spmem:s2], $0x10, s6, s15, $0xb8;
	[tilespmem:$0xE000] =	vst v63  }
0x39: {  	s12 =	simm.s32 $0x280  }
0x3a: {  	[tilespmem:s21], [sflag:$0x6] =	stream.indirect.gather [spmem:s2], $0x10, s12, s15, $0xb8;
	[tilespmem:$0xE000] =	vst v63  }
0x3b: {  	s13 =	simm.s32 $0x300  }
0x3c: {  	[tilespmem:s22], [sflag:$0x7] =	stream.indirect.gather [spmem:s2], $0x10, s13, s15, $0xb8;
	[tilespmem:$0xE000] =	vst v63  }
0x3d: {  	s6 =	simm.s32 $0x380  }
0x3e: {  	[tilespmem:s23], [sflag:$0x8] =	stream.indirect.gather [spmem:s2], $0x10, s6, s15, $0xb8;
	[tilespmem:$0xE000] =	vst v63  }
0x3f: {  	_ =	swait.ge [sflag:s24], $0x800  }
0x40: {  	[sflag:s24] =	ssyncset.done $0x0  }
0x41: {  	s12 =	simm.s32 $0x2800;
	[sflag:s24] =	ssyncadd.s32 $0xFFFFF800  }
0x42: {  	[spmem:s3] =	stream.indirect.scatter.add.f32 [tilespmem:s16], [sflag:$0x9], $0x10, s12, s15, $0xb8;
	[tilespmem:$0xE000] =	vst v63  }
0x43: {  	_ =	swait.ge [sflag:s25], $0x800  }
0x44: {  	[sflag:s25] =	ssyncset.done $0x0  }
0x45: {  	s13 =	simm.s32 $0x2880;
	[sflag:s25] =	ssyncadd.s32 $0xFFFFF800  }
0x46: {  	[spmem:s3] =	stream.indirect.scatter.add.f32 [tilespmem:s17], [sflag:$0xA], $0x10, s13, s15, $0xb8;
	[tilespmem:$0xE000] =	vst v63  }
0x47: {  	_ =	swait.ge [sflag:s26], $0x800  }
0x48: {  	[sflag:s26] =	ssyncset.done $0x0  }
0x49: {  	s6 =	simm.s32 $0x2900;
	[sflag:s26] =	ssyncadd.s32 $0xFFFFF800  }
0x4a: {  	[spmem:s3] =	stream.indirect.scatter.add.f32 [tilespmem:s18], [sflag:$0xB], $0x10, s6, s15, $0xb8;
	[tilespmem:$0xE000] =	vst v63  }
0x4b: {  	_ =	swait.ge [sflag:s28], $0x800  }
0x4c: {  	[sflag:s28] =	ssyncset.done $0x0  }
0x4d: {  	s12 =	simm.s32 $0x2980;
	[sflag:s28] =	ssyncadd.s32 $0xFFFFF800  }
0x4e: {  	[spmem:s3] =	stream.indirect.scatter.add.f32 [tilespmem:s19], [sflag:$0xC], $0x10, s12, s15, $0xb8;
	[tilespmem:$0xE000] =	vst v63  }
0x4f: {  	_ =	swait.ge [sflag:s29], $0x800  }
0x50: {  	[sflag:s29] =	ssyncset.done $0x0  }
0x51: {  	s13 =	simm.s32 $0x2A00;
	[sflag:s29] =	ssyncadd.s32 $0xFFFFF800  }
0x52: {  	[spmem:s3] =	stream.indirect.scatter.add.f32 [tilespmem:s20], [sflag:$0xD], $0x10, s13, s15, $0xb8;
	[tilespmem:$0xE000] =	vst v63  }
0x53: {  	_ =	swait.ge [sflag:s30], $0x800  }
0x54: {  	[sflag:s30] =	ssyncset.done $0x0  }
0x55: {  	s6 =	simm.s32 $0x2A80;
	[sflag:s30] =	ssyncadd.s32 $0xFFFFF800  }
0x56: {  	[spmem:s3] =	stream.indirect.scatter.add.f32 [tilespmem:s21], [sflag:$0xE], $0x10, s6, s15, $0xb8;
	[tilespmem:$0xE000] =	vst v63  }
0x57: {  	_ =	swait.ge [sflag:s31], $0x800  }
0x58: {  	[sflag:s31] =	ssyncset.done $0x0  }
0x59: {  	s12 =	simm.s32 $0x2B00;
	[sflag:s31] =	ssyncadd.s32 $0xFFFFF800  }
0x5a: {  	[spmem:s3] =	stream.indirect.scatter.add.f32 [tilespmem:s22], [sflag:$0xF], $0x10, s12, s15, $0xb8;
	[tilespmem:$0xE000] =	vst v63  }
0x5b: {  	_ =	swait.ge [sflag:s0], $0x800  }
0x5c: {  	[sflag:s0] =	ssyncset.done $0x0  }
0x5d: {  	s13 =	simm.s32 $0x2B80;
	[sflag:s0] =	ssyncadd.s32 $0xFFFFF800  }
0x5e: {  	[spmem:s3] =	stream.indirect.scatter.add.f32 [tilespmem:s23], [sflag:$0x10], $0x10, s13, s15, $0xb8;
	[tilespmem:$0xE000] =	vst v63  }
0x5f: {  	_ =	swait.ge [sflag:s1], $0x800  }
0x60: {  	[sflag:s1] =	ssyncset.done $0x0  }
0x61: {  	[sflag:s1] =	ssyncadd.s32 $0xFFFFF800  }
0x62: {  	_ =	swait.ge [sflag:s14], $0x800  }
0x63: {  	[sflag:s14] =	ssyncset.done $0x0  }
0x64: {  	[sflag:s14] =	ssyncadd.s32 $0xFFFFF800  }
0x65: {  	_ =	swait.ge [sflag:s4], $0x800  }
0x66: {  	[sflag:s4] =	ssyncset.done $0x0  }
0x67: {  	[sflag:s4] =	ssyncadd.s32 $0xFFFFF800  }
0x68: {  	_ =	swait.ge [sflag:s7], $0x800  }
0x69: {  	[sflag:s7] =	ssyncset.done $0x0  }
0x6a: {  	[sflag:s7] =	ssyncadd.s32 $0xFFFFF800  }
0x6b: {  	_ =	swait.ge [sflag:s8], $0x800  }
0x6c: {  	[sflag:s8] =	ssyncset.done $0x0  }
0x6d: {  	[sflag:s8] =	ssyncadd.s32 $0xFFFFF800  }
0x6e: {  	_ =	swait.ge [sflag:s9], $0x800  }
0x6f: {  	[sflag:s9] =	ssyncset.done $0x0  }
0x70: {  	[sflag:s9] =	ssyncadd.s32 $0xFFFFF800  }
0x71: {  	_ =	swait.ge [sflag:s10], $0x800  }
0x72: {  	[sflag:s10] =	ssyncset.done $0x0  }
0x73: {  	[sflag:s10] =	ssyncadd.s32 $0xFFFFF800  }
0x74: {  	_ =	swait.ge [sflag:s11], $0x800  }
0x75: {  	s6 =	simm.s32 $0x2000;
	s13 =	simm.s32 $0x1000;
	[sflag:s11] =	ssyncset.done $0x0  }
.LBB2_2:
0x76: {  	s12 =	sshra.s32 s13, $0x2  }
0x77: {  	[sflag:s11] =	ssyncadd.s32 $0xFFFFF800;
	s13 =	smov.u32 s6;
	s5 =	sadd.s32 $0x1000, s6  }
0x78: {  	[tilespmem:s16], [sflag:$0x1] =	stream.indirect.gather [spmem:s2], $0x10, s12, s15, $0xb8;
	[tilespmem:$0xE000] =	vst v63  }
0x79: {  	p0 =	sne.s32 s6, $0x9000;
	s6 =	sadd.s32 $0x80, s12  }
0x7a: {  	[tilespmem:s17], [sflag:$0x2] =	stream.indirect.gather [spmem:s2], $0x10, s6, s15, $0xb8;
	[tilespmem:$0xE000] =	vst v63  }
0x7b: {  	s6 =	sadd.s32 $0x100, s12  }
0x7c: {  	[tilespmem:s18], [sflag:$0x3] =	stream.indirect.gather [spmem:s2], $0x10, s6, s15, $0xb8;
	[tilespmem:$0xE000] =	vst v63  }
0x7d: {  	s6 =	sadd.s32 $0x180, s12  }
0x7e: {  	[tilespmem:s19], [sflag:$0x4] =	stream.indirect.gather [spmem:s2], $0x10, s6, s15, $0xb8;
	[tilespmem:$0xE000] =	vst v63  }
0x7f: {  	s6 =	sadd.s32 $0x200, s12  }
0x80: {  	[tilespmem:s20], [sflag:$0x5] =	stream.indirect.gather [spmem:s2], $0x10, s6, s15, $0xb8;
	[tilespmem:$0xE000] =	vst v63  }
0x81: {  	s6 =	sadd.s32 $0x280, s12  }
0x82: {  	[tilespmem:s21], [sflag:$0x6] =	stream.indirect.gather [spmem:s2], $0x10, s6, s15, $0xb8;
	[tilespmem:$0xE000] =	vst v63  }
0x83: {  	s6 =	sadd.s32 $0x300, s12  }
0x84: {  	[tilespmem:s22], [sflag:$0x7] =	stream.indirect.gather [spmem:s2], $0x10, s6, s15, $0xb8;
	[tilespmem:$0xE000] =	vst v63  }
0x85: {  	s6 =	sadd.s32 $0x380, s12  }
0x86: {  	[tilespmem:s23], [sflag:$0x8] =	stream.indirect.gather [spmem:s2], $0x10, s6, s15, $0xb8;
	[tilespmem:$0xE000] =	vst v63  }
0x87: {  	_ =	swait.ge [sflag:s24], $0x800  }
0x88: {  	[sflag:s24] =	ssyncset.done $0x0  }
0x89: {  	s6 =	sadd.s32 $0x2800, s12;
	[sflag:s24] =	ssyncadd.s32 $0xFFFFF800  }
0x8a: {  	[spmem:s3] =	stream.indirect.scatter.add.f32 [tilespmem:s16], [sflag:$0x9], $0x10, s6, s15, $0xb8;
	[tilespmem:$0xE000] =	vst v63  }
0x8b: {  	_ =	swait.ge [sflag:s25], $0x800  }
0x8c: {  	[sflag:s25] =	ssyncset.done $0x0  }
0x8d: {  	s6 =	sadd.s32 $0x2880, s12;
	[sflag:s25] =	ssyncadd.s32 $0xFFFFF800  }
0x8e: {  	[spmem:s3] =	stream.indirect.scatter.add.f32 [tilespmem:s17], [sflag:$0xA], $0x10, s6, s15, $0xb8;
	[tilespmem:$0xE000] =	vst v63  }
0x8f: {  	_ =	swait.ge [sflag:s26], $0x800  }
0x90: {  	[sflag:s26] =	ssyncset.done $0x0  }
0x91: {  	s6 =	sadd.s32 $0x2900, s12;
	[sflag:s26] =	ssyncadd.s32 $0xFFFFF800  }
0x92: {  	[spmem:s3] =	stream.indirect.scatter.add.f32 [tilespmem:s18], [sflag:$0xB], $0x10, s6, s15, $0xb8;
	[tilespmem:$0xE000] =	vst v63  }
0x93: {  	_ =	swait.ge [sflag:s28], $0x800  }
0x94: {  	[sflag:s28] =	ssyncset.done $0x0  }
0x95: {  	s6 =	sadd.s32 $0x2980, s12;
	[sflag:s28] =	ssyncadd.s32 $0xFFFFF800  }
0x96: {  	[spmem:s3] =	stream.indirect.scatter.add.f32 [tilespmem:s19], [sflag:$0xC], $0x10, s6, s15, $0xb8;
	[tilespmem:$0xE000] =	vst v63  }
0x97: {  	_ =	swait.ge [sflag:s29], $0x800  }
0x98: {  	[sflag:s29] =	ssyncset.done $0x0  }
0x99: {  	s6 =	sadd.s32 $0x2A00, s12;
	[sflag:s29] =	ssyncadd.s32 $0xFFFFF800  }
0x9a: {  	[spmem:s3] =	stream.indirect.scatter.add.f32 [tilespmem:s20], [sflag:$0xD], $0x10, s6, s15, $0xb8;
	[tilespmem:$0xE000] =	vst v63  }
0x9b: {  	_ =	swait.ge [sflag:s30], $0x800  }
0x9c: {  	[sflag:s30] =	ssyncset.done $0x0  }
0x9d: {  	s6 =	sadd.s32 $0x2A80, s12;
	[sflag:s30] =	ssyncadd.s32 $0xFFFFF800  }
0x9e: {  	[spmem:s3] =	stream.indirect.scatter.add.f32 [tilespmem:s21], [sflag:$0xE], $0x10, s6, s15, $0xb8;
	[tilespmem:$0xE000] =	vst v63  }
0x9f: {  	_ =	swait.ge [sflag:s31], $0x800  }
0xa0: {  	[sflag:s31] =	ssyncset.done $0x0  }
0xa1: {  	s6 =	sadd.s32 $0x2B00, s12;
	[sflag:s31] =	ssyncadd.s32 $0xFFFFF800  }
0xa2: {  	[spmem:s3] =	stream.indirect.scatter.add.f32 [tilespmem:s22], [sflag:$0xF], $0x10, s6, s15, $0xb8;
	[tilespmem:$0xE000] =	vst v63  }
0xa3: {  	_ =	swait.ge [sflag:s0], $0x800  }
0xa4: {  	[sflag:s0] =	ssyncset.done $0x0  }
0xa5: {  	s6 =	sadd.s32 $0x2B80, s12;
	[sflag:s0] =	ssyncadd.s32 $0xFFFFF800  }
0xa6: {  	[spmem:s3] =	stream.indirect.scatter.add.f32 [tilespmem:s23], [sflag:$0x10], $0x10, s6, s15, $0xb8;
	[tilespmem:$0xE000] =	vst v63  }
0xa7: {  	_ =	swait.ge [sflag:s1], $0x800  }
0xa8: {  	[sflag:s1] =	ssyncset.done $0x0  }
0xa9: {  	[sflag:s1] =	ssyncadd.s32 $0xFFFFF800  }
0xaa: {  	_ =	swait.ge [sflag:s14], $0x800  }
0xab: {  	[sflag:s14] =	ssyncset.done $0x0  }
0xac: {  	[sflag:s14] =	ssyncadd.s32 $0xFFFFF800  }
0xad: {  	_ =	swait.ge [sflag:s4], $0x800  }
0xae: {  	[sflag:s4] =	ssyncset.done $0x0  }
0xaf: {  	[sflag:s4] =	ssyncadd.s32 $0xFFFFF800  }
0xb0: {  	_ =	swait.ge [sflag:s7], $0x800  }
0xb1: {  	[sflag:s7] =	ssyncset.done $0x0  }
0xb2: {  	[sflag:s7] =	ssyncadd.s32 $0xFFFFF800  }
0xb3: {  	_ =	swait.ge [sflag:s8], $0x800  }
0xb4: {  	[sflag:s8] =	ssyncset.done $0x0  }
0xb5: {  	[sflag:s8] =	ssyncadd.s32 $0xFFFFF800  }
0xb6: {  	_ =	swait.ge [sflag:s9], $0x800  }
0xb7: {  	[sflag:s9] =	ssyncset.done $0x0  }
0xb8: {  	[sflag:s9] =	ssyncadd.s32 $0xFFFFF800  }
.Ltmp0:
0xb9: {  	_ =	swait.ge [sflag:s10], $0x800;
	(pc) =	sbr.rel @p0 .LBB2_2-.Ltmp0, $4  }
0xba: {  	[sflag:s10] =	ssyncset.done $0x0  }
0xbb: {  	[sflag:s10] =	ssyncadd.s32 $0xFFFFF800  }
0xbc: {  	_ =	swait.ge [sflag:s11], $0x800  }
0xbd: {  	s6 =	smov.u32 s5;
	[sflag:s11] =	ssyncset.done $0x0  }
0xbe: {  	s5 =	sshra.s32 s13, $0x2;
	[sflag:s11] =	ssyncadd.s32 $0xFFFFF800  }
0xbf: {  	[tilespmem:s16], [sflag:$0x1] =	stream.indirect.gather [spmem:s2], $0x10, s5, s15, $0xb8;
	[tilespmem:$0xE000] =	vst v63  }
0xc0: {  	s6 =	sadd.s32 $0x80, s5  }
0xc1: {  	[tilespmem:s17], [sflag:$0x2] =	stream.indirect.gather [spmem:s2], $0x10, s6, s15, $0xb8;
	[tilespmem:$0xE000] =	vst v63  }
0xc2: {  	s13 =	sadd.s32 $0x100, s5  }
0xc3: {  	[tilespmem:s18], [sflag:$0x3] =	stream.indirect.gather [spmem:s2], $0x10, s13, s15, $0xb8;
	[tilespmem:$0xE000] =	vst v63  }
0xc4: {  	s12 =	sadd.s32 $0x180, s5  }
0xc5: {  	[tilespmem:s19], [sflag:$0x4] =	stream.indirect.gather [spmem:s2], $0x10, s12, s15, $0xb8;
	[tilespmem:$0xE000] =	vst v63  }
0xc6: {  	s13 =	sadd.s32 $0x200, s5  }
0xc7: {  	[tilespmem:s20], [sflag:$0x5] =	stream.indirect.gather [spmem:s2], $0x10, s13, s15, $0xb8;
	[tilespmem:$0xE000] =	vst v63  }
0xc8: {  	s12 =	sadd.s32 $0x280, s5  }
0xc9: {  	[tilespmem:s21], [sflag:$0x6] =	stream.indirect.gather [spmem:s2], $0x10, s12, s15, $0xb8;
	[tilespmem:$0xE000] =	vst v63  }
0xca: {  	s13 =	sadd.s32 $0x300, s5  }
0xcb: {  	[tilespmem:s22], [sflag:$0x7] =	stream.indirect.gather [spmem:s2], $0x10, s13, s15, $0xb8;
	[tilespmem:$0xE000] =	vst v63  }
0xcc: {  	s12 =	sadd.s32 $0x380, s5  }
0xcd: {  	[tilespmem:s23], [sflag:$0x8] =	stream.indirect.gather [spmem:s2], $0x10, s12, s15, $0xb8;
	[tilespmem:$0xE000] =	vst v63  }
0xce: {  	_ =	swait.ge [sflag:s24], $0x800  }
0xcf: {  	[sflag:s24] =	ssyncset.done $0x0  }
0xd0: {  	s13 =	sadd.s32 $0x2800, s5;
	[sflag:s24] =	ssyncadd.s32 $0xFFFFF800  }
0xd1: {  	[spmem:s3] =	stream.indirect.scatter.add.f32 [tilespmem:s16], [sflag:$0x9], $0x10, s13, s15, $0xb8;
	[tilespmem:$0xE000] =	vst v63  }
0xd2: {  	_ =	swait.ge [sflag:s25], $0x800  }
0xd3: {  	[sflag:s25] =	ssyncset.done $0x0  }
0xd4: {  	s12 =	sadd.s32 $0x2880, s5;
	[sflag:s25] =	ssyncadd.s32 $0xFFFFF800  }
0xd5: {  	[spmem:s3] =	stream.indirect.scatter.add.f32 [tilespmem:s17], [sflag:$0xA], $0x10, s12, s15, $0xb8;
	[tilespmem:$0xE000] =	vst v63  }
0xd6: {  	_ =	swait.ge [sflag:s26], $0x800  }
0xd7: {  	[sflag:s26] =	ssyncset.done $0x0  }
0xd8: {  	s13 =	sadd.s32 $0x2900, s5;
	[sflag:s26] =	ssyncadd.s32 $0xFFFFF800  }
0xd9: {  	[spmem:s3] =	stream.indirect.scatter.add.f32 [tilespmem:s18], [sflag:$0xB], $0x10, s13, s15, $0xb8;
	[tilespmem:$0xE000] =	vst v63  }
0xda: {  	_ =	swait.ge [sflag:s28], $0x800  }
0xdb: {  	[sflag:s28] =	ssyncset.done $0x0  }
0xdc: {  	s12 =	sadd.s32 $0x2980, s5;
	[sflag:s28] =	ssyncadd.s32 $0xFFFFF800  }
0xdd: {  	[spmem:s3] =	stream.indirect.scatter.add.f32 [tilespmem:s19], [sflag:$0xC], $0x10, s12, s15, $0xb8;
	[tilespmem:$0xE000] =	vst v63  }
0xde: {  	_ =	swait.ge [sflag:s29], $0x800  }
0xdf: {  	[sflag:s29] =	ssyncset.done $0x0  }
0xe0: {  	s13 =	sadd.s32 $0x2A00, s5;
	[sflag:s29] =	ssyncadd.s32 $0xFFFFF800  }
0xe1: {  	[spmem:s3] =	stream.indirect.scatter.add.f32 [tilespmem:s20], [sflag:$0xD], $0x10, s13, s15, $0xb8;
	[tilespmem:$0xE000] =	vst v63  }
0xe2: {  	_ =	swait.ge [sflag:s30], $0x800  }
0xe3: {  	[sflag:s30] =	ssyncset.done $0x0  }
0xe4: {  	s12 =	sadd.s32 $0x2A80, s5;
	[sflag:s30] =	ssyncadd.s32 $0xFFFFF800  }
0xe5: {  	[spmem:s3] =	stream.indirect.scatter.add.f32 [tilespmem:s21], [sflag:$0xE], $0x10, s12, s15, $0xb8;
	[tilespmem:$0xE000] =	vst v63  }
0xe6: {  	_ =	swait.ge [sflag:s31], $0x800  }
0xe7: {  	[sflag:s31] =	ssyncset.done $0x0  }
0xe8: {  	s13 =	sadd.s32 $0x2B00, s5;
	[sflag:s31] =	ssyncadd.s32 $0xFFFFF800  }
0xe9: {  	[spmem:s3] =	stream.indirect.scatter.add.f32 [tilespmem:s22], [sflag:$0xF], $0x10, s13, s15, $0xb8;
	[tilespmem:$0xE000] =	vst v63  }
0xea: {  	_ =	swait.ge [sflag:s0], $0x800  }
0xeb: {  	[sflag:s0] =	ssyncset.done $0x0  }
0xec: {  	s5 =	sadd.s32 $0x2B80, s5;
	[sflag:s0] =	ssyncadd.s32 $0xFFFFF800  }
0xed: {  	[spmem:s3] =	stream.indirect.scatter.add.f32 [tilespmem:s23], [sflag:$0x10], $0x10, s5, s15, $0xb8;
	[tilespmem:$0xE000] =	vst v63  }
0xee: {  	_ =	swait.ge [sflag:s1], $0x800  }
0xef: {  	[sflag:s1] =	ssyncset.done $0x0  }
0xf0: {  	[sflag:s1] =	ssyncadd.s32 $0xFFFFF800  }
0xf1: {  	_ =	swait.ge [sflag:s14], $0x800  }
0xf2: {  	[sflag:s14] =	ssyncset.done $0x0  }
0xf3: {  	[sflag:s14] =	ssyncadd.s32 $0xFFFFF800  }
0xf4: {  	_ =	swait.ge [sflag:s4], $0x800  }
0xf5: {  	[sflag:s4] =	ssyncset.done $0x0  }
0xf6: {  	[sflag:s4] =	ssyncadd.s32 $0xFFFFF800  }
0xf7: {  	_ =	swait.ge [sflag:s7], $0x800  }
0xf8: {  	[sflag:s7] =	ssyncset.done $0x0  }
0xf9: {  	[sflag:s7] =	ssyncadd.s32 $0xFFFFF800  }
0xfa: {  	_ =	swait.ge [sflag:s8], $0x800  }
0xfb: {  	[sflag:s8] =	ssyncset.done $0x0  }
0xfc: {  	[sflag:s8] =	ssyncadd.s32 $0xFFFFF800  }
0xfd: {  	_ =	swait.ge [sflag:s9], $0x800  }
0xfe: {  	[sflag:s9] =	ssyncset.done $0x0  }
0xff: {  	[sflag:s9] =	ssyncadd.s32 $0xFFFFF800  }
0x100: {  	_ =	swait.ge [sflag:s10], $0x800  }
0x101: {  	[sflag:s10] =	ssyncset.done $0x0  }
0x102: {  	[sflag:s10] =	ssyncadd.s32 $0xFFFFF800  }
0x103: {  	_ =	swait.ge [sflag:s11], $0x800  }
0x104: {  	[sflag:s11] =	ssyncset.done $0x0  }
0x105: {  	[sflag:s11] =	ssyncadd.s32 $0xFFFFF800  }
0x106: {  	[bflag:$0x0] =	sbarrier.arrive $0xFFFF  }
0x107: {  	s12 =	rddreg [dreg:$0x6]  }
0x108: {  	s6 =	rddreg [dreg:$0x9]  }
0x109: {  	s13 =	rddreg [dreg:$0xc]  }
0x10a: {  	[hbm:s6], [sflag:s12] =	dma.local [spmem:s13], $0x500  }
0x10b: {  	s13 =	simm.s32 $0x11  }
0x10c: {  	_ =	swait.ge [sflag:s13], $0x500  }
0x10d: {  	s5 =	rddreg [dreg:$0xd]  }
0x10e: {  	s6 =	rddreg [dreg:$0xa];
	s12 =	sadd.s32 $0x1, s5  }
0x10f: {  	p0 =	sne.s32 s12, s6  }
.Ltmp1:
0x110: {  	_ = 	snop;
	(pc) =	sbr.rel @p0 .LBB2_1-.Ltmp1, $3  }
0x111: {  	_ =	sdelay $0x1  }
0x112: {  	[sflag:s13] =	ssyncset.done $0x0  }
0x113: {  	[sflag:s13] =	ssyncadd.s32 $0xFFFFFB00  }
0x114: {  	_ =	sfence.sel $0x180000  }
0x115: {  	[bflag:$0x0] =	sbarrier.arrive $0xFFFF  }
0x116: {  	_ =	strace $0x9000004A  }
0x117: {  	s0 =	stileid.u32;
	[bflag:$0x2] =	sbarrier.arrive $0xFFFF  }
0x118: {  	p0 =	sne.s32 s0, $0x0;
	s0 =	rddreg [dreg:$0x4]  }
0x119: {  	s0 =	sadd.s32 @!p0 $0x100000, s0  }
0x11a: {  	[sflag:s0] =	ssyncadd.tile.s32 @!p0 $0x1;
	_ =	shalt  }
.Lfunc_end2:
_tile_overlayer_lowered:
.L_overlay_start_2:
0x11b: {  	(tag) =	ssettag $0x2  }
0x11c: {  	s0 =	rddreg [dreg:$0x0];
	s2 =	stileid.u32  }
0x11d: {  	s1 =	rddreg [dreg:$0x1];
	p0 =	sne.s32 s2, $0x0  }
0x11e: {  	s3 =	rddreg [dreg:$0x2];
	[bflag:$0x3] =	sbarrier.arrive $0xFFFF;
	s2 =	simm.s32 @!p0 $0x1C11  }
0x11f: {  	[timem:s3], [sflag:s2] =	dma.local @!p0 [hbm:s0], s1  }
0x120: {  	s0 =	simm.s32 @!p0 $0x11  }
0x121: {  	_ =	swait.ge @!p0 [sflag:s0], s1  }
0x122: {  	s1 =	ssub.s32 @!p0 $0x0, s1;
	[sflag:s0] =	ssyncset.done @!p0 $0x0  }
0x123: {  	[sflag:s0] =	ssyncadd.s32 @!p0 s1  }
0x124: {  	[bflag:$0x3] =	sbarrier.arrive $0xFFFF  }
0x125: {  	_ =	shalt  }

// kernel: kernel.15.cloned.1.call-start
scs
__scs_entry_jumppad:
0x0: {  	(pc) =	sbr.rel $0x88, $3  }
0x1: {  	(tag) =	ssettag $0x0;
	lr =	simm.s32 $0x1  }
0x2: {  	[smem:$0x3F9B] =	sst lr;
	_ =	strace $0xD0000000  }
0x3: {  	_ = 	snop  }
0x4: {  	_ = 	snop  }
0x5: {  	_ = 	snop  }
0x6: {  	_ = 	snop  }
0x7: {  	_ = 	snop  }
__scs_overlays_trampoline_lowered:
0x8: {  	[smem:$0x3FAA] =	sst s0  }
0x9: {  	[smem:$0x3FAB] =	sst s1  }
0xa: {  	[smem:$0x3FAC] =	sst s2  }
0xb: {  	[smem:$0x3FAD] =	sst s3  }
0xc: {  	[smem:$0x3FAE] =	sst s4  }
0xd: {  	[smem:$0x3FAF] =	sst s5  }
0xe: {  	[smem:$0x3FB0] =	sst s6  }
0xf: {  	[smem:$0x3FB1] =	sst s7  }
0x10: {  	[smem:$0x3FB2] =	sst s8  }
0x11: {  	[smem:$0x3FB3] =	sst s9;
	s0 =	simm.s32 @!p0 $0x0  }
0x12: {  	s1 =	sld [smem:$0x3F99];
	s0 =	simm.s32 @p0 $0x1  }
0x13: {  	[smem:$0x3FB4] =	sst s0;
	s0 =	simm.s32 @!p1 $0x0  }
0x14: {  	s2 =	sld [smem:$0x3F98];
	s0 =	simm.s32 @p1 $0x1  }
0x15: {  	[smem:$0x3FB5] =	sst s0;
	s0 =	simm.s32 @!p2 $0x0  }
0x16: {  	s3 =	sld [smem:$0x3FDB];
	s0 =	simm.s32 @p2 $0x1  }
0x17: {  	s4 =	simm.s32 $0x1BF5;
	[smem:$0x3FB7] =	sst s0  }
0x18: {  	s0 =	sld [smem:$0x3F9A];
	_ =	swait.ge [sflag:s4], $0x0  }
0x19: {  	s7 =	sld [smem:$0x3F9B]  }
0x1a: {  	s8 =	sadd.s32 $0xFFFFE003, lr  }
0x1b: {  	s9 =	sadd.s32 $0xFFFFFEF7, lr;
	s5 =	simm.s32 $0xFFFFFFFF;
	p2 =	slt.u32 s8, $0xFFFFF086  }
0x1c: {  	p1 =	slt.u32 s9, $0xF7A;
	s5 =	simm.s32 @!p2 $0x0  }
0x1d: {  	s5 =	simm.s32 @p1 $0x1;
	p0 =	seq.s32 s7, s2  }
0x1e: {  	s7 =	smul.u32 @!p0 $0xF7A, s2;
	p2 =	seq.s32 @!p0 s5, $0x0  }
0x1f: {  	s9 =	smul.u32 $0xF7A, s1;
	s8 =	simm.s32 @!p0 $0x1BF5;
	p2 =	por !p2, p0  }
0x20: {  	[sflag:s8] =	ssyncset.s32 @!p0 $0xFFFFF086;
	s6 =	sadd.s32 @!p0 s3, s7;
	s7 =	simm.s32 @!p0 $0x108  }
0x21: {  	s3 =	sadd.s32 s3, s9;
	s6 =	sadd.s32 @!p0 $0x88, s6;
	s7 =	simm.s32 @p2 $0x1082  }
0x22: {  	[simem:s7], [sflag:s8] =	dma.local @!p0 [hbm:s6], $0xF7A  }
0x23: {  	s9 =	sor.u32 $0xD0000000, s2;
	s6 =	simm.s32 $0x108;
	_ =	swait.ge @!p0 [sflag:s8], $0x0  }
0x24: {  	s3 =	sadd.s32 $0x88, s3;
	s6 =	simm.s32 @!p1 $0x1082;
	[sflag:s4] =	ssyncset.s32 $0xFFFFF086  }
0x25: {  	[simem:s6], [sflag:s4] =	dma.local [hbm:s3], $0xF7A  }
0x26: {  	[smem:$0x3F9B] =	sst s1;
	(tag) =	ssettag s2;
	_ =	strace s9  }
0x27: {  	s1 =	sld [smem:$0x3FAB]  }
0x28: {  	s2 =	sld [smem:$0x3FAC]  }
0x29: {  	s4 =	sld [smem:$0x3FAE]  }
0x2a: {  	p0 =	seq.s32 s5, $0x0;
	s5 =	sld [smem:$0x3FAF]  }
0x2b: {  	s6 =	sld [smem:$0x3FB0]  }
0x2c: {  	s7 =	sld [smem:$0x3FB1]  }
0x2d: {  	s3 =	simm.s32 $0x108;
	s8 =	sld [smem:$0x3FB2]  }
0x2e: {  	s3 =	simm.s32 @!p0 $0x1082;
	s9 =	sld [smem:$0x3FB3]  }
0x2f: {  	lr =	sadd.s32 s0, s3;
	s0 =	sld [smem:$0x3FAA]  }
0x30: {  	s3 =	sld [smem:$0x3FAD]  }
0x31: {  	[smem:$0x3FB6] =	sst s10  }
0x32: {  	s10 =	sld [smem:$0x3FB4];
	_ =	sdelay $0x3  }
0x33: {  	p0 =	seq.s32 s10, $0x1;
	s10 =	sld [smem:$0x3FB6];
	_ =	sdelay $0x3  }
0x34: {  	[smem:$0x3FB6] =	sst s10  }
0x35: {  	s10 =	sld [smem:$0x3FB5];
	_ =	sdelay $0x3  }
0x36: {  	p1 =	seq.s32 s10, $0x1;
	s10 =	sld [smem:$0x3FB6];
	_ =	sdelay $0x3  }
0x37: {  	[smem:$0x3FB6] =	sst s10  }
0x38: {  	s10 =	sld [smem:$0x3FB7]  }
0x39: {  	_ = 	snop;
	(pc) =	sbr.ind lr, $3  }
0x3a: {  	_ = 	snop  }
0x3b: {  	_ = 	snop  }
0x3c: {  	p2 =	seq.s32 s10, $0x1;
	s10 =	sld [smem:$0x3FB6]  }
0x3d: {  	_ =	shalt  }
0x3e: {  	_ =	shalt  }
0x3f: {  	_ =	shalt  }
0x40: {  	_ =	shalt  }
0x41: {  	_ =	shalt  }
0x42: {  	_ =	shalt  }
0x43: {  	_ =	shalt  }
0x44: {  	_ =	shalt  }
0x45: {  	_ =	shalt  }
0x46: {  	_ =	shalt  }
0x47: {  	_ =	shalt  }
0x48: {  	_ =	shalt  }
0x49: {  	_ =	shalt  }
0x4a: {  	_ =	shalt  }
0x4b: {  	_ =	shalt  }
0x4c: {  	_ =	shalt  }
0x4d: {  	_ =	shalt  }
0x4e: {  	_ =	shalt  }
0x4f: {  	_ =	shalt  }
0x50: {  	_ =	shalt  }
0x51: {  	_ =	shalt  }
0x52: {  	_ =	shalt  }
0x53: {  	_ =	shalt  }
0x54: {  	_ =	shalt  }
0x55: {  	_ =	shalt  }
0x56: {  	_ =	shalt  }
0x57: {  	_ =	shalt  }
0x58: {  	_ =	shalt  }
0x59: {  	_ =	shalt  }
0x5a: {  	_ =	shalt  }
0x5b: {  	_ =	shalt  }
0x5c: {  	_ =	shalt  }
0x5d: {  	_ =	shalt  }
0x5e: {  	_ =	shalt  }
0x5f: {  	_ =	shalt  }
0x60: {  	_ =	shalt  }
0x61: {  	_ =	shalt  }
0x62: {  	_ =	shalt  }
0x63: {  	_ =	shalt  }
0x64: {  	_ =	shalt  }
0x65: {  	_ =	shalt  }
0x66: {  	_ =	shalt  }
0x67: {  	_ =	shalt  }
0x68: {  	_ =	shalt  }
0x69: {  	_ =	shalt  }
0x6a: {  	_ =	shalt  }
0x6b: {  	_ =	shalt  }
0x6c: {  	_ =	shalt  }
0x6d: {  	_ =	shalt  }
0x6e: {  	_ =	shalt  }
0x6f: {  	_ =	shalt  }
0x70: {  	_ =	shalt  }
0x71: {  	_ =	shalt  }
0x72: {  	_ =	shalt  }
0x73: {  	_ =	shalt  }
0x74: {  	_ =	shalt  }
0x75: {  	_ =	shalt  }
0x76: {  	_ =	shalt  }
0x77: {  	_ =	shalt  }
0x78: {  	_ =	shalt  }
0x79: {  	_ =	shalt  }
0x7a: {  	_ =	shalt  }
0x7b: {  	_ =	shalt  }
0x7c: {  	_ =	shalt  }
0x7d: {  	_ =	shalt  }
0x7e: {  	_ =	shalt  }
0x7f: {  	_ =	shalt  }
0x80: {  	_ =	shalt  }
0x81: {  	_ =	shalt  }
0x82: {  	_ =	shalt  }
0x83: {  	_ =	shalt  }
0x84: {  	_ =	shalt  }
0x85: {  	_ =	shalt  }
0x86: {  	_ =	shalt  }
0x87: {  	_ =	shalt  }
.Lfunc_end0:
.L_simem_size_0:
called_computation.2_lowered:
.L_overlay_start_0:
0x88: {  	s2 =	sld [smem:$0x3FD9]  }
0x89: {  	s3 =	sld [smem:$0x3FFE];
	_ =	sdelay $0x1  }
0x8a: {  	s1 =	srdreg.scid  }
0x8b: {  	s0 =	sand.u32 $0x1, s1  }
0x8c: {  	s17 =	sshll.u32 s0, $0xA;
	s2 =	sadd.s32 s3, s2  }
0x8d: {  	s2 =	sadd.s32 s2, s17  }
0x8e: {  	[smem:$0x3FC2] =	sst s2  }
0x8f: {  	_ = 	snop  }
0x90: {  	s2 =	sld [smem:$0x3FD0];
	(tm) =	ssettm $0x1  }
0x91: {  	s18 =	sld [smem:$0x3FFB];
	_ =	sdelay $0x3  }
0x92: {  	_ =	strace s18  }
0x93: {  	s3 =	sld [smem:$0x3FFC];
	_ =	sdelay $0x3  }
0x94: {  	_ =	strace s3  }
0x95: {  	s3 =	sld [smem:$0x3FFD];
	_ =	sdelay $0x3  }
0x96: {  	_ =	strace s3  }
0x97: {  	_ =	strace $0x8FFFFFFF  }
0x98: {  	s19 =	sld [smem:$0x3FDB];
	_ =	sdelay $0x1  }
0x99: {  	s4 =	simm.s32 $_scs_section_size  }
0x9a: {  	s5 =	simm.s32 $_size__tile_overlayer_lowered;
	s6 =	simm.s32 $_tile_overlayer_lowered  }
0x9b: {  	s22 =	simm.s32 $0x1BFF;
	s21 =	sshll.u32 s6, $0x1;
	s3 =	sadd.s32 s4, s19  }
0x9c: {  	s7 =	simm.s32 $0x0;
	s20 =	sshll.u32 s5, $0x1;
	s5 =	sadd.s32 s21, s3  }
0x9d: {  	[timem:s7], [sflag:s22] =	dma.local [hbm:s5], s20  }
0x9e: {  	_ =	swait.ge [sflag:s22], s20  }
0x9f: {  	s4 =	ssub.s32 $0x0, s20;
	[sflag:s22] =	ssyncset.done $0x0  }
0xa0: {  	[sflag:s22] =	ssyncadd.s32 s4;
	_ =	sdelay $0x1  }
0xa1: {  	s23 =	simm.s32 $0x1B8B  }
0xa2: {  	_ =	swait.ge [sflag:s23], $0x1  }
0xa3: {  	[sflag:s23] =	ssyncset.done $0x0  }
0xa4: {  	s25 =	simm.s32 $0x1B8E;
	s24 =	sld [smem:$0x3FFE];
	[sflag:s23] =	ssyncadd.s32 $0xFFFFFFFF  }
0xa5: {  	s26 =	simm.s32 $execute0_lowered;
	[smem:$0x3FD2] =	sst s25  }
0xa6: {  	s5 =	sshll.u32 s26, $0x1;
	_ =	strace $0x8000004C;
	[dreg:$0x1] =	wrdreg $0xFFFFFFFF  }
0xa7: {  	s28 =	simm.s32 $_size_execute0_lowered;
	s3 =	sadd.s32 s3, s5;
	[dreg:$0x0] =	wrdreg $0x0  }
0xa8: {  	s5 =	sshll.u32 s28, $0x1;
	[dreg:$0x2] =	wrdreg s3  }
0xa9: {  	[dreg:$0x3] =	wrdreg s5  }
0xaa: {  	[dreg:$0x4] =	wrdreg $0xC0  }
0xab: {  	_ =	task [dreg:s7], $0x5FFFF  }
0xac: {  	[dreg:$0x1] =	wrdreg $0xFFFFFFFF  }
0xad: {  	[dreg:$0x0] =	wrdreg $0x60  }
0xae: {  	[dreg:$0x2] =	wrdreg s24  }
0xaf: {  	[dreg:$0x3] =	wrdreg s2  }
0xb0: {  	[dreg:$0x4] =	wrdreg $0x90000  }
0xb1: {  	[dreg:$0x5] =	wrdreg $0xB8000  }
0xb2: {  	[dreg:$0x6] =	wrdreg $0x9  }
0xb3: {  	_ =	task.clear_ibuf [dreg:s7], $0x7FFFF;
	_ =	strace $0x9000004C  }
0xb4: {  	s29 =	simm.s32 $0x9;
	_ =	strace $0x8000004E  }
0xb5: {  	_ =	swait.ge [sflag:s29], $0x1  }
0xb6: {  	[sflag:s29] =	ssyncadd.s32 $0xFFFFFFFF  }
0xb7: {  	_ =	strace $0x9000004E  }
0xb8: {  	_ =	sfence  }
0xb9: {  	s30 =	sld [smem:$0x0];
	_ =	sdelay $0x2  }
0xba: {  	s31 =	sshll.u32 s1, $0xD;
	s1 =	sshrl.u32 s1, $0x2  }
0xbb: {  	s3 =	sand.u32 $0x4000, s31;
	s1 =	sadd.s32 s1, s30  }
0xbc: {  	s0 =	sor.u32 s3, s0;
	s1 =	sshll.u32 s1, $0x11  }
0xbd: {  	s0 =	sor.u32 s1, s0  }
0xbe: {  	s0 =	sadd.s32 $0x8F2B, s0  }
0xbf: {  	[sflag:s0] =	ssyncadd.remote.s32 $0x1  }
0xc0: {  	_ =	sfence.sel $0xFFFF  }
0xc1: {  	[dreg:$0x0] =	wrdreg $0xFFFFFFFF;
	(pc) =	sbr.abs _section_cstart, $3  }
0xc2: {  	[dreg:$0x1] =	wrdreg $0xFFFFFFFF  }
0xc3: {  	_ =	task.clear_ibuf [dreg:s7], $0x2FFFF;
	_ =	strace $0x9FFFFFFF  }
0xc4: {  	(tm) =	ssettm $0x7FFFFFFF  }
0xc5: {  	_ =	shalt  }
tec
execute0_lowered:
.L_overlay_start_1:
0x0: {  	(tag) =	ssettag $0x1  }
0x1: {  	s0 =	rddreg [dreg:$0x0]  }
0x2: {  	s1 =	rddreg [dreg:$0x1]  }
0x3: {  	s2 =	rddreg [dreg:$0x2]  }
0x4: {  	s3 =	rddreg [dreg:$0x3]  }
0x5: {  	s9 =	stileid.u32;
	s4 =	srdreg.scid;
	s7 =	simm.s32 $0x0  }
0x6: {  	s13 =	simm.s32 $0x11;
	s15 =	simm.s32 $0x80;
	s16 =	simm.s32 $0x5000  }
0x7: {  	s17 =	simm.s32 $0x5800;
	s18 =	simm.s32 $0x6000;
	s28 =	simm.s32 $0x4  }
0x8: {  	s29 =	simm.s32 $0x5;
	s30 =	simm.s32 $0x6;
	s31 =	simm.s32 $0x7  }
0x9: {  	s14 =	simm.s32 $0xA;
	s10 =	simm.s32 $0xF;
	s11 =	simm.s32 $0x10  }
0xa: {  	s12 =	simm.s32 $0x0;
	s4 =	sand.u32 $0x1, s4;
	s5 =	sshll.u32 s9, $0x1  }
0xb: {  	s6 =	smul.u32 $0x2800, s9;
	[smem:$0x7FF] =	sst s7;
	s9 =	sshll.u32 s9, $0x6  }
0xc: {  	s5 =	sor.u32 s4, s5;
	_ =	strace $0x8000004D;
	s8 =	ssub.s32 $0x2, s4  }
0xd: {  	s4 =	smul.u32 $0x28000, s4;
	s22 =	sor.u32 $0x1C11, s9;
	s9 =	simm.s32 $0xE  }
0xe: {  	s5 =	smul.u32 $0x2800, s5;
	s19 =	sshrl.u32 s6, $0x3;
	s20 =	sshrl.u32 s8, $0x1  }
0xf: {  	s21 =	sadd.s32 s6, s2;
	[dreg:$0x6] =	wrdreg s22;
	s22 =	simm.s32 $0x8000  }
0x10: {  	s7 =	sadd.s32 s19, s0;
	s4 =	sadd.s32 s6, s4;
	s6 =	sadd.s32 s6, s3  }
0x11: {  	s26 =	sshrl.u32 s21, $0x3;
	s19 =	simm.s32 $0x6800;
	s21 =	simm.s32 $0x7800  }
0x12: {  	s5 =	sshrl.u32 s5, $0x3;
	s7 =	sadd.s32 $0x16C00, s7;
	s4 =	sshrl.u32 s4, $0x3  }
0x13: {  	[dreg:$0xb] =	wrdreg s26;
	s6 =	sshrl.u32 s6, $0x3;
	s26 =	simm.s32 $0x3  }
0x14: {  	s0 =	sadd.s32 s5, s0;
	s5 =	ssub.s32 s8, s20;
	[dreg:$0x5] =	wrdreg s7  }
0x15: {  	s24 =	sadd.s32 s1, s4;
	s20 =	simm.s32 $0x7000;
	[dreg:$0xc] =	wrdreg s6  }
0x16: {  	s1 =	simm.s32 $0x9;
	s23 =	sadd.s32 $0x2C00, s0;
	[dreg:$0x9] =	wrdreg s24  }
0x17: {  	s4 =	simm.s32 $0xB;
	s0 =	sadd.s32 $0xCC00, s0;
	[dreg:$0x7] =	wrdreg s23  }
0x18: {  	s7 =	simm.s32 $0xC;
	s25 =	smax.u32 s5, $0x1;
	[dreg:$0x8] =	wrdreg s0  }
0x19: {  	s8 =	simm.s32 $0xD;
	s24 =	simm.s32 $0x1;
	[dreg:$0xa] =	wrdreg s25  }
0x1a: {  	s23 =	simm.s32 $0x8800;
	s25 =	simm.s32 $0x2;
	s0 =	simm.s32 $0x8  }
.LBB2_1:
0x1b: {  	[dreg:$0xd] =	wrdreg s12  }
0x1c: {  	s12 =	rddreg [dreg:$0x5]  }
0x1d: {  	s6 =	rddreg [dreg:$0xb]  }
0x1e: {  	s5 =	rddreg [dreg:$0x6]  }
0x1f: {  	[spmem:s6], [sflag:s5] =	dma.local [hbm:s12], $0x500  }
0x20: {  	_ =	swait.ge [sflag:s13], $0x500  }
0x21: {  	[sflag:s13] =	ssyncset.done $0x0  }
0x22: {  	s6 =	rddreg [dreg:$0xc];
	[sflag:s13] =	ssyncadd.s32 $0xFFFFFB00  }
0x23: {  	[spmem:s6], [sflag:s5] =	dma.local [hbm:s12], $0x500  }
0x24: {  	_ =	swait.ge [sflag:s13], $0x500  }
0x25: {  	[sflag:s13] =	ssyncset.done $0x0  }
0x26: {  	s5 =	simm.s32 $0x0;
	s12 =	rddreg [dreg:$0x7];
	[sflag:s13] =	ssyncadd.s32 $0xFFFFFB00  }
0x27: {  	[tilespmem:s5], [sflag:$0x11] =	stream.linear.gather [hbm4b:s12+s5], $0x2800, $0x38;
	[tilespmem:$0xE000] =	vst v63  }
0x28: {  	_ =	swait.ge [sflag:s13], $0x2800  }
0x29: {  	[sflag:s13] =	ssyncset.done $0x0  }
0x2a: {  	s12 =	simm.s32 $0x2800;
	s6 =	rddreg [dreg:$0x8];
	[sflag:s13] =	ssyncadd.s32 $0xFFFFD800  }
0x2b: {  	[tilespmem:s12], [sflag:$0x11] =	stream.linear.gather [hbm4b:s6+s5], $0x2800, $0x38;
	[tilespmem:$0xE000] =	vst v63  }
0x2c: {  	_ =	swait.ge [sflag:s13], $0x2800  }
0x2d: {  	[sflag:s13] =	ssyncset.done $0x0  }
0x2e: {  	[sflag:s13] =	ssyncadd.s32 $0xFFFFD800  }
0x2f: {  	s13 =	simm.s32 $0x0;
	[bflag:$0x0] =	sbarrier.arrive $0xFFFF  }
0x30: {  	[tilespmem:s16], [sflag:$0x1] =	stream.indirect.gather [spmem:s2], $0x10, s13, s15, $0xb8;
	[tilespmem:$0xE000] =	vst v63  }
0x31: {  	s6 =	simm.s32 $0x80  }
0x32: {  	[tilespmem:s17], [sflag:$0x2] =	stream.indirect.gather [spmem:s2], $0x10, s6, s15, $0xb8;
	[tilespmem:$0xE000] =	vst v63  }
0x33: {  	s12 =	simm.s32 $0x100  }
0x34: {  	[tilespmem:s18], [sflag:$0x3] =	stream.indirect.gather [spmem:s2], $0x10, s12, s15, $0xb8;
	[tilespmem:$0xE000] =	vst v63  }
0x35: {  	s13 =	simm.s32 $0x180  }
0x36: {  	[tilespmem:s19], [sflag:$0x4] =	stream.indirect.gather [spmem:s2], $0x10, s13, s15, $0xb8;
	[tilespmem:$0xE000] =	vst v63  }
0x37: {  	s6 =	simm.s32 $0x200  }
0x38: {  	[tilespmem:s20], [sflag:$0x5] =	stream.indirect.gather [spmem:s2], $0x10, s6, s15, $0xb8;
	[tilespmem:$0xE000] =	vst v63  }
0x39: {  	s12 =	simm.s32 $0x280  }
0x3a: {  	[tilespmem:s21], [sflag:$0x6] =	stream.indirect.gather [spmem:s2], $0x10, s12, s15, $0xb8;
	[tilespmem:$0xE000] =	vst v63  }
0x3b: {  	s13 =	simm.s32 $0x300  }
0x3c: {  	[tilespmem:s22], [sflag:$0x7] =	stream.indirect.gather [spmem:s2], $0x10, s13, s15, $0xb8;
	[tilespmem:$0xE000] =	vst v63  }
0x3d: {  	s6 =	simm.s32 $0x380  }
0x3e: {  	[tilespmem:s23], [sflag:$0x8] =	stream.indirect.gather [spmem:s2], $0x10, s6, s15, $0xb8;
	[tilespmem:$0xE000] =	vst v63  }
0x3f: {  	_ =	swait.ge [sflag:s24], $0x800  }
0x40: {  	[sflag:s24] =	ssyncset.done $0x0  }
0x41: {  	s12 =	simm.s32 $0x2800;
	[sflag:s24] =	ssyncadd.s32 $0xFFFFF800  }
0x42: {  	[spmem:s3] =	stream.indirect.scatter.add.f32 [tilespmem:s16], [sflag:$0x9], $0x10, s12, s15, $0xb8;
	[tilespmem:$0xE000] =	vst v63  }
0x43: {  	_ =	swait.ge [sflag:s25], $0x800  }
0x44: {  	[sflag:s25] =	ssyncset.done $0x0  }
0x45: {  	s13 =	simm.s32 $0x2880;
	[sflag:s25] =	ssyncadd.s32 $0xFFFFF800  }
0x46: {  	[spmem:s3] =	stream.indirect.scatter.add.f32 [tilespmem:s17], [sflag:$0xA], $0x10, s13, s15, $0xb8;
	[tilespmem:$0xE000] =	vst v63  }
0x47: {  	_ =	swait.ge [sflag:s26], $0x800  }
0x48: {  	[sflag:s26] =	ssyncset.done $0x0  }
0x49: {  	s6 =	simm.s32 $0x2900;
	[sflag:s26] =	ssyncadd.s32 $0xFFFFF800  }
0x4a: {  	[spmem:s3] =	stream.indirect.scatter.add.f32 [tilespmem:s18], [sflag:$0xB], $0x10, s6, s15, $0xb8;
	[tilespmem:$0xE000] =	vst v63  }
0x4b: {  	_ =	swait.ge [sflag:s28], $0x800  }
0x4c: {  	[sflag:s28] =	ssyncset.done $0x0  }
0x4d: {  	s12 =	simm.s32 $0x2980;
	[sflag:s28] =	ssyncadd.s32 $0xFFFFF800  }
0x4e: {  	[spmem:s3] =	stream.indirect.scatter.add.f32 [tilespmem:s19], [sflag:$0xC], $0x10, s12, s15, $0xb8;
	[tilespmem:$0xE000] =	vst v63  }
0x4f: {  	_ =	swait.ge [sflag:s29], $0x800  }
0x50: {  	[sflag:s29] =	ssyncset.done $0x0  }
0x51: {  	s13 =	simm.s32 $0x2A00;
	[sflag:s29] =	ssyncadd.s32 $0xFFFFF800  }
0x52: {  	[spmem:s3] =	stream.indirect.scatter.add.f32 [tilespmem:s20], [sflag:$0xD], $0x10, s13, s15, $0xb8;
	[tilespmem:$0xE000] =	vst v63  }
0x53: {  	_ =	swait.ge [sflag:s30], $0x800  }
0x54: {  	[sflag:s30] =	ssyncset.done $0x0  }
0x55: {  	s6 =	simm.s32 $0x2A80;
	[sflag:s30] =	ssyncadd.s32 $0xFFFFF800  }
0x56: {  	[spmem:s3] =	stream.indirect.scatter.add.f32 [tilespmem:s21], [sflag:$0xE], $0x10, s6, s15, $0xb8;
	[tilespmem:$0xE000] =	vst v63  }
0x57: {  	_ =	swait.ge [sflag:s31], $0x800  }
0x58: {  	[sflag:s31] =	ssyncset.done $0x0  }
0x59: {  	s12 =	simm.s32 $0x2B00;
	[sflag:s31] =	ssyncadd.s32 $0xFFFFF800  }
0x5a: {  	[spmem:s3] =	stream.indirect.scatter.add.f32 [tilespmem:s22], [sflag:$0xF], $0x10, s12, s15, $0xb8;
	[tilespmem:$0xE000] =	vst v63  }
0x5b: {  	_ =	swait.ge [sflag:s0], $0x800  }
0x5c: {  	[sflag:s0] =	ssyncset.done $0x0  }
0x5d: {  	s13 =	simm.s32 $0x2B80;
	[sflag:s0] =	ssyncadd.s32 $0xFFFFF800  }
0x5e: {  	[spmem:s3] =	stream.indirect.scatter.add.f32 [tilespmem:s23], [sflag:$0x10], $0x10, s13, s15, $0xb8;
	[tilespmem:$0xE000] =	vst v63  }
0x5f: {  	_ =	swait.ge [sflag:s1], $0x800  }
0x60: {  	[sflag:s1] =	ssyncset.done $0x0  }
0x61: {  	[sflag:s1] =	ssyncadd.s32 $0xFFFFF800  }
0x62: {  	_ =	swait.ge [sflag:s14], $0x800  }
0x63: {  	[sflag:s14] =	ssyncset.done $0x0  }
0x64: {  	[sflag:s14] =	ssyncadd.s32 $0xFFFFF800  }
0x65: {  	_ =	swait.ge [sflag:s4], $0x800  }
0x66: {  	[sflag:s4] =	ssyncset.done $0x0  }
0x67: {  	[sflag:s4] =	ssyncadd.s32 $0xFFFFF800  }
0x68: {  	_ =	swait.ge [sflag:s7], $0x800  }
0x69: {  	[sflag:s7] =	ssyncset.done $0x0  }
0x6a: {  	[sflag:s7] =	ssyncadd.s32 $0xFFFFF800  }
0x6b: {  	_ =	swait.ge [sflag:s8], $0x800  }
0x6c: {  	[sflag:s8] =	ssyncset.done $0x0  }
0x6d: {  	[sflag:s8] =	ssyncadd.s32 $0xFFFFF800  }
0x6e: {  	_ =	swait.ge [sflag:s9], $0x800  }
0x6f: {  	[sflag:s9] =	ssyncset.done $0x0  }
0x70: {  	[sflag:s9] =	ssyncadd.s32 $0xFFFFF800  }
0x71: {  	_ =	swait.ge [sflag:s10], $0x800  }
0x72: {  	[sflag:s10] =	ssyncset.done $0x0  }
0x73: {  	[sflag:s10] =	ssyncadd.s32 $0xFFFFF800  }
0x74: {  	_ =	swait.ge [sflag:s11], $0x800  }
0x75: {  	s6 =	simm.s32 $0x2000;
	s13 =	simm.s32 $0x1000;
	[sflag:s11] =	ssyncset.done $0x0  }
.LBB2_2:
0x76: {  	s12 =	sshra.s32 s13, $0x2  }
0x77: {  	[sflag:s11] =	ssyncadd.s32 $0xFFFFF800;
	s13 =	smov.u32 s6;
	s5 =	sadd.s32 $0x1000, s6  }
0x78: {  	[tilespmem:s16], [sflag:$0x1] =	stream.indirect.gather [spmem:s2], $0x10, s12, s15, $0xb8;
	[tilespmem:$0xE000] =	vst v63  }
0x79: {  	p0 =	sne.s32 s6, $0x9000;
	s6 =	sadd.s32 $0x80, s12  }
0x7a: {  	[tilespmem:s17], [sflag:$0x2] =	stream.indirect.gather [spmem:s2], $0x10, s6, s15, $0xb8;
	[tilespmem:$0xE000] =	vst v63  }
0x7b: {  	s6 =	sadd.s32 $0x100, s12  }
0x7c: {  	[tilespmem:s18], [sflag:$0x3] =	stream.indirect.gather [spmem:s2], $0x10, s6, s15, $0xb8;
	[tilespmem:$0xE000] =	vst v63  }
0x7d: {  	s6 =	sadd.s32 $0x180, s12  }
0x7e: {  	[tilespmem:s19], [sflag:$0x4] =	stream.indirect.gather [spmem:s2], $0x10, s6, s15, $0xb8;
	[tilespmem:$0xE000] =	vst v63  }
0x7f: {  	s6 =	sadd.s32 $0x200, s12  }
0x80: {  	[tilespmem:s20], [sflag:$0x5] =	stream.indirect.gather [spmem:s2], $0x10, s6, s15, $0xb8;
	[tilespmem:$0xE000] =	vst v63  }
0x81: {  	s6 =	sadd.s32 $0x280, s12  }
0x82: {  	[tilespmem:s21], [sflag:$0x6] =	stream.indirect.gather [spmem:s2], $0x10, s6, s15, $0xb8;
	[tilespmem:$0xE000] =	vst v63  }
0x83: {  	s6 =	sadd.s32 $0x300, s12  }
0x84: {  	[tilespmem:s22], [sflag:$0x7] =	stream.indirect.gather [spmem:s2], $0x10, s6, s15, $0xb8;
	[tilespmem:$0xE000] =	vst v63  }
0x85: {  	s6 =	sadd.s32 $0x380, s12  }
0x86: {  	[tilespmem:s23], [sflag:$0x8] =	stream.indirect.gather [spmem:s2], $0x10, s6, s15, $0xb8;
	[tilespmem:$0xE000] =	vst v63  }
0x87: {  	_ =	swait.ge [sflag:s24], $0x800  }
0x88: {  	[sflag:s24] =	ssyncset.done $0x0  }
0x89: {  	s6 =	sadd.s32 $0x2800, s12;
	[sflag:s24] =	ssyncadd.s32 $0xFFFFF800  }
0x8a: {  	[spmem:s3] =	stream.indirect.scatter.add.f32 [tilespmem:s16], [sflag:$0x9], $0x10, s6, s15, $0xb8;
	[tilespmem:$0xE000] =	vst v63  }
0x8b: {  	_ =	swait.ge [sflag:s25], $0x800  }
0x8c: {  	[sflag:s25] =	ssyncset.done $0x0  }
0x8d: {  	s6 =	sadd.s32 $0x2880, s12;
	[sflag:s25] =	ssyncadd.s32 $0xFFFFF800  }
0x8e: {  	[spmem:s3] =	stream.indirect.scatter.add.f32 [tilespmem:s17], [sflag:$0xA], $0x10, s6, s15, $0xb8;
	[tilespmem:$0xE000] =	vst v63  }
0x8f: {  	_ =	swait.ge [sflag:s26], $0x800  }
0x90: {  	[sflag:s26] =	ssyncset.done $0x0  }
0x91: {  	s6 =	sadd.s32 $0x2900, s12;
	[sflag:s26] =	ssyncadd.s32 $0xFFFFF800  }
0x92: {  	[spmem:s3] =	stream.indirect.scatter.add.f32 [tilespmem:s18], [sflag:$0xB], $0x10, s6, s15, $0xb8;
	[tilespmem:$0xE000] =	vst v63  }
0x93: {  	_ =	swait.ge [sflag:s28], $0x800  }
0x94: {  	[sflag:s28] =	ssyncset.done $0x0  }
0x95: {  	s6 =	sadd.s32 $0x2980, s12;
	[sflag:s28] =	ssyncadd.s32 $0xFFFFF800  }
0x96: {  	[spmem:s3] =	stream.indirect.scatter.add.f32 [tilespmem:s19], [sflag:$0xC], $0x10, s6, s15, $0xb8;
	[tilespmem:$0xE000] =	vst v63  }
0x97: {  	_ =	swait.ge [sflag:s29], $0x800  }
0x98: {  	[sflag:s29] =	ssyncset.done $0x0  }
0x99: {  	s6 =	sadd.s32 $0x2A00, s12;
	[sflag:s29] =	ssyncadd.s32 $0xFFFFF800  }
0x9a: {  	[spmem:s3] =	stream.indirect.scatter.add.f32 [tilespmem:s20], [sflag:$0xD], $0x10, s6, s15, $0xb8;
	[tilespmem:$0xE000] =	vst v63  }
0x9b: {  	_ =	swait.ge [sflag:s30], $0x800  }
0x9c: {  	[sflag:s30] =	ssyncset.done $0x0  }
0x9d: {  	s6 =	sadd.s32 $0x2A80, s12;
	[sflag:s30] =	ssyncadd.s32 $0xFFFFF800  }
0x9e: {  	[spmem:s3] =	stream.indirect.scatter.add.f32 [tilespmem:s21], [sflag:$0xE], $0x10, s6, s15, $0xb8;
	[tilespmem:$0xE000] =	vst v63  }
0x9f: {  	_ =	swait.ge [sflag:s31], $0x800  }
0xa0: {  	[sflag:s31] =	ssyncset.done $0x0  }
0xa1: {  	s6 =	sadd.s32 $0x2B00, s12;
	[sflag:s31] =	ssyncadd.s32 $0xFFFFF800  }
0xa2: {  	[spmem:s3] =	stream.indirect.scatter.add.f32 [tilespmem:s22], [sflag:$0xF], $0x10, s6, s15, $0xb8;
	[tilespmem:$0xE000] =	vst v63  }
0xa3: {  	_ =	swait.ge [sflag:s0], $0x800  }
0xa4: {  	[sflag:s0] =	ssyncset.done $0x0  }
0xa5: {  	s6 =	sadd.s32 $0x2B80, s12;
	[sflag:s0] =	ssyncadd.s32 $0xFFFFF800  }
0xa6: {  	[spmem:s3] =	stream.indirect.scatter.add.f32 [tilespmem:s23], [sflag:$0x10], $0x10, s6, s15, $0xb8;
	[tilespmem:$0xE000] =	vst v63  }
0xa7: {  	_ =	swait.ge [sflag:s1], $0x800  }
0xa8: {  	[sflag:s1] =	ssyncset.done $0x0  }
0xa9: {  	[sflag:s1] =	ssyncadd.s32 $0xFFFFF800  }
0xaa: {  	_ =	swait.ge [sflag:s14], $0x800  }
0xab: {  	[sflag:s14] =	ssyncset.done $0x0  }
0xac: {  	[sflag:s14] =	ssyncadd.s32 $0xFFFFF800  }
0xad: {  	_ =	swait.ge [sflag:s4], $0x800  }
0xae: {  	[sflag:s4] =	ssyncset.done $0x0  }
0xaf: {  	[sflag:s4] =	ssyncadd.s32 $0xFFFFF800  }
0xb0: {  	_ =	swait.ge [sflag:s7], $0x800  }
0xb1: {  	[sflag:s7] =	ssyncset.done $0x0  }
0xb2: {  	[sflag:s7] =	ssyncadd.s32 $0xFFFFF800  }
0xb3: {  	_ =	swait.ge [sflag:s8], $0x800  }
0xb4: {  	[sflag:s8] =	ssyncset.done $0x0  }
0xb5: {  	[sflag:s8] =	ssyncadd.s32 $0xFFFFF800  }
0xb6: {  	_ =	swait.ge [sflag:s9], $0x800  }
0xb7: {  	[sflag:s9] =	ssyncset.done $0x0  }
0xb8: {  	[sflag:s9] =	ssyncadd.s32 $0xFFFFF800  }
.Ltmp0:
0xb9: {  	_ =	swait.ge [sflag:s10], $0x800;
	(pc) =	sbr.rel @p0 .LBB2_2-.Ltmp0, $4  }
0xba: {  	[sflag:s10] =	ssyncset.done $0x0  }
0xbb: {  	[sflag:s10] =	ssyncadd.s32 $0xFFFFF800  }
0xbc: {  	_ =	swait.ge [sflag:s11], $0x800  }
0xbd: {  	s6 =	smov.u32 s5;
	[sflag:s11] =	ssyncset.done $0x0  }
0xbe: {  	s5 =	sshra.s32 s13, $0x2;
	[sflag:s11] =	ssyncadd.s32 $0xFFFFF800  }
0xbf: {  	[tilespmem:s16], [sflag:$0x1] =	stream.indirect.gather [spmem:s2], $0x10, s5, s15, $0xb8;
	[tilespmem:$0xE000] =	vst v63  }
0xc0: {  	s6 =	sadd.s32 $0x80, s5  }
0xc1: {  	[tilespmem:s17], [sflag:$0x2] =	stream.indirect.gather [spmem:s2], $0x10, s6, s15, $0xb8;
	[tilespmem:$0xE000] =	vst v63  }
0xc2: {  	s13 =	sadd.s32 $0x100, s5  }
0xc3: {  	[tilespmem:s18], [sflag:$0x3] =	stream.indirect.gather [spmem:s2], $0x10, s13, s15, $0xb8;
	[tilespmem:$0xE000] =	vst v63  }
0xc4: {  	s12 =	sadd.s32 $0x180, s5  }
0xc5: {  	[tilespmem:s19], [sflag:$0x4] =	stream.indirect.gather [spmem:s2], $0x10, s12, s15, $0xb8;
	[tilespmem:$0xE000] =	vst v63  }
0xc6: {  	s13 =	sadd.s32 $0x200, s5  }
0xc7: {  	[tilespmem:s20], [sflag:$0x5] =	stream.indirect.gather [spmem:s2], $0x10, s13, s15, $0xb8;
	[tilespmem:$0xE000] =	vst v63  }
0xc8: {  	s12 =	sadd.s32 $0x280, s5  }
0xc9: {  	[tilespmem:s21], [sflag:$0x6] =	stream.indirect.gather [spmem:s2], $0x10, s12, s15, $0xb8;
	[tilespmem:$0xE000] =	vst v63  }
0xca: {  	s13 =	sadd.s32 $0x300, s5  }
0xcb: {  	[tilespmem:s22], [sflag:$0x7] =	stream.indirect.gather [spmem:s2], $0x10, s13, s15, $0xb8;
	[tilespmem:$0xE000] =	vst v63  }
0xcc: {  	s12 =	sadd.s32 $0x380, s5  }
0xcd: {  	[tilespmem:s23], [sflag:$0x8] =	stream.indirect.gather [spmem:s2], $0x10, s12, s15, $0xb8;
	[tilespmem:$0xE000] =	vst v63  }
0xce: {  	_ =	swait.ge [sflag:s24], $0x800  }
0xcf: {  	[sflag:s24] =	ssyncset.done $0x0  }
0xd0: {  	s13 =	sadd.s32 $0x2800, s5;
	[sflag:s24] =	ssyncadd.s32 $0xFFFFF800  }
0xd1: {  	[spmem:s3] =	stream.indirect.scatter.add.f32 [tilespmem:s16], [sflag:$0x9], $0x10, s13, s15, $0xb8;
	[tilespmem:$0xE000] =	vst v63  }
0xd2: {  	_ =	swait.ge [sflag:s25], $0x800  }
0xd3: {  	[sflag:s25] =	ssyncset.done $0x0  }
0xd4: {  	s12 =	sadd.s32 $0x2880, s5;
	[sflag:s25] =	ssyncadd.s32 $0xFFFFF800  }
0xd5: {  	[spmem:s3] =	stream.indirect.scatter.add.f32 [tilespmem:s17], [sflag:$0xA], $0x10, s12, s15, $0xb8;
	[tilespmem:$0xE000] =	vst v63  }
0xd6: {  	_ =	swait.ge [sflag:s26], $0x800  }
0xd7: {  	[sflag:s26] =	ssyncset.done $0x0  }
0xd8: {  	s13 =	sadd.s32 $0x2900, s5;
	[sflag:s26] =	ssyncadd.s32 $0xFFFFF800  }
0xd9: {  	[spmem:s3] =	stream.indirect.scatter.add.f32 [tilespmem:s18], [sflag:$0xB], $0x10, s13, s15, $0xb8;
	[tilespmem:$0xE000] =	vst v63  }
0xda: {  	_ =	swait.ge [sflag:s28], $0x800  }
0xdb: {  	[sflag:s28] =	ssyncset.done $0x0  }
0xdc: {  	s12 =	sadd.s32 $0x2980, s5;
	[sflag:s28] =	ssyncadd.s32 $0xFFFFF800  }
0xdd: {  	[spmem:s3] =	stream.indirect.scatter.add.f32 [tilespmem:s19], [sflag:$0xC], $0x10, s12, s15, $0xb8;
	[tilespmem:$0xE000] =	vst v63  }
0xde: {  	_ =	swait.ge [sflag:s29], $0x800  }
0xdf: {  	[sflag:s29] =	ssyncset.done $0x0  }
0xe0: {  	s13 =	sadd.s32 $0x2A00, s5;
	[sflag:s29] =	ssyncadd.s32 $0xFFFFF800  }
0xe1: {  	[spmem:s3] =	stream.indirect.scatter.add.f32 [tilespmem:s20], [sflag:$0xD], $0x10, s13, s15, $0xb8;
	[tilespmem:$0xE000] =	vst v63  }
0xe2: {  	_ =	swait.ge [sflag:s30], $0x800  }
0xe3: {  	[sflag:s30] =	ssyncset.done $0x0  }
0xe4: {  	s12 =	sadd.s32 $0x2A80, s5;
	[sflag:s30] =	ssyncadd.s32 $0xFFFFF800  }
0xe5: {  	[spmem:s3] =	stream.indirect.scatter.add.f32 [tilespmem:s21], [sflag:$0xE], $0x10, s12, s15, $0xb8;
	[tilespmem:$0xE000] =	vst v63  }
0xe6: {  	_ =	swait.ge [sflag:s31], $0x800  }
0xe7: {  	[sflag:s31] =	ssyncset.done $0x0  }
0xe8: {  	s13 =	sadd.s32 $0x2B00, s5;
	[sflag:s31] =	ssyncadd.s32 $0xFFFFF800  }
0xe9: {  	[spmem:s3] =	stream.indirect.scatter.add.f32 [tilespmem:s22], [sflag:$0xF], $0x10, s13, s15, $0xb8;
	[tilespmem:$0xE000] =	vst v63  }
0xea: {  	_ =	swait.ge [sflag:s0], $0x800  }
0xeb: {  	[sflag:s0] =	ssyncset.done $0x0  }
0xec: {  	s5 =	sadd.s32 $0x2B80, s5;
	[sflag:s0] =	ssyncadd.s32 $0xFFFFF800  }
0xed: {  	[spmem:s3] =	stream.indirect.scatter.add.f32 [tilespmem:s23], [sflag:$0x10], $0x10, s5, s15, $0xb8;
	[tilespmem:$0xE000] =	vst v63  }
0xee: {  	_ =	swait.ge [sflag:s1], $0x800  }
0xef: {  	[sflag:s1] =	ssyncset.done $0x0  }
0xf0: {  	[sflag:s1] =	ssyncadd.s32 $0xFFFFF800  }
0xf1: {  	_ =	swait.ge [sflag:s14], $0x800  }
0xf2: {  	[sflag:s14] =	ssyncset.done $0x0  }
0xf3: {  	[sflag:s14] =	ssyncadd.s32 $0xFFFFF800  }
0xf4: {  	_ =	swait.ge [sflag:s4], $0x800  }
0xf5: {  	[sflag:s4] =	ssyncset.done $0x0  }
0xf6: {  	[sflag:s4] =	ssyncadd.s32 $0xFFFFF800  }
0xf7: {  	_ =	swait.ge [sflag:s7], $0x800  }
0xf8: {  	[sflag:s7] =	ssyncset.done $0x0  }
0xf9: {  	[sflag:s7] =	ssyncadd.s32 $0xFFFFF800  }
0xfa: {  	_ =	swait.ge [sflag:s8], $0x800  }
0xfb: {  	[sflag:s8] =	ssyncset.done $0x0  }
0xfc: {  	[sflag:s8] =	ssyncadd.s32 $0xFFFFF800  }
0xfd: {  	_ =	swait.ge [sflag:s9], $0x800  }
0xfe: {  	[sflag:s9] =	ssyncset.done $0x0  }
0xff: {  	[sflag:s9] =	ssyncadd.s32 $0xFFFFF800  }
0x100: {  	_ =	swait.ge [sflag:s10], $0x800  }
0x101: {  	[sflag:s10] =	ssyncset.done $0x0  }
0x102: {  	[sflag:s10] =	ssyncadd.s32 $0xFFFFF800  }
0x103: {  	_ =	swait.ge [sflag:s11], $0x800  }
0x104: {  	[sflag:s11] =	ssyncset.done $0x0  }
0x105: {  	[sflag:s11] =	ssyncadd.s32 $0xFFFFF800  }
0x106: {  	[bflag:$0x0] =	sbarrier.arrive $0xFFFF  }
0x107: {  	s12 =	rddreg [dreg:$0x6]  }
0x108: {  	s6 =	rddreg [dreg:$0x9]  }
0x109: {  	s13 =	rddreg [dreg:$0xc]  }
0x10a: {  	[hbm:s6], [sflag:s12] =	dma.local [spmem:s13], $0x500  }
0x10b: {  	s13 =	simm.s32 $0x11  }
0x10c: {  	_ =	swait.ge [sflag:s13], $0x500  }
0x10d: {  	s5 =	rddreg [dreg:$0xd]  }
0x10e: {  	s6 =	rddreg [dreg:$0xa];
	s12 =	sadd.s32 $0x1, s5  }
0x10f: {  	p0 =	sne.s32 s12, s6  }
.Ltmp1:
0x110: {  	_ = 	snop;
	(pc) =	sbr.rel @p0 .LBB2_1-.Ltmp1, $3  }
0x111: {  	_ =	sdelay $0x1  }
0x112: {  	[sflag:s13] =	ssyncset.done $0x0  }
0x113: {  	[sflag:s13] =	ssyncadd.s32 $0xFFFFFB00  }
0x114: {  	_ =	sfence.sel $0x180000  }
0x115: {  	[bflag:$0x0] =	sbarrier.arrive $0xFFFF  }
0x116: {  	_ =	strace $0x9000004D  }
0x117: {  	s0 =	stileid.u32;
	[bflag:$0x2] =	sbarrier.arrive $0xFFFF  }
0x118: {  	p0 =	sne.s32 s0, $0x0;
	s0 =	rddreg [dreg:$0x4]  }
0x119: {  	s0 =	sadd.s32 @!p0 $0x100000, s0  }
0x11a: {  	[sflag:s0] =	ssyncadd.tile.s32 @!p0 $0x1;
	_ =	shalt  }
.Lfunc_end2:
_tile_overlayer_lowered:
.L_overlay_start_2:
0x11b: {  	(tag) =	ssettag $0x2  }
0x11c: {  	s0 =	rddreg [dreg:$0x0];
	s2 =	stileid.u32  }
0x11d: {  	s1 =	rddreg [dreg:$0x1];
	p0 =	sne.s32 s2, $0x0  }
0x11e: {  	s3 =	rddreg [dreg:$0x2];
	[bflag:$0x3] =	sbarrier.arrive $0xFFFF;
	s2 =	simm.s32 @!p0 $0x1C11  }
0x11f: {  	[timem:s3], [sflag:s2] =	dma.local @!p0 [hbm:s0], s1  }
0x120: {  	s0 =	simm.s32 @!p0 $0x11  }
0x121: {  	_ =	swait.ge @!p0 [sflag:s0], s1  }
0x122: {  	s1 =	ssub.s32 @!p0 $0x0, s1;
	[sflag:s0] =	ssyncset.done @!p0 $0x0  }
0x123: {  	[sflag:s0] =	ssyncadd.s32 @!p0 s1  }
0x124: {  	[bflag:$0x3] =	sbarrier.arrive $0xFFFF  }
0x125: {  	_ =	shalt  }

// kernel: kernel.9.cloned.1.call-start
scs
__scs_entry_jumppad:
0x0: {  	(pc) =	sbr.rel $0x88, $3  }
0x1: {  	(tag) =	ssettag $0x0;
	lr =	simm.s32 $0x1  }
0x2: {  	[smem:$0x3F9B] =	sst lr;
	_ =	strace $0xD0000000  }
0x3: {  	_ = 	snop  }
0x4: {  	_ = 	snop  }
0x5: {  	_ = 	snop  }
0x6: {  	_ = 	snop  }
0x7: {  	_ = 	snop  }
__scs_overlays_trampoline_lowered:
0x8: {  	[smem:$0x3FAA] =	sst s0  }
0x9: {  	[smem:$0x3FAB] =	sst s1  }
0xa: {  	[smem:$0x3FAC] =	sst s2  }
0xb: {  	[smem:$0x3FAD] =	sst s3  }
0xc: {  	[smem:$0x3FAE] =	sst s4  }
0xd: {  	[smem:$0x3FAF] =	sst s5  }
0xe: {  	[smem:$0x3FB0] =	sst s6  }
0xf: {  	[smem:$0x3FB1] =	sst s7  }
0x10: {  	[smem:$0x3FB2] =	sst s8  }
0x11: {  	[smem:$0x3FB3] =	sst s9;
	s0 =	simm.s32 @!p0 $0x0  }
0x12: {  	s1 =	sld [smem:$0x3F99];
	s0 =	simm.s32 @p0 $0x1  }
0x13: {  	[smem:$0x3FB4] =	sst s0;
	s0 =	simm.s32 @!p1 $0x0  }
0x14: {  	s2 =	sld [smem:$0x3F98];
	s0 =	simm.s32 @p1 $0x1  }
0x15: {  	[smem:$0x3FB5] =	sst s0;
	s0 =	simm.s32 @!p2 $0x0  }
0x16: {  	s3 =	sld [smem:$0x3FDB];
	s0 =	simm.s32 @p2 $0x1  }
0x17: {  	s4 =	simm.s32 $0x1BF5;
	[smem:$0x3FB7] =	sst s0  }
0x18: {  	s0 =	sld [smem:$0x3F9A];
	_ =	swait.ge [sflag:s4], $0x0  }
0x19: {  	s7 =	sld [smem:$0x3F9B]  }
0x1a: {  	s8 =	sadd.s32 $0xFFFFE003, lr  }
0x1b: {  	s9 =	sadd.s32 $0xFFFFFEF7, lr;
	s5 =	simm.s32 $0xFFFFFFFF;
	p2 =	slt.u32 s8, $0xFFFFF086  }
0x1c: {  	p1 =	slt.u32 s9, $0xF7A;
	s5 =	simm.s32 @!p2 $0x0  }
0x1d: {  	s5 =	simm.s32 @p1 $0x1;
	p0 =	seq.s32 s7, s2  }
0x1e: {  	s7 =	smul.u32 @!p0 $0xF7A, s2;
	p2 =	seq.s32 @!p0 s5, $0x0  }
0x1f: {  	s9 =	smul.u32 $0xF7A, s1;
	s8 =	simm.s32 @!p0 $0x1BF5;
	p2 =	por !p2, p0  }
0x20: {  	[sflag:s8] =	ssyncset.s32 @!p0 $0xFFFFF086;
	s6 =	sadd.s32 @!p0 s3, s7;
	s7 =	simm.s32 @!p0 $0x108  }
0x21: {  	s3 =	sadd.s32 s3, s9;
	s6 =	sadd.s32 @!p0 $0x88, s6;
	s7 =	simm.s32 @p2 $0x1082  }
0x22: {  	[simem:s7], [sflag:s8] =	dma.local @!p0 [hbm:s6], $0xF7A  }
0x23: {  	s9 =	sor.u32 $0xD0000000, s2;
	s6 =	simm.s32 $0x108;
	_ =	swait.ge @!p0 [sflag:s8], $0x0  }
0x24: {  	s3 =	sadd.s32 $0x88, s3;
	s6 =	simm.s32 @!p1 $0x1082;
	[sflag:s4] =	ssyncset.s32 $0xFFFFF086  }
0x25: {  	[simem:s6], [sflag:s4] =	dma.local [hbm:s3], $0xF7A  }
0x26: {  	[smem:$0x3F9B] =	sst s1;
	(tag) =	ssettag s2;
	_ =	strace s9  }
0x27: {  	s1 =	sld [smem:$0x3FAB]  }
0x28: {  	s2 =	sld [smem:$0x3FAC]  }
0x29: {  	s4 =	sld [smem:$0x3FAE]  }
0x2a: {  	p0 =	seq.s32 s5, $0x0;
	s5 =	sld [smem:$0x3FAF]  }
0x2b: {  	s6 =	sld [smem:$0x3FB0]  }
0x2c: {  	s7 =	sld [smem:$0x3FB1]  }
0x2d: {  	s3 =	simm.s32 $0x108;
	s8 =	sld [smem:$0x3FB2]  }
0x2e: {  	s3 =	simm.s32 @!p0 $0x1082;
	s9 =	sld [smem:$0x3FB3]  }
0x2f: {  	lr =	sadd.s32 s0, s3;
	s0 =	sld [smem:$0x3FAA]  }
0x30: {  	s3 =	sld [smem:$0x3FAD]  }
0x31: {  	[smem:$0x3FB6] =	sst s10  }
0x32: {  	s10 =	sld [smem:$0x3FB4];
	_ =	sdelay $0x3  }
0x33: {  	p0 =	seq.s32 s10, $0x1;
	s10 =	sld [smem:$0x3FB6];
	_ =	sdelay $0x3  }
0x34: {  	[smem:$0x3FB6] =	sst s10  }
0x35: {  	s10 =	sld [smem:$0x3FB5];
	_ =	sdelay $0x3  }
0x36: {  	p1 =	seq.s32 s10, $0x1;
	s10 =	sld [smem:$0x3FB6];
	_ =	sdelay $0x3  }
0x37: {  	[smem:$0x3FB6] =	sst s10  }
0x38: {  	s10 =	sld [smem:$0x3FB7]  }
0x39: {  	_ = 	snop;
	(pc) =	sbr.ind lr, $3  }
0x3a: {  	_ = 	snop  }
0x3b: {  	_ = 	snop  }
0x3c: {  	p2 =	seq.s32 s10, $0x1;
	s10 =	sld [smem:$0x3FB6]  }
0x3d: {  	_ =	shalt  }
0x3e: {  	_ =	shalt  }
0x3f: {  	_ =	shalt  }
0x40: {  	_ =	shalt  }
0x41: {  	_ =	shalt  }
0x42: {  	_ =	shalt  }
0x43: {  	_ =	shalt  }
0x44: {  	_ =	shalt  }
0x45: {  	_ =	shalt  }
0x46: {  	_ =	shalt  }
0x47: {  	_ =	shalt  }
0x48: {  	_ =	shalt  }
0x49: {  	_ =	shalt  }
0x4a: {  	_ =	shalt  }
0x4b: {  	_ =	shalt  }
0x4c: {  	_ =	shalt  }
0x4d: {  	_ =	shalt  }
0x4e: {  	_ =	shalt  }
0x4f: {  	_ =	shalt  }
0x50: {  	_ =	shalt  }
0x51: {  	_ =	shalt  }
0x52: {  	_ =	shalt  }
0x53: {  	_ =	shalt  }
0x54: {  	_ =	shalt  }
0x55: {  	_ =	shalt  }
0x56: {  	_ =	shalt  }
0x57: {  	_ =	shalt  }
0x58: {  	_ =	shalt  }
0x59: {  	_ =	shalt  }
0x5a: {  	_ =	shalt  }
0x5b: {  	_ =	shalt  }
0x5c: {  	_ =	shalt  }
0x5d: {  	_ =	shalt  }
0x5e: {  	_ =	shalt  }
0x5f: {  	_ =	shalt  }
0x60: {  	_ =	shalt  }
0x61: {  	_ =	shalt  }
0x62: {  	_ =	shalt  }
0x63: {  	_ =	shalt  }
0x64: {  	_ =	shalt  }
0x65: {  	_ =	shalt  }
0x66: {  	_ =	shalt  }
0x67: {  	_ =	shalt  }
0x68: {  	_ =	shalt  }
0x69: {  	_ =	shalt  }
0x6a: {  	_ =	shalt  }
0x6b: {  	_ =	shalt  }
0x6c: {  	_ =	shalt  }
0x6d: {  	_ =	shalt  }
0x6e: {  	_ =	shalt  }
0x6f: {  	_ =	shalt  }
0x70: {  	_ =	shalt  }
0x71: {  	_ =	shalt  }
0x72: {  	_ =	shalt  }
0x73: {  	_ =	shalt  }
0x74: {  	_ =	shalt  }
0x75: {  	_ =	shalt  }
0x76: {  	_ =	shalt  }
0x77: {  	_ =	shalt  }
0x78: {  	_ =	shalt  }
0x79: {  	_ =	shalt  }
0x7a: {  	_ =	shalt  }
0x7b: {  	_ =	shalt  }
0x7c: {  	_ =	shalt  }
0x7d: {  	_ =	shalt  }
0x7e: {  	_ =	shalt  }
0x7f: {  	_ =	shalt  }
0x80: {  	_ =	shalt  }
0x81: {  	_ =	shalt  }
0x82: {  	_ =	shalt  }
0x83: {  	_ =	shalt  }
0x84: {  	_ =	shalt  }
0x85: {  	_ =	shalt  }
0x86: {  	_ =	shalt  }
0x87: {  	_ =	shalt  }
.Lfunc_end0:
.L_simem_size_0:
called_computation_lowered:
.L_overlay_start_0:
0x88: {  	s2 =	sld [smem:$0x3FD9]  }
0x89: {  	s3 =	sld [smem:$0x3FFE];
	_ =	sdelay $0x1  }
0x8a: {  	s1 =	srdreg.scid  }
0x8b: {  	s0 =	sand.u32 $0x1, s1  }
0x8c: {  	s17 =	sshll.u32 s0, $0xA;
	s2 =	sadd.s32 s3, s2  }
0x8d: {  	s2 =	sadd.s32 s2, s17  }
0x8e: {  	[smem:$0x3FC2] =	sst s2  }
0x8f: {  	_ = 	snop  }
0x90: {  	s2 =	sld [smem:$0x3FD0];
	(tm) =	ssettm $0x1  }
0x91: {  	s18 =	sld [smem:$0x3FFB];
	_ =	sdelay $0x3  }
0x92: {  	_ =	strace s18  }
0x93: {  	s3 =	sld [smem:$0x3FFC];
	_ =	sdelay $0x3  }
0x94: {  	_ =	strace s3  }
0x95: {  	s3 =	sld [smem:$0x3FFD];
	_ =	sdelay $0x3  }
0x96: {  	_ =	strace s3  }
0x97: {  	_ =	strace $0x8FFFFFFF  }
0x98: {  	s19 =	sld [smem:$0x3FDB];
	_ =	sdelay $0x1  }
0x99: {  	s4 =	simm.s32 $_scs_section_size  }
0x9a: {  	s5 =	simm.s32 $_size__tile_overlayer_lowered;
	s6 =	simm.s32 $_tile_overlayer_lowered  }
0x9b: {  	s22 =	simm.s32 $0x1BFF;
	s21 =	sshll.u32 s6, $0x1;
	s3 =	sadd.s32 s4, s19  }
0x9c: {  	s7 =	simm.s32 $0x0;
	s20 =	sshll.u32 s5, $0x1;
	s5 =	sadd.s32 s21, s3  }
0x9d: {  	[timem:s7], [sflag:s22] =	dma.local [hbm:s5], s20  }
0x9e: {  	_ =	swait.ge [sflag:s22], s20  }
0x9f: {  	s4 =	ssub.s32 $0x0, s20;
	[sflag:s22] =	ssyncset.done $0x0  }
0xa0: {  	[sflag:s22] =	ssyncadd.s32 s4;
	_ =	sdelay $0x1  }
0xa1: {  	s23 =	simm.s32 $0x1B8B  }
0xa2: {  	_ =	swait.ge [sflag:s23], $0x1  }
0xa3: {  	[sflag:s23] =	ssyncset.done $0x0  }
0xa4: {  	s25 =	simm.s32 $0x1B8E;
	s24 =	sld [smem:$0x3FFE];
	[sflag:s23] =	ssyncadd.s32 $0xFFFFFFFF  }
0xa5: {  	s26 =	simm.s32 $execute0_lowered;
	[smem:$0x3FD2] =	sst s25  }
0xa6: {  	s5 =	sshll.u32 s26, $0x1;
	_ =	strace $0x80000046;
	[dreg:$0x1] =	wrdreg $0xFFFFFFFF  }
0xa7: {  	s28 =	simm.s32 $_size_execute0_lowered;
	s3 =	sadd.s32 s3, s5;
	[dreg:$0x0] =	wrdreg $0x0  }
0xa8: {  	s5 =	sshll.u32 s28, $0x1;
	[dreg:$0x2] =	wrdreg s3  }
0xa9: {  	[dreg:$0x3] =	wrdreg s5  }
0xaa: {  	[dreg:$0x4] =	wrdreg $0xC0  }
0xab: {  	_ =	task [dreg:s7], $0x5FFFF  }
0xac: {  	[dreg:$0x1] =	wrdreg $0xFFFFFFFF  }
0xad: {  	[dreg:$0x0] =	wrdreg $0x60  }
0xae: {  	[dreg:$0x2] =	wrdreg s24  }
0xaf: {  	[dreg:$0x3] =	wrdreg s2  }
0xb0: {  	[dreg:$0x4] =	wrdreg $0x53000  }
0xb1: {  	[dreg:$0x5] =	wrdreg $0x9  }
0xb2: {  	_ =	task.clear_ibuf [dreg:s7], $0x6FFFF;
	_ =	strace $0x90000046  }
0xb3: {  	s29 =	simm.s32 $0x9;
	_ =	strace $0x80000048  }
0xb4: {  	_ =	swait.ge [sflag:s29], $0x1  }
0xb5: {  	[sflag:s29] =	ssyncadd.s32 $0xFFFFFFFF  }
0xb6: {  	_ =	strace $0x90000048  }
0xb7: {  	_ =	sfence  }
0xb8: {  	s30 =	sld [smem:$0x0];
	_ =	sdelay $0x2  }
0xb9: {  	s31 =	sshll.u32 s1, $0xD;
	s1 =	sshrl.u32 s1, $0x2  }
0xba: {  	s3 =	sand.u32 $0x4000, s31;
	s1 =	sadd.s32 s1, s30  }
0xbb: {  	s0 =	sor.u32 s3, s0;
	s1 =	sshll.u32 s1, $0x11  }
0xbc: {  	s0 =	sor.u32 s1, s0  }
0xbd: {  	s0 =	sadd.s32 $0x8F2B, s0  }
0xbe: {  	[sflag:s0] =	ssyncadd.remote.s32 $0x1  }
0xbf: {  	_ =	sfence.sel $0xFFFF  }
0xc0: {  	[dreg:$0x0] =	wrdreg $0xFFFFFFFF;
	(pc) =	sbr.abs _section_cstart, $3  }
0xc1: {  	[dreg:$0x1] =	wrdreg $0xFFFFFFFF  }
0xc2: {  	_ =	task.clear_ibuf [dreg:s7], $0x2FFFF;
	_ =	strace $0x9FFFFFFF  }
0xc3: {  	(tm) =	ssettm $0x7FFFFFFF  }
tec
execute0_lowered:
.L_overlay_start_1:
0x0: {  	(tag) =	ssettag $0x1  }
0x1: {  	s7 =	rddreg [dreg:$0x0]  }
0x2: {  	s8 =	rddreg [dreg:$0x1]  }
0x3: {  	s2 =	rddreg [dreg:$0x2]  }
0x4: {  	s0 =	rddreg [dreg:$0x3];
	s1 =	stileid.u32  }
0x5: {  	s4 =	srdreg.scid;
	s3 =	simm.s32 $0x0;
	s13 =	simm.s32 $0x2800  }
0x6: {  	s14 =	simm.s32 $0x1;
	s15 =	simm.s32 $0x2;
	s16 =	simm.s32 $0x3  }
0x7: {  	s17 =	simm.s32 $0x4;
	s18 =	simm.s32 $0x5;
	s19 =	simm.s32 $0x6  }
0x8: {  	s20 =	simm.s32 $0x7;
	s21 =	simm.s32 $0x8;
	s22 =	simm.s32 $0x2880  }
0x9: {  	s23 =	simm.s32 $0x2B00;
	s24 =	simm.s32 $0x0;
	s4 =	sand.u32 $0x1, s4  }
0xa: {  	s5 =	sshll.u32 s1, $0x1;
	[smem:$0x7FF] =	sst s3;
	s6 =	smul.u32 $0x280, s1  }
0xb: {  	s12 =	smul.u32 $0x2800, s1;
	s30 =	sshll.u32 s1, $0x6;
	s5 =	sor.u32 s4, s5  }
0xc: {  	_ =	strace $0x80000047;
	s10 =	ssub.s32 $0x2, s4;
	s11 =	smul.u32 $0x28000, s4  }
0xd: {  	s9 =	smul.u32 $0x2800, s5;
	s28 =	sshrl.u32 s6, $0x3;
	s29 =	sshrl.u32 s10, $0x1  }
0xe: {  	s4 =	sadd.s32 s6, s2;
	s6 =	sor.u32 $0x1C09, s30;
	s5 =	sadd.s32 s28, s7  }
0xf: {  	s10 =	ssub.s32 s10, s29;
	s11 =	sadd.s32 s12, s11;
	s12 =	simm.s32 $0x80  }
0x10: {  	s5 =	sadd.s32 $0x16C00, s5;
	s9 =	sshrl.u32 s9, $0x3;
	s31 =	sshrl.u32 s11, $0x3  }
0x11: {  	s11 =	simm.s32 $0x9;
	s7 =	sadd.s32 s7, s9;
	s8 =	sadd.s32 s8, s31  }
0x12: {  	v0 =	vimm.f32 $1.000000000e+00;
	s9 =	smax.u32 s10, $0x1;
	s10 =	sshrl.u32 s4, $0x3;
	s7 =	sadd.s32 $0xCC00, s7  }
.LBB2_1:
0x13: {  	[spmem:s10], [sflag:s6] =	dma.local [hbm:s5], $0x50  }
0x14: {  	_ =	swait.ge [sflag:s11], $0x50  }
0x15: {  	[sflag:s11] =	ssyncset.done $0x0  }
0x16: {  	[sflag:s11] =	ssyncadd.s32 $0xFFFFFFB0  }
0x17: {  	[tilespmem:s3], [sflag:$0x9] =	stream.linear.gather [hbm4b:s7+s3], $0x2800, $0x38;
	[tilespmem:$0x5580] =	vst v63  }
0x18: {  	_ =	swait.ge [sflag:s11], $0x2800  }
0x19: {  	[sflag:s11] =	ssyncset.done $0x0  }
0x1a: {  	[sflag:s11] =	ssyncadd.s32 $0xFFFFD800  }
0x1b: {  	[tilespmem:$0x2800] =	vst v0  }
0x1c: {  	[tilespmem:$0x2810] =	vst v0  }
0x1d: {  	[tilespmem:$0x2820] =	vst v0  }
0x1e: {  	[tilespmem:$0x2830] =	vst v0  }
0x1f: {  	[tilespmem:$0x2840] =	vst v0  }
0x20: {  	[tilespmem:$0x2850] =	vst v0  }
0x21: {  	[tilespmem:$0x2860] =	vst v0  }
0x22: {  	[tilespmem:$0x2870] =	vst v0  }
0x23: {  	s25 =	simm.s32 $0x0;
	[bflag:$0x0] =	sbarrier.arrive $0xFFFF  }
0x24: {  	[spmem:s2] =	stream.indirect.scatter.add.f32 [tilespmem:s13], [sflag:$0x1], $0x1, s25, s12, $0xb8;
	[tilespmem:$0x5580] =	vst v63  }
0x25: {  	s29 =	simm.s32 $0x80  }
0x26: {  	[spmem:s2] =	stream.indirect.scatter.add.f32 [tilespmem:s13], [sflag:$0x2], $0x1, s29, s12, $0xb8;
	[tilespmem:$0x5580] =	vst v63  }
0x27: {  	s30 =	simm.s32 $0x100  }
0x28: {  	[spmem:s2] =	stream.indirect.scatter.add.f32 [tilespmem:s13], [sflag:$0x3], $0x1, s30, s12, $0xb8;
	[tilespmem:$0x5580] =	vst v63  }
0x29: {  	s31 =	simm.s32 $0x180  }
0x2a: {  	[spmem:s2] =	stream.indirect.scatter.add.f32 [tilespmem:s13], [sflag:$0x4], $0x1, s31, s12, $0xb8;
	[tilespmem:$0x5580] =	vst v63  }
0x2b: {  	s26 =	simm.s32 $0x200  }
0x2c: {  	[spmem:s2] =	stream.indirect.scatter.add.f32 [tilespmem:s13], [sflag:$0x5], $0x1, s26, s12, $0xb8;
	[tilespmem:$0x5580] =	vst v63  }
0x2d: {  	s29 =	simm.s32 $0x280  }
0x2e: {  	[spmem:s2] =	stream.indirect.scatter.add.f32 [tilespmem:s13], [sflag:$0x6], $0x1, s29, s12, $0xb8;
	[tilespmem:$0x5580] =	vst v63  }
0x2f: {  	s30 =	simm.s32 $0x300  }
0x30: {  	[spmem:s2] =	stream.indirect.scatter.add.f32 [tilespmem:s13], [sflag:$0x7], $0x1, s30, s12, $0xb8;
	[tilespmem:$0x5580] =	vst v63  }
0x31: {  	s31 =	simm.s32 $0x380  }
0x32: {  	[spmem:s2] =	stream.indirect.scatter.add.f32 [tilespmem:s13], [sflag:$0x8], $0x1, s31, s12, $0xb8;
	[tilespmem:$0x5580] =	vst v63  }
0x33: {  	_ =	swait.ge [sflag:s14], $0x80  }
0x34: {  	[sflag:s14] =	ssyncset.done $0x0  }
0x35: {  	[sflag:s14] =	ssyncadd.s32 $0xFFFFFF80  }
0x36: {  	_ =	swait.ge [sflag:s15], $0x80  }
0x37: {  	[sflag:s15] =	ssyncset.done $0x0  }
0x38: {  	[sflag:s15] =	ssyncadd.s32 $0xFFFFFF80  }
0x39: {  	_ =	swait.ge [sflag:s16], $0x80  }
0x3a: {  	[sflag:s16] =	ssyncset.done $0x0  }
0x3b: {  	[sflag:s16] =	ssyncadd.s32 $0xFFFFFF80  }
0x3c: {  	_ =	swait.ge [sflag:s17], $0x80  }
0x3d: {  	[sflag:s17] =	ssyncset.done $0x0  }
0x3e: {  	[sflag:s17] =	ssyncadd.s32 $0xFFFFFF80  }
0x3f: {  	_ =	swait.ge [sflag:s18], $0x80  }
0x40: {  	[sflag:s18] =	ssyncset.done $0x0  }
0x41: {  	[sflag:s18] =	ssyncadd.s32 $0xFFFFFF80  }
0x42: {  	_ =	swait.ge [sflag:s19], $0x80  }
0x43: {  	[sflag:s19] =	ssyncset.done $0x0  }
0x44: {  	[sflag:s19] =	ssyncadd.s32 $0xFFFFFF80  }
0x45: {  	_ =	swait.ge [sflag:s20], $0x80  }
0x46: {  	[sflag:s20] =	ssyncset.done $0x0  }
0x47: {  	[sflag:s20] =	ssyncadd.s32 $0xFFFFFF80  }
0x48: {  	_ =	swait.ge [sflag:s21], $0x80  }
0x49: {  	s28 =	simm.s32 $0x2000;
	s25 =	simm.s32 $0x1000;
	[sflag:s21] =	ssyncset.done $0x0  }
.LBB2_2:
0x4a: {  	s29 =	sshra.s32 s25, $0x2  }
0x4b: {  	[sflag:s21] =	ssyncadd.s32 $0xFFFFFF80;
	s25 =	smov.u32 s28;
	s26 =	sadd.s32 $0x1000, s28  }
0x4c: {  	[spmem:s2] =	stream.indirect.scatter.add.f32 [tilespmem:s13], [sflag:$0x1], $0x1, s29, s12, $0xb8;
	[tilespmem:$0x5580] =	vst v63  }
0x4d: {  	p0 =	sne.s32 s28, $0x9000;
	s28 =	sadd.s32 $0x80, s29  }
0x4e: {  	[spmem:s2] =	stream.indirect.scatter.add.f32 [tilespmem:s13], [sflag:$0x2], $0x1, s28, s12, $0xb8;
	[tilespmem:$0x5580] =	vst v63  }
0x4f: {  	s28 =	sadd.s32 $0x100, s29  }
0x50: {  	[spmem:s2] =	stream.indirect.scatter.add.f32 [tilespmem:s13], [sflag:$0x3], $0x1, s28, s12, $0xb8;
	[tilespmem:$0x5580] =	vst v63  }
0x51: {  	s28 =	sadd.s32 $0x180, s29  }
0x52: {  	[spmem:s2] =	stream.indirect.scatter.add.f32 [tilespmem:s13], [sflag:$0x4], $0x1, s28, s12, $0xb8;
	[tilespmem:$0x5580] =	vst v63  }
0x53: {  	s28 =	sadd.s32 $0x200, s29  }
0x54: {  	[spmem:s2] =	stream.indirect.scatter.add.f32 [tilespmem:s13], [sflag:$0x5], $0x1, s28, s12, $0xb8;
	[tilespmem:$0x5580] =	vst v63  }
0x55: {  	s28 =	sadd.s32 $0x280, s29  }
0x56: {  	[spmem:s2] =	stream.indirect.scatter.add.f32 [tilespmem:s13], [sflag:$0x6], $0x1, s28, s12, $0xb8;
	[tilespmem:$0x5580] =	vst v63  }
0x57: {  	s28 =	sadd.s32 $0x300, s29  }
0x58: {  	[spmem:s2] =	stream.indirect.scatter.add.f32 [tilespmem:s13], [sflag:$0x7], $0x1, s28, s12, $0xb8;
	[tilespmem:$0x5580] =	vst v63  }
0x59: {  	s28 =	sadd.s32 $0x380, s29  }
0x5a: {  	[spmem:s2] =	stream.indirect.scatter.add.f32 [tilespmem:s13], [sflag:$0x8], $0x1, s28, s12, $0xb8;
	[tilespmem:$0x5580] =	vst v63  }
0x5b: {  	_ =	swait.ge [sflag:s14], $0x80  }
0x5c: {  	[sflag:s14] =	ssyncset.done $0x0  }
0x5d: {  	[sflag:s14] =	ssyncadd.s32 $0xFFFFFF80  }
0x5e: {  	_ =	swait.ge [sflag:s15], $0x80  }
0x5f: {  	[sflag:s15] =	ssyncset.done $0x0  }
0x60: {  	[sflag:s15] =	ssyncadd.s32 $0xFFFFFF80  }
0x61: {  	_ =	swait.ge [sflag:s16], $0x80  }
0x62: {  	[sflag:s16] =	ssyncset.done $0x0  }
0x63: {  	[sflag:s16] =	ssyncadd.s32 $0xFFFFFF80  }
0x64: {  	_ =	swait.ge [sflag:s17], $0x80  }
0x65: {  	[sflag:s17] =	ssyncset.done $0x0  }
0x66: {  	[sflag:s17] =	ssyncadd.s32 $0xFFFFFF80  }
0x67: {  	_ =	swait.ge [sflag:s18], $0x80  }
0x68: {  	[sflag:s18] =	ssyncset.done $0x0  }
0x69: {  	[sflag:s18] =	ssyncadd.s32 $0xFFFFFF80  }
0x6a: {  	_ =	swait.ge [sflag:s19], $0x80  }
0x6b: {  	[sflag:s19] =	ssyncset.done $0x0  }
0x6c: {  	[sflag:s19] =	ssyncadd.s32 $0xFFFFFF80  }
.Ltmp0:
0x6d: {  	_ =	swait.ge [sflag:s20], $0x80;
	(pc) =	sbr.rel @p0 .LBB2_2-.Ltmp0, $4  }
0x6e: {  	[sflag:s20] =	ssyncset.done $0x0  }
0x6f: {  	[sflag:s20] =	ssyncadd.s32 $0xFFFFFF80  }
0x70: {  	_ =	swait.ge [sflag:s21], $0x80  }
0x71: {  	s28 =	smov.u32 s26;
	[sflag:s21] =	ssyncset.done $0x0  }
0x72: {  	s25 =	sshra.s32 s25, $0x2;
	[sflag:s21] =	ssyncadd.s32 $0xFFFFFF80  }
0x73: {  	[spmem:s2] =	stream.indirect.scatter.add.f32 [tilespmem:s13], [sflag:$0x1], $0x1, s25, s12, $0xb8;
	[tilespmem:$0x5580] =	vst v63  }
0x74: {  	s26 =	sadd.s32 $0x80, s25  }
0x75: {  	[spmem:s2] =	stream.indirect.scatter.add.f32 [tilespmem:s13], [sflag:$0x2], $0x1, s26, s12, $0xb8;
	[tilespmem:$0x5580] =	vst v63  }
0x76: {  	s29 =	sadd.s32 $0x100, s25  }
0x77: {  	[spmem:s2] =	stream.indirect.scatter.add.f32 [tilespmem:s13], [sflag:$0x3], $0x1, s29, s12, $0xb8;
	[tilespmem:$0x5580] =	vst v63  }
0x78: {  	s30 =	sadd.s32 $0x180, s25  }
0x79: {  	[spmem:s2] =	stream.indirect.scatter.add.f32 [tilespmem:s13], [sflag:$0x4], $0x1, s30, s12, $0xb8;
	[tilespmem:$0x5580] =	vst v63  }
0x7a: {  	s31 =	sadd.s32 $0x200, s25  }
0x7b: {  	[spmem:s2] =	stream.indirect.scatter.add.f32 [tilespmem:s13], [sflag:$0x5], $0x1, s31, s12, $0xb8;
	[tilespmem:$0x5580] =	vst v63  }
0x7c: {  	s29 =	sadd.s32 $0x280, s25  }
0x7d: {  	[spmem:s2] =	stream.indirect.scatter.add.f32 [tilespmem:s13], [sflag:$0x6], $0x1, s29, s12, $0xb8;
	[tilespmem:$0x5580] =	vst v63  }
0x7e: {  	s30 =	sadd.s32 $0x300, s25  }
0x7f: {  	[spmem:s2] =	stream.indirect.scatter.add.f32 [tilespmem:s13], [sflag:$0x7], $0x1, s30, s12, $0xb8;
	[tilespmem:$0x5580] =	vst v63  }
0x80: {  	s25 =	sadd.s32 $0x380, s25  }
0x81: {  	[spmem:s2] =	stream.indirect.scatter.add.f32 [tilespmem:s13], [sflag:$0x8], $0x1, s25, s12, $0xb8;
	[tilespmem:$0x5580] =	vst v63  }
0x82: {  	_ =	swait.ge [sflag:s14], $0x80  }
0x83: {  	[sflag:s14] =	ssyncset.done $0x0  }
0x84: {  	[sflag:s14] =	ssyncadd.s32 $0xFFFFFF80  }
0x85: {  	_ =	swait.ge [sflag:s15], $0x80  }
0x86: {  	[sflag:s15] =	ssyncset.done $0x0  }
0x87: {  	[sflag:s15] =	ssyncadd.s32 $0xFFFFFF80  }
0x88: {  	_ =	swait.ge [sflag:s16], $0x80  }
0x89: {  	[sflag:s16] =	ssyncset.done $0x0  }
0x8a: {  	[sflag:s16] =	ssyncadd.s32 $0xFFFFFF80  }
0x8b: {  	_ =	swait.ge [sflag:s17], $0x80  }
0x8c: {  	[sflag:s17] =	ssyncset.done $0x0  }
0x8d: {  	[sflag:s17] =	ssyncadd.s32 $0xFFFFFF80  }
0x8e: {  	_ =	swait.ge [sflag:s18], $0x80  }
0x8f: {  	[sflag:s18] =	ssyncset.done $0x0  }
0x90: {  	[sflag:s18] =	ssyncadd.s32 $0xFFFFFF80  }
0x91: {  	_ =	swait.ge [sflag:s19], $0x80  }
0x92: {  	[sflag:s19] =	ssyncset.done $0x0  }
0x93: {  	[sflag:s19] =	ssyncadd.s32 $0xFFFFFF80  }
0x94: {  	_ =	swait.ge [sflag:s20], $0x80  }
0x95: {  	[sflag:s20] =	ssyncset.done $0x0  }
0x96: {  	[sflag:s20] =	ssyncadd.s32 $0xFFFFFF80  }
0x97: {  	_ =	swait.ge [sflag:s21], $0x80  }
0x98: {  	[sflag:s21] =	ssyncset.done $0x0  }
0x99: {  	[sflag:s21] =	ssyncadd.s32 $0xFFFFFF80  }
0x9a: {  	[bflag:$0x0] =	sbarrier.arrive $0xFFFF  }
0x9b: {  	[tilespmem:s22], [sflag:$0x9] =	stream.linear.gather [spmem:s4], $0x280, $0x38;
	[tilespmem:$0x5580] =	vst v63  }
0x9c: {  	_ =	swait.ge [sflag:s11], $0x280  }
0x9d: {  	[sflag:s11] =	ssyncset.done $0x0  }
0x9e: {  	s31 =	simm.s32 $0x0;
	[sflag:s11] =	ssyncadd.s32 $0xFFFFFD80  }
0x9f: {  	v1 =	vld [tilespmem:s31+$0x2880];
	_ =	sdelay $0x4  }
0xa0: {  	v2 =	vbroadcast v1, $0x0  }
0xa1: {  	s25 =	simm.s32 $0x2B80;
	v3 =	vbroadcast v1, $0x1  }
0xa2: {  	v4 =	vbroadcast v1, $0x2;
	[tilespmem:s25+$0xFFFFFF80] =	vst v2  }
0xa3: {  	v60 =	vbroadcast v1, $0x5;
	[tilespmem:s25+$0xFFFFFF90] =	vst v3  }
0xa4: {  	v61 =	vbroadcast v1, $0x8;
	[tilespmem:s25+$0xFFFFFFA0] =	vst v4  }
0xa5: {  	v62 =	vbroadcast v1, $0xB;
	[tilespmem:s25+$0xFFFFFFD0] =	vst v60  }
0xa6: {  	v63 =	vbroadcast v1, $0xE;
	[tilespmem:s25+$0x0] =	vst v61  }
0xa7: {  	v2 =	vbroadcast v1, $0x3;
	[tilespmem:s25+$0x30] =	vst v62  }
0xa8: {  	v3 =	vbroadcast v1, $0x4;
	[tilespmem:s25+$0x60] =	vst v63  }
0xa9: {  	[tilespmem:s25+$0xFFFFFFB0] =	vst v2;
	v2 =	vbroadcast v1, $0x6  }
0xaa: {  	[tilespmem:s25+$0xFFFFFFC0] =	vst v3;
	v3 =	vbroadcast v1, $0x7  }
0xab: {  	[tilespmem:s25+$0xFFFFFFE0] =	vst v2;
	v2 =	vbroadcast v1, $0x9  }
0xac: {  	[tilespmem:s25+$0xFFFFFFF0] =	vst v3;
	v3 =	vbroadcast v1, $0xA  }
0xad: {  	[tilespmem:s25+$0x10] =	vst v2;
	v2 =	vbroadcast v1, $0xC  }
0xae: {  	[tilespmem:s25+$0x20] =	vst v3;
	v3 =	vbroadcast v1, $0xD  }
0xaf: {  	v1 =	vbroadcast v1, $0xF;
	[tilespmem:s25+$0x40] =	vst v2  }
0xb0: {  	[tilespmem:s25+$0x50] =	vst v3  }
0xb1: {  	s28 =	simm.s32 $0x10;
	s26 =	simm.s32 $0x80;
	[tilespmem:s25+$0x70] =	vst v1  }
.LBB2_4:
0xb2: {  	p0 =	sne.s32 s26, $0x9C0;
	v1 =	vld [tilespmem:s28+$0x2880];
	_ =	sdelay $0x4  }
0xb3: {  	v2 =	vbroadcast v1, $0x0;
	v3 =	vbroadcast v1, $0x1  }
0xb4: {  	s25 =	sadd.s32 $0x100, s25;
	v4 =	vbroadcast v1, $0x2;
	v5 =	vbroadcast v1, $0x3  }
0xb5: {  	v6 =	vbroadcast v1, $0x5;
	[tilespmem:s25+$0xFFFFFF80] =	vst v2;
	v2 =	vbroadcast v1, $0x4  }
0xb6: {  	v7 =	vbroadcast v1, $0x7;
	[tilespmem:s25+$0xFFFFFF90] =	vst v3;
	v3 =	vbroadcast v1, $0x6  }
0xb7: {  	v8 =	vbroadcast v1, $0x9;
	[tilespmem:s25+$0xFFFFFFA0] =	vst v4;
	v4 =	vbroadcast v1, $0x8  }
0xb8: {  	v9 =	vbroadcast v1, $0xB;
	[tilespmem:s25+$0xFFFFFFB0] =	vst v5;
	v5 =	vbroadcast v1, $0xA  }
0xb9: {  	v10 =	vbroadcast v1, $0xD;
	[tilespmem:s25+$0xFFFFFFC0] =	vst v2;
	v2 =	vbroadcast v1, $0xC  }
0xba: {  	[tilespmem:s25+$0xFFFFFFD0] =	vst v6;
	v6 =	vbroadcast v1, $0xE;
	v1 =	vbroadcast v1, $0xF  }
0xbb: {  	[tilespmem:s25+$0xFFFFFFE0] =	vst v3  }
0xbc: {  	[tilespmem:s25+$0xFFFFFFF0] =	vst v7  }
0xbd: {  	[tilespmem:s25+$0x0] =	vst v4  }
0xbe: {  	[tilespmem:s25+$0x10] =	vst v8  }
0xbf: {  	[tilespmem:s25+$0x20] =	vst v5  }
.Ltmp1:
0xc0: {  	[tilespmem:s25+$0x30] =	vst v9;
	(pc) =	sbr.rel @p0 .LBB2_4-.Ltmp1, $4  }
0xc1: {  	[tilespmem:s25+$0x40] =	vst v2  }
0xc2: {  	[tilespmem:s25+$0x50] =	vst v10  }
0xc3: {  	[tilespmem:s25+$0x60] =	vst v6  }
0xc4: {  	s28 =	sshra.s32 s26, $0x2;
	s26 =	sadd.s32 $0x40, s26;
	[tilespmem:s25+$0x70] =	vst v1  }
0xc5: {  	v1 =	vld [tilespmem:s28+$0x2880];
	_ =	sdelay $0x4  }
0xc6: {  	v2 =	vbroadcast v1, $0x0  }
0xc7: {  	s25 =	sadd.s32 $0x100, s25;
	v3 =	vbroadcast v1, $0x1  }
0xc8: {  	v4 =	vbroadcast v1, $0x2;
	[tilespmem:s25+$0xFFFFFF80] =	vst v2  }
0xc9: {  	v60 =	vbroadcast v1, $0x5;
	[tilespmem:s25+$0xFFFFFF90] =	vst v3  }
0xca: {  	v61 =	vbroadcast v1, $0x8;
	[tilespmem:s25+$0xFFFFFFA0] =	vst v4  }
0xcb: {  	v62 =	vbroadcast v1, $0xB;
	[tilespmem:s25+$0xFFFFFFD0] =	vst v60  }
0xcc: {  	v63 =	vbroadcast v1, $0xE;
	[tilespmem:s25+$0x0] =	vst v61  }
0xcd: {  	v2 =	vbroadcast v1, $0x3;
	[tilespmem:s25+$0x30] =	vst v62  }
0xce: {  	v3 =	vbroadcast v1, $0x4;
	[tilespmem:s25+$0x60] =	vst v63  }
0xcf: {  	[tilespmem:s25+$0xFFFFFFB0] =	vst v2;
	v2 =	vbroadcast v1, $0x6  }
0xd0: {  	[tilespmem:s25+$0xFFFFFFC0] =	vst v3;
	v3 =	vbroadcast v1, $0x7  }
0xd1: {  	[tilespmem:s25+$0xFFFFFFE0] =	vst v2;
	v2 =	vbroadcast v1, $0x9  }
0xd2: {  	[tilespmem:s25+$0xFFFFFFF0] =	vst v3;
	v3 =	vbroadcast v1, $0xA  }
0xd3: {  	[tilespmem:s25+$0x10] =	vst v2;
	v2 =	vbroadcast v1, $0xC  }
0xd4: {  	[tilespmem:s25+$0x20] =	vst v3;
	v3 =	vbroadcast v1, $0xD  }
0xd5: {  	s24 =	sadd.s32 $0x1, s24;
	v1 =	vbroadcast v1, $0xF;
	[tilespmem:s25+$0x40] =	vst v2  }
0xd6: {  	p0 =	sne.s32 s24, s9;
	[tilespmem:s25+$0x50] =	vst v3  }
.Ltmp2:
0xd7: {  	[tilespmem:s25+$0x70] =	vst v1;
	(pc) =	sbr.rel @p0 .LBB2_1-.Ltmp2, $4  }
0xd8: {  	[hbm4b:s8+s3] =	stream.linear.scatter [tilespmem:s23], [sflag:$0x9], $0x2800, $0x38;
	[tilespmem:$0x5580] =	vst v63  }
0xd9: {  	_ =	swait.ge [sflag:s11], $0x2800  }
0xda: {  	[sflag:s11] =	ssyncset.done $0x0  }
0xdb: {  	[sflag:s11] =	ssyncadd.s32 $0xFFFFD800  }
0xdc: {  	_ =	sfence.sel $0x180000  }
0xdd: {  	[bflag:$0x0] =	sbarrier.arrive $0xFFFF  }
0xde: {  	p0 =	sne.s32 s1, $0x0;
	_ =	strace $0x90000047  }
0xdf: {  	s0 =	sadd.s32 @!p0 $0x100000, s0;
	[bflag:$0x2] =	sbarrier.arrive $0xFFFF  }
0xe0: {  	[sflag:s0] =	ssyncadd.tile.s32 @!p0 $0x1;
	_ =	shalt  }
.Lfunc_end2:
_tile_overlayer_lowered:
.L_overlay_start_2:
0xe1: {  	(tag) =	ssettag $0x2  }
0xe2: {  	s0 =	rddreg [dreg:$0x0];
	s2 =	stileid.u32  }
0xe3: {  	s1 =	rddreg [dreg:$0x1];
	p0 =	sne.s32 s2, $0x0  }
0xe4: {  	s3 =	rddreg [dreg:$0x2];
	[bflag:$0x3] =	sbarrier.arrive $0xFFFF;
	s2 =	simm.s32 @!p0 $0x1C09  }
0xe5: {  	[timem:s3], [sflag:s2] =	dma.local @!p0 [hbm:s0], s1  }
0xe6: {  	s0 =	simm.s32 @!p0 $0x9  }
0xe7: {  	_ =	swait.ge @!p0 [sflag:s0], s1  }
0xe8: {  	s1 =	ssub.s32 @!p0 $0x0, s1;
	[sflag:s0] =	ssyncset.done @!p0 $0x0  }
0xe9: {  	[sflag:s0] =	ssyncadd.s32 @!p0 s1  }
0xea: {  	[bflag:$0x3] =	sbarrier.arrive $0xFFFF  }
0xeb: {  	_ =	shalt  }

</sc_bundles>
